<compile_context>
chip_gen: v7x
topology: tpu7x:2x2x1
jax: 0.10.2.dev20260603
libtpu: 0.0.44.dev20260713+nightly
codegen_flags: <defaults>
</compile_context>

<pallas_src>
import functools

import jax
import jax.numpy as jnp
from jax import lax
from jax.experimental import pallas as pl
from jax.experimental.pallas import tpu as pltpu
from jax.experimental.pallas import tpu_sc as plsc

N = 10000
NPAD = 10240
D = 128
E = 320000
NG = 64
NC = 2
NS = 16
NW = NC * NS
B = 128
K = 80
EPAD = NW * K * B
ROWS_F = NPAD // NS
DUMMY = N + 8
RBLK = 1024
GRID = NPAD // RBLK

_mesh = plsc.VectorSubcoreMesh(core_axis_name="c", subcore_axis_name="s")


def _zero_vec(ref, n):
    zeros16 = jnp.zeros((16,), jnp.float32)

    def body(i, _):
        ref[pl.ds(i * 16, 16)] = zeros16
        return 0

    lax.fori_loop(0, n // 16, body, 0)


def _deg_body(dst_hbm, out_hbm, dstv, vbuf, acc, _):
    cid = lax.axis_index("c")
    sid = lax.axis_index("s")
    wid = sid * NC + cid
    _zero_vec(vbuf, ROWS_F)
    pltpu.sync_copy(vbuf.at[pl.ds(0, ROWS_F)], acc.at[pl.ds(sid * ROWS_F, ROWS_F)])
    pltpu.sync_copy(dst_hbm.at[wid], dstv)
    ones16 = jnp.ones((16,), jnp.float32)
    for i in range(B // 16):
        vbuf[pl.ds(i * 16, 16)] = ones16
    plsc.subcore_barrier()

    def body(j, _):
        pltpu.sync_copy(vbuf.at[pl.ds(0, B)], acc.at[dstv.at[j]], add=True)
        return 0

    lax.fori_loop(0, K, body, 0)
    plsc.subcore_barrier()
    pltpu.sync_copy(acc.at[pl.ds(sid * ROWS_F, ROWS_F)],
                    out_hbm.at[cid, pl.ds(sid * ROWS_F, ROWS_F)])


_deg_call = pl.kernel(
    _deg_body,
    out_type=jax.ShapeDtypeStruct((NC, NPAD), jnp.float32),
    mesh=_mesh,
    scratch_types=[
        pltpu.VMEM((K, B), jnp.int32),
        pltpu.VMEM((ROWS_F,), jnp.float32),
        pltpu.VMEM_SHARED((NPAD,), jnp.float32),
        pltpu.SemaphoreType.DMA,
    ],
)


DH = D // 2
KT = EPAD // (NS * B)
K0 = 80
NB = 4


def _msg_phase(y_hbm, srcv, dstv, ybuf, acc, gsems, ssems, cs, ce):
    nround = (ce - cs) // NB
    for b in range(NB):
        pltpu.async_copy(y_hbm.at[srcv.at[cs + b]], ybuf.at[b], gsems[b])

    def round_body(t, _):
        j0 = cs + t * NB
        for b in range(NB):
            pltpu.make_async_copy(y_hbm.at[srcv.at[j0 + b]], ybuf.at[b],
                                  gsems[b]).wait()
            pltpu.async_copy(ybuf.at[b], acc.at[dstv.at[j0 + b]], ssems[b],
                             add=True)
        for b in range(NB):
            pltpu.make_async_copy(ybuf.at[b], acc.at[dstv.at[j0 + b]],
                                  ssems[b]).wait()

            @pl.when(t < nround - 1)
            def _():
                pltpu.async_copy(y_hbm.at[srcv.at[j0 + NB + b]], ybuf.at[b],
                                 gsems[b])

        return 0

    lax.fori_loop(0, nround, round_body, 0)


def _msg_zero(zb, acc, sid):
    zeros16 = jnp.zeros((16,), jnp.float32)

    def zrow(i, _):
        for k in range(DH // 16):
            zb[i, pl.ds(k * 16, 16)] = zeros16
        return 0

    lax.fori_loop(0, B, zrow, 0)
    for t in range(ROWS_F // B):
        pltpu.sync_copy(zb, acc.at[pl.ds(sid * ROWS_F + t * B, B)])


def _msg_body(y0_hbm, y1_hbm, src_hbm, dst_hbm, out_hbm, srcv, dstv, ybuf, zb,
              acc, gs0, gs1, gs2, gs3, ss0, ss1, ss2, ss3):
    cid = lax.axis_index("c")
    sid = lax.axis_index("s")
    gsems = (gs0, gs1, gs2, gs3)
    ssems = (ss0, ss1, ss2, ss3)
    _msg_zero(zb, acc, sid)
    pltpu.sync_copy(src_hbm.at[sid], srcv)
    pltpu.sync_copy(dst_hbm.at[sid], dstv)
    plsc.subcore_barrier()
    for h, y_hbm in enumerate((y0_hbm, y1_hbm)):
        @pl.when(cid == 0)
        def _():
            _msg_phase(y_hbm, srcv, dstv, ybuf, acc, gsems, ssems, 0, K0)

        @pl.when(cid == 1)
        def _():
            _msg_phase(y_hbm, srcv, dstv, ybuf, acc, gsems, ssems, K0, KT)

        plsc.subcore_barrier()
        for t in range(ROWS_F // B):
            pltpu.sync_copy(acc.at[pl.ds(sid * ROWS_F + t * B, B)],
                            out_hbm.at[h, cid, pl.ds(sid * ROWS_F + t * B, B)])
        if h == 0:
            plsc.subcore_barrier()
            _msg_zero(zb, acc, sid)
            plsc.subcore_barrier()


_msg_call = pl.kernel(
    _msg_body,
    out_type=jax.ShapeDtypeStruct((2, NC, NPAD, DH), jnp.float32),
    mesh=_mesh,
    compiler_params=pltpu.CompilerParams(use_tc_tiling_on_sc=False),
    scratch_types=[
        pltpu.VMEM((KT, B), jnp.int32),
        pltpu.VMEM((KT, B), jnp.int32),
        pltpu.VMEM((NB, B, DH), jnp.float32),
        pltpu.VMEM((B, DH), jnp.float32),
        pltpu.VMEM_SHARED((NPAD, DH), jnp.float32),
        pltpu.SemaphoreType.DMA,
        pltpu.SemaphoreType.DMA,
        pltpu.SemaphoreType.DMA,
        pltpu.SemaphoreType.DMA,
        pltpu.SemaphoreType.DMA,
        pltpu.SemaphoreType.DMA,
        pltpu.SemaphoreType.DMA,
        pltpu.SemaphoreType.DMA,
    ],
)


CW = NG + 1
CSZ = CW * NPAD
FW = CSZ // NS
ZB = 4160


def _seg_body(src_hbm, dst_hbm, dinv_hbm, batch_hbm, out_hbm,
              srcv, dstv, dv, bv, fidx, valsb, zbuf, acc, _):
    cid = lax.axis_index("c")
    sid = lax.axis_index("s")
    wid = sid * NC + cid
    _zero_vec(zbuf, ZB)
    for t in range(FW // ZB):
        pltpu.sync_copy(zbuf, acc.at[pl.ds(sid * FW + t * ZB, ZB)])
    pltpu.sync_copy(src_hbm.at[wid], srcv)
    pltpu.sync_copy(dst_hbm.at[wid], dstv)
    pltpu.sync_copy(dinv_hbm, dv)
    pltpu.sync_copy(batch_hbm, bv)
    plsc.subcore_barrier()

    def body(j, _):
        for i in range(B // 16):
            s16 = srcv[j, pl.ds(i * 16, 16)]
            d16 = dstv[j, pl.ds(i * 16, 16)]
            hi = lax.shift_right_logical(d16, 7)
            lo = lax.bitwise_and(d16, 127)
            g16 = plsc.load_gather(bv, [hi, lo])
            v16 = plsc.load_gather(dv, [hi, lo])
            fidx[0, pl.ds(i * 16, 16)] = g16 * NPAD + s16
            valsb[pl.ds(i * 16, 16)] = v16
        pltpu.sync_copy(valsb, acc.at[fidx.at[0]], add=True)
        return 0

    lax.fori_loop(0, K, body, 0)

    iota16 = lax.broadcasted_iota(jnp.int32, (16,), 0)
    nrows = NPAD // NW
    for k in range(3):
        for i in range(8):
            off = k * B + i * 16
            n16 = wid * nrows + off + iota16
            nc16 = jnp.minimum(n16, NPAD - 1)
            hi = lax.shift_right_logical(nc16, 7)
            lo = lax.bitwise_and(nc16, 127)
            g16 = plsc.load_gather(bv, [hi, lo])
            v16 = plsc.load_gather(dv, [hi, lo])
            if off < nrows:
                fidx[0, pl.ds(i * 16, 16)] = g16 * NPAD + n16
            else:
                fidx[0, pl.ds(i * 16, 16)] = NG * NPAD + nc16
            valsb[pl.ds(i * 16, 16)] = v16
        pltpu.sync_copy(valsb, acc.at[fidx.at[0]], add=True)

    plsc.subcore_barrier()
    pltpu.sync_copy(acc.at[pl.ds(sid * FW, FW)],
                    out_hbm.at[cid, pl.ds(sid * FW, FW)])


_seg_call = pl.kernel(
    _seg_body,
    out_type=jax.ShapeDtypeStruct((NC, CSZ), jnp.float32),
    mesh=_mesh,
    compiler_params=pltpu.CompilerParams(needs_layout_passes=False),
    scratch_types=[
        pltpu.VMEM((K, B), jnp.int32),
        pltpu.VMEM((K, B), jnp.int32),
        pltpu.VMEM((NPAD // D, D), jnp.float32),
        pltpu.VMEM((NPAD // D, D), jnp.int32),
        pltpu.VMEM((1, B), jnp.int32),
        pltpu.VMEM((B,), jnp.float32),
        pltpu.VMEM((ZB,), jnp.float32),
        pltpu.VMEM_SHARED((CSZ,), jnp.float32),
        pltpu.SemaphoreType.DMA,
    ],
)


def _pre_body(x_ref, w1_ref, degp_ref, y0_ref, y1_ref, dinv_ref, dinv2_ref):
    dp = degp_ref[...]
    deg_row = dp[0:1, :] + dp[1:2, :] + 1.0
    dinv_row = 1.0 / jnp.sqrt(deg_row)
    dinv = jnp.transpose(dinv_row, (1, 0))
    xw = jnp.dot(x_ref[...], w1_ref[...], preferred_element_type=jnp.float32)
    y = xw * dinv
    y0_ref[...] = y[:, :DH]
    y1_ref[...] = y[:, DH:]
    dinv_ref[...] = dinv
    dinv2_ref[...] = jnp.reshape(dinv_row, (RBLK // D, D))


_pre_call = pl.pallas_call(
    _pre_body,
    grid=(GRID,),
    in_specs=[
        pl.BlockSpec((RBLK, D), lambda i: (i, 0)),
        pl.BlockSpec((D, D), lambda i: (0, 0)),
        pl.BlockSpec((NC, RBLK), lambda i: (0, i)),
    ],
    out_specs=[
        pl.BlockSpec((RBLK, DH), lambda i: (i, 0)),
        pl.BlockSpec((RBLK, DH), lambda i: (i, 0)),
        pl.BlockSpec((RBLK, 1), lambda i: (i, 0)),
        pl.BlockSpec((RBLK // D, D), lambda i: (i, 0)),
    ],
    out_shape=[
        jax.ShapeDtypeStruct((NPAD, DH), jnp.float32),
        jax.ShapeDtypeStruct((NPAD, DH), jnp.float32),
        jax.ShapeDtypeStruct((NPAD, 1), jnp.float32),
        jax.ShapeDtypeStruct((NPAD // D, D), jnp.float32),
    ],
)


def _mid_body(acc0_ref, acc1_ref, y0_ref, y1_ref, dinv_ref, b1_ref, w2_ref,
              ud_ref):
    dinv = dinv_ref[...]
    b1 = b1_ref[...]
    a0 = acc0_ref[0] + acc0_ref[1] + y0_ref[...]
    a1 = acc1_ref[0] + acc1_ref[1] + y1_ref[...]
    h0 = jnp.maximum(a0 * dinv + b1[:, :DH], 0.0)
    h1 = jnp.maximum(a1 * dinv + b1[:, DH:], 0.0)
    u = (jnp.dot(h0, w2_ref[:DH, :], preferred_element_type=jnp.float32)
         + jnp.dot(h1, w2_ref[DH:, :], preferred_element_type=jnp.float32))
    ud_ref[...] = u * dinv


_mid_call = pl.pallas_call(
    _mid_body,
    grid=(GRID,),
    in_specs=[
        pl.BlockSpec((NC, RBLK, DH), lambda i: (0, i, 0)),
        pl.BlockSpec((NC, RBLK, DH), lambda i: (0, i, 0)),
        pl.BlockSpec((RBLK, DH), lambda i: (i, 0)),
        pl.BlockSpec((RBLK, DH), lambda i: (i, 0)),
        pl.BlockSpec((RBLK, 1), lambda i: (i, 0)),
        pl.BlockSpec((1, D), lambda i: (0, 0)),
        pl.BlockSpec((D, D), lambda i: (0, 0)),
    ],
    out_specs=pl.BlockSpec((RBLK, D), lambda i: (i, 0)),
    out_shape=jax.ShapeDtypeStruct((NPAD, D), jnp.float32),
)


def _fin_body(cp_ref, ud_ref, batch_ref, b2_ref, wlin_ref, blin_ref, out_ref):
    c = cp_ref[0] + cp_ref[1]
    pooled_a = jnp.dot(c, ud_ref[...], preferred_element_type=jnp.float32,
                       precision=lax.Precision.HIGHEST)
    ids = batch_ref[...]
    g = lax.broadcasted_iota(jnp.int32, (NG, 1, 1), 0)
    ng = jnp.sum(jnp.where(ids[None] == g, 1.0, 0.0), axis=(1, 2))
    pooled = pooled_a + ng[:, None] * b2_ref[...]
    out_ref[...] = (jnp.dot(pooled, wlin_ref[...],
                            preferred_element_type=jnp.float32)
                    + blin_ref[...])


_fin_call = pl.pallas_call(
    _fin_body,
    grid=(1,),
    in_specs=[
        pl.BlockSpec((NC, NG, NPAD), lambda i: (0, 0, 0)),
        pl.BlockSpec((NPAD, D), lambda i: (0, 0)),
        pl.BlockSpec((NPAD // D, D), lambda i: (0, 0)),
        pl.BlockSpec((1, D), lambda i: (0, 0)),
        pl.BlockSpec((D, 1), lambda i: (0, 0)),
        pl.BlockSpec((1, 1), lambda i: (0, 0)),
    ],
    out_specs=pl.BlockSpec((NG, 1), lambda i: (0, 0)),
    out_shape=jax.ShapeDtypeStruct((NG, 1), jnp.float32),
)


def kernel(x, edge_index, batch, W1, b1, W2, b2, W_lin, b_lin):
    src = edge_index[0].astype(jnp.int32)
    dst = edge_index[1].astype(jnp.int32)
    pe = EPAD - E
    spread = N + jax.lax.rem(jnp.arange(pe, dtype=jnp.int32), jnp.int32(NPAD - N))
    src_p = jnp.concatenate([src, spread]).reshape(NW, K, B)
    dst_p = jnp.concatenate([dst, spread]).reshape(NW, K, B)
    src_t = src_p.reshape(NS, KT, B)
    dst_t = dst_p.reshape(NS, KT, B)
    x_p = jnp.pad(x, ((0, NPAD - N), (0, 0)))
    batch_p = jnp.concatenate(
        [batch.astype(jnp.int32), jnp.full((NPAD - N,), NG, jnp.int32)]
    ).reshape(NPAD // D, D)

    degp = _deg_call(dst_p)
    y0, y1, dinv, dinv2 = _pre_call(x_p, W1, degp)
    accp = _msg_call(y0, y1, src_t, dst_t)
    udinv = _mid_call(accp[0], accp[1], y0, y1, dinv, b1.reshape(1, D), W2)
    cpart = _seg_call(src_p, dst_p, dinv2, batch_p)
    out = _fin_call(
        cpart.reshape(NC, CW, NPAD),
        udinv,
        batch_p,
        b2.reshape(1, D),
        W_lin,
        b_lin.reshape(1, 1),
    )
    return out

# --- scband reference (transcript-rebuilt; emitter-appended) ---
"""Pipeline reference for scband-gcn-reg-64278480552405 (READ-ONLY COPY).

The authoritative reference and input builder live on the scoring server;
editing this copy changes nothing except your own understanding.
"""

import jax, jax.numpy as jnp
import numpy as np

N_NODES = 10000
N_EDGES = 320000
D_IN = 128
D_HID = 128
N_GRAPHS = 64


def gcn_conv(x, edge_index, W, b, num_nodes):
    # Faithful PyG GCNConv: add self-loops, symmetric normalization, linear, scatter-add, bias
    src = edge_index[0]
    dst = edge_index[1]
    loop = jnp.arange(num_nodes, dtype=edge_index.dtype)
    src = jnp.concatenate([src, loop])
    dst = jnp.concatenate([dst, loop])
    deg = jnp.zeros((num_nodes,), dtype=x.dtype).at[dst].add(1.0)
    deg_inv_sqrt = jnp.where(deg > 0, deg ** -0.5, 0.0)
    norm = deg_inv_sqrt[src] * deg_inv_sqrt[dst]
    xw = x @ W
    msg = xw[src] * norm[:, None]
    out = jnp.zeros_like(xw).at[dst].add(msg)
    return out + b


def setup_inputs(seed: int = 0) -> dict:
    key = jax.random.key(seed)
    ks = jax.random.split(key, 10)
    x = jax.random.normal(ks[0], (N_NODES, D_IN), dtype=jnp.float32)
    edge_index = jax.random.randint(ks[1], (2, N_EDGES), 0, N_NODES, dtype=jnp.int64)
    batch = jnp.sort(jax.random.randint(ks[2], (N_NODES,), 0, N_GRAPHS, dtype=jnp.int64))
    # Learned parameters (xavier-ish scale)
    W1 = jax.random.normal(ks[3], (D_IN, D_HID), dtype=jnp.float32) * (2.0 / (D_IN + D_HID)) ** 0.5
    b1 = jnp.zeros((D_HID,), dtype=jnp.float32)
    W2 = jax.random.normal(ks[4], (D_HID, D_HID), dtype=jnp.float32) * (2.0 / (D_HID + D_HID)) ** 0.5
    b2 = jnp.zeros((D_HID,), dtype=jnp.float32)
    W_lin = jax.random.normal(ks[5], (D_HID, 1), dtype=jnp.float32) * (2.0 / (D_HID + 1)) ** 0.5
    b_lin = jnp.zeros((1,), dtype=jnp.float32)
    return {"x": x, "edge_index": edge_index, "batch": batch,
            "W1": W1, "b1": b1, "W2": W2, "b2": b2, "W_lin": W_lin, "b_lin": b_lin}


def reference(x, edge_index, batch, W1, b1, W2, b2, W_lin, b_lin):
    h = gcn_conv(x, edge_index, W1, b1, N_NODES)
    h = jax.nn.relu(h)
    h = gcn_conv(h, edge_index, W2, b2, N_NODES)
    pooled = jax.ops.segment_sum(h, batch, num_segments=N_GRAPHS)  # global_add_pool
    out = pooled @ W_lin + b_lin
    return out

if __name__ == "__main__":
    import jax
    _d = setup_inputs()
    print(jax.jit(kernel)(*tuple(_d.values())))

</pallas_src>

<mosaic_0001>
#map = affine_map<(d0, d1) -> (0, 0)>
#map1 = affine_map<(d0, d1) -> (0, 0, 0)>
#map2 = affine_map<(d0, d1) -> (0, 0, 0, 0)>
module attributes {stable_mosaic.version = 14 : i64} {
  func.func @_msg_body(%arg0: i32, %arg1: i32, %arg2: memref<10240x64xf32, #tpu.memory_space<hbm>>, %arg3: memref<10240x64xf32, #tpu.memory_space<hbm>>, %arg4: memref<16x160x128xi32, #tpu.memory_space<hbm>>, %arg5: memref<16x160x128xi32, #tpu.memory_space<hbm>>, %arg6: memref<2x2x10240x64xf32, #tpu.memory_space<hbm>>, %arg7: memref<160x128xi32, #tpu.memory_space<vmem>>, %arg8: memref<160x128xi32, #tpu.memory_space<vmem>>, %arg9: memref<4x128x64xf32, #tpu.memory_space<vmem>>, %arg10: memref<128x64xf32, #tpu.memory_space<vmem>>, %arg11: memref<10240x64xf32, #tpu.memory_space<vmem_shared>>, %arg12: memref<!tpu.dma_semaphore, #tpu.memory_space<semaphore_mem>>, %arg13: memref<!tpu.dma_semaphore, #tpu.memory_space<semaphore_mem>>, %arg14: memref<!tpu.dma_semaphore, #tpu.memory_space<semaphore_mem>>, %arg15: memref<!tpu.dma_semaphore, #tpu.memory_space<semaphore_mem>>, %arg16: memref<!tpu.dma_semaphore, #tpu.memory_space<semaphore_mem>>, %arg17: memref<!tpu.dma_semaphore, #tpu.memory_space<semaphore_mem>>, %arg18: memref<!tpu.dma_semaphore, #tpu.memory_space<semaphore_mem>>, %arg19: memref<!tpu.dma_semaphore, #tpu.memory_space<semaphore_mem>>) attributes {dimension_semantics = [#tpu.dimension_semantics<core_parallel>, #tpu.dimension_semantics<subcore_parallel>], iteration_bounds = array<i64: 2, 16>, scalar_prefetch = 0 : i64, scratch_operands = 13 : i64, tpu.core_type = #tpu.core_type<sc_vector_subcore>, window_params = [{transform_indices = #map}, {transform_indices = #map}, {transform_indices = #map1}, {transform_indices = #map1}, {transform_indices = #map2}]} {
    %broadcast_in_dim3A = arith.constant 0.000000e+00 : f32
    %broadcast_in_dim3A_0 = vector.broadcast %broadcast_in_dim3A : f32 to vector<16xf32>
    %scan3A = arith.constant 0 : i32
    %scan3A_1 = arith.constant 0 : i32
    %scan3A_2 = arith.constant 128 : i32
    %scan3A_3 = arith.addi %scan3A_1, %scan3A_2 : i32
    %scan3A_4 = arith.constant 1 : i32
    %scan3A_5 = scf.for %scan3A_164 = %scan3A_1 to %scan3A_3 step %scan3A_4 iter_args(%scan3A_165 = %scan3A) -> (i32)  : i32 {
      %swap3A = arith.index_cast %scan3A_164 : i32 to index
      %swap3A_166 = arith.constant 0 : index
      %swap3A_167 = tpu.vector_load %arg10[%swap3A, %swap3A_166] {strides = array<i32>} : memref<128x64xf32, #tpu.memory_space<vmem>>, vector<1x16xf32>,
      %swap3A_168 = vector.shape_cast %swap3A_167 : vector<1x16xf32> to vector<16xf32>
      %swap3A_169 = vector.shape_cast %broadcast_in_dim3A_0 : vector<16xf32> to vector<1x16xf32>
      tpu.vector_store %arg10[%swap3A, %swap3A_166], %swap3A_169 {strides = array<i32>} : memref<128x64xf32, #tpu.memory_space<vmem>>, vector<1x16xf32>,
      %swap3A_170 = arith.index_cast %scan3A_164 : i32 to index
      %swap3A_171 = arith.constant 16 : index
      %swap3A_172 = tpu.vector_load %arg10[%swap3A_170, %swap3A_171] {strides = array<i32>} : memref<128x64xf32, #tpu.memory_space<vmem>>, vector<1x16xf32>,
      %swap3A_173 = vector.shape_cast %swap3A_172 : vector<1x16xf32> to vector<16xf32>
      %swap3A_174 = vector.shape_cast %broadcast_in_dim3A_0 : vector<16xf32> to vector<1x16xf32>
      tpu.vector_store %arg10[%swap3A_170, %swap3A_171], %swap3A_174 {strides = array<i32>} : memref<128x64xf32, #tpu.memory_space<vmem>>, vector<1x16xf32>,
      %swap3A_175 = arith.index_cast %scan3A_164 : i32 to index
      %swap3A_176 = arith.constant 32 : index
      %swap3A_177 = tpu.vector_load %arg10[%swap3A_175, %swap3A_176] {strides = array<i32>} : memref<128x64xf32, #tpu.memory_space<vmem>>, vector<1x16xf32>,
      %swap3A_178 = vector.shape_cast %swap3A_177 : vector<1x16xf32> to vector<16xf32>
      %swap3A_179 = vector.shape_cast %broadcast_in_dim3A_0 : vector<16xf32> to vector<1x16xf32>
      tpu.vector_store %arg10[%swap3A_175, %swap3A_176], %swap3A_179 {strides = array<i32>} : memref<128x64xf32, #tpu.memory_space<vmem>>, vector<1x16xf32>,
      %swap3A_180 = arith.index_cast %scan3A_164 : i32 to index
      %swap3A_181 = arith.constant 48 : index
      %swap3A_182 = tpu.vector_load %arg10[%swap3A_180, %swap3A_181] {strides = array<i32>} : memref<128x64xf32, #tpu.memory_space<vmem>>, vector<1x16xf32>,
      %swap3A_183 = vector.shape_cast %swap3A_182 : vector<1x16xf32> to vector<16xf32>
      %swap3A_184 = vector.shape_cast %broadcast_in_dim3A_0 : vector<16xf32> to vector<1x16xf32>
      tpu.vector_store %arg10[%swap3A_180, %swap3A_181], %swap3A_184 {strides = array<i32>} : memref<128x64xf32, #tpu.memory_space<vmem>>, vector<1x16xf32>,
      %scan3A_185 = arith.constant 0 : i32
      scf.yield %scan3A_185 : i32
    }
    %scan3A_6 = arith.constant 128 : i32
    %mul3A = arith.constant 640 : i32
    %mul3A_7 = arith.muli %arg1, %mul3A : i32
    %add3A = arith.constant 0 : i32
    %add3A_8 = arith.addi %mul3A_7, %add3A : i32
    "tpu.region"() ({
      %run_scoped3A_164 = tpu.sem_alloc : memref<!tpu.dma_semaphore, #tpu.memory_space<semaphore_mem>>
      %dma_start3A = arith.constant 0 : i32
      %dma_start3A_165 = tpu.memref_slice %arg11[%add3A_8, %dma_start3A] : memref<10240x64xf32, #tpu.memory_space<vmem_shared>> -> memref<128x64xf32, #tpu.memory_space<vmem_shared>>
      %dma_start3A_166 = arith.constant 0 : i32
      %dma_start3A_167 = tpu.memref_slice %arg11[%add3A_8, %dma_start3A_166] : memref<10240x64xf32, #tpu.memory_space<vmem_shared>> -> memref<128x64xf32, #tpu.memory_space<vmem_shared>>
      tpu.enqueue_dma source(%arg10 : memref<128x64xf32, #tpu.memory_space<vmem>>) target(%dma_start3A_167 : memref<128x64xf32, #tpu.memory_space<vmem_shared>>) target_semaphore(%run_scoped3A_164 : memref<!tpu.dma_semaphore, #tpu.memory_space<semaphore_mem>>)
      %dma_wait3A = arith.constant 0 : i32
      %dma_wait3A_168 = tpu.memref_slice %arg11[%add3A_8, %dma_wait3A] : memref<10240x64xf32, #tpu.memory_space<vmem_shared>> -> memref<128x64xf32, #tpu.memory_space<vmem_shared>>
      %dma_wait3A_169 = arith.constant 0 : i32
      %dma_wait3A_170 = tpu.memref_slice %arg11[%add3A_8, %dma_wait3A_169] : memref<10240x64xf32, #tpu.memory_space<vmem_shared>> -> memref<128x64xf32, #tpu.memory_space<vmem_shared>>
      tpu.wait_dma2 semaphore(%run_scoped3A_164 : memref<!tpu.dma_semaphore, #tpu.memory_space<semaphore_mem>>) src(%arg10 : memref<128x64xf32, #tpu.memory_space<vmem>>) dst(%dma_wait3A_170 : memref<128x64xf32, #tpu.memory_space<vmem_shared>>)
      tpu.yield
    }) : () -> ()
    %mul3A_9 = arith.constant 640 : i32
    %mul3A_10 = arith.muli %arg1, %mul3A_9 : i32
    %add3A_11 = arith.constant 128 : i32
    %add3A_12 = arith.addi %mul3A_10, %add3A_11 : i32
    "tpu.region"() ({
      %run_scoped3A_164 = tpu.sem_alloc : memref<!tpu.dma_semaphore, #tpu.memory_space<semaphore_mem>>
      %dma_start3A = arith.constant 0 : i32
      %dma_start3A_165 = tpu.memref_slice %arg11[%add3A_12, %dma_start3A] : memref<10240x64xf32, #tpu.memory_space<vmem_shared>> -> memref<128x64xf32, #tpu.memory_space<vmem_shared>>
      %dma_start3A_166 = arith.constant 0 : i32
      %dma_start3A_167 = tpu.memref_slice %arg11[%add3A_12, %dma_start3A_166] : memref<10240x64xf32, #tpu.memory_space<vmem_shared>> -> memref<128x64xf32, #tpu.memory_space<vmem_shared>>
      tpu.enqueue_dma source(%arg10 : memref<128x64xf32, #tpu.memory_space<vmem>>) target(%dma_start3A_167 : memref<128x64xf32, #tpu.memory_space<vmem_shared>>) target_semaphore(%run_scoped3A_164 : memref<!tpu.dma_semaphore, #tpu.memory_space<semaphore_mem>>)
      %dma_wait3A = arith.constant 0 : i32
      %dma_wait3A_168 = tpu.memref_slice %arg11[%add3A_12, %dma_wait3A] : memref<10240x64xf32, #tpu.memory_space<vmem_shared>> -> memref<128x64xf32, #tpu.memory_space<vmem_shared>>
      %dma_wait3A_169 = arith.constant 0 : i32
      %dma_wait3A_170 = tpu.memref_slice %arg11[%add3A_12, %dma_wait3A_169] : memref<10240x64xf32, #tpu.memory_space<vmem_shared>> -> memref<128x64xf32, #tpu.memory_space<vmem_shared>>
      tpu.wait_dma2 semaphore(%run_scoped3A_164 : memref<!tpu.dma_semaphore, #tpu.memory_space<semaphore_mem>>) src(%arg10 : memref<128x64xf32, #tpu.memory_space<vmem>>) dst(%dma_wait3A_170 : memref<128x64xf32, #tpu.memory_space<vmem_shared>>)
      tpu.yield
    }) : () -> ()
    %mul3A_13 = arith.constant 640 : i32
    %mul3A_14 = arith.muli %arg1, %mul3A_13 : i32
    %add3A_15 = arith.constant 256 : i32
    %add3A_16 = arith.addi %mul3A_14, %add3A_15 : i32
    "tpu.region"() ({
      %run_scoped3A_164 = tpu.sem_alloc : memref<!tpu.dma_semaphore, #tpu.memory_space<semaphore_mem>>
      %dma_start3A = arith.constant 0 : i32
      %dma_start3A_165 = tpu.memref_slice %arg11[%add3A_16, %dma_start3A] : memref<10240x64xf32, #tpu.memory_space<vmem_shared>> -> memref<128x64xf32, #tpu.memory_space<vmem_shared>>
      %dma_start3A_166 = arith.constant 0 : i32
      %dma_start3A_167 = tpu.memref_slice %arg11[%add3A_16, %dma_start3A_166] : memref<10240x64xf32, #tpu.memory_space<vmem_shared>> -> memref<128x64xf32, #tpu.memory_space<vmem_shared>>
      tpu.enqueue_dma source(%arg10 : memref<128x64xf32, #tpu.memory_space<vmem>>) target(%dma_start3A_167 : memref<128x64xf32, #tpu.memory_space<vmem_shared>>) target_semaphore(%run_scoped3A_164 : memref<!tpu.dma_semaphore, #tpu.memory_space<semaphore_mem>>)
      %dma_wait3A = arith.constant 0 : i32
      %dma_wait3A_168 = tpu.memref_slice %arg11[%add3A_16, %dma_wait3A] : memref<10240x64xf32, #tpu.memory_space<vmem_shared>> -> memref<128x64xf32, #tpu.memory_space<vmem_shared>>
      %dma_wait3A_169 = arith.constant 0 : i32
      %dma_wait3A_170 = tpu.memref_slice %arg11[%add3A_16, %dma_wait3A_169] : memref<10240x64xf32, #tpu.memory_space<vmem_shared>> -> memref<128x64xf32, #tpu.memory_space<vmem_shared>>
      tpu.wait_dma2 semaphore(%run_scoped3A_164 : memref<!tpu.dma_semaphore, #tpu.memory_space<semaphore_mem>>) src(%arg10 : memref<128x64xf32, #tpu.memory_space<vmem>>) dst(%dma_wait3A_170 : memref<128x64xf32, #tpu.memory_space<vmem_shared>>)
      tpu.yield
    }) : () -> ()
    %mul3A_17 = arith.constant 640 : i32
    %mul3A_18 = arith.muli %arg1, %mul3A_17 : i32
    %add3A_19 = arith.constant 384 : i32
    %add3A_20 = arith.addi %mul3A_18, %add3A_19 : i32
    "tpu.region"() ({
      %run_scoped3A_164 = tpu.sem_alloc : memref<!tpu.dma_semaphore, #tpu.memory_space<semaphore_mem>>
      %dma_start3A = arith.constant 0 : i32
      %dma_start3A_165 = tpu.memref_slice %arg11[%add3A_20, %dma_start3A] : memref<10240x64xf32, #tpu.memory_space<vmem_shared>> -> memref<128x64xf32, #tpu.memory_space<vmem_shared>>
      %dma_start3A_166 = arith.constant 0 : i32
      %dma_start3A_167 = tpu.memref_slice %arg11[%add3A_20, %dma_start3A_166] : memref<10240x64xf32, #tpu.memory_space<vmem_shared>> -> memref<128x64xf32, #tpu.memory_space<vmem_shared>>
      tpu.enqueue_dma source(%arg10 : memref<128x64xf32, #tpu.memory_space<vmem>>) target(%dma_start3A_167 : memref<128x64xf32, #tpu.memory_space<vmem_shared>>) target_semaphore(%run_scoped3A_164 : memref<!tpu.dma_semaphore, #tpu.memory_space<semaphore_mem>>)
      %dma_wait3A = arith.constant 0 : i32
      %dma_wait3A_168 = tpu.memref_slice %arg11[%add3A_20, %dma_wait3A] : memref<10240x64xf32, #tpu.memory_space<vmem_shared>> -> memref<128x64xf32, #tpu.memory_space<vmem_shared>>
      %dma_wait3A_169 = arith.constant 0 : i32
      %dma_wait3A_170 = tpu.memref_slice %arg11[%add3A_20, %dma_wait3A_169] : memref<10240x64xf32, #tpu.memory_space<vmem_shared>> -> memref<128x64xf32, #tpu.memory_space<vmem_shared>>
      tpu.wait_dma2 semaphore(%run_scoped3A_164 : memref<!tpu.dma_semaphore, #tpu.memory_space<semaphore_mem>>) src(%arg10 : memref<128x64xf32, #tpu.memory_space<vmem>>) dst(%dma_wait3A_170 : memref<128x64xf32, #tpu.memory_space<vmem_shared>>)
      tpu.yield
    }) : () -> ()
    %mul3A_21 = arith.constant 640 : i32
    %mul3A_22 = arith.muli %arg1, %mul3A_21 : i32
    %add3A_23 = arith.constant 512 : i32
    %add3A_24 = arith.addi %mul3A_22, %add3A_23 : i32
    "tpu.region"() ({
      %run_scoped3A_164 = tpu.sem_alloc : memref<!tpu.dma_semaphore, #tpu.memory_space<semaphore_mem>>
      %dma_start3A = arith.constant 0 : i32
      %dma_start3A_165 = tpu.memref_slice %arg11[%add3A_24, %dma_start3A] : memref<10240x64xf32, #tpu.memory_space<vmem_shared>> -> memref<128x64xf32, #tpu.memory_space<vmem_shared>>
      %dma_start3A_166 = arith.constant 0 : i32
      %dma_start3A_167 = tpu.memref_slice %arg11[%add3A_24, %dma_start3A_166] : memref<10240x64xf32, #tpu.memory_space<vmem_shared>> -> memref<128x64xf32, #tpu.memory_space<vmem_shared>>
      tpu.enqueue_dma source(%arg10 : memref<128x64xf32, #tpu.memory_space<vmem>>) target(%dma_start3A_167 : memref<128x64xf32, #tpu.memory_space<vmem_shared>>) target_semaphore(%run_scoped3A_164 : memref<!tpu.dma_semaphore, #tpu.memory_space<semaphore_mem>>)
      %dma_wait3A = arith.constant 0 : i32
      %dma_wait3A_168 = tpu.memref_slice %arg11[%add3A_24, %dma_wait3A] : memref<10240x64xf32, #tpu.memory_space<vmem_shared>> -> memref<128x64xf32, #tpu.memory_space<vmem_shared>>
      %dma_wait3A_169 = arith.constant 0 : i32
      %dma_wait3A_170 = tpu.memref_slice %arg11[%add3A_24, %dma_wait3A_169] : memref<10240x64xf32, #tpu.memory_space<vmem_shared>> -> memref<128x64xf32, #tpu.memory_space<vmem_shared>>
      tpu.wait_dma2 semaphore(%run_scoped3A_164 : memref<!tpu.dma_semaphore, #tpu.memory_space<semaphore_mem>>) src(%arg10 : memref<128x64xf32, #tpu.memory_space<vmem>>) dst(%dma_wait3A_170 : memref<128x64xf32, #tpu.memory_space<vmem_shared>>)
      tpu.yield
    }) : () -> ()
    "tpu.region"() ({
      %run_scoped3A_164 = tpu.sem_alloc : memref<!tpu.dma_semaphore, #tpu.memory_space<semaphore_mem>>
      %dma_start3A = arith.constant 0 : i32
      %dma_start3A_165 = arith.constant 0 : i32
      %dma_start3A_166 = tpu.memref_slice %arg4[%arg1, %dma_start3A, %dma_start3A_165] : memref<16x160x128xi32, #tpu.memory_space<hbm>> -> memref<1x160x128xi32, #tpu.memory_space<hbm>>
      %dma_start3A_167 = tpu.memref_squeeze %dma_start3A_166 : memref<1x160x128xi32, #tpu.memory_space<hbm>> -> memref<160x128xi32, #tpu.memory_space<hbm>>
      %dma_start3A_168 = arith.constant 0 : i32
      %dma_start3A_169 = arith.constant 0 : i32
      %dma_start3A_170 = tpu.memref_slice %arg4[%arg1, %dma_start3A_168, %dma_start3A_169] : memref<16x160x128xi32, #tpu.memory_space<hbm>> -> memref<1x160x128xi32, #tpu.memory_space<hbm>>
      %dma_start3A_171 = tpu.memref_squeeze %dma_start3A_170 : memref<1x160x128xi32, #tpu.memory_space<hbm>> -> memref<160x128xi32, #tpu.memory_space<hbm>>
      tpu.enqueue_dma source(%dma_start3A_171 : memref<160x128xi32, #tpu.memory_space<hbm>>) target(%arg7 : memref<160x128xi32, #tpu.memory_space<vmem>>) target_semaphore(%run_scoped3A_164 : memref<!tpu.dma_semaphore, #tpu.memory_space<semaphore_mem>>)
      %dma_wait3A = arith.constant 0 : i32
      %dma_wait3A_172 = arith.constant 0 : i32
      %dma_wait3A_173 = tpu.memref_slice %arg4[%arg1, %dma_wait3A, %dma_wait3A_172] : memref<16x160x128xi32, #tpu.memory_space<hbm>> -> memref<1x160x128xi32, #tpu.memory_space<hbm>>
      %dma_wait3A_174 = tpu.memref_squeeze %dma_wait3A_173 : memref<1x160x128xi32, #tpu.memory_space<hbm>> -> memref<160x128xi32, #tpu.memory_space<hbm>>
      %dma_wait3A_175 = arith.constant 0 : i32
      %dma_wait3A_176 = arith.constant 0 : i32
      %dma_wait3A_177 = tpu.memref_slice %arg4[%arg1, %dma_wait3A_175, %dma_wait3A_176] : memref<16x160x128xi32, #tpu.memory_space<hbm>> -> memref<1x160x128xi32, #tpu.memory_space<hbm>>
      %dma_wait3A_178 = tpu.memref_squeeze %dma_wait3A_177 : memref<1x160x128xi32, #tpu.memory_space<hbm>> -> memref<160x128xi32, #tpu.memory_space<hbm>>
      tpu.wait_dma2 semaphore(%run_scoped3A_164 : memref<!tpu.dma_semaphore, #tpu.memory_space<semaphore_mem>>) src(%dma_wait3A_178 : memref<160x128xi32, #tpu.memory_space<hbm>>) dst(%arg7 : memref<160x128xi32, #tpu.memory_space<vmem>>)
      tpu.yield
    }) : () -> ()
    "tpu.region"() ({
      %run_scoped3A_164 = tpu.sem_alloc : memref<!tpu.dma_semaphore, #tpu.memory_space<semaphore_mem>>
      %dma_start3A = arith.constant 0 : i32
      %dma_start3A_165 = arith.constant 0 : i32
      %dma_start3A_166 = tpu.memref_slice %arg5[%arg1, %dma_start3A, %dma_start3A_165] : memref<16x160x128xi32, #tpu.memory_space<hbm>> -> memref<1x160x128xi32, #tpu.memory_space<hbm>>
      %dma_start3A_167 = tpu.memref_squeeze %dma_start3A_166 : memref<1x160x128xi32, #tpu.memory_space<hbm>> -> memref<160x128xi32, #tpu.memory_space<hbm>>
      %dma_start3A_168 = arith.constant 0 : i32
      %dma_start3A_169 = arith.constant 0 : i32
      %dma_start3A_170 = tpu.memref_slice %arg5[%arg1, %dma_start3A_168, %dma_start3A_169] : memref<16x160x128xi32, #tpu.memory_space<hbm>> -> memref<1x160x128xi32, #tpu.memory_space<hbm>>
      %dma_start3A_171 = tpu.memref_squeeze %dma_start3A_170 : memref<1x160x128xi32, #tpu.memory_space<hbm>> -> memref<160x128xi32, #tpu.memory_space<hbm>>
      tpu.enqueue_dma source(%dma_start3A_171 : memref<160x128xi32, #tpu.memory_space<hbm>>) target(%arg8 : memref<160x128xi32, #tpu.memory_space<vmem>>) target_semaphore(%run_scoped3A_164 : memref<!tpu.dma_semaphore, #tpu.memory_space<semaphore_mem>>)
      %dma_wait3A = arith.constant 0 : i32
      %dma_wait3A_172 = arith.constant 0 : i32
      %dma_wait3A_173 = tpu.memref_slice %arg5[%arg1, %dma_wait3A, %dma_wait3A_172] : memref<16x160x128xi32, #tpu.memory_space<hbm>> -> memref<1x160x128xi32, #tpu.memory_space<hbm>>
      %dma_wait3A_174 = tpu.memref_squeeze %dma_wait3A_173 : memref<1x160x128xi32, #tpu.memory_space<hbm>> -> memref<160x128xi32, #tpu.memory_space<hbm>>
      %dma_wait3A_175 = arith.constant 0 : i32
      %dma_wait3A_176 = arith.constant 0 : i32
      %dma_wait3A_177 = tpu.memref_slice %arg5[%arg1, %dma_wait3A_175, %dma_wait3A_176] : memref<16x160x128xi32, #tpu.memory_space<hbm>> -> memref<1x160x128xi32, #tpu.memory_space<hbm>>
      %dma_wait3A_178 = tpu.memref_squeeze %dma_wait3A_177 : memref<1x160x128xi32, #tpu.memory_space<hbm>> -> memref<160x128xi32, #tpu.memory_space<hbm>>
      tpu.wait_dma2 semaphore(%run_scoped3A_164 : memref<!tpu.dma_semaphore, #tpu.memory_space<semaphore_mem>>) src(%dma_wait3A_178 : memref<160x128xi32, #tpu.memory_space<hbm>>) dst(%arg8 : memref<160x128xi32, #tpu.memory_space<vmem>>)
      tpu.yield
    }) : () -> ()
    %barrier3A = arith.constant 0 : index
    tpu.barrier barrier_id(%barrier3A)
    %eq3A = arith.constant 0 : i32
    %eq3A_25 = arith.cmpi eq, %arg0, %eq3A : i32
    %convert_element_type3A = arith.extui %eq3A_25 : i1 to i32
    %cond3A = arith.constant 0 : i32
    %cond3A_26 = arith.cmpi ne, %convert_element_type3A, %cond3A : i32
    scf.if %cond3A_26 {
      %dma_start3A = arith.constant 0 : i32
      %dma_start3A_164 = arith.constant 0 : i32
      %dma_start3A_165 = arith.constant 0 : i32
      %dma_start3A_166 = arith.constant 0 : i32
      %dma_start3A_167 = tpu.memref_slice %arg9[%dma_start3A_164, %dma_start3A_165, %dma_start3A_166] : memref<4x128x64xf32, #tpu.memory_space<vmem>> -> memref<1x128x64xf32, #tpu.memory_space<vmem>>
      %dma_start3A_168 = tpu.memref_squeeze %dma_start3A_167 : memref<1x128x64xf32, #tpu.memory_space<vmem>> -> memref<128x64xf32, #tpu.memory_space<vmem>>
      %dma_start3A_169 = arith.constant 0 : i32
      %dma_start3A_170 = tpu.memref_slice %arg7[%dma_start3A, %dma_start3A_169] : memref<160x128xi32, #tpu.memory_space<vmem>> -> memref<1x128xi32, #tpu.memory_space<vmem>>
      %dma_start3A_171 = tpu.memref_squeeze %dma_start3A_170 : memref<1x128xi32, #tpu.memory_space<vmem>> -> memref<128xi32, #tpu.memory_space<vmem>>
      %dma_start3A_172 = arith.constant 0 : i32
      %dma_start3A_173 = arith.constant 0 : i32
      %dma_start3A_174 = tpu.memref_slice %arg2[%dma_start3A_172, %dma_start3A_173] : memref<10240x64xf32, #tpu.memory_space<hbm>> -> memref<10240x64xf32, #tpu.memory_space<hbm>>
      tpu.enqueue_indirect_dma source(%dma_start3A_174 : memref<10240x64xf32, #tpu.memory_space<hbm>>) target(%dma_start3A_168 : memref<128x64xf32, #tpu.memory_space<vmem>>) offsets(%dma_start3A_171 : memref<128xi32, #tpu.memory_space<vmem>>) semaphore(%arg12 : memref<!tpu.dma_semaphore, #tpu.memory_space<semaphore_mem>>)
      %dma_start3A_175 = arith.constant 1 : i32
      %dma_start3A_176 = arith.constant 1 : i32
      %dma_start3A_177 = arith.constant 0 : i32
      %dma_start3A_178 = arith.constant 0 : i32
      %dma_start3A_179 = tpu.memref_slice %arg9[%dma_start3A_176, %dma_start3A_177, %dma_start3A_178] : memref<4x128x64xf32, #tpu.memory_space<vmem>> -> memref<1x128x64xf32, #tpu.memory_space<vmem>>
      %dma_start3A_180 = tpu.memref_squeeze %dma_start3A_179 : memref<1x128x64xf32, #tpu.memory_space<vmem>> -> memref<128x64xf32, #tpu.memory_space<vmem>>
      %dma_start3A_181 = arith.constant 0 : i32
      %dma_start3A_182 = tpu.memref_slice %arg7[%dma_start3A_175, %dma_start3A_181] : memref<160x128xi32, #tpu.memory_space<vmem>> -> memref<1x128xi32, #tpu.memory_space<vmem>>
      %dma_start3A_183 = tpu.memref_squeeze %dma_start3A_182 : memref<1x128xi32, #tpu.memory_space<vmem>> -> memref<128xi32, #tpu.memory_space<vmem>>
      %dma_start3A_184 = arith.constant 0 : i32
      %dma_start3A_185 = arith.constant 0 : i32
      %dma_start3A_186 = tpu.memref_slice %arg2[%dma_start3A_184, %dma_start3A_185] : memref<10240x64xf32, #tpu.memory_space<hbm>> -> memref<10240x64xf32, #tpu.memory_space<hbm>>
      tpu.enqueue_indirect_dma source(%dma_start3A_186 : memref<10240x64xf32, #tpu.memory_space<hbm>>) target(%dma_start3A_180 : memref<128x64xf32, #tpu.memory_space<vmem>>) offsets(%dma_start3A_183 : memref<128xi32, #tpu.memory_space<vmem>>) semaphore(%arg13 : memref<!tpu.dma_semaphore, #tpu.memory_space<semaphore_mem>>)
      %dma_start3A_187 = arith.constant 2 : i32
      %dma_start3A_188 = arith.constant 2 : i32
      %dma_start3A_189 = arith.constant 0 : i32
      %dma_start3A_190 = arith.constant 0 : i32
      %dma_start3A_191 = tpu.memref_slice %arg9[%dma_start3A_188, %dma_start3A_189, %dma_start3A_190] : memref<4x128x64xf32, #tpu.memory_space<vmem>> -> memref<1x128x64xf32, #tpu.memory_space<vmem>>
      %dma_start3A_192 = tpu.memref_squeeze %dma_start3A_191 : memref<1x128x64xf32, #tpu.memory_space<vmem>> -> memref<128x64xf32, #tpu.memory_space<vmem>>
      %dma_start3A_193 = arith.constant 0 : i32
      %dma_start3A_194 = tpu.memref_slice %arg7[%dma_start3A_187, %dma_start3A_193] : memref<160x128xi32, #tpu.memory_space<vmem>> -> memref<1x128xi32, #tpu.memory_space<vmem>>
      %dma_start3A_195 = tpu.memref_squeeze %dma_start3A_194 : memref<1x128xi32, #tpu.memory_space<vmem>> -> memref<128xi32, #tpu.memory_space<vmem>>
      %dma_start3A_196 = arith.constant 0 : i32
      %dma_start3A_197 = arith.constant 0 : i32
      %dma_start3A_198 = tpu.memref_slice %arg2[%dma_start3A_196, %dma_start3A_197] : memref<10240x64xf32, #tpu.memory_space<hbm>> -> memref<10240x64xf32, #tpu.memory_space<hbm>>
      tpu.enqueue_indirect_dma source(%dma_start3A_198 : memref<10240x64xf32, #tpu.memory_space<hbm>>) target(%dma_start3A_192 : memref<128x64xf32, #tpu.memory_space<vmem>>) offsets(%dma_start3A_195 : memref<128xi32, #tpu.memory_space<vmem>>) semaphore(%arg14 : memref<!tpu.dma_semaphore, #tpu.memory_space<semaphore_mem>>)
      %dma_start3A_199 = arith.constant 3 : i32
      %dma_start3A_200 = arith.constant 3 : i32
      %dma_start3A_201 = arith.constant 0 : i32
      %dma_start3A_202 = arith.constant 0 : i32
      %dma_start3A_203 = tpu.memref_slice %arg9[%dma_start3A_200, %dma_start3A_201, %dma_start3A_202] : memref<4x128x64xf32, #tpu.memory_space<vmem>> -> memref<1x128x64xf32, #tpu.memory_space<vmem>>
      %dma_start3A_204 = tpu.memref_squeeze %dma_start3A_203 : memref<1x128x64xf32, #tpu.memory_space<vmem>> -> memref<128x64xf32, #tpu.memory_space<vmem>>
      %dma_start3A_205 = arith.constant 0 : i32
      %dma_start3A_206 = tpu.memref_slice %arg7[%dma_start3A_199, %dma_start3A_205] : memref<160x128xi32, #tpu.memory_space<vmem>> -> memref<1x128xi32, #tpu.memory_space<vmem>>
      %dma_start3A_207 = tpu.memref_squeeze %dma_start3A_206 : memref<1x128xi32, #tpu.memory_space<vmem>> -> memref<128xi32, #tpu.memory_space<vmem>>
      %dma_start3A_208 = arith.constant 0 : i32
      %dma_start3A_209 = arith.constant 0 : i32
      %dma_start3A_210 = tpu.memref_slice %arg2[%dma_start3A_208, %dma_start3A_209] : memref<10240x64xf32, #tpu.memory_space<hbm>> -> memref<10240x64xf32, #tpu.memory_space<hbm>>
      tpu.enqueue_indirect_dma source(%dma_start3A_210 : memref<10240x64xf32, #tpu.memory_space<hbm>>) target(%dma_start3A_204 : memref<128x64xf32, #tpu.memory_space<vmem>>) offsets(%dma_start3A_207 : memref<128xi32, #tpu.memory_space<vmem>>) semaphore(%arg15 : memref<!tpu.dma_semaphore, #tpu.memory_space<semaphore_mem>>)
      %scan3A_211 = arith.constant 0 : i32
      %scan3A_212 = arith.constant 0 : i32
      %scan3A_213 = arith.constant 20 : i32
      %scan3A_214 = arith.addi %scan3A_212, %scan3A_213 : i32
      %scan3A_215 = arith.constant 1 : i32
      %scan3A_216 = scf.for %scan3A_218 = %scan3A_212 to %scan3A_214 step %scan3A_215 iter_args(%scan3A_219 = %scan3A_211) -> (i32)  : i32 {
        %mul3A_220 = arith.constant 4 : i32
        %mul3A_221 = arith.muli %scan3A_218, %mul3A_220 : i32
        %add3A_222 = arith.constant 0 : i32
        %add3A_223 = arith.addi %add3A_222, %mul3A_221 : i32
        %add3A_224 = arith.constant 0 : i32
        %add3A_225 = arith.addi %add3A_223, %add3A_224 : i32
        %dma_wait3A = arith.constant 0 : i32
        %dma_wait3A_226 = arith.constant 0 : i32
        %dma_wait3A_227 = arith.constant 0 : i32
        %dma_wait3A_228 = tpu.memref_slice %arg9[%dma_wait3A, %dma_wait3A_226, %dma_wait3A_227] : memref<4x128x64xf32, #tpu.memory_space<vmem>> -> memref<1x128x64xf32, #tpu.memory_space<vmem>>
        %dma_wait3A_229 = tpu.memref_squeeze %dma_wait3A_228 : memref<1x128x64xf32, #tpu.memory_space<vmem>> -> memref<128x64xf32, #tpu.memory_space<vmem>>
        %dma_wait3A_230 = arith.constant 0 : i32
        %dma_wait3A_231 = tpu.memref_slice %arg7[%add3A_225, %dma_wait3A_230] : memref<160x128xi32, #tpu.memory_space<vmem>> -> memref<1x128xi32, #tpu.memory_space<vmem>>
        %dma_wait3A_232 = tpu.memref_squeeze %dma_wait3A_231 : memref<1x128xi32, #tpu.memory_space<vmem>> -> memref<128xi32, #tpu.memory_space<vmem>>
        %dma_wait3A_233 = arith.constant 0 : i32
        %dma_wait3A_234 = arith.constant 0 : i32
        %dma_wait3A_235 = tpu.memref_slice %arg2[%dma_wait3A_233, %dma_wait3A_234] : memref<10240x64xf32, #tpu.memory_space<hbm>> -> memref<10240x64xf32, #tpu.memory_space<hbm>>
        tpu.wait_indirect_dma semaphore(%arg12 : memref<!tpu.dma_semaphore, #tpu.memory_space<semaphore_mem>>) src(%dma_wait3A_235 : memref<10240x64xf32, #tpu.memory_space<hbm>>) dst(%dma_wait3A_229 : memref<128x64xf32, #tpu.memory_space<vmem>>)
        %add3A_236 = arith.constant 0 : i32
        %add3A_237 = arith.addi %add3A_223, %add3A_236 : i32
        %dma_start3A_238 = arith.constant 0 : i32
        %dma_start3A_239 = arith.constant 0 : i32
        %dma_start3A_240 = arith.constant 0 : i32
        %dma_start3A_241 = tpu.memref_slice %arg9[%dma_start3A_238, %dma_start3A_239, %dma_start3A_240] : memref<4x128x64xf32, #tpu.memory_space<vmem>> -> memref<1x128x64xf32, #tpu.memory_space<vmem>>
        %dma_start3A_242 = tpu.memref_squeeze %dma_start3A_241 : memref<1x128x64xf32, #tpu.memory_space<vmem>> -> memref<128x64xf32, #tpu.memory_space<vmem>>
        %dma_start3A_243 = arith.constant 0 : i32
        %dma_start3A_244 = tpu.memref_slice %arg8[%add3A_237, %dma_start3A_243] : memref<160x128xi32, #tpu.memory_space<vmem>> -> memref<1x128xi32, #tpu.memory_space<vmem>>
        %dma_start3A_245 = tpu.memref_squeeze %dma_start3A_244 : memref<1x128xi32, #tpu.memory_space<vmem>> -> memref<128xi32, #tpu.memory_space<vmem>>
        %dma_start3A_246 = arith.constant 0 : i32
        %dma_start3A_247 = arith.constant 0 : i32
        %dma_start3A_248 = tpu.memref_slice %arg11[%dma_start3A_246, %dma_start3A_247] : memref<10240x64xf32, #tpu.memory_space<vmem_shared>> -> memref<10240x64xf32, #tpu.memory_space<vmem_shared>>
        tpu.enqueue_indirect_dma source(%dma_start3A_242 : memref<128x64xf32, #tpu.memory_space<vmem>>) target(%dma_start3A_248 : memref<10240x64xf32, #tpu.memory_space<vmem_shared>>) offsets(%dma_start3A_245 : memref<128xi32, #tpu.memory_space<vmem>>) semaphore(%arg16 : memref<!tpu.dma_semaphore, #tpu.memory_space<semaphore_mem>>) {add = true}
        %add3A_249 = arith.constant 1 : i32
        %add3A_250 = arith.addi %add3A_223, %add3A_249 : i32
        %dma_wait3A_251 = arith.constant 1 : i32
        %dma_wait3A_252 = arith.constant 0 : i32
        %dma_wait3A_253 = arith.constant 0 : i32
        %dma_wait3A_254 = tpu.memref_slice %arg9[%dma_wait3A_251, %dma_wait3A_252, %dma_wait3A_253] : memref<4x128x64xf32, #tpu.memory_space<vmem>> -> memref<1x128x64xf32, #tpu.memory_space<vmem>>
        %dma_wait3A_255 = tpu.memref_squeeze %dma_wait3A_254 : memref<1x128x64xf32, #tpu.memory_space<vmem>> -> memref<128x64xf32, #tpu.memory_space<vmem>>
        %dma_wait3A_256 = arith.constant 0 : i32
        %dma_wait3A_257 = tpu.memref_slice %arg7[%add3A_250, %dma_wait3A_256] : memref<160x128xi32, #tpu.memory_space<vmem>> -> memref<1x128xi32, #tpu.memory_space<vmem>>
        %dma_wait3A_258 = tpu.memref_squeeze %dma_wait3A_257 : memref<1x128xi32, #tpu.memory_space<vmem>> -> memref<128xi32, #tpu.memory_space<vmem>>
        %dma_wait3A_259 = arith.constant 0 : i32
        %dma_wait3A_260 = arith.constant 0 : i32
        %dma_wait3A_261 = tpu.memref_slice %arg2[%dma_wait3A_259, %dma_wait3A_260] : memref<10240x64xf32, #tpu.memory_space<hbm>> -> memref<10240x64xf32, #tpu.memory_space<hbm>>
        tpu.wait_indirect_dma semaphore(%arg13 : memref<!tpu.dma_semaphore, #tpu.memory_space<semaphore_mem>>) src(%dma_wait3A_261 : memref<10240x64xf32, #tpu.memory_space<hbm>>) dst(%dma_wait3A_255 : memref<128x64xf32, #tpu.memory_space<vmem>>)
        %add3A_262 = arith.constant 1 : i32
        %add3A_263 = arith.addi %add3A_223, %add3A_262 : i32
        %dma_start3A_264 = arith.constant 1 : i32
        %dma_start3A_265 = arith.constant 0 : i32
        %dma_start3A_266 = arith.constant 0 : i32
        %dma_start3A_267 = tpu.memref_slice %arg9[%dma_start3A_264, %dma_start3A_265, %dma_start3A_266] : memref<4x128x64xf32, #tpu.memory_space<vmem>> -> memref<1x128x64xf32, #tpu.memory_space<vmem>>
        %dma_start3A_268 = tpu.memref_squeeze %dma_start3A_267 : memref<1x128x64xf32, #tpu.memory_space<vmem>> -> memref<128x64xf32, #tpu.memory_space<vmem>>
        %dma_start3A_269 = arith.constant 0 : i32
        %dma_start3A_270 = tpu.memref_slice %arg8[%add3A_263, %dma_start3A_269] : memref<160x128xi32, #tpu.memory_space<vmem>> -> memref<1x128xi32, #tpu.memory_space<vmem>>
        %dma_start3A_271 = tpu.memref_squeeze %dma_start3A_270 : memref<1x128xi32, #tpu.memory_space<vmem>> -> memref<128xi32, #tpu.memory_space<vmem>>
        %dma_start3A_272 = arith.constant 0 : i32
        %dma_start3A_273 = arith.constant 0 : i32
        %dma_start3A_274 = tpu.memref_slice %arg11[%dma_start3A_272, %dma_start3A_273] : memref<10240x64xf32, #tpu.memory_space<vmem_shared>> -> memref<10240x64xf32, #tpu.memory_space<vmem_shared>>
        tpu.enqueue_indirect_dma source(%dma_start3A_268 : memref<128x64xf32, #tpu.memory_space<vmem>>) target(%dma_start3A_274 : memref<10240x64xf32, #tpu.memory_space<vmem_shared>>) offsets(%dma_start3A_271 : memref<128xi32, #tpu.memory_space<vmem>>) semaphore(%arg17 : memref<!tpu.dma_semaphore, #tpu.memory_space<semaphore_mem>>) {add = true}
        %add3A_275 = arith.constant 2 : i32
        %add3A_276 = arith.addi %add3A_223, %add3A_275 : i32
        %dma_wait3A_277 = arith.constant 2 : i32
        %dma_wait3A_278 = arith.constant 0 : i32
        %dma_wait3A_279 = arith.constant 0 : i32
        %dma_wait3A_280 = tpu.memref_slice %arg9[%dma_wait3A_277, %dma_wait3A_278, %dma_wait3A_279] : memref<4x128x64xf32, #tpu.memory_space<vmem>> -> memref<1x128x64xf32, #tpu.memory_space<vmem>>
        %dma_wait3A_281 = tpu.memref_squeeze %dma_wait3A_280 : memref<1x128x64xf32, #tpu.memory_space<vmem>> -> memref<128x64xf32, #tpu.memory_space<vmem>>
        %dma_wait3A_282 = arith.constant 0 : i32
        %dma_wait3A_283 = tpu.memref_slice %arg7[%add3A_276, %dma_wait3A_282] : memref<160x128xi32, #tpu.memory_space<vmem>> -> memref<1x128xi32, #tpu.memory_space<vmem>>
        %dma_wait3A_284 = tpu.memref_squeeze %dma_wait3A_283 : memref<1x128xi32, #tpu.memory_space<vmem>> -> memref<128xi32, #tpu.memory_space<vmem>>
        %dma_wait3A_285 = arith.constant 0 : i32
        %dma_wait3A_286 = arith.constant 0 : i32
        %dma_wait3A_287 = tpu.memref_slice %arg2[%dma_wait3A_285, %dma_wait3A_286] : memref<10240x64xf32, #tpu.memory_space<hbm>> -> memref<10240x64xf32, #tpu.memory_space<hbm>>
        tpu.wait_indirect_dma semaphore(%arg14 : memref<!tpu.dma_semaphore, #tpu.memory_space<semaphore_mem>>) src(%dma_wait3A_287 : memref<10240x64xf32, #tpu.memory_space<hbm>>) dst(%dma_wait3A_281 : memref<128x64xf32, #tpu.memory_space<vmem>>)
        %add3A_288 = arith.constant 2 : i32
        %add3A_289 = arith.addi %add3A_223, %add3A_288 : i32
        %dma_start3A_290 = arith.constant 2 : i32
        %dma_start3A_291 = arith.constant 0 : i32
        %dma_start3A_292 = arith.constant 0 : i32
        %dma_start3A_293 = tpu.memref_slice %arg9[%dma_start3A_290, %dma_start3A_291, %dma_start3A_292] : memref<4x128x64xf32, #tpu.memory_space<vmem>> -> memref<1x128x64xf32, #tpu.memory_space<vmem>>
        %dma_start3A_294 = tpu.memref_squeeze %dma_start3A_293 : memref<1x128x64xf32, #tpu.memory_space<vmem>> -> memref<128x64xf32, #tpu.memory_space<vmem>>
        %dma_start3A_295 = arith.constant 0 : i32
        %dma_start3A_296 = tpu.memref_slice %arg8[%add3A_289, %dma_start3A_295] : memref<160x128xi32, #tpu.memory_space<vmem>> -> memref<1x128xi32, #tpu.memory_space<vmem>>
        %dma_start3A_297 = tpu.memref_squeeze %dma_start3A_296 : memref<1x128xi32, #tpu.memory_space<vmem>> -> memref<128xi32, #tpu.memory_space<vmem>>
        %dma_start3A_298 = arith.constant 0 : i32
        %dma_start3A_299 = arith.constant 0 : i32
        %dma_start3A_300 = tpu.memref_slice %arg11[%dma_start3A_298, %dma_start3A_299] : memref<10240x64xf32, #tpu.memory_space<vmem_shared>> -> memref<10240x64xf32, #tpu.memory_space<vmem_shared>>
        tpu.enqueue_indirect_dma source(%dma_start3A_294 : memref<128x64xf32, #tpu.memory_space<vmem>>) target(%dma_start3A_300 : memref<10240x64xf32, #tpu.memory_space<vmem_shared>>) offsets(%dma_start3A_297 : memref<128xi32, #tpu.memory_space<vmem>>) semaphore(%arg18 : memref<!tpu.dma_semaphore, #tpu.memory_space<semaphore_mem>>) {add = true}
        %add3A_301 = arith.constant 3 : i32
        %add3A_302 = arith.addi %add3A_223, %add3A_301 : i32
        %dma_wait3A_303 = arith.constant 3 : i32
        %dma_wait3A_304 = arith.constant 0 : i32
        %dma_wait3A_305 = arith.constant 0 : i32
        %dma_wait3A_306 = tpu.memref_slice %arg9[%dma_wait3A_303, %dma_wait3A_304, %dma_wait3A_305] : memref<4x128x64xf32, #tpu.memory_space<vmem>> -> memref<1x128x64xf32, #tpu.memory_space<vmem>>
        %dma_wait3A_307 = tpu.memref_squeeze %dma_wait3A_306 : memref<1x128x64xf32, #tpu.memory_space<vmem>> -> memref<128x64xf32, #tpu.memory_space<vmem>>
        %dma_wait3A_308 = arith.constant 0 : i32
        %dma_wait3A_309 = tpu.memref_slice %arg7[%add3A_302, %dma_wait3A_308] : memref<160x128xi32, #tpu.memory_space<vmem>> -> memref<1x128xi32, #tpu.memory_space<vmem>>
        %dma_wait3A_310 = tpu.memref_squeeze %dma_wait3A_309 : memref<1x128xi32, #tpu.memory_space<vmem>> -> memref<128xi32, #tpu.memory_space<vmem>>
        %dma_wait3A_311 = arith.constant 0 : i32
        %dma_wait3A_312 = arith.constant 0 : i32
        %dma_wait3A_313 = tpu.memref_slice %arg2[%dma_wait3A_311, %dma_wait3A_312] : memref<10240x64xf32, #tpu.memory_space<hbm>> -> memref<10240x64xf32, #tpu.memory_space<hbm>>
        tpu.wait_indirect_dma semaphore(%arg15 : memref<!tpu.dma_semaphore, #tpu.memory_space<semaphore_mem>>) src(%dma_wait3A_313 : memref<10240x64xf32, #tpu.memory_space<hbm>>) dst(%dma_wait3A_307 : memref<128x64xf32, #tpu.memory_space<vmem>>)
        %add3A_314 = arith.constant 3 : i32
        %add3A_315 = arith.addi %add3A_223, %add3A_314 : i32
        %dma_start3A_316 = arith.constant 3 : i32
        %dma_start3A_317 = arith.constant 0 : i32
        %dma_start3A_318 = arith.constant 0 : i32
        %dma_start3A_319 = tpu.memref_slice %arg9[%dma_start3A_316, %dma_start3A_317, %dma_start3A_318] : memref<4x128x64xf32, #tpu.memory_space<vmem>> -> memref<1x128x64xf32, #tpu.memory_space<vmem>>
        %dma_start3A_320 = tpu.memref_squeeze %dma_start3A_319 : memref<1x128x64xf32, #tpu.memory_space<vmem>> -> memref<128x64xf32, #tpu.memory_space<vmem>>
        %dma_start3A_321 = arith.constant 0 : i32
        %dma_start3A_322 = tpu.memref_slice %arg8[%add3A_315, %dma_start3A_321] : memref<160x128xi32, #tpu.memory_space<vmem>> -> memref<1x128xi32, #tpu.memory_space<vmem>>
        %dma_start3A_323 = tpu.memref_squeeze %dma_start3A_322 : memref<1x128xi32, #tpu.memory_space<vmem>> -> memref<128xi32, #tpu.memory_space<vmem>>
        %dma_start3A_324 = arith.constant 0 : i32
        %dma_start3A_325 = arith.constant 0 : i32
        %dma_start3A_326 = tpu.memref_slice %arg11[%dma_start3A_324, %dma_start3A_325] : memref<10240x64xf32, #tpu.memory_space<vmem_shared>> -> memref<10240x64xf32, #tpu.memory_space<vmem_shared>>
        tpu.enqueue_indirect_dma source(%dma_start3A_320 : memref<128x64xf32, #tpu.memory_space<vmem>>) target(%dma_start3A_326 : memref<10240x64xf32, #tpu.memory_space<vmem_shared>>) offsets(%dma_start3A_323 : memref<128xi32, #tpu.memory_space<vmem>>) semaphore(%arg19 : memref<!tpu.dma_semaphore, #tpu.memory_space<semaphore_mem>>) {add = true}
        %add3A_327 = arith.constant 0 : i32
        %add3A_328 = arith.addi %add3A_223, %add3A_327 : i32
        %dma_wait3A_329 = arith.constant 0 : i32
        %dma_wait3A_330 = arith.constant 0 : i32
        %dma_wait3A_331 = arith.constant 0 : i32
        %dma_wait3A_332 = tpu.memref_slice %arg9[%dma_wait3A_329, %dma_wait3A_330, %dma_wait3A_331] : memref<4x128x64xf32, #tpu.memory_space<vmem>> -> memref<1x128x64xf32, #tpu.memory_space<vmem>>
        %dma_wait3A_333 = tpu.memref_squeeze %dma_wait3A_332 : memref<1x128x64xf32, #tpu.memory_space<vmem>> -> memref<128x64xf32, #tpu.memory_space<vmem>>
        %dma_wait3A_334 = arith.constant 0 : i32
        %dma_wait3A_335 = tpu.memref_slice %arg8[%add3A_328, %dma_wait3A_334] : memref<160x128xi32, #tpu.memory_space<vmem>> -> memref<1x128xi32, #tpu.memory_space<vmem>>
        %dma_wait3A_336 = tpu.memref_squeeze %dma_wait3A_335 : memref<1x128xi32, #tpu.memory_space<vmem>> -> memref<128xi32, #tpu.memory_space<vmem>>
        %dma_wait3A_337 = arith.constant 0 : i32
        %dma_wait3A_338 = arith.constant 0 : i32
        %dma_wait3A_339 = tpu.memref_slice %arg11[%dma_wait3A_337, %dma_wait3A_338] : memref<10240x64xf32, #tpu.memory_space<vmem_shared>> -> memref<10240x64xf32, #tpu.memory_space<vmem_shared>>
        tpu.wait_indirect_dma semaphore(%arg16 : memref<!tpu.dma_semaphore, #tpu.memory_space<semaphore_mem>>) src(%dma_wait3A_333 : memref<128x64xf32, #tpu.memory_space<vmem>>) dst(%dma_wait3A_339 : memref<10240x64xf32, #tpu.memory_space<vmem_shared>>)
        %lt3A = arith.constant 19 : i32
        %lt3A_340 = arith.cmpi slt, %scan3A_218, %lt3A : i32
        %convert_element_type3A_341 = arith.extui %lt3A_340 : i1 to i32
        %cond3A_342 = arith.constant 0 : i32
        %cond3A_343 = arith.cmpi ne, %convert_element_type3A_341, %cond3A_342 : i32
        scf.if %cond3A_343 {
          %add3A_399 = arith.constant 4 : i32
          %add3A_400 = arith.addi %add3A_223, %add3A_399 : i32
          %add3A_401 = arith.constant 0 : i32
          %add3A_402 = arith.addi %add3A_400, %add3A_401 : i32
          %dma_start3A_403 = arith.constant 0 : i32
          %dma_start3A_404 = arith.constant 0 : i32
          %dma_start3A_405 = arith.constant 0 : i32
          %dma_start3A_406 = tpu.memref_slice %arg9[%dma_start3A_403, %dma_start3A_404, %dma_start3A_405] : memref<4x128x64xf32, #tpu.memory_space<vmem>> -> memref<1x128x64xf32, #tpu.memory_space<vmem>>
          %dma_start3A_407 = tpu.memref_squeeze %dma_start3A_406 : memref<1x128x64xf32, #tpu.memory_space<vmem>> -> memref<128x64xf32, #tpu.memory_space<vmem>>
          %dma_start3A_408 = arith.constant 0 : i32
          %dma_start3A_409 = tpu.memref_slice %arg7[%add3A_402, %dma_start3A_408] : memref<160x128xi32, #tpu.memory_space<vmem>> -> memref<1x128xi32, #tpu.memory_space<vmem>>
          %dma_start3A_410 = tpu.memref_squeeze %dma_start3A_409 : memref<1x128xi32, #tpu.memory_space<vmem>> -> memref<128xi32, #tpu.memory_space<vmem>>
          %dma_start3A_411 = arith.constant 0 : i32
          %dma_start3A_412 = arith.constant 0 : i32
          %dma_start3A_413 = tpu.memref_slice %arg2[%dma_start3A_411, %dma_start3A_412] : memref<10240x64xf32, #tpu.memory_space<hbm>> -> memref<10240x64xf32, #tpu.memory_space<hbm>>
          tpu.enqueue_indirect_dma source(%dma_start3A_413 : memref<10240x64xf32, #tpu.memory_space<hbm>>) target(%dma_start3A_407 : memref<128x64xf32, #tpu.memory_space<vmem>>) offsets(%dma_start3A_410 : memref<128xi32, #tpu.memory_space<vmem>>) semaphore(%arg12 : memref<!tpu.dma_semaphore, #tpu.memory_space<semaphore_mem>>)
        } else {
        }
        %add3A_344 = arith.constant 1 : i32
        %add3A_345 = arith.addi %add3A_223, %add3A_344 : i32
        %dma_wait3A_346 = arith.constant 1 : i32
        %dma_wait3A_347 = arith.constant 0 : i32
        %dma_wait3A_348 = arith.constant 0 : i32
        %dma_wait3A_349 = tpu.memref_slice %arg9[%dma_wait3A_346, %dma_wait3A_347, %dma_wait3A_348] : memref<4x128x64xf32, #tpu.memory_space<vmem>> -> memref<1x128x64xf32, #tpu.memory_space<vmem>>
        %dma_wait3A_350 = tpu.memref_squeeze %dma_wait3A_349 : memref<1x128x64xf32, #tpu.memory_space<vmem>> -> memref<128x64xf32, #tpu.memory_space<vmem>>
        %dma_wait3A_351 = arith.constant 0 : i32
        %dma_wait3A_352 = tpu.memref_slice %arg8[%add3A_345, %dma_wait3A_351] : memref<160x128xi32, #tpu.memory_space<vmem>> -> memref<1x128xi32, #tpu.memory_space<vmem>>
        %dma_wait3A_353 = tpu.memref_squeeze %dma_wait3A_352 : memref<1x128xi32, #tpu.memory_space<vmem>> -> memref<128xi32, #tpu.memory_space<vmem>>
        %dma_wait3A_354 = arith.constant 0 : i32
        %dma_wait3A_355 = arith.constant 0 : i32
        %dma_wait3A_356 = tpu.memref_slice %arg11[%dma_wait3A_354, %dma_wait3A_355] : memref<10240x64xf32, #tpu.memory_space<vmem_shared>> -> memref<10240x64xf32, #tpu.memory_space<vmem_shared>>
        tpu.wait_indirect_dma semaphore(%arg17 : memref<!tpu.dma_semaphore, #tpu.memory_space<semaphore_mem>>) src(%dma_wait3A_350 : memref<128x64xf32, #tpu.memory_space<vmem>>) dst(%dma_wait3A_356 : memref<10240x64xf32, #tpu.memory_space<vmem_shared>>)
        %lt3A_357 = arith.constant 19 : i32
        %lt3A_358 = arith.cmpi slt, %scan3A_218, %lt3A_357 : i32
        %convert_element_type3A_359 = arith.extui %lt3A_358 : i1 to i32
        %cond3A_360 = arith.constant 0 : i32
        %cond3A_361 = arith.cmpi ne, %convert_element_type3A_359, %cond3A_360 : i32
        scf.if %cond3A_361 {
          %add3A_399 = arith.constant 4 : i32
          %add3A_400 = arith.addi %add3A_223, %add3A_399 : i32
          %add3A_401 = arith.constant 1 : i32
          %add3A_402 = arith.addi %add3A_400, %add3A_401 : i32
          %dma_start3A_403 = arith.constant 1 : i32
          %dma_start3A_404 = arith.constant 0 : i32
          %dma_start3A_405 = arith.constant 0 : i32
          %dma_start3A_406 = tpu.memref_slice %arg9[%dma_start3A_403, %dma_start3A_404, %dma_start3A_405] : memref<4x128x64xf32, #tpu.memory_space<vmem>> -> memref<1x128x64xf32, #tpu.memory_space<vmem>>
          %dma_start3A_407 = tpu.memref_squeeze %dma_start3A_406 : memref<1x128x64xf32, #tpu.memory_space<vmem>> -> memref<128x64xf32, #tpu.memory_space<vmem>>
          %dma_start3A_408 = arith.constant 0 : i32
          %dma_start3A_409 = tpu.memref_slice %arg7[%add3A_402, %dma_start3A_408] : memref<160x128xi32, #tpu.memory_space<vmem>> -> memref<1x128xi32, #tpu.memory_space<vmem>>
          %dma_start3A_410 = tpu.memref_squeeze %dma_start3A_409 : memref<1x128xi32, #tpu.memory_space<vmem>> -> memref<128xi32, #tpu.memory_space<vmem>>
          %dma_start3A_411 = arith.constant 0 : i32
          %dma_start3A_412 = arith.constant 0 : i32
          %dma_start3A_413 = tpu.memref_slice %arg2[%dma_start3A_411, %dma_start3A_412] : memref<10240x64xf32, #tpu.memory_space<hbm>> -> memref<10240x64xf32, #tpu.memory_space<hbm>>
          tpu.enqueue_indirect_dma source(%dma_start3A_413 : memref<10240x64xf32, #tpu.memory_space<hbm>>) target(%dma_start3A_407 : memref<128x64xf32, #tpu.memory_space<vmem>>) offsets(%dma_start3A_410 : memref<128xi32, #tpu.memory_space<vmem>>) semaphore(%arg13 : memref<!tpu.dma_semaphore, #tpu.memory_space<semaphore_mem>>)
        } else {
        }
        %add3A_362 = arith.constant 2 : i32
        %add3A_363 = arith.addi %add3A_223, %add3A_362 : i32
        %dma_wait3A_364 = arith.constant 2 : i32
        %dma_wait3A_365 = arith.constant 0 : i32
        %dma_wait3A_366 = arith.constant 0 : i32
        %dma_wait3A_367 = tpu.memref_slice %arg9[%dma_wait3A_364, %dma_wait3A_365, %dma_wait3A_366] : memref<4x128x64xf32, #tpu.memory_space<vmem>> -> memref<1x128x64xf32, #tpu.memory_space<vmem>>
        %dma_wait3A_368 = tpu.memref_squeeze %dma_wait3A_367 : memref<1x128x64xf32, #tpu.memory_space<vmem>> -> memref<128x64xf32, #tpu.memory_space<vmem>>
        %dma_wait3A_369 = arith.constant 0 : i32
        %dma_wait3A_370 = tpu.memref_slice %arg8[%add3A_363, %dma_wait3A_369] : memref<160x128xi32, #tpu.memory_space<vmem>> -> memref<1x128xi32, #tpu.memory_space<vmem>>
        %dma_wait3A_371 = tpu.memref_squeeze %dma_wait3A_370 : memref<1x128xi32, #tpu.memory_space<vmem>> -> memref<128xi32, #tpu.memory_space<vmem>>
        %dma_wait3A_372 = arith.constant 0 : i32
        %dma_wait3A_373 = arith.constant 0 : i32
        %dma_wait3A_374 = tpu.memref_slice %arg11[%dma_wait3A_372, %dma_wait3A_373] : memref<10240x64xf32, #tpu.memory_space<vmem_shared>> -> memref<10240x64xf32, #tpu.memory_space<vmem_shared>>
        tpu.wait_indirect_dma semaphore(%arg18 : memref<!tpu.dma_semaphore, #tpu.memory_space<semaphore_mem>>) src(%dma_wait3A_368 : memref<128x64xf32, #tpu.memory_space<vmem>>) dst(%dma_wait3A_374 : memref<10240x64xf32, #tpu.memory_space<vmem_shared>>)
        %lt3A_375 = arith.constant 19 : i32
        %lt3A_376 = arith.cmpi slt, %scan3A_218, %lt3A_375 : i32
        %convert_element_type3A_377 = arith.extui %lt3A_376 : i1 to i32
        %cond3A_378 = arith.constant 0 : i32
        %cond3A_379 = arith.cmpi ne, %convert_element_type3A_377, %cond3A_378 : i32
        scf.if %cond3A_379 {
          %add3A_399 = arith.constant 4 : i32
          %add3A_400 = arith.addi %add3A_223, %add3A_399 : i32
          %add3A_401 = arith.constant 2 : i32
          %add3A_402 = arith.addi %add3A_400, %add3A_401 : i32
          %dma_start3A_403 = arith.constant 2 : i32
          %dma_start3A_404 = arith.constant 0 : i32
          %dma_start3A_405 = arith.constant 0 : i32
          %dma_start3A_406 = tpu.memref_slice %arg9[%dma_start3A_403, %dma_start3A_404, %dma_start3A_405] : memref<4x128x64xf32, #tpu.memory_space<vmem>> -> memref<1x128x64xf32, #tpu.memory_space<vmem>>
          %dma_start3A_407 = tpu.memref_squeeze %dma_start3A_406 : memref<1x128x64xf32, #tpu.memory_space<vmem>> -> memref<128x64xf32, #tpu.memory_space<vmem>>
          %dma_start3A_408 = arith.constant 0 : i32
          %dma_start3A_409 = tpu.memref_slice %arg7[%add3A_402, %dma_start3A_408] : memref<160x128xi32, #tpu.memory_space<vmem>> -> memref<1x128xi32, #tpu.memory_space<vmem>>
          %dma_start3A_410 = tpu.memref_squeeze %dma_start3A_409 : memref<1x128xi32, #tpu.memory_space<vmem>> -> memref<128xi32, #tpu.memory_space<vmem>>
          %dma_start3A_411 = arith.constant 0 : i32
          %dma_start3A_412 = arith.constant 0 : i32
          %dma_start3A_413 = tpu.memref_slice %arg2[%dma_start3A_411, %dma_start3A_412] : memref<10240x64xf32, #tpu.memory_space<hbm>> -> memref<10240x64xf32, #tpu.memory_space<hbm>>
          tpu.enqueue_indirect_dma source(%dma_start3A_413 : memref<10240x64xf32, #tpu.memory_space<hbm>>) target(%dma_start3A_407 : memref<128x64xf32, #tpu.memory_space<vmem>>) offsets(%dma_start3A_410 : memref<128xi32, #tpu.memory_space<vmem>>) semaphore(%arg14 : memref<!tpu.dma_semaphore, #tpu.memory_space<semaphore_mem>>)
        } else {
        }
        %add3A_380 = arith.constant 3 : i32
        %add3A_381 = arith.addi %add3A_223, %add3A_380 : i32
        %dma_wait3A_382 = arith.constant 3 : i32
        %dma_wait3A_383 = arith.constant 0 : i32
        %dma_wait3A_384 = arith.constant 0 : i32
        %dma_wait3A_385 = tpu.memref_slice %arg9[%dma_wait3A_382, %dma_wait3A_383, %dma_wait3A_384] : memref<4x128x64xf32, #tpu.memory_space<vmem>> -> memref<1x128x64xf32, #tpu.memory_space<vmem>>
        %dma_wait3A_386 = tpu.memref_squeeze %dma_wait3A_385 : memref<1x128x64xf32, #tpu.memory_space<vmem>> -> memref<128x64xf32, #tpu.memory_space<vmem>>
        %dma_wait3A_387 = arith.constant 0 : i32
        %dma_wait3A_388 = tpu.memref_slice %arg8[%add3A_381, %dma_wait3A_387] : memref<160x128xi32, #tpu.memory_space<vmem>> -> memref<1x128xi32, #tpu.memory_space<vmem>>
        %dma_wait3A_389 = tpu.memref_squeeze %dma_wait3A_388 : memref<1x128xi32, #tpu.memory_space<vmem>> -> memref<128xi32, #tpu.memory_space<vmem>>
        %dma_wait3A_390 = arith.constant 0 : i32
        %dma_wait3A_391 = arith.constant 0 : i32
        %dma_wait3A_392 = tpu.memref_slice %arg11[%dma_wait3A_390, %dma_wait3A_391] : memref<10240x64xf32, #tpu.memory_space<vmem_shared>> -> memref<10240x64xf32, #tpu.memory_space<vmem_shared>>
        tpu.wait_indirect_dma semaphore(%arg19 : memref<!tpu.dma_semaphore, #tpu.memory_space<semaphore_mem>>) src(%dma_wait3A_386 : memref<128x64xf32, #tpu.memory_space<vmem>>) dst(%dma_wait3A_392 : memref<10240x64xf32, #tpu.memory_space<vmem_shared>>)
        %lt3A_393 = arith.constant 19 : i32
        %lt3A_394 = arith.cmpi slt, %scan3A_218, %lt3A_393 : i32
        %convert_element_type3A_395 = arith.extui %lt3A_394 : i1 to i32
        %cond3A_396 = arith.constant 0 : i32
        %cond3A_397 = arith.cmpi ne, %convert_element_type3A_395, %cond3A_396 : i32
        scf.if %cond3A_397 {
          %add3A_399 = arith.constant 4 : i32
          %add3A_400 = arith.addi %add3A_223, %add3A_399 : i32
          %add3A_401 = arith.constant 3 : i32
          %add3A_402 = arith.addi %add3A_400, %add3A_401 : i32
          %dma_start3A_403 = arith.constant 3 : i32
          %dma_start3A_404 = arith.constant 0 : i32
          %dma_start3A_405 = arith.constant 0 : i32
          %dma_start3A_406 = tpu.memref_slice %arg9[%dma_start3A_403, %dma_start3A_404, %dma_start3A_405] : memref<4x128x64xf32, #tpu.memory_space<vmem>> -> memref<1x128x64xf32, #tpu.memory_space<vmem>>
          %dma_start3A_407 = tpu.memref_squeeze %dma_start3A_406 : memref<1x128x64xf32, #tpu.memory_space<vmem>> -> memref<128x64xf32, #tpu.memory_space<vmem>>
          %dma_start3A_408 = arith.constant 0 : i32
          %dma_start3A_409 = tpu.memref_slice %arg7[%add3A_402, %dma_start3A_408] : memref<160x128xi32, #tpu.memory_space<vmem>> -> memref<1x128xi32, #tpu.memory_space<vmem>>
          %dma_start3A_410 = tpu.memref_squeeze %dma_start3A_409 : memref<1x128xi32, #tpu.memory_space<vmem>> -> memref<128xi32, #tpu.memory_space<vmem>>
          %dma_start3A_411 = arith.constant 0 : i32
          %dma_start3A_412 = arith.constant 0 : i32
          %dma_start3A_413 = tpu.memref_slice %arg2[%dma_start3A_411, %dma_start3A_412] : memref<10240x64xf32, #tpu.memory_space<hbm>> -> memref<10240x64xf32, #tpu.memory_space<hbm>>
          tpu.enqueue_indirect_dma source(%dma_start3A_413 : memref<10240x64xf32, #tpu.memory_space<hbm>>) target(%dma_start3A_407 : memref<128x64xf32, #tpu.memory_space<vmem>>) offsets(%dma_start3A_410 : memref<128xi32, #tpu.memory_space<vmem>>) semaphore(%arg15 : memref<!tpu.dma_semaphore, #tpu.memory_space<semaphore_mem>>)
        } else {
        }
        %scan3A_398 = arith.constant 0 : i32
        scf.yield %scan3A_398 : i32
      }
      %scan3A_217 = arith.constant 20 : i32
    } else {
    }
    %eq3A_27 = arith.constant 1 : i32
    %eq3A_28 = arith.cmpi eq, %arg0, %eq3A_27 : i32
    %convert_element_type3A_29 = arith.extui %eq3A_28 : i1 to i32
    %cond3A_30 = arith.constant 0 : i32
    %cond3A_31 = arith.cmpi ne, %convert_element_type3A_29, %cond3A_30 : i32
    scf.if %cond3A_31 {
      %dma_start3A = arith.constant 80 : i32
      %dma_start3A_164 = arith.constant 0 : i32
      %dma_start3A_165 = arith.constant 0 : i32
      %dma_start3A_166 = arith.constant 0 : i32
      %dma_start3A_167 = tpu.memref_slice %arg9[%dma_start3A_164, %dma_start3A_165, %dma_start3A_166] : memref<4x128x64xf32, #tpu.memory_space<vmem>> -> memref<1x128x64xf32, #tpu.memory_space<vmem>>
      %dma_start3A_168 = tpu.memref_squeeze %dma_start3A_167 : memref<1x128x64xf32, #tpu.memory_space<vmem>> -> memref<128x64xf32, #tpu.memory_space<vmem>>
      %dma_start3A_169 = arith.constant 0 : i32
      %dma_start3A_170 = tpu.memref_slice %arg7[%dma_start3A, %dma_start3A_169] : memref<160x128xi32, #tpu.memory_space<vmem>> -> memref<1x128xi32, #tpu.memory_space<vmem>>
      %dma_start3A_171 = tpu.memref_squeeze %dma_start3A_170 : memref<1x128xi32, #tpu.memory_space<vmem>> -> memref<128xi32, #tpu.memory_space<vmem>>
      %dma_start3A_172 = arith.constant 0 : i32
      %dma_start3A_173 = arith.constant 0 : i32
      %dma_start3A_174 = tpu.memref_slice %arg2[%dma_start3A_172, %dma_start3A_173] : memref<10240x64xf32, #tpu.memory_space<hbm>> -> memref<10240x64xf32, #tpu.memory_space<hbm>>
      tpu.enqueue_indirect_dma source(%dma_start3A_174 : memref<10240x64xf32, #tpu.memory_space<hbm>>) target(%dma_start3A_168 : memref<128x64xf32, #tpu.memory_space<vmem>>) offsets(%dma_start3A_171 : memref<128xi32, #tpu.memory_space<vmem>>) semaphore(%arg12 : memref<!tpu.dma_semaphore, #tpu.memory_space<semaphore_mem>>)
      %dma_start3A_175 = arith.constant 81 : i32
      %dma_start3A_176 = arith.constant 1 : i32
      %dma_start3A_177 = arith.constant 0 : i32
      %dma_start3A_178 = arith.constant 0 : i32
      %dma_start3A_179 = tpu.memref_slice %arg9[%dma_start3A_176, %dma_start3A_177, %dma_start3A_178] : memref<4x128x64xf32, #tpu.memory_space<vmem>> -> memref<1x128x64xf32, #tpu.memory_space<vmem>>
      %dma_start3A_180 = tpu.memref_squeeze %dma_start3A_179 : memref<1x128x64xf32, #tpu.memory_space<vmem>> -> memref<128x64xf32, #tpu.memory_space<vmem>>
      %dma_start3A_181 = arith.constant 0 : i32
      %dma_start3A_182 = tpu.memref_slice %arg7[%dma_start3A_175, %dma_start3A_181] : memref<160x128xi32, #tpu.memory_space<vmem>> -> memref<1x128xi32, #tpu.memory_space<vmem>>
      %dma_start3A_183 = tpu.memref_squeeze %dma_start3A_182 : memref<1x128xi32, #tpu.memory_space<vmem>> -> memref<128xi32, #tpu.memory_space<vmem>>
      %dma_start3A_184 = arith.constant 0 : i32
      %dma_start3A_185 = arith.constant 0 : i32
      %dma_start3A_186 = tpu.memref_slice %arg2[%dma_start3A_184, %dma_start3A_185] : memref<10240x64xf32, #tpu.memory_space<hbm>> -> memref<10240x64xf32, #tpu.memory_space<hbm>>
      tpu.enqueue_indirect_dma source(%dma_start3A_186 : memref<10240x64xf32, #tpu.memory_space<hbm>>) target(%dma_start3A_180 : memref<128x64xf32, #tpu.memory_space<vmem>>) offsets(%dma_start3A_183 : memref<128xi32, #tpu.memory_space<vmem>>) semaphore(%arg13 : memref<!tpu.dma_semaphore, #tpu.memory_space<semaphore_mem>>)
      %dma_start3A_187 = arith.constant 82 : i32
      %dma_start3A_188 = arith.constant 2 : i32
      %dma_start3A_189 = arith.constant 0 : i32
      %dma_start3A_190 = arith.constant 0 : i32
      %dma_start3A_191 = tpu.memref_slice %arg9[%dma_start3A_188, %dma_start3A_189, %dma_start3A_190] : memref<4x128x64xf32, #tpu.memory_space<vmem>> -> memref<1x128x64xf32, #tpu.memory_space<vmem>>
      %dma_start3A_192 = tpu.memref_squeeze %dma_start3A_191 : memref<1x128x64xf32, #tpu.memory_space<vmem>> -> memref<128x64xf32, #tpu.memory_space<vmem>>
      %dma_start3A_193 = arith.constant 0 : i32
      %dma_start3A_194 = tpu.memref_slice %arg7[%dma_start3A_187, %dma_start3A_193] : memref<160x128xi32, #tpu.memory_space<vmem>> -> memref<1x128xi32, #tpu.memory_space<vmem>>
      %dma_start3A_195 = tpu.memref_squeeze %dma_start3A_194 : memref<1x128xi32, #tpu.memory_space<vmem>> -> memref<128xi32, #tpu.memory_space<vmem>>
      %dma_start3A_196 = arith.constant 0 : i32
      %dma_start3A_197 = arith.constant 0 : i32
      %dma_start3A_198 = tpu.memref_slice %arg2[%dma_start3A_196, %dma_start3A_197] : memref<10240x64xf32, #tpu.memory_space<hbm>> -> memref<10240x64xf32, #tpu.memory_space<hbm>>
      tpu.enqueue_indirect_dma source(%dma_start3A_198 : memref<10240x64xf32, #tpu.memory_space<hbm>>) target(%dma_start3A_192 : memref<128x64xf32, #tpu.memory_space<vmem>>) offsets(%dma_start3A_195 : memref<128xi32, #tpu.memory_space<vmem>>) semaphore(%arg14 : memref<!tpu.dma_semaphore, #tpu.memory_space<semaphore_mem>>)
      %dma_start3A_199 = arith.constant 83 : i32
      %dma_start3A_200 = arith.constant 3 : i32
      %dma_start3A_201 = arith.constant 0 : i32
      %dma_start3A_202 = arith.constant 0 : i32
      %dma_start3A_203 = tpu.memref_slice %arg9[%dma_start3A_200, %dma_start3A_201, %dma_start3A_202] : memref<4x128x64xf32, #tpu.memory_space<vmem>> -> memref<1x128x64xf32, #tpu.memory_space<vmem>>
      %dma_start3A_204 = tpu.memref_squeeze %dma_start3A_203 : memref<1x128x64xf32, #tpu.memory_space<vmem>> -> memref<128x64xf32, #tpu.memory_space<vmem>>
      %dma_start3A_205 = arith.constant 0 : i32
      %dma_start3A_206 = tpu.memref_slice %arg7[%dma_start3A_199, %dma_start3A_205] : memref<160x128xi32, #tpu.memory_space<vmem>> -> memref<1x128xi32, #tpu.memory_space<vmem>>
      %dma_start3A_207 = tpu.memref_squeeze %dma_start3A_206 : memref<1x128xi32, #tpu.memory_space<vmem>> -> memref<128xi32, #tpu.memory_space<vmem>>
      %dma_start3A_208 = arith.constant 0 : i32
      %dma_start3A_209 = arith.constant 0 : i32
      %dma_start3A_210 = tpu.memref_slice %arg2[%dma_start3A_208, %dma_start3A_209] : memref<10240x64xf32, #tpu.memory_space<hbm>> -> memref<10240x64xf32, #tpu.memory_space<hbm>>
      tpu.enqueue_indirect_dma source(%dma_start3A_210 : memref<10240x64xf32, #tpu.memory_space<hbm>>) target(%dma_start3A_204 : memref<128x64xf32, #tpu.memory_space<vmem>>) offsets(%dma_start3A_207 : memref<128xi32, #tpu.memory_space<vmem>>) semaphore(%arg15 : memref<!tpu.dma_semaphore, #tpu.memory_space<semaphore_mem>>)
      %scan3A_211 = arith.constant 0 : i32
      %scan3A_212 = arith.constant 0 : i32
      %scan3A_213 = arith.constant 20 : i32
      %scan3A_214 = arith.addi %scan3A_212, %scan3A_213 : i32
      %scan3A_215 = arith.constant 1 : i32
      %scan3A_216 = scf.for %scan3A_218 = %scan3A_212 to %scan3A_214 step %scan3A_215 iter_args(%scan3A_219 = %scan3A_211) -> (i32)  : i32 {
        %mul3A_220 = arith.constant 4 : i32
        %mul3A_221 = arith.muli %scan3A_218, %mul3A_220 : i32
        %add3A_222 = arith.constant 80 : i32
        %add3A_223 = arith.addi %add3A_222, %mul3A_221 : i32
        %add3A_224 = arith.constant 0 : i32
        %add3A_225 = arith.addi %add3A_223, %add3A_224 : i32
        %dma_wait3A = arith.constant 0 : i32
        %dma_wait3A_226 = arith.constant 0 : i32
        %dma_wait3A_227 = arith.constant 0 : i32
        %dma_wait3A_228 = tpu.memref_slice %arg9[%dma_wait3A, %dma_wait3A_226, %dma_wait3A_227] : memref<4x128x64xf32, #tpu.memory_space<vmem>> -> memref<1x128x64xf32, #tpu.memory_space<vmem>>
        %dma_wait3A_229 = tpu.memref_squeeze %dma_wait3A_228 : memref<1x128x64xf32, #tpu.memory_space<vmem>> -> memref<128x64xf32, #tpu.memory_space<vmem>>
        %dma_wait3A_230 = arith.constant 0 : i32
        %dma_wait3A_231 = tpu.memref_slice %arg7[%add3A_225, %dma_wait3A_230] : memref<160x128xi32, #tpu.memory_space<vmem>> -> memref<1x128xi32, #tpu.memory_space<vmem>>
        %dma_wait3A_232 = tpu.memref_squeeze %dma_wait3A_231 : memref<1x128xi32, #tpu.memory_space<vmem>> -> memref<128xi32, #tpu.memory_space<vmem>>
        %dma_wait3A_233 = arith.constant 0 : i32
        %dma_wait3A_234 = arith.constant 0 : i32
        %dma_wait3A_235 = tpu.memref_slice %arg2[%dma_wait3A_233, %dma_wait3A_234] : memref<10240x64xf32, #tpu.memory_space<hbm>> -> memref<10240x64xf32, #tpu.memory_space<hbm>>
        tpu.wait_indirect_dma semaphore(%arg12 : memref<!tpu.dma_semaphore, #tpu.memory_space<semaphore_mem>>) src(%dma_wait3A_235 : memref<10240x64xf32, #tpu.memory_space<hbm>>) dst(%dma_wait3A_229 : memref<128x64xf32, #tpu.memory_space<vmem>>)
        %add3A_236 = arith.constant 0 : i32
        %add3A_237 = arith.addi %add3A_223, %add3A_236 : i32
        %dma_start3A_238 = arith.constant 0 : i32
        %dma_start3A_239 = arith.constant 0 : i32
        %dma_start3A_240 = arith.constant 0 : i32
        %dma_start3A_241 = tpu.memref_slice %arg9[%dma_start3A_238, %dma_start3A_239, %dma_start3A_240] : memref<4x128x64xf32, #tpu.memory_space<vmem>> -> memref<1x128x64xf32, #tpu.memory_space<vmem>>
        %dma_start3A_242 = tpu.memref_squeeze %dma_start3A_241 : memref<1x128x64xf32, #tpu.memory_space<vmem>> -> memref<128x64xf32, #tpu.memory_space<vmem>>
        %dma_start3A_243 = arith.constant 0 : i32
        %dma_start3A_244 = tpu.memref_slice %arg8[%add3A_237, %dma_start3A_243] : memref<160x128xi32, #tpu.memory_space<vmem>> -> memref<1x128xi32, #tpu.memory_space<vmem>>
        %dma_start3A_245 = tpu.memref_squeeze %dma_start3A_244 : memref<1x128xi32, #tpu.memory_space<vmem>> -> memref<128xi32, #tpu.memory_space<vmem>>
        %dma_start3A_246 = arith.constant 0 : i32
        %dma_start3A_247 = arith.constant 0 : i32
        %dma_start3A_248 = tpu.memref_slice %arg11[%dma_start3A_246, %dma_start3A_247] : memref<10240x64xf32, #tpu.memory_space<vmem_shared>> -> memref<10240x64xf32, #tpu.memory_space<vmem_shared>>
        tpu.enqueue_indirect_dma source(%dma_start3A_242 : memref<128x64xf32, #tpu.memory_space<vmem>>) target(%dma_start3A_248 : memref<10240x64xf32, #tpu.memory_space<vmem_shared>>) offsets(%dma_start3A_245 : memref<128xi32, #tpu.memory_space<vmem>>) semaphore(%arg16 : memref<!tpu.dma_semaphore, #tpu.memory_space<semaphore_mem>>) {add = true}
        %add3A_249 = arith.constant 1 : i32
        %add3A_250 = arith.addi %add3A_223, %add3A_249 : i32
        %dma_wait3A_251 = arith.constant 1 : i32
        %dma_wait3A_252 = arith.constant 0 : i32
        %dma_wait3A_253 = arith.constant 0 : i32
        %dma_wait3A_254 = tpu.memref_slice %arg9[%dma_wait3A_251, %dma_wait3A_252, %dma_wait3A_253] : memref<4x128x64xf32, #tpu.memory_space<vmem>> -> memref<1x128x64xf32, #tpu.memory_space<vmem>>
        %dma_wait3A_255 = tpu.memref_squeeze %dma_wait3A_254 : memref<1x128x64xf32, #tpu.memory_space<vmem>> -> memref<128x64xf32, #tpu.memory_space<vmem>>
        %dma_wait3A_256 = arith.constant 0 : i32
        %dma_wait3A_257 = tpu.memref_slice %arg7[%add3A_250, %dma_wait3A_256] : memref<160x128xi32, #tpu.memory_space<vmem>> -> memref<1x128xi32, #tpu.memory_space<vmem>>
        %dma_wait3A_258 = tpu.memref_squeeze %dma_wait3A_257 : memref<1x128xi32, #tpu.memory_space<vmem>> -> memref<128xi32, #tpu.memory_space<vmem>>
        %dma_wait3A_259 = arith.constant 0 : i32
        %dma_wait3A_260 = arith.constant 0 : i32
        %dma_wait3A_261 = tpu.memref_slice %arg2[%dma_wait3A_259, %dma_wait3A_260] : memref<10240x64xf32, #tpu.memory_space<hbm>> -> memref<10240x64xf32, #tpu.memory_space<hbm>>
        tpu.wait_indirect_dma semaphore(%arg13 : memref<!tpu.dma_semaphore, #tpu.memory_space<semaphore_mem>>) src(%dma_wait3A_261 : memref<10240x64xf32, #tpu.memory_space<hbm>>) dst(%dma_wait3A_255 : memref<128x64xf32, #tpu.memory_space<vmem>>)
        %add3A_262 = arith.constant 1 : i32
        %add3A_263 = arith.addi %add3A_223, %add3A_262 : i32
        %dma_start3A_264 = arith.constant 1 : i32
        %dma_start3A_265 = arith.constant 0 : i32
        %dma_start3A_266 = arith.constant 0 : i32
        %dma_start3A_267 = tpu.memref_slice %arg9[%dma_start3A_264, %dma_start3A_265, %dma_start3A_266] : memref<4x128x64xf32, #tpu.memory_space<vmem>> -> memref<1x128x64xf32, #tpu.memory_space<vmem>>
        %dma_start3A_268 = tpu.memref_squeeze %dma_start3A_267 : memref<1x128x64xf32, #tpu.memory_space<vmem>> -> memref<128x64xf32, #tpu.memory_space<vmem>>
        %dma_start3A_269 = arith.constant 0 : i32
        %dma_start3A_270 = tpu.memref_slice %arg8[%add3A_263, %dma_start3A_269] : memref<160x128xi32, #tpu.memory_space<vmem>> -> memref<1x128xi32, #tpu.memory_space<vmem>>
        %dma_start3A_271 = tpu.memref_squeeze %dma_start3A_270 : memref<1x128xi32, #tpu.memory_space<vmem>> -> memref<128xi32, #tpu.memory_space<vmem>>
        %dma_start3A_272 = arith.constant 0 : i32
        %dma_start3A_273 = arith.constant 0 : i32
        %dma_start3A_274 = tpu.memref_slice %arg11[%dma_start3A_272, %dma_start3A_273] : memref<10240x64xf32, #tpu.memory_space<vmem_shared>> -> memref<10240x64xf32, #tpu.memory_space<vmem_shared>>
        tpu.enqueue_indirect_dma source(%dma_start3A_268 : memref<128x64xf32, #tpu.memory_space<vmem>>) target(%dma_start3A_274 : memref<10240x64xf32, #tpu.memory_space<vmem_shared>>) offsets(%dma_start3A_271 : memref<128xi32, #tpu.memory_space<vmem>>) semaphore(%arg17 : memref<!tpu.dma_semaphore, #tpu.memory_space<semaphore_mem>>) {add = true}
        %add3A_275 = arith.constant 2 : i32
        %add3A_276 = arith.addi %add3A_223, %add3A_275 : i32
        %dma_wait3A_277 = arith.constant 2 : i32
        %dma_wait3A_278 = arith.constant 0 : i32
        %dma_wait3A_279 = arith.constant 0 : i32
        %dma_wait3A_280 = tpu.memref_slice %arg9[%dma_wait3A_277, %dma_wait3A_278, %dma_wait3A_279] : memref<4x128x64xf32, #tpu.memory_space<vmem>> -> memref<1x128x64xf32, #tpu.memory_space<vmem>>
        %dma_wait3A_281 = tpu.memref_squeeze %dma_wait3A_280 : memref<1x128x64xf32, #tpu.memory_space<vmem>> -> memref<128x64xf32, #tpu.memory_space<vmem>>
        %dma_wait3A_282 = arith.constant 0 : i32
        %dma_wait3A_283 = tpu.memref_slice %arg7[%add3A_276, %dma_wait3A_282] : memref<160x128xi32, #tpu.memory_space<vmem>> -> memref<1x128xi32, #tpu.memory_space<vmem>>
        %dma_wait3A_284 = tpu.memref_squeeze %dma_wait3A_283 : memref<1x128xi32, #tpu.memory_space<vmem>> -> memref<128xi32, #tpu.memory_space<vmem>>
        %dma_wait3A_285 = arith.constant 0 : i32
        %dma_wait3A_286 = arith.constant 0 : i32
        %dma_wait3A_287 = tpu.memref_slice %arg2[%dma_wait3A_285, %dma_wait3A_286] : memref<10240x64xf32, #tpu.memory_space<hbm>> -> memref<10240x64xf32, #tpu.memory_space<hbm>>
        tpu.wait_indirect_dma semaphore(%arg14 : memref<!tpu.dma_semaphore, #tpu.memory_space<semaphore_mem>>) src(%dma_wait3A_287 : memref<10240x64xf32, #tpu.memory_space<hbm>>) dst(%dma_wait3A_281 : memref<128x64xf32, #tpu.memory_space<vmem>>)
        %add3A_288 = arith.constant 2 : i32
        %add3A_289 = arith.addi %add3A_223, %add3A_288 : i32
        %dma_start3A_290 = arith.constant 2 : i32
        %dma_start3A_291 = arith.constant 0 : i32
        %dma_start3A_292 = arith.constant 0 : i32
        %dma_start3A_293 = tpu.memref_slice %arg9[%dma_start3A_290, %dma_start3A_291, %dma_start3A_292] : memref<4x128x64xf32, #tpu.memory_space<vmem>> -> memref<1x128x64xf32, #tpu.memory_space<vmem>>
        %dma_start3A_294 = tpu.memref_squeeze %dma_start3A_293 : memref<1x128x64xf32, #tpu.memory_space<vmem>> -> memref<128x64xf32, #tpu.memory_space<vmem>>
        %dma_start3A_295 = arith.constant 0 : i32
        %dma_start3A_296 = tpu.memref_slice %arg8[%add3A_289, %dma_start3A_295] : memref<160x128xi32, #tpu.memory_space<vmem>> -> memref<1x128xi32, #tpu.memory_space<vmem>>
        %dma_start3A_297 = tpu.memref_squeeze %dma_start3A_296 : memref<1x128xi32, #tpu.memory_space<vmem>> -> memref<128xi32, #tpu.memory_space<vmem>>
        %dma_start3A_298 = arith.constant 0 : i32
        %dma_start3A_299 = arith.constant 0 : i32
        %dma_start3A_300 = tpu.memref_slice %arg11[%dma_start3A_298, %dma_start3A_299] : memref<10240x64xf32, #tpu.memory_space<vmem_shared>> -> memref<10240x64xf32, #tpu.memory_space<vmem_shared>>
        tpu.enqueue_indirect_dma source(%dma_start3A_294 : memref<128x64xf32, #tpu.memory_space<vmem>>) target(%dma_start3A_300 : memref<10240x64xf32, #tpu.memory_space<vmem_shared>>) offsets(%dma_start3A_297 : memref<128xi32, #tpu.memory_space<vmem>>) semaphore(%arg18 : memref<!tpu.dma_semaphore, #tpu.memory_space<semaphore_mem>>) {add = true}
        %add3A_301 = arith.constant 3 : i32
        %add3A_302 = arith.addi %add3A_223, %add3A_301 : i32
        %dma_wait3A_303 = arith.constant 3 : i32
        %dma_wait3A_304 = arith.constant 0 : i32
        %dma_wait3A_305 = arith.constant 0 : i32
        %dma_wait3A_306 = tpu.memref_slice %arg9[%dma_wait3A_303, %dma_wait3A_304, %dma_wait3A_305] : memref<4x128x64xf32, #tpu.memory_space<vmem>> -> memref<1x128x64xf32, #tpu.memory_space<vmem>>
        %dma_wait3A_307 = tpu.memref_squeeze %dma_wait3A_306 : memref<1x128x64xf32, #tpu.memory_space<vmem>> -> memref<128x64xf32, #tpu.memory_space<vmem>>
        %dma_wait3A_308 = arith.constant 0 : i32
        %dma_wait3A_309 = tpu.memref_slice %arg7[%add3A_302, %dma_wait3A_308] : memref<160x128xi32, #tpu.memory_space<vmem>> -> memref<1x128xi32, #tpu.memory_space<vmem>>
        %dma_wait3A_310 = tpu.memref_squeeze %dma_wait3A_309 : memref<1x128xi32, #tpu.memory_space<vmem>> -> memref<128xi32, #tpu.memory_space<vmem>>
        %dma_wait3A_311 = arith.constant 0 : i32
        %dma_wait3A_312 = arith.constant 0 : i32
        %dma_wait3A_313 = tpu.memref_slice %arg2[%dma_wait3A_311, %dma_wait3A_312] : memref<10240x64xf32, #tpu.memory_space<hbm>> -> memref<10240x64xf32, #tpu.memory_space<hbm>>
        tpu.wait_indirect_dma semaphore(%arg15 : memref<!tpu.dma_semaphore, #tpu.memory_space<semaphore_mem>>) src(%dma_wait3A_313 : memref<10240x64xf32, #tpu.memory_space<hbm>>) dst(%dma_wait3A_307 : memref<128x64xf32, #tpu.memory_space<vmem>>)
        %add3A_314 = arith.constant 3 : i32
        %add3A_315 = arith.addi %add3A_223, %add3A_314 : i32
        %dma_start3A_316 = arith.constant 3 : i32
        %dma_start3A_317 = arith.constant 0 : i32
        %dma_start3A_318 = arith.constant 0 : i32
        %dma_start3A_319 = tpu.memref_slice %arg9[%dma_start3A_316, %dma_start3A_317, %dma_start3A_318] : memref<4x128x64xf32, #tpu.memory_space<vmem>> -> memref<1x128x64xf32, #tpu.memory_space<vmem>>
        %dma_start3A_320 = tpu.memref_squeeze %dma_start3A_319 : memref<1x128x64xf32, #tpu.memory_space<vmem>> -> memref<128x64xf32, #tpu.memory_space<vmem>>
        %dma_start3A_321 = arith.constant 0 : i32
        %dma_start3A_322 = tpu.memref_slice %arg8[%add3A_315, %dma_start3A_321] : memref<160x128xi32, #tpu.memory_space<vmem>> -> memref<1x128xi32, #tpu.memory_space<vmem>>
        %dma_start3A_323 = tpu.memref_squeeze %dma_start3A_322 : memref<1x128xi32, #tpu.memory_space<vmem>> -> memref<128xi32, #tpu.memory_space<vmem>>
        %dma_start3A_324 = arith.constant 0 : i32
        %dma_start3A_325 = arith.constant 0 : i32
        %dma_start3A_326 = tpu.memref_slice %arg11[%dma_start3A_324, %dma_start3A_325] : memref<10240x64xf32, #tpu.memory_space<vmem_shared>> -> memref<10240x64xf32, #tpu.memory_space<vmem_shared>>
        tpu.enqueue_indirect_dma source(%dma_start3A_320 : memref<128x64xf32, #tpu.memory_space<vmem>>) target(%dma_start3A_326 : memref<10240x64xf32, #tpu.memory_space<vmem_shared>>) offsets(%dma_start3A_323 : memref<128xi32, #tpu.memory_space<vmem>>) semaphore(%arg19 : memref<!tpu.dma_semaphore, #tpu.memory_space<semaphore_mem>>) {add = true}
        %add3A_327 = arith.constant 0 : i32
        %add3A_328 = arith.addi %add3A_223, %add3A_327 : i32
        %dma_wait3A_329 = arith.constant 0 : i32
        %dma_wait3A_330 = arith.constant 0 : i32
        %dma_wait3A_331 = arith.constant 0 : i32
        %dma_wait3A_332 = tpu.memref_slice %arg9[%dma_wait3A_329, %dma_wait3A_330, %dma_wait3A_331] : memref<4x128x64xf32, #tpu.memory_space<vmem>> -> memref<1x128x64xf32, #tpu.memory_space<vmem>>
        %dma_wait3A_333 = tpu.memref_squeeze %dma_wait3A_332 : memref<1x128x64xf32, #tpu.memory_space<vmem>> -> memref<128x64xf32, #tpu.memory_space<vmem>>
        %dma_wait3A_334 = arith.constant 0 : i32
        %dma_wait3A_335 = tpu.memref_slice %arg8[%add3A_328, %dma_wait3A_334] : memref<160x128xi32, #tpu.memory_space<vmem>> -> memref<1x128xi32, #tpu.memory_space<vmem>>
        %dma_wait3A_336 = tpu.memref_squeeze %dma_wait3A_335 : memref<1x128xi32, #tpu.memory_space<vmem>> -> memref<128xi32, #tpu.memory_space<vmem>>
        %dma_wait3A_337 = arith.constant 0 : i32
        %dma_wait3A_338 = arith.constant 0 : i32
        %dma_wait3A_339 = tpu.memref_slice %arg11[%dma_wait3A_337, %dma_wait3A_338] : memref<10240x64xf32, #tpu.memory_space<vmem_shared>> -> memref<10240x64xf32, #tpu.memory_space<vmem_shared>>
        tpu.wait_indirect_dma semaphore(%arg16 : memref<!tpu.dma_semaphore, #tpu.memory_space<semaphore_mem>>) src(%dma_wait3A_333 : memref<128x64xf32, #tpu.memory_space<vmem>>) dst(%dma_wait3A_339 : memref<10240x64xf32, #tpu.memory_space<vmem_shared>>)
        %lt3A = arith.constant 19 : i32
        %lt3A_340 = arith.cmpi slt, %scan3A_218, %lt3A : i32
        %convert_element_type3A_341 = arith.extui %lt3A_340 : i1 to i32
        %cond3A_342 = arith.constant 0 : i32
        %cond3A_343 = arith.cmpi ne, %convert_element_type3A_341, %cond3A_342 : i32
        scf.if %cond3A_343 {
          %add3A_399 = arith.constant 4 : i32
          %add3A_400 = arith.addi %add3A_223, %add3A_399 : i32
          %add3A_401 = arith.constant 0 : i32
          %add3A_402 = arith.addi %add3A_400, %add3A_401 : i32
          %dma_start3A_403 = arith.constant 0 : i32
          %dma_start3A_404 = arith.constant 0 : i32
          %dma_start3A_405 = arith.constant 0 : i32
          %dma_start3A_406 = tpu.memref_slice %arg9[%dma_start3A_403, %dma_start3A_404, %dma_start3A_405] : memref<4x128x64xf32, #tpu.memory_space<vmem>> -> memref<1x128x64xf32, #tpu.memory_space<vmem>>
          %dma_start3A_407 = tpu.memref_squeeze %dma_start3A_406 : memref<1x128x64xf32, #tpu.memory_space<vmem>> -> memref<128x64xf32, #tpu.memory_space<vmem>>
          %dma_start3A_408 = arith.constant 0 : i32
          %dma_start3A_409 = tpu.memref_slice %arg7[%add3A_402, %dma_start3A_408] : memref<160x128xi32, #tpu.memory_space<vmem>> -> memref<1x128xi32, #tpu.memory_space<vmem>>
          %dma_start3A_410 = tpu.memref_squeeze %dma_start3A_409 : memref<1x128xi32, #tpu.memory_space<vmem>> -> memref<128xi32, #tpu.memory_space<vmem>>
          %dma_start3A_411 = arith.constant 0 : i32
          %dma_start3A_412 = arith.constant 0 : i32
          %dma_start3A_413 = tpu.memref_slice %arg2[%dma_start3A_411, %dma_start3A_412] : memref<10240x64xf32, #tpu.memory_space<hbm>> -> memref<10240x64xf32, #tpu.memory_space<hbm>>
          tpu.enqueue_indirect_dma source(%dma_start3A_413 : memref<10240x64xf32, #tpu.memory_space<hbm>>) target(%dma_start3A_407 : memref<128x64xf32, #tpu.memory_space<vmem>>) offsets(%dma_start3A_410 : memref<128xi32, #tpu.memory_space<vmem>>) semaphore(%arg12 : memref<!tpu.dma_semaphore, #tpu.memory_space<semaphore_mem>>)
        } else {
        }
        %add3A_344 = arith.constant 1 : i32
        %add3A_345 = arith.addi %add3A_223, %add3A_344 : i32
        %dma_wait3A_346 = arith.constant 1 : i32
        %dma_wait3A_347 = arith.constant 0 : i32
        %dma_wait3A_348 = arith.constant 0 : i32
        %dma_wait3A_349 = tpu.memref_slice %arg9[%dma_wait3A_346, %dma_wait3A_347, %dma_wait3A_348] : memref<4x128x64xf32, #tpu.memory_space<vmem>> -> memref<1x128x64xf32, #tpu.memory_space<vmem>>
        %dma_wait3A_350 = tpu.memref_squeeze %dma_wait3A_349 : memref<1x128x64xf32, #tpu.memory_space<vmem>> -> memref<128x64xf32, #tpu.memory_space<vmem>>
        %dma_wait3A_351 = arith.constant 0 : i32
        %dma_wait3A_352 = tpu.memref_slice %arg8[%add3A_345, %dma_wait3A_351] : memref<160x128xi32, #tpu.memory_space<vmem>> -> memref<1x128xi32, #tpu.memory_space<vmem>>
        %dma_wait3A_353 = tpu.memref_squeeze %dma_wait3A_352 : memref<1x128xi32, #tpu.memory_space<vmem>> -> memref<128xi32, #tpu.memory_space<vmem>>
        %dma_wait3A_354 = arith.constant 0 : i32
        %dma_wait3A_355 = arith.constant 0 : i32
        %dma_wait3A_356 = tpu.memref_slice %arg11[%dma_wait3A_354, %dma_wait3A_355] : memref<10240x64xf32, #tpu.memory_space<vmem_shared>> -> memref<10240x64xf32, #tpu.memory_space<vmem_shared>>
        tpu.wait_indirect_dma semaphore(%arg17 : memref<!tpu.dma_semaphore, #tpu.memory_space<semaphore_mem>>) src(%dma_wait3A_350 : memref<128x64xf32, #tpu.memory_space<vmem>>) dst(%dma_wait3A_356 : memref<10240x64xf32, #tpu.memory_space<vmem_shared>>)
        %lt3A_357 = arith.constant 19 : i32
        %lt3A_358 = arith.cmpi slt, %scan3A_218, %lt3A_357 : i32
        %convert_element_type3A_359 = arith.extui %lt3A_358 : i1 to i32
        %cond3A_360 = arith.constant 0 : i32
        %cond3A_361 = arith.cmpi ne, %convert_element_type3A_359, %cond3A_360 : i32
        scf.if %cond3A_361 {
          %add3A_399 = arith.constant 4 : i32
          %add3A_400 = arith.addi %add3A_223, %add3A_399 : i32
          %add3A_401 = arith.constant 1 : i32
          %add3A_402 = arith.addi %add3A_400, %add3A_401 : i32
          %dma_start3A_403 = arith.constant 1 : i32
          %dma_start3A_404 = arith.constant 0 : i32
          %dma_start3A_405 = arith.constant 0 : i32
          %dma_start3A_406 = tpu.memref_slice %arg9[%dma_start3A_403, %dma_start3A_404, %dma_start3A_405] : memref<4x128x64xf32, #tpu.memory_space<vmem>> -> memref<1x128x64xf32, #tpu.memory_space<vmem>>
          %dma_start3A_407 = tpu.memref_squeeze %dma_start3A_406 : memref<1x128x64xf32, #tpu.memory_space<vmem>> -> memref<128x64xf32, #tpu.memory_space<vmem>>
          %dma_start3A_408 = arith.constant 0 : i32
          %dma_start3A_409 = tpu.memref_slice %arg7[%add3A_402, %dma_start3A_408] : memref<160x128xi32, #tpu.memory_space<vmem>> -> memref<1x128xi32, #tpu.memory_space<vmem>>
          %dma_start3A_410 = tpu.memref_squeeze %dma_start3A_409 : memref<1x128xi32, #tpu.memory_space<vmem>> -> memref<128xi32, #tpu.memory_space<vmem>>
          %dma_start3A_411 = arith.constant 0 : i32
          %dma_start3A_412 = arith.constant 0 : i32
          %dma_start3A_413 = tpu.memref_slice %arg2[%dma_start3A_411, %dma_start3A_412] : memref<10240x64xf32, #tpu.memory_space<hbm>> -> memref<10240x64xf32, #tpu.memory_space<hbm>>
          tpu.enqueue_indirect_dma source(%dma_start3A_413 : memref<10240x64xf32, #tpu.memory_space<hbm>>) target(%dma_start3A_407 : memref<128x64xf32, #tpu.memory_space<vmem>>) offsets(%dma_start3A_410 : memref<128xi32, #tpu.memory_space<vmem>>) semaphore(%arg13 : memref<!tpu.dma_semaphore, #tpu.memory_space<semaphore_mem>>)
        } else {
        }
        %add3A_362 = arith.constant 2 : i32
        %add3A_363 = arith.addi %add3A_223, %add3A_362 : i32
        %dma_wait3A_364 = arith.constant 2 : i32
        %dma_wait3A_365 = arith.constant 0 : i32
        %dma_wait3A_366 = arith.constant 0 : i32
        %dma_wait3A_367 = tpu.memref_slice %arg9[%dma_wait3A_364, %dma_wait3A_365, %dma_wait3A_366] : memref<4x128x64xf32, #tpu.memory_space<vmem>> -> memref<1x128x64xf32, #tpu.memory_space<vmem>>
        %dma_wait3A_368 = tpu.memref_squeeze %dma_wait3A_367 : memref<1x128x64xf32, #tpu.memory_space<vmem>> -> memref<128x64xf32, #tpu.memory_space<vmem>>
        %dma_wait3A_369 = arith.constant 0 : i32
        %dma_wait3A_370 = tpu.memref_slice %arg8[%add3A_363, %dma_wait3A_369] : memref<160x128xi32, #tpu.memory_space<vmem>> -> memref<1x128xi32, #tpu.memory_space<vmem>>
        %dma_wait3A_371 = tpu.memref_squeeze %dma_wait3A_370 : memref<1x128xi32, #tpu.memory_space<vmem>> -> memref<128xi32, #tpu.memory_space<vmem>>
        %dma_wait3A_372 = arith.constant 0 : i32
        %dma_wait3A_373 = arith.constant 0 : i32
        %dma_wait3A_374 = tpu.memref_slice %arg11[%dma_wait3A_372, %dma_wait3A_373] : memref<10240x64xf32, #tpu.memory_space<vmem_shared>> -> memref<10240x64xf32, #tpu.memory_space<vmem_shared>>
        tpu.wait_indirect_dma semaphore(%arg18 : memref<!tpu.dma_semaphore, #tpu.memory_space<semaphore_mem>>) src(%dma_wait3A_368 : memref<128x64xf32, #tpu.memory_space<vmem>>) dst(%dma_wait3A_374 : memref<10240x64xf32, #tpu.memory_space<vmem_shared>>)
        %lt3A_375 = arith.constant 19 : i32
        %lt3A_376 = arith.cmpi slt, %scan3A_218, %lt3A_375 : i32
        %convert_element_type3A_377 = arith.extui %lt3A_376 : i1 to i32
        %cond3A_378 = arith.constant 0 : i32
        %cond3A_379 = arith.cmpi ne, %convert_element_type3A_377, %cond3A_378 : i32
        scf.if %cond3A_379 {
          %add3A_399 = arith.constant 4 : i32
          %add3A_400 = arith.addi %add3A_223, %add3A_399 : i32
          %add3A_401 = arith.constant 2 : i32
          %add3A_402 = arith.addi %add3A_400, %add3A_401 : i32
          %dma_start3A_403 = arith.constant 2 : i32
          %dma_start3A_404 = arith.constant 0 : i32
          %dma_start3A_405 = arith.constant 0 : i32
          %dma_start3A_406 = tpu.memref_slice %arg9[%dma_start3A_403, %dma_start3A_404, %dma_start3A_405] : memref<4x128x64xf32, #tpu.memory_space<vmem>> -> memref<1x128x64xf32, #tpu.memory_space<vmem>>
          %dma_start3A_407 = tpu.memref_squeeze %dma_start3A_406 : memref<1x128x64xf32, #tpu.memory_space<vmem>> -> memref<128x64xf32, #tpu.memory_space<vmem>>
          %dma_start3A_408 = arith.constant 0 : i32
          %dma_start3A_409 = tpu.memref_slice %arg7[%add3A_402, %dma_start3A_408] : memref<160x128xi32, #tpu.memory_space<vmem>> -> memref<1x128xi32, #tpu.memory_space<vmem>>
          %dma_start3A_410 = tpu.memref_squeeze %dma_start3A_409 : memref<1x128xi32, #tpu.memory_space<vmem>> -> memref<128xi32, #tpu.memory_space<vmem>>
          %dma_start3A_411 = arith.constant 0 : i32
          %dma_start3A_412 = arith.constant 0 : i32
          %dma_start3A_413 = tpu.memref_slice %arg2[%dma_start3A_411, %dma_start3A_412] : memref<10240x64xf32, #tpu.memory_space<hbm>> -> memref<10240x64xf32, #tpu.memory_space<hbm>>
          tpu.enqueue_indirect_dma source(%dma_start3A_413 : memref<10240x64xf32, #tpu.memory_space<hbm>>) target(%dma_start3A_407 : memref<128x64xf32, #tpu.memory_space<vmem>>) offsets(%dma_start3A_410 : memref<128xi32, #tpu.memory_space<vmem>>) semaphore(%arg14 : memref<!tpu.dma_semaphore, #tpu.memory_space<semaphore_mem>>)
        } else {
        }
        %add3A_380 = arith.constant 3 : i32
        %add3A_381 = arith.addi %add3A_223, %add3A_380 : i32
        %dma_wait3A_382 = arith.constant 3 : i32
        %dma_wait3A_383 = arith.constant 0 : i32
        %dma_wait3A_384 = arith.constant 0 : i32
        %dma_wait3A_385 = tpu.memref_slice %arg9[%dma_wait3A_382, %dma_wait3A_383, %dma_wait3A_384] : memref<4x128x64xf32, #tpu.memory_space<vmem>> -> memref<1x128x64xf32, #tpu.memory_space<vmem>>
        %dma_wait3A_386 = tpu.memref_squeeze %dma_wait3A_385 : memref<1x128x64xf32, #tpu.memory_space<vmem>> -> memref<128x64xf32, #tpu.memory_space<vmem>>
        %dma_wait3A_387 = arith.constant 0 : i32
        %dma_wait3A_388 = tpu.memref_slice %arg8[%add3A_381, %dma_wait3A_387] : memref<160x128xi32, #tpu.memory_space<vmem>> -> memref<1x128xi32, #tpu.memory_space<vmem>>
        %dma_wait3A_389 = tpu.memref_squeeze %dma_wait3A_388 : memref<1x128xi32, #tpu.memory_space<vmem>> -> memref<128xi32, #tpu.memory_space<vmem>>
        %dma_wait3A_390 = arith.constant 0 : i32
        %dma_wait3A_391 = arith.constant 0 : i32
        %dma_wait3A_392 = tpu.memref_slice %arg11[%dma_wait3A_390, %dma_wait3A_391] : memref<10240x64xf32, #tpu.memory_space<vmem_shared>> -> memref<10240x64xf32, #tpu.memory_space<vmem_shared>>
        tpu.wait_indirect_dma semaphore(%arg19 : memref<!tpu.dma_semaphore, #tpu.memory_space<semaphore_mem>>) src(%dma_wait3A_386 : memref<128x64xf32, #tpu.memory_space<vmem>>) dst(%dma_wait3A_392 : memref<10240x64xf32, #tpu.memory_space<vmem_shared>>)
        %lt3A_393 = arith.constant 19 : i32
        %lt3A_394 = arith.cmpi slt, %scan3A_218, %lt3A_393 : i32
        %convert_element_type3A_395 = arith.extui %lt3A_394 : i1 to i32
        %cond3A_396 = arith.constant 0 : i32
        %cond3A_397 = arith.cmpi ne, %convert_element_type3A_395, %cond3A_396 : i32
        scf.if %cond3A_397 {
          %add3A_399 = arith.constant 4 : i32
          %add3A_400 = arith.addi %add3A_223, %add3A_399 : i32
          %add3A_401 = arith.constant 3 : i32
          %add3A_402 = arith.addi %add3A_400, %add3A_401 : i32
          %dma_start3A_403 = arith.constant 3 : i32
          %dma_start3A_404 = arith.constant 0 : i32
          %dma_start3A_405 = arith.constant 0 : i32
          %dma_start3A_406 = tpu.memref_slice %arg9[%dma_start3A_403, %dma_start3A_404, %dma_start3A_405] : memref<4x128x64xf32, #tpu.memory_space<vmem>> -> memref<1x128x64xf32, #tpu.memory_space<vmem>>
          %dma_start3A_407 = tpu.memref_squeeze %dma_start3A_406 : memref<1x128x64xf32, #tpu.memory_space<vmem>> -> memref<128x64xf32, #tpu.memory_space<vmem>>
          %dma_start3A_408 = arith.constant 0 : i32
          %dma_start3A_409 = tpu.memref_slice %arg7[%add3A_402, %dma_start3A_408] : memref<160x128xi32, #tpu.memory_space<vmem>> -> memref<1x128xi32, #tpu.memory_space<vmem>>
          %dma_start3A_410 = tpu.memref_squeeze %dma_start3A_409 : memref<1x128xi32, #tpu.memory_space<vmem>> -> memref<128xi32, #tpu.memory_space<vmem>>
          %dma_start3A_411 = arith.constant 0 : i32
          %dma_start3A_412 = arith.constant 0 : i32
          %dma_start3A_413 = tpu.memref_slice %arg2[%dma_start3A_411, %dma_start3A_412] : memref<10240x64xf32, #tpu.memory_space<hbm>> -> memref<10240x64xf32, #tpu.memory_space<hbm>>
          tpu.enqueue_indirect_dma source(%dma_start3A_413 : memref<10240x64xf32, #tpu.memory_space<hbm>>) target(%dma_start3A_407 : memref<128x64xf32, #tpu.memory_space<vmem>>) offsets(%dma_start3A_410 : memref<128xi32, #tpu.memory_space<vmem>>) semaphore(%arg15 : memref<!tpu.dma_semaphore, #tpu.memory_space<semaphore_mem>>)
        } else {
        }
        %scan3A_398 = arith.constant 0 : i32
        scf.yield %scan3A_398 : i32
      }
      %scan3A_217 = arith.constant 20 : i32
    } else {
    }
    %barrier3A_32 = arith.constant 0 : index
    tpu.barrier barrier_id(%barrier3A_32)
    %mul3A_33 = arith.constant 640 : i32
    %mul3A_34 = arith.muli %arg1, %mul3A_33 : i32
    %add3A_35 = arith.constant 0 : i32
    %add3A_36 = arith.addi %mul3A_34, %add3A_35 : i32
    %mul3A_37 = arith.constant 640 : i32
    %mul3A_38 = arith.muli %arg1, %mul3A_37 : i32
    %add3A_39 = arith.constant 0 : i32
    %add3A_40 = arith.addi %mul3A_38, %add3A_39 : i32
    %run_scoped3A = arith.constant 0 : i32
    "tpu.region"() ({
      %run_scoped3A_164 = tpu.sem_alloc : memref<!tpu.dma_semaphore, #tpu.memory_space<semaphore_mem>>
      %dma_start3A = arith.constant 0 : i32
      %dma_start3A_165 = tpu.memref_slice %arg6[%run_scoped3A, %arg0, %add3A_40, %dma_start3A] : memref<2x2x10240x64xf32, #tpu.memory_space<hbm>> -> memref<1x1x128x64xf32, #tpu.memory_space<hbm>>
      %dma_start3A_166 = tpu.memref_squeeze %dma_start3A_165 : memref<1x1x128x64xf32, #tpu.memory_space<hbm>> -> memref<128x64xf32, #tpu.memory_space<hbm>>
      %dma_start3A_167 = arith.constant 0 : i32
      %dma_start3A_168 = tpu.memref_slice %arg11[%add3A_36, %dma_start3A_167] : memref<10240x64xf32, #tpu.memory_space<vmem_shared>> -> memref<128x64xf32, #tpu.memory_space<vmem_shared>>
      tpu.enqueue_dma source(%dma_start3A_168 : memref<128x64xf32, #tpu.memory_space<vmem_shared>>) target(%dma_start3A_166 : memref<128x64xf32, #tpu.memory_space<hbm>>) target_semaphore(%run_scoped3A_164 : memref<!tpu.dma_semaphore, #tpu.memory_space<semaphore_mem>>)
      %dma_wait3A = arith.constant 0 : i32
      %dma_wait3A_169 = tpu.memref_slice %arg6[%run_scoped3A, %arg0, %add3A_40, %dma_wait3A] : memref<2x2x10240x64xf32, #tpu.memory_space<hbm>> -> memref<1x1x128x64xf32, #tpu.memory_space<hbm>>
      %dma_wait3A_170 = tpu.memref_squeeze %dma_wait3A_169 : memref<1x1x128x64xf32, #tpu.memory_space<hbm>> -> memref<128x64xf32, #tpu.memory_space<hbm>>
      %dma_wait3A_171 = arith.constant 0 : i32
      %dma_wait3A_172 = tpu.memref_slice %arg11[%add3A_36, %dma_wait3A_171] : memref<10240x64xf32, #tpu.memory_space<vmem_shared>> -> memref<128x64xf32, #tpu.memory_space<vmem_shared>>
      tpu.wait_dma2 semaphore(%run_scoped3A_164 : memref<!tpu.dma_semaphore, #tpu.memory_space<semaphore_mem>>) src(%dma_wait3A_172 : memref<128x64xf32, #tpu.memory_space<vmem_shared>>) dst(%dma_wait3A_170 : memref<128x64xf32, #tpu.memory_space<hbm>>)
      tpu.yield
    }) : () -> ()
    %mul3A_41 = arith.constant 640 : i32
    %mul3A_42 = arith.muli %arg1, %mul3A_41 : i32
    %add3A_43 = arith.constant 128 : i32
    %add3A_44 = arith.addi %mul3A_42, %add3A_43 : i32
    %mul3A_45 = arith.constant 640 : i32
    %mul3A_46 = arith.muli %arg1, %mul3A_45 : i32
    %add3A_47 = arith.constant 128 : i32
    %add3A_48 = arith.addi %mul3A_46, %add3A_47 : i32
    %run_scoped3A_49 = arith.constant 0 : i32
    "tpu.region"() ({
      %run_scoped3A_164 = tpu.sem_alloc : memref<!tpu.dma_semaphore, #tpu.memory_space<semaphore_mem>>
      %dma_start3A = arith.constant 0 : i32
      %dma_start3A_165 = tpu.memref_slice %arg6[%run_scoped3A_49, %arg0, %add3A_48, %dma_start3A] : memref<2x2x10240x64xf32, #tpu.memory_space<hbm>> -> memref<1x1x128x64xf32, #tpu.memory_space<hbm>>
      %dma_start3A_166 = tpu.memref_squeeze %dma_start3A_165 : memref<1x1x128x64xf32, #tpu.memory_space<hbm>> -> memref<128x64xf32, #tpu.memory_space<hbm>>
      %dma_start3A_167 = arith.constant 0 : i32
      %dma_start3A_168 = tpu.memref_slice %arg11[%add3A_44, %dma_start3A_167] : memref<10240x64xf32, #tpu.memory_space<vmem_shared>> -> memref<128x64xf32, #tpu.memory_space<vmem_shared>>
      tpu.enqueue_dma source(%dma_start3A_168 : memref<128x64xf32, #tpu.memory_space<vmem_shared>>) target(%dma_start3A_166 : memref<128x64xf32, #tpu.memory_space<hbm>>) target_semaphore(%run_scoped3A_164 : memref<!tpu.dma_semaphore, #tpu.memory_space<semaphore_mem>>)
      %dma_wait3A = arith.constant 0 : i32
      %dma_wait3A_169 = tpu.memref_slice %arg6[%run_scoped3A_49, %arg0, %add3A_48, %dma_wait3A] : memref<2x2x10240x64xf32, #tpu.memory_space<hbm>> -> memref<1x1x128x64xf32, #tpu.memory_space<hbm>>
      %dma_wait3A_170 = tpu.memref_squeeze %dma_wait3A_169 : memref<1x1x128x64xf32, #tpu.memory_space<hbm>> -> memref<128x64xf32, #tpu.memory_space<hbm>>
      %dma_wait3A_171 = arith.constant 0 : i32
      %dma_wait3A_172 = tpu.memref_slice %arg11[%add3A_44, %dma_wait3A_171] : memref<10240x64xf32, #tpu.memory_space<vmem_shared>> -> memref<128x64xf32, #tpu.memory_space<vmem_shared>>
      tpu.wait_dma2 semaphore(%run_scoped3A_164 : memref<!tpu.dma_semaphore, #tpu.memory_space<semaphore_mem>>) src(%dma_wait3A_172 : memref<128x64xf32, #tpu.memory_space<vmem_shared>>) dst(%dma_wait3A_170 : memref<128x64xf32, #tpu.memory_space<hbm>>)
      tpu.yield
    }) : () -> ()
    %mul3A_50 = arith.constant 640 : i32
    %mul3A_51 = arith.muli %arg1, %mul3A_50 : i32
    %add3A_52 = arith.constant 256 : i32
    %add3A_53 = arith.addi %mul3A_51, %add3A_52 : i32
    %mul3A_54 = arith.constant 640 : i32
    %mul3A_55 = arith.muli %arg1, %mul3A_54 : i32
    %add3A_56 = arith.constant 256 : i32
    %add3A_57 = arith.addi %mul3A_55, %add3A_56 : i32
    %run_scoped3A_58 = arith.constant 0 : i32
    "tpu.region"() ({
      %run_scoped3A_164 = tpu.sem_alloc : memref<!tpu.dma_semaphore, #tpu.memory_space<semaphore_mem>>
      %dma_start3A = arith.constant 0 : i32
      %dma_start3A_165 = tpu.memref_slice %arg6[%run_scoped3A_58, %arg0, %add3A_57, %dma_start3A] : memref<2x2x10240x64xf32, #tpu.memory_space<hbm>> -> memref<1x1x128x64xf32, #tpu.memory_space<hbm>>
      %dma_start3A_166 = tpu.memref_squeeze %dma_start3A_165 : memref<1x1x128x64xf32, #tpu.memory_space<hbm>> -> memref<128x64xf32, #tpu.memory_space<hbm>>
      %dma_start3A_167 = arith.constant 0 : i32
      %dma_start3A_168 = tpu.memref_slice %arg11[%add3A_53, %dma_start3A_167] : memref<10240x64xf32, #tpu.memory_space<vmem_shared>> -> memref<128x64xf32, #tpu.memory_space<vmem_shared>>
      tpu.enqueue_dma source(%dma_start3A_168 : memref<128x64xf32, #tpu.memory_space<vmem_shared>>) target(%dma_start3A_166 : memref<128x64xf32, #tpu.memory_space<hbm>>) target_semaphore(%run_scoped3A_164 : memref<!tpu.dma_semaphore, #tpu.memory_space<semaphore_mem>>)
      %dma_wait3A = arith.constant 0 : i32
      %dma_wait3A_169 = tpu.memref_slice %arg6[%run_scoped3A_58, %arg0, %add3A_57, %dma_wait3A] : memref<2x2x10240x64xf32, #tpu.memory_space<hbm>> -> memref<1x1x128x64xf32, #tpu.memory_space<hbm>>
      %dma_wait3A_170 = tpu.memref_squeeze %dma_wait3A_169 : memref<1x1x128x64xf32, #tpu.memory_space<hbm>> -> memref<128x64xf32, #tpu.memory_space<hbm>>
      %dma_wait3A_171 = arith.constant 0 : i32
      %dma_wait3A_172 = tpu.memref_slice %arg11[%add3A_53, %dma_wait3A_171] : memref<10240x64xf32, #tpu.memory_space<vmem_shared>> -> memref<128x64xf32, #tpu.memory_space<vmem_shared>>
      tpu.wait_dma2 semaphore(%run_scoped3A_164 : memref<!tpu.dma_semaphore, #tpu.memory_space<semaphore_mem>>) src(%dma_wait3A_172 : memref<128x64xf32, #tpu.memory_space<vmem_shared>>) dst(%dma_wait3A_170 : memref<128x64xf32, #tpu.memory_space<hbm>>)
      tpu.yield
    }) : () -> ()
    %mul3A_59 = arith.constant 640 : i32
    %mul3A_60 = arith.muli %arg1, %mul3A_59 : i32
    %add3A_61 = arith.constant 384 : i32
    %add3A_62 = arith.addi %mul3A_60, %add3A_61 : i32
    %mul3A_63 = arith.constant 640 : i32
    %mul3A_64 = arith.muli %arg1, %mul3A_63 : i32
    %add3A_65 = arith.constant 384 : i32
    %add3A_66 = arith.addi %mul3A_64, %add3A_65 : i32
    %run_scoped3A_67 = arith.constant 0 : i32
    "tpu.region"() ({
      %run_scoped3A_164 = tpu.sem_alloc : memref<!tpu.dma_semaphore, #tpu.memory_space<semaphore_mem>>
      %dma_start3A = arith.constant 0 : i32
      %dma_start3A_165 = tpu.memref_slice %arg6[%run_scoped3A_67, %arg0, %add3A_66, %dma_start3A] : memref<2x2x10240x64xf32, #tpu.memory_space<hbm>> -> memref<1x1x128x64xf32, #tpu.memory_space<hbm>>
      %dma_start3A_166 = tpu.memref_squeeze %dma_start3A_165 : memref<1x1x128x64xf32, #tpu.memory_space<hbm>> -> memref<128x64xf32, #tpu.memory_space<hbm>>
      %dma_start3A_167 = arith.constant 0 : i32
      %dma_start3A_168 = tpu.memref_slice %arg11[%add3A_62, %dma_start3A_167] : memref<10240x64xf32, #tpu.memory_space<vmem_shared>> -> memref<128x64xf32, #tpu.memory_space<vmem_shared>>
      tpu.enqueue_dma source(%dma_start3A_168 : memref<128x64xf32, #tpu.memory_space<vmem_shared>>) target(%dma_start3A_166 : memref<128x64xf32, #tpu.memory_space<hbm>>) target_semaphore(%run_scoped3A_164 : memref<!tpu.dma_semaphore, #tpu.memory_space<semaphore_mem>>)
      %dma_wait3A = arith.constant 0 : i32
      %dma_wait3A_169 = tpu.memref_slice %arg6[%run_scoped3A_67, %arg0, %add3A_66, %dma_wait3A] : memref<2x2x10240x64xf32, #tpu.memory_space<hbm>> -> memref<1x1x128x64xf32, #tpu.memory_space<hbm>>
      %dma_wait3A_170 = tpu.memref_squeeze %dma_wait3A_169 : memref<1x1x128x64xf32, #tpu.memory_space<hbm>> -> memref<128x64xf32, #tpu.memory_space<hbm>>
      %dma_wait3A_171 = arith.constant 0 : i32
      %dma_wait3A_172 = tpu.memref_slice %arg11[%add3A_62, %dma_wait3A_171] : memref<10240x64xf32, #tpu.memory_space<vmem_shared>> -> memref<128x64xf32, #tpu.memory_space<vmem_shared>>
      tpu.wait_dma2 semaphore(%run_scoped3A_164 : memref<!tpu.dma_semaphore, #tpu.memory_space<semaphore_mem>>) src(%dma_wait3A_172 : memref<128x64xf32, #tpu.memory_space<vmem_shared>>) dst(%dma_wait3A_170 : memref<128x64xf32, #tpu.memory_space<hbm>>)
      tpu.yield
    }) : () -> ()
    %mul3A_68 = arith.constant 640 : i32
    %mul3A_69 = arith.muli %arg1, %mul3A_68 : i32
    %add3A_70 = arith.constant 512 : i32
    %add3A_71 = arith.addi %mul3A_69, %add3A_70 : i32
    %mul3A_72 = arith.constant 640 : i32
    %mul3A_73 = arith.muli %arg1, %mul3A_72 : i32
    %add3A_74 = arith.constant 512 : i32
    %add3A_75 = arith.addi %mul3A_73, %add3A_74 : i32
    %run_scoped3A_76 = arith.constant 0 : i32
    "tpu.region"() ({
      %run_scoped3A_164 = tpu.sem_alloc : memref<!tpu.dma_semaphore, #tpu.memory_space<semaphore_mem>>
      %dma_start3A = arith.constant 0 : i32
      %dma_start3A_165 = tpu.memref_slice %arg6[%run_scoped3A_76, %arg0, %add3A_75, %dma_start3A] : memref<2x2x10240x64xf32, #tpu.memory_space<hbm>> -> memref<1x1x128x64xf32, #tpu.memory_space<hbm>>
      %dma_start3A_166 = tpu.memref_squeeze %dma_start3A_165 : memref<1x1x128x64xf32, #tpu.memory_space<hbm>> -> memref<128x64xf32, #tpu.memory_space<hbm>>
      %dma_start3A_167 = arith.constant 0 : i32
      %dma_start3A_168 = tpu.memref_slice %arg11[%add3A_71, %dma_start3A_167] : memref<10240x64xf32, #tpu.memory_space<vmem_shared>> -> memref<128x64xf32, #tpu.memory_space<vmem_shared>>
      tpu.enqueue_dma source(%dma_start3A_168 : memref<128x64xf32, #tpu.memory_space<vmem_shared>>) target(%dma_start3A_166 : memref<128x64xf32, #tpu.memory_space<hbm>>) target_semaphore(%run_scoped3A_164 : memref<!tpu.dma_semaphore, #tpu.memory_space<semaphore_mem>>)
      %dma_wait3A = arith.constant 0 : i32
      %dma_wait3A_169 = tpu.memref_slice %arg6[%run_scoped3A_76, %arg0, %add3A_75, %dma_wait3A] : memref<2x2x10240x64xf32, #tpu.memory_space<hbm>> -> memref<1x1x128x64xf32, #tpu.memory_space<hbm>>
      %dma_wait3A_170 = tpu.memref_squeeze %dma_wait3A_169 : memref<1x1x128x64xf32, #tpu.memory_space<hbm>> -> memref<128x64xf32, #tpu.memory_space<hbm>>
      %dma_wait3A_171 = arith.constant 0 : i32
      %dma_wait3A_172 = tpu.memref_slice %arg11[%add3A_71, %dma_wait3A_171] : memref<10240x64xf32, #tpu.memory_space<vmem_shared>> -> memref<128x64xf32, #tpu.memory_space<vmem_shared>>
      tpu.wait_dma2 semaphore(%run_scoped3A_164 : memref<!tpu.dma_semaphore, #tpu.memory_space<semaphore_mem>>) src(%dma_wait3A_172 : memref<128x64xf32, #tpu.memory_space<vmem_shared>>) dst(%dma_wait3A_170 : memref<128x64xf32, #tpu.memory_space<hbm>>)
      tpu.yield
    }) : () -> ()
    %barrier3A_77 = arith.constant 0 : index
    tpu.barrier barrier_id(%barrier3A_77)
    %broadcast_in_dim3A_78 = arith.constant 0.000000e+00 : f32
    %broadcast_in_dim3A_79 = vector.broadcast %broadcast_in_dim3A_78 : f32 to vector<16xf32>
    %scan3A_80 = arith.constant 0 : i32
    %scan3A_81 = arith.constant 0 : i32
    %scan3A_82 = arith.constant 128 : i32
    %scan3A_83 = arith.addi %scan3A_81, %scan3A_82 : i32
    %scan3A_84 = arith.constant 1 : i32
    %scan3A_85 = scf.for %scan3A_164 = %scan3A_81 to %scan3A_83 step %scan3A_84 iter_args(%scan3A_165 = %scan3A_80) -> (i32)  : i32 {
      %swap3A = arith.index_cast %scan3A_164 : i32 to index
      %swap3A_166 = arith.constant 0 : index
      %swap3A_167 = tpu.vector_load %arg10[%swap3A, %swap3A_166] {strides = array<i32>} : memref<128x64xf32, #tpu.memory_space<vmem>>, vector<1x16xf32>,
      %swap3A_168 = vector.shape_cast %swap3A_167 : vector<1x16xf32> to vector<16xf32>
      %swap3A_169 = vector.shape_cast %broadcast_in_dim3A_79 : vector<16xf32> to vector<1x16xf32>
      tpu.vector_store %arg10[%swap3A, %swap3A_166], %swap3A_169 {strides = array<i32>} : memref<128x64xf32, #tpu.memory_space<vmem>>, vector<1x16xf32>,
      %swap3A_170 = arith.index_cast %scan3A_164 : i32 to index
      %swap3A_171 = arith.constant 16 : index
      %swap3A_172 = tpu.vector_load %arg10[%swap3A_170, %swap3A_171] {strides = array<i32>} : memref<128x64xf32, #tpu.memory_space<vmem>>, vector<1x16xf32>,
      %swap3A_173 = vector.shape_cast %swap3A_172 : vector<1x16xf32> to vector<16xf32>
      %swap3A_174 = vector.shape_cast %broadcast_in_dim3A_79 : vector<16xf32> to vector<1x16xf32>
      tpu.vector_store %arg10[%swap3A_170, %swap3A_171], %swap3A_174 {strides = array<i32>} : memref<128x64xf32, #tpu.memory_space<vmem>>, vector<1x16xf32>,
      %swap3A_175 = arith.index_cast %scan3A_164 : i32 to index
      %swap3A_176 = arith.constant 32 : index
      %swap3A_177 = tpu.vector_load %arg10[%swap3A_175, %swap3A_176] {strides = array<i32>} : memref<128x64xf32, #tpu.memory_space<vmem>>, vector<1x16xf32>,
      %swap3A_178 = vector.shape_cast %swap3A_177 : vector<1x16xf32> to vector<16xf32>
      %swap3A_179 = vector.shape_cast %broadcast_in_dim3A_79 : vector<16xf32> to vector<1x16xf32>
      tpu.vector_store %arg10[%swap3A_175, %swap3A_176], %swap3A_179 {strides = array<i32>} : memref<128x64xf32, #tpu.memory_space<vmem>>, vector<1x16xf32>,
      %swap3A_180 = arith.index_cast %scan3A_164 : i32 to index
      %swap3A_181 = arith.constant 48 : index
      %swap3A_182 = tpu.vector_load %arg10[%swap3A_180, %swap3A_181] {strides = array<i32>} : memref<128x64xf32, #tpu.memory_space<vmem>>, vector<1x16xf32>,
      %swap3A_183 = vector.shape_cast %swap3A_182 : vector<1x16xf32> to vector<16xf32>
      %swap3A_184 = vector.shape_cast %broadcast_in_dim3A_79 : vector<16xf32> to vector<1x16xf32>
      tpu.vector_store %arg10[%swap3A_180, %swap3A_181], %swap3A_184 {strides = array<i32>} : memref<128x64xf32, #tpu.memory_space<vmem>>, vector<1x16xf32>,
      %scan3A_185 = arith.constant 0 : i32
      scf.yield %scan3A_185 : i32
    }
    %scan3A_86 = arith.constant 128 : i32
    %mul3A_87 = arith.constant 640 : i32
    %mul3A_88 = arith.muli %arg1, %mul3A_87 : i32
    %add3A_89 = arith.constant 0 : i32
    %add3A_90 = arith.addi %mul3A_88, %add3A_89 : i32
    "tpu.region"() ({
      %run_scoped3A_164 = tpu.sem_alloc : memref<!tpu.dma_semaphore, #tpu.memory_space<semaphore_mem>>
      %dma_start3A = arith.constant 0 : i32
      %dma_start3A_165 = tpu.memref_slice %arg11[%add3A_90, %dma_start3A] : memref<10240x64xf32, #tpu.memory_space<vmem_shared>> -> memref<128x64xf32, #tpu.memory_space<vmem_shared>>
      %dma_start3A_166 = arith.constant 0 : i32
      %dma_start3A_167 = tpu.memref_slice %arg11[%add3A_90, %dma_start3A_166] : memref<10240x64xf32, #tpu.memory_space<vmem_shared>> -> memref<128x64xf32, #tpu.memory_space<vmem_shared>>
      tpu.enqueue_dma source(%arg10 : memref<128x64xf32, #tpu.memory_space<vmem>>) target(%dma_start3A_167 : memref<128x64xf32, #tpu.memory_space<vmem_shared>>) target_semaphore(%run_scoped3A_164 : memref<!tpu.dma_semaphore, #tpu.memory_space<semaphore_mem>>)
      %dma_wait3A = arith.constant 0 : i32
      %dma_wait3A_168 = tpu.memref_slice %arg11[%add3A_90, %dma_wait3A] : memref<10240x64xf32, #tpu.memory_space<vmem_shared>> -> memref<128x64xf32, #tpu.memory_space<vmem_shared>>
      %dma_wait3A_169 = arith.constant 0 : i32
      %dma_wait3A_170 = tpu.memref_slice %arg11[%add3A_90, %dma_wait3A_169] : memref<10240x64xf32, #tpu.memory_space<vmem_shared>> -> memref<128x64xf32, #tpu.memory_space<vmem_shared>>
      tpu.wait_dma2 semaphore(%run_scoped3A_164 : memref<!tpu.dma_semaphore, #tpu.memory_space<semaphore_mem>>) src(%arg10 : memref<128x64xf32, #tpu.memory_space<vmem>>) dst(%dma_wait3A_170 : memref<128x64xf32, #tpu.memory_space<vmem_shared>>)
      tpu.yield
    }) : () -> ()
    %mul3A_91 = arith.constant 640 : i32
    %mul3A_92 = arith.muli %arg1, %mul3A_91 : i32
    %add3A_93 = arith.constant 128 : i32
    %add3A_94 = arith.addi %mul3A_92, %add3A_93 : i32
    "tpu.region"() ({
      %run_scoped3A_164 = tpu.sem_alloc : memref<!tpu.dma_semaphore, #tpu.memory_space<semaphore_mem>>
      %dma_start3A = arith.constant 0 : i32
      %dma_start3A_165 = tpu.memref_slice %arg11[%add3A_94, %dma_start3A] : memref<10240x64xf32, #tpu.memory_space<vmem_shared>> -> memref<128x64xf32, #tpu.memory_space<vmem_shared>>
      %dma_start3A_166 = arith.constant 0 : i32
      %dma_start3A_167 = tpu.memref_slice %arg11[%add3A_94, %dma_start3A_166] : memref<10240x64xf32, #tpu.memory_space<vmem_shared>> -> memref<128x64xf32, #tpu.memory_space<vmem_shared>>
      tpu.enqueue_dma source(%arg10 : memref<128x64xf32, #tpu.memory_space<vmem>>) target(%dma_start3A_167 : memref<128x64xf32, #tpu.memory_space<vmem_shared>>) target_semaphore(%run_scoped3A_164 : memref<!tpu.dma_semaphore, #tpu.memory_space<semaphore_mem>>)
      %dma_wait3A = arith.constant 0 : i32
      %dma_wait3A_168 = tpu.memref_slice %arg11[%add3A_94, %dma_wait3A] : memref<10240x64xf32, #tpu.memory_space<vmem_shared>> -> memref<128x64xf32, #tpu.memory_space<vmem_shared>>
      %dma_wait3A_169 = arith.constant 0 : i32
      %dma_wait3A_170 = tpu.memref_slice %arg11[%add3A_94, %dma_wait3A_169] : memref<10240x64xf32, #tpu.memory_space<vmem_shared>> -> memref<128x64xf32, #tpu.memory_space<vmem_shared>>
      tpu.wait_dma2 semaphore(%run_scoped3A_164 : memref<!tpu.dma_semaphore, #tpu.memory_space<semaphore_mem>>) src(%arg10 : memref<128x64xf32, #tpu.memory_space<vmem>>) dst(%dma_wait3A_170 : memref<128x64xf32, #tpu.memory_space<vmem_shared>>)
      tpu.yield
    }) : () -> ()
    %mul3A_95 = arith.constant 640 : i32
    %mul3A_96 = arith.muli %arg1, %mul3A_95 : i32
    %add3A_97 = arith.constant 256 : i32
    %add3A_98 = arith.addi %mul3A_96, %add3A_97 : i32
    "tpu.region"() ({
      %run_scoped3A_164 = tpu.sem_alloc : memref<!tpu.dma_semaphore, #tpu.memory_space<semaphore_mem>>
      %dma_start3A = arith.constant 0 : i32
      %dma_start3A_165 = tpu.memref_slice %arg11[%add3A_98, %dma_start3A] : memref<10240x64xf32, #tpu.memory_space<vmem_shared>> -> memref<128x64xf32, #tpu.memory_space<vmem_shared>>
      %dma_start3A_166 = arith.constant 0 : i32
      %dma_start3A_167 = tpu.memref_slice %arg11[%add3A_98, %dma_start3A_166] : memref<10240x64xf32, #tpu.memory_space<vmem_shared>> -> memref<128x64xf32, #tpu.memory_space<vmem_shared>>
      tpu.enqueue_dma source(%arg10 : memref<128x64xf32, #tpu.memory_space<vmem>>) target(%dma_start3A_167 : memref<128x64xf32, #tpu.memory_space<vmem_shared>>) target_semaphore(%run_scoped3A_164 : memref<!tpu.dma_semaphore, #tpu.memory_space<semaphore_mem>>)
      %dma_wait3A = arith.constant 0 : i32
      %dma_wait3A_168 = tpu.memref_slice %arg11[%add3A_98, %dma_wait3A] : memref<10240x64xf32, #tpu.memory_space<vmem_shared>> -> memref<128x64xf32, #tpu.memory_space<vmem_shared>>
      %dma_wait3A_169 = arith.constant 0 : i32
      %dma_wait3A_170 = tpu.memref_slice %arg11[%add3A_98, %dma_wait3A_169] : memref<10240x64xf32, #tpu.memory_space<vmem_shared>> -> memref<128x64xf32, #tpu.memory_space<vmem_shared>>
      tpu.wait_dma2 semaphore(%run_scoped3A_164 : memref<!tpu.dma_semaphore, #tpu.memory_space<semaphore_mem>>) src(%arg10 : memref<128x64xf32, #tpu.memory_space<vmem>>) dst(%dma_wait3A_170 : memref<128x64xf32, #tpu.memory_space<vmem_shared>>)
      tpu.yield
    }) : () -> ()
    %mul3A_99 = arith.constant 640 : i32
    %mul3A_100 = arith.muli %arg1, %mul3A_99 : i32
    %add3A_101 = arith.constant 384 : i32
    %add3A_102 = arith.addi %mul3A_100, %add3A_101 : i32
    "tpu.region"() ({
      %run_scoped3A_164 = tpu.sem_alloc : memref<!tpu.dma_semaphore, #tpu.memory_space<semaphore_mem>>
      %dma_start3A = arith.constant 0 : i32
      %dma_start3A_165 = tpu.memref_slice %arg11[%add3A_102, %dma_start3A] : memref<10240x64xf32, #tpu.memory_space<vmem_shared>> -> memref<128x64xf32, #tpu.memory_space<vmem_shared>>
      %dma_start3A_166 = arith.constant 0 : i32
      %dma_start3A_167 = tpu.memref_slice %arg11[%add3A_102, %dma_start3A_166] : memref<10240x64xf32, #tpu.memory_space<vmem_shared>> -> memref<128x64xf32, #tpu.memory_space<vmem_shared>>
      tpu.enqueue_dma source(%arg10 : memref<128x64xf32, #tpu.memory_space<vmem>>) target(%dma_start3A_167 : memref<128x64xf32, #tpu.memory_space<vmem_shared>>) target_semaphore(%run_scoped3A_164 : memref<!tpu.dma_semaphore, #tpu.memory_space<semaphore_mem>>)
      %dma_wait3A = arith.constant 0 : i32
      %dma_wait3A_168 = tpu.memref_slice %arg11[%add3A_102, %dma_wait3A] : memref<10240x64xf32, #tpu.memory_space<vmem_shared>> -> memref<128x64xf32, #tpu.memory_space<vmem_shared>>
      %dma_wait3A_169 = arith.constant 0 : i32
      %dma_wait3A_170 = tpu.memref_slice %arg11[%add3A_102, %dma_wait3A_169] : memref<10240x64xf32, #tpu.memory_space<vmem_shared>> -> memref<128x64xf32, #tpu.memory_space<vmem_shared>>
      tpu.wait_dma2 semaphore(%run_scoped3A_164 : memref<!tpu.dma_semaphore, #tpu.memory_space<semaphore_mem>>) src(%arg10 : memref<128x64xf32, #tpu.memory_space<vmem>>) dst(%dma_wait3A_170 : memref<128x64xf32, #tpu.memory_space<vmem_shared>>)
      tpu.yield
    }) : () -> ()
    %mul3A_103 = arith.constant 640 : i32
    %mul3A_104 = arith.muli %arg1, %mul3A_103 : i32
    %add3A_105 = arith.constant 512 : i32
    %add3A_106 = arith.addi %mul3A_104, %add3A_105 : i32
    "tpu.region"() ({
      %run_scoped3A_164 = tpu.sem_alloc : memref<!tpu.dma_semaphore, #tpu.memory_space<semaphore_mem>>
      %dma_start3A = arith.constant 0 : i32
      %dma_start3A_165 = tpu.memref_slice %arg11[%add3A_106, %dma_start3A] : memref<10240x64xf32, #tpu.memory_space<vmem_shared>> -> memref<128x64xf32, #tpu.memory_space<vmem_shared>>
      %dma_start3A_166 = arith.constant 0 : i32
      %dma_start3A_167 = tpu.memref_slice %arg11[%add3A_106, %dma_start3A_166] : memref<10240x64xf32, #tpu.memory_space<vmem_shared>> -> memref<128x64xf32, #tpu.memory_space<vmem_shared>>
      tpu.enqueue_dma source(%arg10 : memref<128x64xf32, #tpu.memory_space<vmem>>) target(%dma_start3A_167 : memref<128x64xf32, #tpu.memory_space<vmem_shared>>) target_semaphore(%run_scoped3A_164 : memref<!tpu.dma_semaphore, #tpu.memory_space<semaphore_mem>>)
      %dma_wait3A = arith.constant 0 : i32
      %dma_wait3A_168 = tpu.memref_slice %arg11[%add3A_106, %dma_wait3A] : memref<10240x64xf32, #tpu.memory_space<vmem_shared>> -> memref<128x64xf32, #tpu.memory_space<vmem_shared>>
      %dma_wait3A_169 = arith.constant 0 : i32
      %dma_wait3A_170 = tpu.memref_slice %arg11[%add3A_106, %dma_wait3A_169] : memref<10240x64xf32, #tpu.memory_space<vmem_shared>> -> memref<128x64xf32, #tpu.memory_space<vmem_shared>>
      tpu.wait_dma2 semaphore(%run_scoped3A_164 : memref<!tpu.dma_semaphore, #tpu.memory_space<semaphore_mem>>) src(%arg10 : memref<128x64xf32, #tpu.memory_space<vmem>>) dst(%dma_wait3A_170 : memref<128x64xf32, #tpu.memory_space<vmem_shared>>)
      tpu.yield
    }) : () -> ()
    %barrier3A_107 = arith.constant 0 : index
    tpu.barrier barrier_id(%barrier3A_107)
    %eq3A_108 = arith.constant 0 : i32
    %eq3A_109 = arith.cmpi eq, %arg0, %eq3A_108 : i32
    %convert_element_type3A_110 = arith.extui %eq3A_109 : i1 to i32
    %cond3A_111 = arith.constant 0 : i32
    %cond3A_112 = arith.cmpi ne, %convert_element_type3A_110, %cond3A_111 : i32
    scf.if %cond3A_112 {
      %dma_start3A = arith.constant 0 : i32
      %dma_start3A_164 = arith.constant 0 : i32
      %dma_start3A_165 = arith.constant 0 : i32
      %dma_start3A_166 = arith.constant 0 : i32
      %dma_start3A_167 = tpu.memref_slice %arg9[%dma_start3A_164, %dma_start3A_165, %dma_start3A_166] : memref<4x128x64xf32, #tpu.memory_space<vmem>> -> memref<1x128x64xf32, #tpu.memory_space<vmem>>
      %dma_start3A_168 = tpu.memref_squeeze %dma_start3A_167 : memref<1x128x64xf32, #tpu.memory_space<vmem>> -> memref<128x64xf32, #tpu.memory_space<vmem>>
      %dma_start3A_169 = arith.constant 0 : i32
      %dma_start3A_170 = tpu.memref_slice %arg7[%dma_start3A, %dma_start3A_169] : memref<160x128xi32, #tpu.memory_space<vmem>> -> memref<1x128xi32, #tpu.memory_space<vmem>>
      %dma_start3A_171 = tpu.memref_squeeze %dma_start3A_170 : memref<1x128xi32, #tpu.memory_space<vmem>> -> memref<128xi32, #tpu.memory_space<vmem>>
      %dma_start3A_172 = arith.constant 0 : i32
      %dma_start3A_173 = arith.constant 0 : i32
      %dma_start3A_174 = tpu.memref_slice %arg3[%dma_start3A_172, %dma_start3A_173] : memref<10240x64xf32, #tpu.memory_space<hbm>> -> memref<10240x64xf32, #tpu.memory_space<hbm>>
      tpu.enqueue_indirect_dma source(%dma_start3A_174 : memref<10240x64xf32, #tpu.memory_space<hbm>>) target(%dma_start3A_168 : memref<128x64xf32, #tpu.memory_space<vmem>>) offsets(%dma_start3A_171 : memref<128xi32, #tpu.memory_space<vmem>>) semaphore(%arg12 : memref<!tpu.dma_semaphore, #tpu.memory_space<semaphore_mem>>)
      %dma_start3A_175 = arith.constant 1 : i32
      %dma_start3A_176 = arith.constant 1 : i32
      %dma_start3A_177 = arith.constant 0 : i32
      %dma_start3A_178 = arith.constant 0 : i32
      %dma_start3A_179 = tpu.memref_slice %arg9[%dma_start3A_176, %dma_start3A_177, %dma_start3A_178] : memref<4x128x64xf32, #tpu.memory_space<vmem>> -> memref<1x128x64xf32, #tpu.memory_space<vmem>>
      %dma_start3A_180 = tpu.memref_squeeze %dma_start3A_179 : memref<1x128x64xf32, #tpu.memory_space<vmem>> -> memref<128x64xf32, #tpu.memory_space<vmem>>
      %dma_start3A_181 = arith.constant 0 : i32
      %dma_start3A_182 = tpu.memref_slice %arg7[%dma_start3A_175, %dma_start3A_181] : memref<160x128xi32, #tpu.memory_space<vmem>> -> memref<1x128xi32, #tpu.memory_space<vmem>>
      %dma_start3A_183 = tpu.memref_squeeze %dma_start3A_182 : memref<1x128xi32, #tpu.memory_space<vmem>> -> memref<128xi32, #tpu.memory_space<vmem>>
      %dma_start3A_184 = arith.constant 0 : i32
      %dma_start3A_185 = arith.constant 0 : i32
      %dma_start3A_186 = tpu.memref_slice %arg3[%dma_start3A_184, %dma_start3A_185] : memref<10240x64xf32, #tpu.memory_space<hbm>> -> memref<10240x64xf32, #tpu.memory_space<hbm>>
      tpu.enqueue_indirect_dma source(%dma_start3A_186 : memref<10240x64xf32, #tpu.memory_space<hbm>>) target(%dma_start3A_180 : memref<128x64xf32, #tpu.memory_space<vmem>>) offsets(%dma_start3A_183 : memref<128xi32, #tpu.memory_space<vmem>>) semaphore(%arg13 : memref<!tpu.dma_semaphore, #tpu.memory_space<semaphore_mem>>)
      %dma_start3A_187 = arith.constant 2 : i32
      %dma_start3A_188 = arith.constant 2 : i32
      %dma_start3A_189 = arith.constant 0 : i32
      %dma_start3A_190 = arith.constant 0 : i32
      %dma_start3A_191 = tpu.memref_slice %arg9[%dma_start3A_188, %dma_start3A_189, %dma_start3A_190] : memref<4x128x64xf32, #tpu.memory_space<vmem>> -> memref<1x128x64xf32, #tpu.memory_space<vmem>>
      %dma_start3A_192 = tpu.memref_squeeze %dma_start3A_191 : memref<1x128x64xf32, #tpu.memory_space<vmem>> -> memref<128x64xf32, #tpu.memory_space<vmem>>
      %dma_start3A_193 = arith.constant 0 : i32
      %dma_start3A_194 = tpu.memref_slice %arg7[%dma_start3A_187, %dma_start3A_193] : memref<160x128xi32, #tpu.memory_space<vmem>> -> memref<1x128xi32, #tpu.memory_space<vmem>>
      %dma_start3A_195 = tpu.memref_squeeze %dma_start3A_194 : memref<1x128xi32, #tpu.memory_space<vmem>> -> memref<128xi32, #tpu.memory_space<vmem>>
      %dma_start3A_196 = arith.constant 0 : i32
      %dma_start3A_197 = arith.constant 0 : i32
      %dma_start3A_198 = tpu.memref_slice %arg3[%dma_start3A_196, %dma_start3A_197] : memref<10240x64xf32, #tpu.memory_space<hbm>> -> memref<10240x64xf32, #tpu.memory_space<hbm>>
      tpu.enqueue_indirect_dma source(%dma_start3A_198 : memref<10240x64xf32, #tpu.memory_space<hbm>>) target(%dma_start3A_192 : memref<128x64xf32, #tpu.memory_space<vmem>>) offsets(%dma_start3A_195 : memref<128xi32, #tpu.memory_space<vmem>>) semaphore(%arg14 : memref<!tpu.dma_semaphore, #tpu.memory_space<semaphore_mem>>)
      %dma_start3A_199 = arith.constant 3 : i32
      %dma_start3A_200 = arith.constant 3 : i32
      %dma_start3A_201 = arith.constant 0 : i32
      %dma_start3A_202 = arith.constant 0 : i32
      %dma_start3A_203 = tpu.memref_slice %arg9[%dma_start3A_200, %dma_start3A_201, %dma_start3A_202] : memref<4x128x64xf32, #tpu.memory_space<vmem>> -> memref<1x128x64xf32, #tpu.memory_space<vmem>>
      %dma_start3A_204 = tpu.memref_squeeze %dma_start3A_203 : memref<1x128x64xf32, #tpu.memory_space<vmem>> -> memref<128x64xf32, #tpu.memory_space<vmem>>
      %dma_start3A_205 = arith.constant 0 : i32
      %dma_start3A_206 = tpu.memref_slice %arg7[%dma_start3A_199, %dma_start3A_205] : memref<160x128xi32, #tpu.memory_space<vmem>> -> memref<1x128xi32, #tpu.memory_space<vmem>>
      %dma_start3A_207 = tpu.memref_squeeze %dma_start3A_206 : memref<1x128xi32, #tpu.memory_space<vmem>> -> memref<128xi32, #tpu.memory_space<vmem>>
      %dma_start3A_208 = arith.constant 0 : i32
      %dma_start3A_209 = arith.constant 0 : i32
      %dma_start3A_210 = tpu.memref_slice %arg3[%dma_start3A_208, %dma_start3A_209] : memref<10240x64xf32, #tpu.memory_space<hbm>> -> memref<10240x64xf32, #tpu.memory_space<hbm>>
      tpu.enqueue_indirect_dma source(%dma_start3A_210 : memref<10240x64xf32, #tpu.memory_space<hbm>>) target(%dma_start3A_204 : memref<128x64xf32, #tpu.memory_space<vmem>>) offsets(%dma_start3A_207 : memref<128xi32, #tpu.memory_space<vmem>>) semaphore(%arg15 : memref<!tpu.dma_semaphore, #tpu.memory_space<semaphore_mem>>)
      %scan3A_211 = arith.constant 0 : i32
      %scan3A_212 = arith.constant 0 : i32
      %scan3A_213 = arith.constant 20 : i32
      %scan3A_214 = arith.addi %scan3A_212, %scan3A_213 : i32
      %scan3A_215 = arith.constant 1 : i32
      %scan3A_216 = scf.for %scan3A_218 = %scan3A_212 to %scan3A_214 step %scan3A_215 iter_args(%scan3A_219 = %scan3A_211) -> (i32)  : i32 {
        %mul3A_220 = arith.constant 4 : i32
        %mul3A_221 = arith.muli %scan3A_218, %mul3A_220 : i32
        %add3A_222 = arith.constant 0 : i32
        %add3A_223 = arith.addi %add3A_222, %mul3A_221 : i32
        %add3A_224 = arith.constant 0 : i32
        %add3A_225 = arith.addi %add3A_223, %add3A_224 : i32
        %dma_wait3A = arith.constant 0 : i32
        %dma_wait3A_226 = arith.constant 0 : i32
        %dma_wait3A_227 = arith.constant 0 : i32
        %dma_wait3A_228 = tpu.memref_slice %arg9[%dma_wait3A, %dma_wait3A_226, %dma_wait3A_227] : memref<4x128x64xf32, #tpu.memory_space<vmem>> -> memref<1x128x64xf32, #tpu.memory_space<vmem>>
        %dma_wait3A_229 = tpu.memref_squeeze %dma_wait3A_228 : memref<1x128x64xf32, #tpu.memory_space<vmem>> -> memref<128x64xf32, #tpu.memory_space<vmem>>
        %dma_wait3A_230 = arith.constant 0 : i32
        %dma_wait3A_231 = tpu.memref_slice %arg7[%add3A_225, %dma_wait3A_230] : memref<160x128xi32, #tpu.memory_space<vmem>> -> memref<1x128xi32, #tpu.memory_space<vmem>>
        %dma_wait3A_232 = tpu.memref_squeeze %dma_wait3A_231 : memref<1x128xi32, #tpu.memory_space<vmem>> -> memref<128xi32, #tpu.memory_space<vmem>>
        %dma_wait3A_233 = arith.constant 0 : i32
        %dma_wait3A_234 = arith.constant 0 : i32
        %dma_wait3A_235 = tpu.memref_slice %arg3[%dma_wait3A_233, %dma_wait3A_234] : memref<10240x64xf32, #tpu.memory_space<hbm>> -> memref<10240x64xf32, #tpu.memory_space<hbm>>
        tpu.wait_indirect_dma semaphore(%arg12 : memref<!tpu.dma_semaphore, #tpu.memory_space<semaphore_mem>>) src(%dma_wait3A_235 : memref<10240x64xf32, #tpu.memory_space<hbm>>) dst(%dma_wait3A_229 : memref<128x64xf32, #tpu.memory_space<vmem>>)
        %add3A_236 = arith.constant 0 : i32
        %add3A_237 = arith.addi %add3A_223, %add3A_236 : i32
        %dma_start3A_238 = arith.constant 0 : i32
        %dma_start3A_239 = arith.constant 0 : i32
        %dma_start3A_240 = arith.constant 0 : i32
        %dma_start3A_241 = tpu.memref_slice %arg9[%dma_start3A_238, %dma_start3A_239, %dma_start3A_240] : memref<4x128x64xf32, #tpu.memory_space<vmem>> -> memref<1x128x64xf32, #tpu.memory_space<vmem>>
        %dma_start3A_242 = tpu.memref_squeeze %dma_start3A_241 : memref<1x128x64xf32, #tpu.memory_space<vmem>> -> memref<128x64xf32, #tpu.memory_space<vmem>>
        %dma_start3A_243 = arith.constant 0 : i32
        %dma_start3A_244 = tpu.memref_slice %arg8[%add3A_237, %dma_start3A_243] : memref<160x128xi32, #tpu.memory_space<vmem>> -> memref<1x128xi32, #tpu.memory_space<vmem>>
        %dma_start3A_245 = tpu.memref_squeeze %dma_start3A_244 : memref<1x128xi32, #tpu.memory_space<vmem>> -> memref<128xi32, #tpu.memory_space<vmem>>
        %dma_start3A_246 = arith.constant 0 : i32
        %dma_start3A_247 = arith.constant 0 : i32
        %dma_start3A_248 = tpu.memref_slice %arg11[%dma_start3A_246, %dma_start3A_247] : memref<10240x64xf32, #tpu.memory_space<vmem_shared>> -> memref<10240x64xf32, #tpu.memory_space<vmem_shared>>
        tpu.enqueue_indirect_dma source(%dma_start3A_242 : memref<128x64xf32, #tpu.memory_space<vmem>>) target(%dma_start3A_248 : memref<10240x64xf32, #tpu.memory_space<vmem_shared>>) offsets(%dma_start3A_245 : memref<128xi32, #tpu.memory_space<vmem>>) semaphore(%arg16 : memref<!tpu.dma_semaphore, #tpu.memory_space<semaphore_mem>>) {add = true}
        %add3A_249 = arith.constant 1 : i32
        %add3A_250 = arith.addi %add3A_223, %add3A_249 : i32
        %dma_wait3A_251 = arith.constant 1 : i32
        %dma_wait3A_252 = arith.constant 0 : i32
        %dma_wait3A_253 = arith.constant 0 : i32
        %dma_wait3A_254 = tpu.memref_slice %arg9[%dma_wait3A_251, %dma_wait3A_252, %dma_wait3A_253] : memref<4x128x64xf32, #tpu.memory_space<vmem>> -> memref<1x128x64xf32, #tpu.memory_space<vmem>>
        %dma_wait3A_255 = tpu.memref_squeeze %dma_wait3A_254 : memref<1x128x64xf32, #tpu.memory_space<vmem>> -> memref<128x64xf32, #tpu.memory_space<vmem>>
        %dma_wait3A_256 = arith.constant 0 : i32
        %dma_wait3A_257 = tpu.memref_slice %arg7[%add3A_250, %dma_wait3A_256] : memref<160x128xi32, #tpu.memory_space<vmem>> -> memref<1x128xi32, #tpu.memory_space<vmem>>
        %dma_wait3A_258 = tpu.memref_squeeze %dma_wait3A_257 : memref<1x128xi32, #tpu.memory_space<vmem>> -> memref<128xi32, #tpu.memory_space<vmem>>
        %dma_wait3A_259 = arith.constant 0 : i32
        %dma_wait3A_260 = arith.constant 0 : i32
        %dma_wait3A_261 = tpu.memref_slice %arg3[%dma_wait3A_259, %dma_wait3A_260] : memref<10240x64xf32, #tpu.memory_space<hbm>> -> memref<10240x64xf32, #tpu.memory_space<hbm>>
        tpu.wait_indirect_dma semaphore(%arg13 : memref<!tpu.dma_semaphore, #tpu.memory_space<semaphore_mem>>) src(%dma_wait3A_261 : memref<10240x64xf32, #tpu.memory_space<hbm>>) dst(%dma_wait3A_255 : memref<128x64xf32, #tpu.memory_space<vmem>>)
        %add3A_262 = arith.constant 1 : i32
        %add3A_263 = arith.addi %add3A_223, %add3A_262 : i32
        %dma_start3A_264 = arith.constant 1 : i32
        %dma_start3A_265 = arith.constant 0 : i32
        %dma_start3A_266 = arith.constant 0 : i32
        %dma_start3A_267 = tpu.memref_slice %arg9[%dma_start3A_264, %dma_start3A_265, %dma_start3A_266] : memref<4x128x64xf32, #tpu.memory_space<vmem>> -> memref<1x128x64xf32, #tpu.memory_space<vmem>>
        %dma_start3A_268 = tpu.memref_squeeze %dma_start3A_267 : memref<1x128x64xf32, #tpu.memory_space<vmem>> -> memref<128x64xf32, #tpu.memory_space<vmem>>
        %dma_start3A_269 = arith.constant 0 : i32
        %dma_start3A_270 = tpu.memref_slice %arg8[%add3A_263, %dma_start3A_269] : memref<160x128xi32, #tpu.memory_space<vmem>> -> memref<1x128xi32, #tpu.memory_space<vmem>>
        %dma_start3A_271 = tpu.memref_squeeze %dma_start3A_270 : memref<1x128xi32, #tpu.memory_space<vmem>> -> memref<128xi32, #tpu.memory_space<vmem>>
        %dma_start3A_272 = arith.constant 0 : i32
        %dma_start3A_273 = arith.constant 0 : i32
        %dma_start3A_274 = tpu.memref_slice %arg11[%dma_start3A_272, %dma_start3A_273] : memref<10240x64xf32, #tpu.memory_space<vmem_shared>> -> memref<10240x64xf32, #tpu.memory_space<vmem_shared>>
        tpu.enqueue_indirect_dma source(%dma_start3A_268 : memref<128x64xf32, #tpu.memory_space<vmem>>) target(%dma_start3A_274 : memref<10240x64xf32, #tpu.memory_space<vmem_shared>>) offsets(%dma_start3A_271 : memref<128xi32, #tpu.memory_space<vmem>>) semaphore(%arg17 : memref<!tpu.dma_semaphore, #tpu.memory_space<semaphore_mem>>) {add = true}
        %add3A_275 = arith.constant 2 : i32
        %add3A_276 = arith.addi %add3A_223, %add3A_275 : i32
        %dma_wait3A_277 = arith.constant 2 : i32
        %dma_wait3A_278 = arith.constant 0 : i32
        %dma_wait3A_279 = arith.constant 0 : i32
        %dma_wait3A_280 = tpu.memref_slice %arg9[%dma_wait3A_277, %dma_wait3A_278, %dma_wait3A_279] : memref<4x128x64xf32, #tpu.memory_space<vmem>> -> memref<1x128x64xf32, #tpu.memory_space<vmem>>
        %dma_wait3A_281 = tpu.memref_squeeze %dma_wait3A_280 : memref<1x128x64xf32, #tpu.memory_space<vmem>> -> memref<128x64xf32, #tpu.memory_space<vmem>>
        %dma_wait3A_282 = arith.constant 0 : i32
        %dma_wait3A_283 = tpu.memref_slice %arg7[%add3A_276, %dma_wait3A_282] : memref<160x128xi32, #tpu.memory_space<vmem>> -> memref<1x128xi32, #tpu.memory_space<vmem>>
        %dma_wait3A_284 = tpu.memref_squeeze %dma_wait3A_283 : memref<1x128xi32, #tpu.memory_space<vmem>> -> memref<128xi32, #tpu.memory_space<vmem>>
        %dma_wait3A_285 = arith.constant 0 : i32
        %dma_wait3A_286 = arith.constant 0 : i32
        %dma_wait3A_287 = tpu.memref_slice %arg3[%dma_wait3A_285, %dma_wait3A_286] : memref<10240x64xf32, #tpu.memory_space<hbm>> -> memref<10240x64xf32, #tpu.memory_space<hbm>>
        tpu.wait_indirect_dma semaphore(%arg14 : memref<!tpu.dma_semaphore, #tpu.memory_space<semaphore_mem>>) src(%dma_wait3A_287 : memref<10240x64xf32, #tpu.memory_space<hbm>>) dst(%dma_wait3A_281 : memref<128x64xf32, #tpu.memory_space<vmem>>)
        %add3A_288 = arith.constant 2 : i32
        %add3A_289 = arith.addi %add3A_223, %add3A_288 : i32
        %dma_start3A_290 = arith.constant 2 : i32
        %dma_start3A_291 = arith.constant 0 : i32
        %dma_start3A_292 = arith.constant 0 : i32
        %dma_start3A_293 = tpu.memref_slice %arg9[%dma_start3A_290, %dma_start3A_291, %dma_start3A_292] : memref<4x128x64xf32, #tpu.memory_space<vmem>> -> memref<1x128x64xf32, #tpu.memory_space<vmem>>
        %dma_start3A_294 = tpu.memref_squeeze %dma_start3A_293 : memref<1x128x64xf32, #tpu.memory_space<vmem>> -> memref<128x64xf32, #tpu.memory_space<vmem>>
        %dma_start3A_295 = arith.constant 0 : i32
        %dma_start3A_296 = tpu.memref_slice %arg8[%add3A_289, %dma_start3A_295] : memref<160x128xi32, #tpu.memory_space<vmem>> -> memref<1x128xi32, #tpu.memory_space<vmem>>
        %dma_start3A_297 = tpu.memref_squeeze %dma_start3A_296 : memref<1x128xi32, #tpu.memory_space<vmem>> -> memref<128xi32, #tpu.memory_space<vmem>>
        %dma_start3A_298 = arith.constant 0 : i32
        %dma_start3A_299 = arith.constant 0 : i32
        %dma_start3A_300 = tpu.memref_slice %arg11[%dma_start3A_298, %dma_start3A_299] : memref<10240x64xf32, #tpu.memory_space<vmem_shared>> -> memref<10240x64xf32, #tpu.memory_space<vmem_shared>>
        tpu.enqueue_indirect_dma source(%dma_start3A_294 : memref<128x64xf32, #tpu.memory_space<vmem>>) target(%dma_start3A_300 : memref<10240x64xf32, #tpu.memory_space<vmem_shared>>) offsets(%dma_start3A_297 : memref<128xi32, #tpu.memory_space<vmem>>) semaphore(%arg18 : memref<!tpu.dma_semaphore, #tpu.memory_space<semaphore_mem>>) {add = true}
        %add3A_301 = arith.constant 3 : i32
        %add3A_302 = arith.addi %add3A_223, %add3A_301 : i32
        %dma_wait3A_303 = arith.constant 3 : i32
        %dma_wait3A_304 = arith.constant 0 : i32
        %dma_wait3A_305 = arith.constant 0 : i32
        %dma_wait3A_306 = tpu.memref_slice %arg9[%dma_wait3A_303, %dma_wait3A_304, %dma_wait3A_305] : memref<4x128x64xf32, #tpu.memory_space<vmem>> -> memref<1x128x64xf32, #tpu.memory_space<vmem>>
        %dma_wait3A_307 = tpu.memref_squeeze %dma_wait3A_306 : memref<1x128x64xf32, #tpu.memory_space<vmem>> -> memref<128x64xf32, #tpu.memory_space<vmem>>
        %dma_wait3A_308 = arith.constant 0 : i32
        %dma_wait3A_309 = tpu.memref_slice %arg7[%add3A_302, %dma_wait3A_308] : memref<160x128xi32, #tpu.memory_space<vmem>> -> memref<1x128xi32, #tpu.memory_space<vmem>>
        %dma_wait3A_310 = tpu.memref_squeeze %dma_wait3A_309 : memref<1x128xi32, #tpu.memory_space<vmem>> -> memref<128xi32, #tpu.memory_space<vmem>>
        %dma_wait3A_311 = arith.constant 0 : i32
        %dma_wait3A_312 = arith.constant 0 : i32
        %dma_wait3A_313 = tpu.memref_slice %arg3[%dma_wait3A_311, %dma_wait3A_312] : memref<10240x64xf32, #tpu.memory_space<hbm>> -> memref<10240x64xf32, #tpu.memory_space<hbm>>
        tpu.wait_indirect_dma semaphore(%arg15 : memref<!tpu.dma_semaphore, #tpu.memory_space<semaphore_mem>>) src(%dma_wait3A_313 : memref<10240x64xf32, #tpu.memory_space<hbm>>) dst(%dma_wait3A_307 : memref<128x64xf32, #tpu.memory_space<vmem>>)
        %add3A_314 = arith.constant 3 : i32
        %add3A_315 = arith.addi %add3A_223, %add3A_314 : i32
        %dma_start3A_316 = arith.constant 3 : i32
        %dma_start3A_317 = arith.constant 0 : i32
        %dma_start3A_318 = arith.constant 0 : i32
        %dma_start3A_319 = tpu.memref_slice %arg9[%dma_start3A_316, %dma_start3A_317, %dma_start3A_318] : memref<4x128x64xf32, #tpu.memory_space<vmem>> -> memref<1x128x64xf32, #tpu.memory_space<vmem>>
        %dma_start3A_320 = tpu.memref_squeeze %dma_start3A_319 : memref<1x128x64xf32, #tpu.memory_space<vmem>> -> memref<128x64xf32, #tpu.memory_space<vmem>>
        %dma_start3A_321 = arith.constant 0 : i32
        %dma_start3A_322 = tpu.memref_slice %arg8[%add3A_315, %dma_start3A_321] : memref<160x128xi32, #tpu.memory_space<vmem>> -> memref<1x128xi32, #tpu.memory_space<vmem>>
        %dma_start3A_323 = tpu.memref_squeeze %dma_start3A_322 : memref<1x128xi32, #tpu.memory_space<vmem>> -> memref<128xi32, #tpu.memory_space<vmem>>
        %dma_start3A_324 = arith.constant 0 : i32
        %dma_start3A_325 = arith.constant 0 : i32
        %dma_start3A_326 = tpu.memref_slice %arg11[%dma_start3A_324, %dma_start3A_325] : memref<10240x64xf32, #tpu.memory_space<vmem_shared>> -> memref<10240x64xf32, #tpu.memory_space<vmem_shared>>
        tpu.enqueue_indirect_dma source(%dma_start3A_320 : memref<128x64xf32, #tpu.memory_space<vmem>>) target(%dma_start3A_326 : memref<10240x64xf32, #tpu.memory_space<vmem_shared>>) offsets(%dma_start3A_323 : memref<128xi32, #tpu.memory_space<vmem>>) semaphore(%arg19 : memref<!tpu.dma_semaphore, #tpu.memory_space<semaphore_mem>>) {add = true}
        %add3A_327 = arith.constant 0 : i32
        %add3A_328 = arith.addi %add3A_223, %add3A_327 : i32
        %dma_wait3A_329 = arith.constant 0 : i32
        %dma_wait3A_330 = arith.constant 0 : i32
        %dma_wait3A_331 = arith.constant 0 : i32
        %dma_wait3A_332 = tpu.memref_slice %arg9[%dma_wait3A_329, %dma_wait3A_330, %dma_wait3A_331] : memref<4x128x64xf32, #tpu.memory_space<vmem>> -> memref<1x128x64xf32, #tpu.memory_space<vmem>>
        %dma_wait3A_333 = tpu.memref_squeeze %dma_wait3A_332 : memref<1x128x64xf32, #tpu.memory_space<vmem>> -> memref<128x64xf32, #tpu.memory_space<vmem>>
        %dma_wait3A_334 = arith.constant 0 : i32
        %dma_wait3A_335 = tpu.memref_slice %arg8[%add3A_328, %dma_wait3A_334] : memref<160x128xi32, #tpu.memory_space<vmem>> -> memref<1x128xi32, #tpu.memory_space<vmem>>
        %dma_wait3A_336 = tpu.memref_squeeze %dma_wait3A_335 : memref<1x128xi32, #tpu.memory_space<vmem>> -> memref<128xi32, #tpu.memory_space<vmem>>
        %dma_wait3A_337 = arith.constant 0 : i32
        %dma_wait3A_338 = arith.constant 0 : i32
        %dma_wait3A_339 = tpu.memref_slice %arg11[%dma_wait3A_337, %dma_wait3A_338] : memref<10240x64xf32, #tpu.memory_space<vmem_shared>> -> memref<10240x64xf32, #tpu.memory_space<vmem_shared>>
        tpu.wait_indirect_dma semaphore(%arg16 : memref<!tpu.dma_semaphore, #tpu.memory_space<semaphore_mem>>) src(%dma_wait3A_333 : memref<128x64xf32, #tpu.memory_space<vmem>>) dst(%dma_wait3A_339 : memref<10240x64xf32, #tpu.memory_space<vmem_shared>>)
        %lt3A = arith.constant 19 : i32
        %lt3A_340 = arith.cmpi slt, %scan3A_218, %lt3A : i32
        %convert_element_type3A_341 = arith.extui %lt3A_340 : i1 to i32
        %cond3A_342 = arith.constant 0 : i32
        %cond3A_343 = arith.cmpi ne, %convert_element_type3A_341, %cond3A_342 : i32
        scf.if %cond3A_343 {
          %add3A_399 = arith.constant 4 : i32
          %add3A_400 = arith.addi %add3A_223, %add3A_399 : i32
          %add3A_401 = arith.constant 0 : i32
          %add3A_402 = arith.addi %add3A_400, %add3A_401 : i32
          %dma_start3A_403 = arith.constant 0 : i32
          %dma_start3A_404 = arith.constant 0 : i32
          %dma_start3A_405 = arith.constant 0 : i32
          %dma_start3A_406 = tpu.memref_slice %arg9[%dma_start3A_403, %dma_start3A_404, %dma_start3A_405] : memref<4x128x64xf32, #tpu.memory_space<vmem>> -> memref<1x128x64xf32, #tpu.memory_space<vmem>>
          %dma_start3A_407 = tpu.memref_squeeze %dma_start3A_406 : memref<1x128x64xf32, #tpu.memory_space<vmem>> -> memref<128x64xf32, #tpu.memory_space<vmem>>
          %dma_start3A_408 = arith.constant 0 : i32
          %dma_start3A_409 = tpu.memref_slice %arg7[%add3A_402, %dma_start3A_408] : memref<160x128xi32, #tpu.memory_space<vmem>> -> memref<1x128xi32, #tpu.memory_space<vmem>>
          %dma_start3A_410 = tpu.memref_squeeze %dma_start3A_409 : memref<1x128xi32, #tpu.memory_space<vmem>> -> memref<128xi32, #tpu.memory_space<vmem>>
          %dma_start3A_411 = arith.constant 0 : i32
          %dma_start3A_412 = arith.constant 0 : i32
          %dma_start3A_413 = tpu.memref_slice %arg3[%dma_start3A_411, %dma_start3A_412] : memref<10240x64xf32, #tpu.memory_space<hbm>> -> memref<10240x64xf32, #tpu.memory_space<hbm>>
          tpu.enqueue_indirect_dma source(%dma_start3A_413 : memref<10240x64xf32, #tpu.memory_space<hbm>>) target(%dma_start3A_407 : memref<128x64xf32, #tpu.memory_space<vmem>>) offsets(%dma_start3A_410 : memref<128xi32, #tpu.memory_space<vmem>>) semaphore(%arg12 : memref<!tpu.dma_semaphore, #tpu.memory_space<semaphore_mem>>)
        } else {
        }
        %add3A_344 = arith.constant 1 : i32
        %add3A_345 = arith.addi %add3A_223, %add3A_344 : i32
        %dma_wait3A_346 = arith.constant 1 : i32
        %dma_wait3A_347 = arith.constant 0 : i32
        %dma_wait3A_348 = arith.constant 0 : i32
        %dma_wait3A_349 = tpu.memref_slice %arg9[%dma_wait3A_346, %dma_wait3A_347, %dma_wait3A_348] : memref<4x128x64xf32, #tpu.memory_space<vmem>> -> memref<1x128x64xf32, #tpu.memory_space<vmem>>
        %dma_wait3A_350 = tpu.memref_squeeze %dma_wait3A_349 : memref<1x128x64xf32, #tpu.memory_space<vmem>> -> memref<128x64xf32, #tpu.memory_space<vmem>>
        %dma_wait3A_351 = arith.constant 0 : i32
        %dma_wait3A_352 = tpu.memref_slice %arg8[%add3A_345, %dma_wait3A_351] : memref<160x128xi32, #tpu.memory_space<vmem>> -> memref<1x128xi32, #tpu.memory_space<vmem>>
        %dma_wait3A_353 = tpu.memref_squeeze %dma_wait3A_352 : memref<1x128xi32, #tpu.memory_space<vmem>> -> memref<128xi32, #tpu.memory_space<vmem>>
        %dma_wait3A_354 = arith.constant 0 : i32
        %dma_wait3A_355 = arith.constant 0 : i32
        %dma_wait3A_356 = tpu.memref_slice %arg11[%dma_wait3A_354, %dma_wait3A_355] : memref<10240x64xf32, #tpu.memory_space<vmem_shared>> -> memref<10240x64xf32, #tpu.memory_space<vmem_shared>>
        tpu.wait_indirect_dma semaphore(%arg17 : memref<!tpu.dma_semaphore, #tpu.memory_space<semaphore_mem>>) src(%dma_wait3A_350 : memref<128x64xf32, #tpu.memory_space<vmem>>) dst(%dma_wait3A_356 : memref<10240x64xf32, #tpu.memory_space<vmem_shared>>)
        %lt3A_357 = arith.constant 19 : i32
        %lt3A_358 = arith.cmpi slt, %scan3A_218, %lt3A_357 : i32
        %convert_element_type3A_359 = arith.extui %lt3A_358 : i1 to i32
        %cond3A_360 = arith.constant 0 : i32
        %cond3A_361 = arith.cmpi ne, %convert_element_type3A_359, %cond3A_360 : i32
        scf.if %cond3A_361 {
          %add3A_399 = arith.constant 4 : i32
          %add3A_400 = arith.addi %add3A_223, %add3A_399 : i32
          %add3A_401 = arith.constant 1 : i32
          %add3A_402 = arith.addi %add3A_400, %add3A_401 : i32
          %dma_start3A_403 = arith.constant 1 : i32
          %dma_start3A_404 = arith.constant 0 : i32
          %dma_start3A_405 = arith.constant 0 : i32
          %dma_start3A_406 = tpu.memref_slice %arg9[%dma_start3A_403, %dma_start3A_404, %dma_start3A_405] : memref<4x128x64xf32, #tpu.memory_space<vmem>> -> memref<1x128x64xf32, #tpu.memory_space<vmem>>
          %dma_start3A_407 = tpu.memref_squeeze %dma_start3A_406 : memref<1x128x64xf32, #tpu.memory_space<vmem>> -> memref<128x64xf32, #tpu.memory_space<vmem>>
          %dma_start3A_408 = arith.constant 0 : i32
          %dma_start3A_409 = tpu.memref_slice %arg7[%add3A_402, %dma_start3A_408] : memref<160x128xi32, #tpu.memory_space<vmem>> -> memref<1x128xi32, #tpu.memory_space<vmem>>
          %dma_start3A_410 = tpu.memref_squeeze %dma_start3A_409 : memref<1x128xi32, #tpu.memory_space<vmem>> -> memref<128xi32, #tpu.memory_space<vmem>>
          %dma_start3A_411 = arith.constant 0 : i32
          %dma_start3A_412 = arith.constant 0 : i32
          %dma_start3A_413 = tpu.memref_slice %arg3[%dma_start3A_411, %dma_start3A_412] : memref<10240x64xf32, #tpu.memory_space<hbm>> -> memref<10240x64xf32, #tpu.memory_space<hbm>>
          tpu.enqueue_indirect_dma source(%dma_start3A_413 : memref<10240x64xf32, #tpu.memory_space<hbm>>) target(%dma_start3A_407 : memref<128x64xf32, #tpu.memory_space<vmem>>) offsets(%dma_start3A_410 : memref<128xi32, #tpu.memory_space<vmem>>) semaphore(%arg13 : memref<!tpu.dma_semaphore, #tpu.memory_space<semaphore_mem>>)
        } else {
        }
        %add3A_362 = arith.constant 2 : i32
        %add3A_363 = arith.addi %add3A_223, %add3A_362 : i32
        %dma_wait3A_364 = arith.constant 2 : i32
        %dma_wait3A_365 = arith.constant 0 : i32
        %dma_wait3A_366 = arith.constant 0 : i32
        %dma_wait3A_367 = tpu.memref_slice %arg9[%dma_wait3A_364, %dma_wait3A_365, %dma_wait3A_366] : memref<4x128x64xf32, #tpu.memory_space<vmem>> -> memref<1x128x64xf32, #tpu.memory_space<vmem>>
        %dma_wait3A_368 = tpu.memref_squeeze %dma_wait3A_367 : memref<1x128x64xf32, #tpu.memory_space<vmem>> -> memref<128x64xf32, #tpu.memory_space<vmem>>
        %dma_wait3A_369 = arith.constant 0 : i32
        %dma_wait3A_370 = tpu.memref_slice %arg8[%add3A_363, %dma_wait3A_369] : memref<160x128xi32, #tpu.memory_space<vmem>> -> memref<1x128xi32, #tpu.memory_space<vmem>>
        %dma_wait3A_371 = tpu.memref_squeeze %dma_wait3A_370 : memref<1x128xi32, #tpu.memory_space<vmem>> -> memref<128xi32, #tpu.memory_space<vmem>>
        %dma_wait3A_372 = arith.constant 0 : i32
        %dma_wait3A_373 = arith.constant 0 : i32
        %dma_wait3A_374 = tpu.memref_slice %arg11[%dma_wait3A_372, %dma_wait3A_373] : memref<10240x64xf32, #tpu.memory_space<vmem_shared>> -> memref<10240x64xf32, #tpu.memory_space<vmem_shared>>
        tpu.wait_indirect_dma semaphore(%arg18 : memref<!tpu.dma_semaphore, #tpu.memory_space<semaphore_mem>>) src(%dma_wait3A_368 : memref<128x64xf32, #tpu.memory_space<vmem>>) dst(%dma_wait3A_374 : memref<10240x64xf32, #tpu.memory_space<vmem_shared>>)
        %lt3A_375 = arith.constant 19 : i32
        %lt3A_376 = arith.cmpi slt, %scan3A_218, %lt3A_375 : i32
        %convert_element_type3A_377 = arith.extui %lt3A_376 : i1 to i32
        %cond3A_378 = arith.constant 0 : i32
        %cond3A_379 = arith.cmpi ne, %convert_element_type3A_377, %cond3A_378 : i32
        scf.if %cond3A_379 {
          %add3A_399 = arith.constant 4 : i32
          %add3A_400 = arith.addi %add3A_223, %add3A_399 : i32
          %add3A_401 = arith.constant 2 : i32
          %add3A_402 = arith.addi %add3A_400, %add3A_401 : i32
          %dma_start3A_403 = arith.constant 2 : i32
          %dma_start3A_404 = arith.constant 0 : i32
          %dma_start3A_405 = arith.constant 0 : i32
          %dma_start3A_406 = tpu.memref_slice %arg9[%dma_start3A_403, %dma_start3A_404, %dma_start3A_405] : memref<4x128x64xf32, #tpu.memory_space<vmem>> -> memref<1x128x64xf32, #tpu.memory_space<vmem>>
          %dma_start3A_407 = tpu.memref_squeeze %dma_start3A_406 : memref<1x128x64xf32, #tpu.memory_space<vmem>> -> memref<128x64xf32, #tpu.memory_space<vmem>>
          %dma_start3A_408 = arith.constant 0 : i32
          %dma_start3A_409 = tpu.memref_slice %arg7[%add3A_402, %dma_start3A_408] : memref<160x128xi32, #tpu.memory_space<vmem>> -> memref<1x128xi32, #tpu.memory_space<vmem>>
          %dma_start3A_410 = tpu.memref_squeeze %dma_start3A_409 : memref<1x128xi32, #tpu.memory_space<vmem>> -> memref<128xi32, #tpu.memory_space<vmem>>
          %dma_start3A_411 = arith.constant 0 : i32
          %dma_start3A_412 = arith.constant 0 : i32
          %dma_start3A_413 = tpu.memref_slice %arg3[%dma_start3A_411, %dma_start3A_412] : memref<10240x64xf32, #tpu.memory_space<hbm>> -> memref<10240x64xf32, #tpu.memory_space<hbm>>
          tpu.enqueue_indirect_dma source(%dma_start3A_413 : memref<10240x64xf32, #tpu.memory_space<hbm>>) target(%dma_start3A_407 : memref<128x64xf32, #tpu.memory_space<vmem>>) offsets(%dma_start3A_410 : memref<128xi32, #tpu.memory_space<vmem>>) semaphore(%arg14 : memref<!tpu.dma_semaphore, #tpu.memory_space<semaphore_mem>>)
        } else {
        }
        %add3A_380 = arith.constant 3 : i32
        %add3A_381 = arith.addi %add3A_223, %add3A_380 : i32
        %dma_wait3A_382 = arith.constant 3 : i32
        %dma_wait3A_383 = arith.constant 0 : i32
        %dma_wait3A_384 = arith.constant 0 : i32
        %dma_wait3A_385 = tpu.memref_slice %arg9[%dma_wait3A_382, %dma_wait3A_383, %dma_wait3A_384] : memref<4x128x64xf32, #tpu.memory_space<vmem>> -> memref<1x128x64xf32, #tpu.memory_space<vmem>>
        %dma_wait3A_386 = tpu.memref_squeeze %dma_wait3A_385 : memref<1x128x64xf32, #tpu.memory_space<vmem>> -> memref<128x64xf32, #tpu.memory_space<vmem>>
        %dma_wait3A_387 = arith.constant 0 : i32
        %dma_wait3A_388 = tpu.memref_slice %arg8[%add3A_381, %dma_wait3A_387] : memref<160x128xi32, #tpu.memory_space<vmem>> -> memref<1x128xi32, #tpu.memory_space<vmem>>
        %dma_wait3A_389 = tpu.memref_squeeze %dma_wait3A_388 : memref<1x128xi32, #tpu.memory_space<vmem>> -> memref<128xi32, #tpu.memory_space<vmem>>
        %dma_wait3A_390 = arith.constant 0 : i32
        %dma_wait3A_391 = arith.constant 0 : i32
        %dma_wait3A_392 = tpu.memref_slice %arg11[%dma_wait3A_390, %dma_wait3A_391] : memref<10240x64xf32, #tpu.memory_space<vmem_shared>> -> memref<10240x64xf32, #tpu.memory_space<vmem_shared>>
        tpu.wait_indirect_dma semaphore(%arg19 : memref<!tpu.dma_semaphore, #tpu.memory_space<semaphore_mem>>) src(%dma_wait3A_386 : memref<128x64xf32, #tpu.memory_space<vmem>>) dst(%dma_wait3A_392 : memref<10240x64xf32, #tpu.memory_space<vmem_shared>>)
        %lt3A_393 = arith.constant 19 : i32
        %lt3A_394 = arith.cmpi slt, %scan3A_218, %lt3A_393 : i32
        %convert_element_type3A_395 = arith.extui %lt3A_394 : i1 to i32
        %cond3A_396 = arith.constant 0 : i32
        %cond3A_397 = arith.cmpi ne, %convert_element_type3A_395, %cond3A_396 : i32
        scf.if %cond3A_397 {
          %add3A_399 = arith.constant 4 : i32
          %add3A_400 = arith.addi %add3A_223, %add3A_399 : i32
          %add3A_401 = arith.constant 3 : i32
          %add3A_402 = arith.addi %add3A_400, %add3A_401 : i32
          %dma_start3A_403 = arith.constant 3 : i32
          %dma_start3A_404 = arith.constant 0 : i32
          %dma_start3A_405 = arith.constant 0 : i32
          %dma_start3A_406 = tpu.memref_slice %arg9[%dma_start3A_403, %dma_start3A_404, %dma_start3A_405] : memref<4x128x64xf32, #tpu.memory_space<vmem>> -> memref<1x128x64xf32, #tpu.memory_space<vmem>>
          %dma_start3A_407 = tpu.memref_squeeze %dma_start3A_406 : memref<1x128x64xf32, #tpu.memory_space<vmem>> -> memref<128x64xf32, #tpu.memory_space<vmem>>
          %dma_start3A_408 = arith.constant 0 : i32
          %dma_start3A_409 = tpu.memref_slice %arg7[%add3A_402, %dma_start3A_408] : memref<160x128xi32, #tpu.memory_space<vmem>> -> memref<1x128xi32, #tpu.memory_space<vmem>>
          %dma_start3A_410 = tpu.memref_squeeze %dma_start3A_409 : memref<1x128xi32, #tpu.memory_space<vmem>> -> memref<128xi32, #tpu.memory_space<vmem>>
          %dma_start3A_411 = arith.constant 0 : i32
          %dma_start3A_412 = arith.constant 0 : i32
          %dma_start3A_413 = tpu.memref_slice %arg3[%dma_start3A_411, %dma_start3A_412] : memref<10240x64xf32, #tpu.memory_space<hbm>> -> memref<10240x64xf32, #tpu.memory_space<hbm>>
          tpu.enqueue_indirect_dma source(%dma_start3A_413 : memref<10240x64xf32, #tpu.memory_space<hbm>>) target(%dma_start3A_407 : memref<128x64xf32, #tpu.memory_space<vmem>>) offsets(%dma_start3A_410 : memref<128xi32, #tpu.memory_space<vmem>>) semaphore(%arg15 : memref<!tpu.dma_semaphore, #tpu.memory_space<semaphore_mem>>)
        } else {
        }
        %scan3A_398 = arith.constant 0 : i32
        scf.yield %scan3A_398 : i32
      }
      %scan3A_217 = arith.constant 20 : i32
    } else {
    }
    %eq3A_113 = arith.constant 1 : i32
    %eq3A_114 = arith.cmpi eq, %arg0, %eq3A_113 : i32
    %convert_element_type3A_115 = arith.extui %eq3A_114 : i1 to i32
    %cond3A_116 = arith.constant 0 : i32
    %cond3A_117 = arith.cmpi ne, %convert_element_type3A_115, %cond3A_116 : i32
    scf.if %cond3A_117 {
      %dma_start3A = arith.constant 80 : i32
      %dma_start3A_164 = arith.constant 0 : i32
      %dma_start3A_165 = arith.constant 0 : i32
      %dma_start3A_166 = arith.constant 0 : i32
      %dma_start3A_167 = tpu.memref_slice %arg9[%dma_start3A_164, %dma_start3A_165, %dma_start3A_166] : memref<4x128x64xf32, #tpu.memory_space<vmem>> -> memref<1x128x64xf32, #tpu.memory_space<vmem>>
      %dma_start3A_168 = tpu.memref_squeeze %dma_start3A_167 : memref<1x128x64xf32, #tpu.memory_space<vmem>> -> memref<128x64xf32, #tpu.memory_space<vmem>>
      %dma_start3A_169 = arith.constant 0 : i32
      %dma_start3A_170 = tpu.memref_slice %arg7[%dma_start3A, %dma_start3A_169] : memref<160x128xi32, #tpu.memory_space<vmem>> -> memref<1x128xi32, #tpu.memory_space<vmem>>
      %dma_start3A_171 = tpu.memref_squeeze %dma_start3A_170 : memref<1x128xi32, #tpu.memory_space<vmem>> -> memref<128xi32, #tpu.memory_space<vmem>>
      %dma_start3A_172 = arith.constant 0 : i32
      %dma_start3A_173 = arith.constant 0 : i32
      %dma_start3A_174 = tpu.memref_slice %arg3[%dma_start3A_172, %dma_start3A_173] : memref<10240x64xf32, #tpu.memory_space<hbm>> -> memref<10240x64xf32, #tpu.memory_space<hbm>>
      tpu.enqueue_indirect_dma source(%dma_start3A_174 : memref<10240x64xf32, #tpu.memory_space<hbm>>) target(%dma_start3A_168 : memref<128x64xf32, #tpu.memory_space<vmem>>) offsets(%dma_start3A_171 : memref<128xi32, #tpu.memory_space<vmem>>) semaphore(%arg12 : memref<!tpu.dma_semaphore, #tpu.memory_space<semaphore_mem>>)
      %dma_start3A_175 = arith.constant 81 : i32
      %dma_start3A_176 = arith.constant 1 : i32
      %dma_start3A_177 = arith.constant 0 : i32
      %dma_start3A_178 = arith.constant 0 : i32
      %dma_start3A_179 = tpu.memref_slice %arg9[%dma_start3A_176, %dma_start3A_177, %dma_start3A_178] : memref<4x128x64xf32, #tpu.memory_space<vmem>> -> memref<1x128x64xf32, #tpu.memory_space<vmem>>
      %dma_start3A_180 = tpu.memref_squeeze %dma_start3A_179 : memref<1x128x64xf32, #tpu.memory_space<vmem>> -> memref<128x64xf32, #tpu.memory_space<vmem>>
      %dma_start3A_181 = arith.constant 0 : i32
      %dma_start3A_182 = tpu.memref_slice %arg7[%dma_start3A_175, %dma_start3A_181] : memref<160x128xi32, #tpu.memory_space<vmem>> -> memref<1x128xi32, #tpu.memory_space<vmem>>
      %dma_start3A_183 = tpu.memref_squeeze %dma_start3A_182 : memref<1x128xi32, #tpu.memory_space<vmem>> -> memref<128xi32, #tpu.memory_space<vmem>>
      %dma_start3A_184 = arith.constant 0 : i32
      %dma_start3A_185 = arith.constant 0 : i32
      %dma_start3A_186 = tpu.memref_slice %arg3[%dma_start3A_184, %dma_start3A_185] : memref<10240x64xf32, #tpu.memory_space<hbm>> -> memref<10240x64xf32, #tpu.memory_space<hbm>>
      tpu.enqueue_indirect_dma source(%dma_start3A_186 : memref<10240x64xf32, #tpu.memory_space<hbm>>) target(%dma_start3A_180 : memref<128x64xf32, #tpu.memory_space<vmem>>) offsets(%dma_start3A_183 : memref<128xi32, #tpu.memory_space<vmem>>) semaphore(%arg13 : memref<!tpu.dma_semaphore, #tpu.memory_space<semaphore_mem>>)
      %dma_start3A_187 = arith.constant 82 : i32
      %dma_start3A_188 = arith.constant 2 : i32
      %dma_start3A_189 = arith.constant 0 : i32
      %dma_start3A_190 = arith.constant 0 : i32
      %dma_start3A_191 = tpu.memref_slice %arg9[%dma_start3A_188, %dma_start3A_189, %dma_start3A_190] : memref<4x128x64xf32, #tpu.memory_space<vmem>> -> memref<1x128x64xf32, #tpu.memory_space<vmem>>
      %dma_start3A_192 = tpu.memref_squeeze %dma_start3A_191 : memref<1x128x64xf32, #tpu.memory_space<vmem>> -> memref<128x64xf32, #tpu.memory_space<vmem>>
      %dma_start3A_193 = arith.constant 0 : i32
      %dma_start3A_194 = tpu.memref_slice %arg7[%dma_start3A_187, %dma_start3A_193] : memref<160x128xi32, #tpu.memory_space<vmem>> -> memref<1x128xi32, #tpu.memory_space<vmem>>
      %dma_start3A_195 = tpu.memref_squeeze %dma_start3A_194 : memref<1x128xi32, #tpu.memory_space<vmem>> -> memref<128xi32, #tpu.memory_space<vmem>>
      %dma_start3A_196 = arith.constant 0 : i32
      %dma_start3A_197 = arith.constant 0 : i32
      %dma_start3A_198 = tpu.memref_slice %arg3[%dma_start3A_196, %dma_start3A_197] : memref<10240x64xf32, #tpu.memory_space<hbm>> -> memref<10240x64xf32, #tpu.memory_space<hbm>>
      tpu.enqueue_indirect_dma source(%dma_start3A_198 : memref<10240x64xf32, #tpu.memory_space<hbm>>) target(%dma_start3A_192 : memref<128x64xf32, #tpu.memory_space<vmem>>) offsets(%dma_start3A_195 : memref<128xi32, #tpu.memory_space<vmem>>) semaphore(%arg14 : memref<!tpu.dma_semaphore, #tpu.memory_space<semaphore_mem>>)
      %dma_start3A_199 = arith.constant 83 : i32
      %dma_start3A_200 = arith.constant 3 : i32
      %dma_start3A_201 = arith.constant 0 : i32
      %dma_start3A_202 = arith.constant 0 : i32
      %dma_start3A_203 = tpu.memref_slice %arg9[%dma_start3A_200, %dma_start3A_201, %dma_start3A_202] : memref<4x128x64xf32, #tpu.memory_space<vmem>> -> memref<1x128x64xf32, #tpu.memory_space<vmem>>
      %dma_start3A_204 = tpu.memref_squeeze %dma_start3A_203 : memref<1x128x64xf32, #tpu.memory_space<vmem>> -> memref<128x64xf32, #tpu.memory_space<vmem>>
      %dma_start3A_205 = arith.constant 0 : i32
      %dma_start3A_206 = tpu.memref_slice %arg7[%dma_start3A_199, %dma_start3A_205] : memref<160x128xi32, #tpu.memory_space<vmem>> -> memref<1x128xi32, #tpu.memory_space<vmem>>
      %dma_start3A_207 = tpu.memref_squeeze %dma_start3A_206 : memref<1x128xi32, #tpu.memory_space<vmem>> -> memref<128xi32, #tpu.memory_space<vmem>>
      %dma_start3A_208 = arith.constant 0 : i32
      %dma_start3A_209 = arith.constant 0 : i32
      %dma_start3A_210 = tpu.memref_slice %arg3[%dma_start3A_208, %dma_start3A_209] : memref<10240x64xf32, #tpu.memory_space<hbm>> -> memref<10240x64xf32, #tpu.memory_space<hbm>>
      tpu.enqueue_indirect_dma source(%dma_start3A_210 : memref<10240x64xf32, #tpu.memory_space<hbm>>) target(%dma_start3A_204 : memref<128x64xf32, #tpu.memory_space<vmem>>) offsets(%dma_start3A_207 : memref<128xi32, #tpu.memory_space<vmem>>) semaphore(%arg15 : memref<!tpu.dma_semaphore, #tpu.memory_space<semaphore_mem>>)
      %scan3A_211 = arith.constant 0 : i32
      %scan3A_212 = arith.constant 0 : i32
      %scan3A_213 = arith.constant 20 : i32
      %scan3A_214 = arith.addi %scan3A_212, %scan3A_213 : i32
      %scan3A_215 = arith.constant 1 : i32
      %scan3A_216 = scf.for %scan3A_218 = %scan3A_212 to %scan3A_214 step %scan3A_215 iter_args(%scan3A_219 = %scan3A_211) -> (i32)  : i32 {
        %mul3A_220 = arith.constant 4 : i32
        %mul3A_221 = arith.muli %scan3A_218, %mul3A_220 : i32
        %add3A_222 = arith.constant 80 : i32
        %add3A_223 = arith.addi %add3A_222, %mul3A_221 : i32
        %add3A_224 = arith.constant 0 : i32
        %add3A_225 = arith.addi %add3A_223, %add3A_224 : i32
        %dma_wait3A = arith.constant 0 : i32
        %dma_wait3A_226 = arith.constant 0 : i32
        %dma_wait3A_227 = arith.constant 0 : i32
        %dma_wait3A_228 = tpu.memref_slice %arg9[%dma_wait3A, %dma_wait3A_226, %dma_wait3A_227] : memref<4x128x64xf32, #tpu.memory_space<vmem>> -> memref<1x128x64xf32, #tpu.memory_space<vmem>>
        %dma_wait3A_229 = tpu.memref_squeeze %dma_wait3A_228 : memref<1x128x64xf32, #tpu.memory_space<vmem>> -> memref<128x64xf32, #tpu.memory_space<vmem>>
        %dma_wait3A_230 = arith.constant 0 : i32
        %dma_wait3A_231 = tpu.memref_slice %arg7[%add3A_225, %dma_wait3A_230] : memref<160x128xi32, #tpu.memory_space<vmem>> -> memref<1x128xi32, #tpu.memory_space<vmem>>
        %dma_wait3A_232 = tpu.memref_squeeze %dma_wait3A_231 : memref<1x128xi32, #tpu.memory_space<vmem>> -> memref<128xi32, #tpu.memory_space<vmem>>
        %dma_wait3A_233 = arith.constant 0 : i32
        %dma_wait3A_234 = arith.constant 0 : i32
        %dma_wait3A_235 = tpu.memref_slice %arg3[%dma_wait3A_233, %dma_wait3A_234] : memref<10240x64xf32, #tpu.memory_space<hbm>> -> memref<10240x64xf32, #tpu.memory_space<hbm>>
        tpu.wait_indirect_dma semaphore(%arg12 : memref<!tpu.dma_semaphore, #tpu.memory_space<semaphore_mem>>) src(%dma_wait3A_235 : memref<10240x64xf32, #tpu.memory_space<hbm>>) dst(%dma_wait3A_229 : memref<128x64xf32, #tpu.memory_space<vmem>>)
        %add3A_236 = arith.constant 0 : i32
        %add3A_237 = arith.addi %add3A_223, %add3A_236 : i32
        %dma_start3A_238 = arith.constant 0 : i32
        %dma_start3A_239 = arith.constant 0 : i32
        %dma_start3A_240 = arith.constant 0 : i32
        %dma_start3A_241 = tpu.memref_slice %arg9[%dma_start3A_238, %dma_start3A_239, %dma_start3A_240] : memref<4x128x64xf32, #tpu.memory_space<vmem>> -> memref<1x128x64xf32, #tpu.memory_space<vmem>>
        %dma_start3A_242 = tpu.memref_squeeze %dma_start3A_241 : memref<1x128x64xf32, #tpu.memory_space<vmem>> -> memref<128x64xf32, #tpu.memory_space<vmem>>
        %dma_start3A_243 = arith.constant 0 : i32
        %dma_start3A_244 = tpu.memref_slice %arg8[%add3A_237, %dma_start3A_243] : memref<160x128xi32, #tpu.memory_space<vmem>> -> memref<1x128xi32, #tpu.memory_space<vmem>>
        %dma_start3A_245 = tpu.memref_squeeze %dma_start3A_244 : memref<1x128xi32, #tpu.memory_space<vmem>> -> memref<128xi32, #tpu.memory_space<vmem>>
        %dma_start3A_246 = arith.constant 0 : i32
        %dma_start3A_247 = arith.constant 0 : i32
        %dma_start3A_248 = tpu.memref_slice %arg11[%dma_start3A_246, %dma_start3A_247] : memref<10240x64xf32, #tpu.memory_space<vmem_shared>> -> memref<10240x64xf32, #tpu.memory_space<vmem_shared>>
        tpu.enqueue_indirect_dma source(%dma_start3A_242 : memref<128x64xf32, #tpu.memory_space<vmem>>) target(%dma_start3A_248 : memref<10240x64xf32, #tpu.memory_space<vmem_shared>>) offsets(%dma_start3A_245 : memref<128xi32, #tpu.memory_space<vmem>>) semaphore(%arg16 : memref<!tpu.dma_semaphore, #tpu.memory_space<semaphore_mem>>) {add = true}
        %add3A_249 = arith.constant 1 : i32
        %add3A_250 = arith.addi %add3A_223, %add3A_249 : i32
        %dma_wait3A_251 = arith.constant 1 : i32
        %dma_wait3A_252 = arith.constant 0 : i32
        %dma_wait3A_253 = arith.constant 0 : i32
        %dma_wait3A_254 = tpu.memref_slice %arg9[%dma_wait3A_251, %dma_wait3A_252, %dma_wait3A_253] : memref<4x128x64xf32, #tpu.memory_space<vmem>> -> memref<1x128x64xf32, #tpu.memory_space<vmem>>
        %dma_wait3A_255 = tpu.memref_squeeze %dma_wait3A_254 : memref<1x128x64xf32, #tpu.memory_space<vmem>> -> memref<128x64xf32, #tpu.memory_space<vmem>>
        %dma_wait3A_256 = arith.constant 0 : i32
        %dma_wait3A_257 = tpu.memref_slice %arg7[%add3A_250, %dma_wait3A_256] : memref<160x128xi32, #tpu.memory_space<vmem>> -> memref<1x128xi32, #tpu.memory_space<vmem>>
        %dma_wait3A_258 = tpu.memref_squeeze %dma_wait3A_257 : memref<1x128xi32, #tpu.memory_space<vmem>> -> memref<128xi32, #tpu.memory_space<vmem>>
        %dma_wait3A_259 = arith.constant 0 : i32
        %dma_wait3A_260 = arith.constant 0 : i32
        %dma_wait3A_261 = tpu.memref_slice %arg3[%dma_wait3A_259, %dma_wait3A_260] : memref<10240x64xf32, #tpu.memory_space<hbm>> -> memref<10240x64xf32, #tpu.memory_space<hbm>>
        tpu.wait_indirect_dma semaphore(%arg13 : memref<!tpu.dma_semaphore, #tpu.memory_space<semaphore_mem>>) src(%dma_wait3A_261 : memref<10240x64xf32, #tpu.memory_space<hbm>>) dst(%dma_wait3A_255 : memref<128x64xf32, #tpu.memory_space<vmem>>)
        %add3A_262 = arith.constant 1 : i32
        %add3A_263 = arith.addi %add3A_223, %add3A_262 : i32
        %dma_start3A_264 = arith.constant 1 : i32
        %dma_start3A_265 = arith.constant 0 : i32
        %dma_start3A_266 = arith.constant 0 : i32
        %dma_start3A_267 = tpu.memref_slice %arg9[%dma_start3A_264, %dma_start3A_265, %dma_start3A_266] : memref<4x128x64xf32, #tpu.memory_space<vmem>> -> memref<1x128x64xf32, #tpu.memory_space<vmem>>
        %dma_start3A_268 = tpu.memref_squeeze %dma_start3A_267 : memref<1x128x64xf32, #tpu.memory_space<vmem>> -> memref<128x64xf32, #tpu.memory_space<vmem>>
        %dma_start3A_269 = arith.constant 0 : i32
        %dma_start3A_270 = tpu.memref_slice %arg8[%add3A_263, %dma_start3A_269] : memref<160x128xi32, #tpu.memory_space<vmem>> -> memref<1x128xi32, #tpu.memory_space<vmem>>
        %dma_start3A_271 = tpu.memref_squeeze %dma_start3A_270 : memref<1x128xi32, #tpu.memory_space<vmem>> -> memref<128xi32, #tpu.memory_space<vmem>>
        %dma_start3A_272 = arith.constant 0 : i32
        %dma_start3A_273 = arith.constant 0 : i32
        %dma_start3A_274 = tpu.memref_slice %arg11[%dma_start3A_272, %dma_start3A_273] : memref<10240x64xf32, #tpu.memory_space<vmem_shared>> -> memref<10240x64xf32, #tpu.memory_space<vmem_shared>>
        tpu.enqueue_indirect_dma source(%dma_start3A_268 : memref<128x64xf32, #tpu.memory_space<vmem>>) target(%dma_start3A_274 : memref<10240x64xf32, #tpu.memory_space<vmem_shared>>) offsets(%dma_start3A_271 : memref<128xi32, #tpu.memory_space<vmem>>) semaphore(%arg17 : memref<!tpu.dma_semaphore, #tpu.memory_space<semaphore_mem>>) {add = true}
        %add3A_275 = arith.constant 2 : i32
        %add3A_276 = arith.addi %add3A_223, %add3A_275 : i32
        %dma_wait3A_277 = arith.constant 2 : i32
        %dma_wait3A_278 = arith.constant 0 : i32
        %dma_wait3A_279 = arith.constant 0 : i32
        %dma_wait3A_280 = tpu.memref_slice %arg9[%dma_wait3A_277, %dma_wait3A_278, %dma_wait3A_279] : memref<4x128x64xf32, #tpu.memory_space<vmem>> -> memref<1x128x64xf32, #tpu.memory_space<vmem>>
        %dma_wait3A_281 = tpu.memref_squeeze %dma_wait3A_280 : memref<1x128x64xf32, #tpu.memory_space<vmem>> -> memref<128x64xf32, #tpu.memory_space<vmem>>
        %dma_wait3A_282 = arith.constant 0 : i32
        %dma_wait3A_283 = tpu.memref_slice %arg7[%add3A_276, %dma_wait3A_282] : memref<160x128xi32, #tpu.memory_space<vmem>> -> memref<1x128xi32, #tpu.memory_space<vmem>>
        %dma_wait3A_284 = tpu.memref_squeeze %dma_wait3A_283 : memref<1x128xi32, #tpu.memory_space<vmem>> -> memref<128xi32, #tpu.memory_space<vmem>>
        %dma_wait3A_285 = arith.constant 0 : i32
        %dma_wait3A_286 = arith.constant 0 : i32
        %dma_wait3A_287 = tpu.memref_slice %arg3[%dma_wait3A_285, %dma_wait3A_286] : memref<10240x64xf32, #tpu.memory_space<hbm>> -> memref<10240x64xf32, #tpu.memory_space<hbm>>
        tpu.wait_indirect_dma semaphore(%arg14 : memref<!tpu.dma_semaphore, #tpu.memory_space<semaphore_mem>>) src(%dma_wait3A_287 : memref<10240x64xf32, #tpu.memory_space<hbm>>) dst(%dma_wait3A_281 : memref<128x64xf32, #tpu.memory_space<vmem>>)
        %add3A_288 = arith.constant 2 : i32
        %add3A_289 = arith.addi %add3A_223, %add3A_288 : i32
        %dma_start3A_290 = arith.constant 2 : i32
        %dma_start3A_291 = arith.constant 0 : i32
        %dma_start3A_292 = arith.constant 0 : i32
        %dma_start3A_293 = tpu.memref_slice %arg9[%dma_start3A_290, %dma_start3A_291, %dma_start3A_292] : memref<4x128x64xf32, #tpu.memory_space<vmem>> -> memref<1x128x64xf32, #tpu.memory_space<vmem>>
        %dma_start3A_294 = tpu.memref_squeeze %dma_start3A_293 : memref<1x128x64xf32, #tpu.memory_space<vmem>> -> memref<128x64xf32, #tpu.memory_space<vmem>>
        %dma_start3A_295 = arith.constant 0 : i32
        %dma_start3A_296 = tpu.memref_slice %arg8[%add3A_289, %dma_start3A_295] : memref<160x128xi32, #tpu.memory_space<vmem>> -> memref<1x128xi32, #tpu.memory_space<vmem>>
        %dma_start3A_297 = tpu.memref_squeeze %dma_start3A_296 : memref<1x128xi32, #tpu.memory_space<vmem>> -> memref<128xi32, #tpu.memory_space<vmem>>
        %dma_start3A_298 = arith.constant 0 : i32
        %dma_start3A_299 = arith.constant 0 : i32
        %dma_start3A_300 = tpu.memref_slice %arg11[%dma_start3A_298, %dma_start3A_299] : memref<10240x64xf32, #tpu.memory_space<vmem_shared>> -> memref<10240x64xf32, #tpu.memory_space<vmem_shared>>
        tpu.enqueue_indirect_dma source(%dma_start3A_294 : memref<128x64xf32, #tpu.memory_space<vmem>>) target(%dma_start3A_300 : memref<10240x64xf32, #tpu.memory_space<vmem_shared>>) offsets(%dma_start3A_297 : memref<128xi32, #tpu.memory_space<vmem>>) semaphore(%arg18 : memref<!tpu.dma_semaphore, #tpu.memory_space<semaphore_mem>>) {add = true}
        %add3A_301 = arith.constant 3 : i32
        %add3A_302 = arith.addi %add3A_223, %add3A_301 : i32
        %dma_wait3A_303 = arith.constant 3 : i32
        %dma_wait3A_304 = arith.constant 0 : i32
        %dma_wait3A_305 = arith.constant 0 : i32
        %dma_wait3A_306 = tpu.memref_slice %arg9[%dma_wait3A_303, %dma_wait3A_304, %dma_wait3A_305] : memref<4x128x64xf32, #tpu.memory_space<vmem>> -> memref<1x128x64xf32, #tpu.memory_space<vmem>>
        %dma_wait3A_307 = tpu.memref_squeeze %dma_wait3A_306 : memref<1x128x64xf32, #tpu.memory_space<vmem>> -> memref<128x64xf32, #tpu.memory_space<vmem>>
        %dma_wait3A_308 = arith.constant 0 : i32
        %dma_wait3A_309 = tpu.memref_slice %arg7[%add3A_302, %dma_wait3A_308] : memref<160x128xi32, #tpu.memory_space<vmem>> -> memref<1x128xi32, #tpu.memory_space<vmem>>
        %dma_wait3A_310 = tpu.memref_squeeze %dma_wait3A_309 : memref<1x128xi32, #tpu.memory_space<vmem>> -> memref<128xi32, #tpu.memory_space<vmem>>
        %dma_wait3A_311 = arith.constant 0 : i32
        %dma_wait3A_312 = arith.constant 0 : i32
        %dma_wait3A_313 = tpu.memref_slice %arg3[%dma_wait3A_311, %dma_wait3A_312] : memref<10240x64xf32, #tpu.memory_space<hbm>> -> memref<10240x64xf32, #tpu.memory_space<hbm>>
        tpu.wait_indirect_dma semaphore(%arg15 : memref<!tpu.dma_semaphore, #tpu.memory_space<semaphore_mem>>) src(%dma_wait3A_313 : memref<10240x64xf32, #tpu.memory_space<hbm>>) dst(%dma_wait3A_307 : memref<128x64xf32, #tpu.memory_space<vmem>>)
        %add3A_314 = arith.constant 3 : i32
        %add3A_315 = arith.addi %add3A_223, %add3A_314 : i32
        %dma_start3A_316 = arith.constant 3 : i32
        %dma_start3A_317 = arith.constant 0 : i32
        %dma_start3A_318 = arith.constant 0 : i32
        %dma_start3A_319 = tpu.memref_slice %arg9[%dma_start3A_316, %dma_start3A_317, %dma_start3A_318] : memref<4x128x64xf32, #tpu.memory_space<vmem>> -> memref<1x128x64xf32, #tpu.memory_space<vmem>>
        %dma_start3A_320 = tpu.memref_squeeze %dma_start3A_319 : memref<1x128x64xf32, #tpu.memory_space<vmem>> -> memref<128x64xf32, #tpu.memory_space<vmem>>
        %dma_start3A_321 = arith.constant 0 : i32
        %dma_start3A_322 = tpu.memref_slice %arg8[%add3A_315, %dma_start3A_321] : memref<160x128xi32, #tpu.memory_space<vmem>> -> memref<1x128xi32, #tpu.memory_space<vmem>>
        %dma_start3A_323 = tpu.memref_squeeze %dma_start3A_322 : memref<1x128xi32, #tpu.memory_space<vmem>> -> memref<128xi32, #tpu.memory_space<vmem>>
        %dma_start3A_324 = arith.constant 0 : i32
        %dma_start3A_325 = arith.constant 0 : i32
        %dma_start3A_326 = tpu.memref_slice %arg11[%dma_start3A_324, %dma_start3A_325] : memref<10240x64xf32, #tpu.memory_space<vmem_shared>> -> memref<10240x64xf32, #tpu.memory_space<vmem_shared>>
        tpu.enqueue_indirect_dma source(%dma_start3A_320 : memref<128x64xf32, #tpu.memory_space<vmem>>) target(%dma_start3A_326 : memref<10240x64xf32, #tpu.memory_space<vmem_shared>>) offsets(%dma_start3A_323 : memref<128xi32, #tpu.memory_space<vmem>>) semaphore(%arg19 : memref<!tpu.dma_semaphore, #tpu.memory_space<semaphore_mem>>) {add = true}
        %add3A_327 = arith.constant 0 : i32
        %add3A_328 = arith.addi %add3A_223, %add3A_327 : i32
        %dma_wait3A_329 = arith.constant 0 : i32
        %dma_wait3A_330 = arith.constant 0 : i32
        %dma_wait3A_331 = arith.constant 0 : i32
        %dma_wait3A_332 = tpu.memref_slice %arg9[%dma_wait3A_329, %dma_wait3A_330, %dma_wait3A_331] : memref<4x128x64xf32, #tpu.memory_space<vmem>> -> memref<1x128x64xf32, #tpu.memory_space<vmem>>
        %dma_wait3A_333 = tpu.memref_squeeze %dma_wait3A_332 : memref<1x128x64xf32, #tpu.memory_space<vmem>> -> memref<128x64xf32, #tpu.memory_space<vmem>>
        %dma_wait3A_334 = arith.constant 0 : i32
        %dma_wait3A_335 = tpu.memref_slice %arg8[%add3A_328, %dma_wait3A_334] : memref<160x128xi32, #tpu.memory_space<vmem>> -> memref<1x128xi32, #tpu.memory_space<vmem>>
        %dma_wait3A_336 = tpu.memref_squeeze %dma_wait3A_335 : memref<1x128xi32, #tpu.memory_space<vmem>> -> memref<128xi32, #tpu.memory_space<vmem>>
        %dma_wait3A_337 = arith.constant 0 : i32
        %dma_wait3A_338 = arith.constant 0 : i32
        %dma_wait3A_339 = tpu.memref_slice %arg11[%dma_wait3A_337, %dma_wait3A_338] : memref<10240x64xf32, #tpu.memory_space<vmem_shared>> -> memref<10240x64xf32, #tpu.memory_space<vmem_shared>>
        tpu.wait_indirect_dma semaphore(%arg16 : memref<!tpu.dma_semaphore, #tpu.memory_space<semaphore_mem>>) src(%dma_wait3A_333 : memref<128x64xf32, #tpu.memory_space<vmem>>) dst(%dma_wait3A_339 : memref<10240x64xf32, #tpu.memory_space<vmem_shared>>)
        %lt3A = arith.constant 19 : i32
        %lt3A_340 = arith.cmpi slt, %scan3A_218, %lt3A : i32
        %convert_element_type3A_341 = arith.extui %lt3A_340 : i1 to i32
        %cond3A_342 = arith.constant 0 : i32
        %cond3A_343 = arith.cmpi ne, %convert_element_type3A_341, %cond3A_342 : i32
        scf.if %cond3A_343 {
          %add3A_399 = arith.constant 4 : i32
          %add3A_400 = arith.addi %add3A_223, %add3A_399 : i32
          %add3A_401 = arith.constant 0 : i32
          %add3A_402 = arith.addi %add3A_400, %add3A_401 : i32
          %dma_start3A_403 = arith.constant 0 : i32
          %dma_start3A_404 = arith.constant 0 : i32
          %dma_start3A_405 = arith.constant 0 : i32
          %dma_start3A_406 = tpu.memref_slice %arg9[%dma_start3A_403, %dma_start3A_404, %dma_start3A_405] : memref<4x128x64xf32, #tpu.memory_space<vmem>> -> memref<1x128x64xf32, #tpu.memory_space<vmem>>
          %dma_start3A_407 = tpu.memref_squeeze %dma_start3A_406 : memref<1x128x64xf32, #tpu.memory_space<vmem>> -> memref<128x64xf32, #tpu.memory_space<vmem>>
          %dma_start3A_408 = arith.constant 0 : i32
          %dma_start3A_409 = tpu.memref_slice %arg7[%add3A_402, %dma_start3A_408] : memref<160x128xi32, #tpu.memory_space<vmem>> -> memref<1x128xi32, #tpu.memory_space<vmem>>
          %dma_start3A_410 = tpu.memref_squeeze %dma_start3A_409 : memref<1x128xi32, #tpu.memory_space<vmem>> -> memref<128xi32, #tpu.memory_space<vmem>>
          %dma_start3A_411 = arith.constant 0 : i32
          %dma_start3A_412 = arith.constant 0 : i32
          %dma_start3A_413 = tpu.memref_slice %arg3[%dma_start3A_411, %dma_start3A_412] : memref<10240x64xf32, #tpu.memory_space<hbm>> -> memref<10240x64xf32, #tpu.memory_space<hbm>>
          tpu.enqueue_indirect_dma source(%dma_start3A_413 : memref<10240x64xf32, #tpu.memory_space<hbm>>) target(%dma_start3A_407 : memref<128x64xf32, #tpu.memory_space<vmem>>) offsets(%dma_start3A_410 : memref<128xi32, #tpu.memory_space<vmem>>) semaphore(%arg12 : memref<!tpu.dma_semaphore, #tpu.memory_space<semaphore_mem>>)
        } else {
        }
        %add3A_344 = arith.constant 1 : i32
        %add3A_345 = arith.addi %add3A_223, %add3A_344 : i32
        %dma_wait3A_346 = arith.constant 1 : i32
        %dma_wait3A_347 = arith.constant 0 : i32
        %dma_wait3A_348 = arith.constant 0 : i32
        %dma_wait3A_349 = tpu.memref_slice %arg9[%dma_wait3A_346, %dma_wait3A_347, %dma_wait3A_348] : memref<4x128x64xf32, #tpu.memory_space<vmem>> -> memref<1x128x64xf32, #tpu.memory_space<vmem>>
        %dma_wait3A_350 = tpu.memref_squeeze %dma_wait3A_349 : memref<1x128x64xf32, #tpu.memory_space<vmem>> -> memref<128x64xf32, #tpu.memory_space<vmem>>
        %dma_wait3A_351 = arith.constant 0 : i32
        %dma_wait3A_352 = tpu.memref_slice %arg8[%add3A_345, %dma_wait3A_351] : memref<160x128xi32, #tpu.memory_space<vmem>> -> memref<1x128xi32, #tpu.memory_space<vmem>>
        %dma_wait3A_353 = tpu.memref_squeeze %dma_wait3A_352 : memref<1x128xi32, #tpu.memory_space<vmem>> -> memref<128xi32, #tpu.memory_space<vmem>>
        %dma_wait3A_354 = arith.constant 0 : i32
        %dma_wait3A_355 = arith.constant 0 : i32
        %dma_wait3A_356 = tpu.memref_slice %arg11[%dma_wait3A_354, %dma_wait3A_355] : memref<10240x64xf32, #tpu.memory_space<vmem_shared>> -> memref<10240x64xf32, #tpu.memory_space<vmem_shared>>
        tpu.wait_indirect_dma semaphore(%arg17 : memref<!tpu.dma_semaphore, #tpu.memory_space<semaphore_mem>>) src(%dma_wait3A_350 : memref<128x64xf32, #tpu.memory_space<vmem>>) dst(%dma_wait3A_356 : memref<10240x64xf32, #tpu.memory_space<vmem_shared>>)
        %lt3A_357 = arith.constant 19 : i32
        %lt3A_358 = arith.cmpi slt, %scan3A_218, %lt3A_357 : i32
        %convert_element_type3A_359 = arith.extui %lt3A_358 : i1 to i32
        %cond3A_360 = arith.constant 0 : i32
        %cond3A_361 = arith.cmpi ne, %convert_element_type3A_359, %cond3A_360 : i32
        scf.if %cond3A_361 {
          %add3A_399 = arith.constant 4 : i32
          %add3A_400 = arith.addi %add3A_223, %add3A_399 : i32
          %add3A_401 = arith.constant 1 : i32
          %add3A_402 = arith.addi %add3A_400, %add3A_401 : i32
          %dma_start3A_403 = arith.constant 1 : i32
          %dma_start3A_404 = arith.constant 0 : i32
          %dma_start3A_405 = arith.constant 0 : i32
          %dma_start3A_406 = tpu.memref_slice %arg9[%dma_start3A_403, %dma_start3A_404, %dma_start3A_405] : memref<4x128x64xf32, #tpu.memory_space<vmem>> -> memref<1x128x64xf32, #tpu.memory_space<vmem>>
          %dma_start3A_407 = tpu.memref_squeeze %dma_start3A_406 : memref<1x128x64xf32, #tpu.memory_space<vmem>> -> memref<128x64xf32, #tpu.memory_space<vmem>>
          %dma_start3A_408 = arith.constant 0 : i32
          %dma_start3A_409 = tpu.memref_slice %arg7[%add3A_402, %dma_start3A_408] : memref<160x128xi32, #tpu.memory_space<vmem>> -> memref<1x128xi32, #tpu.memory_space<vmem>>
          %dma_start3A_410 = tpu.memref_squeeze %dma_start3A_409 : memref<1x128xi32, #tpu.memory_space<vmem>> -> memref<128xi32, #tpu.memory_space<vmem>>
          %dma_start3A_411 = arith.constant 0 : i32
          %dma_start3A_412 = arith.constant 0 : i32
          %dma_start3A_413 = tpu.memref_slice %arg3[%dma_start3A_411, %dma_start3A_412] : memref<10240x64xf32, #tpu.memory_space<hbm>> -> memref<10240x64xf32, #tpu.memory_space<hbm>>
          tpu.enqueue_indirect_dma source(%dma_start3A_413 : memref<10240x64xf32, #tpu.memory_space<hbm>>) target(%dma_start3A_407 : memref<128x64xf32, #tpu.memory_space<vmem>>) offsets(%dma_start3A_410 : memref<128xi32, #tpu.memory_space<vmem>>) semaphore(%arg13 : memref<!tpu.dma_semaphore, #tpu.memory_space<semaphore_mem>>)
        } else {
        }
        %add3A_362 = arith.constant 2 : i32
        %add3A_363 = arith.addi %add3A_223, %add3A_362 : i32
        %dma_wait3A_364 = arith.constant 2 : i32
        %dma_wait3A_365 = arith.constant 0 : i32
        %dma_wait3A_366 = arith.constant 0 : i32
        %dma_wait3A_367 = tpu.memref_slice %arg9[%dma_wait3A_364, %dma_wait3A_365, %dma_wait3A_366] : memref<4x128x64xf32, #tpu.memory_space<vmem>> -> memref<1x128x64xf32, #tpu.memory_space<vmem>>
        %dma_wait3A_368 = tpu.memref_squeeze %dma_wait3A_367 : memref<1x128x64xf32, #tpu.memory_space<vmem>> -> memref<128x64xf32, #tpu.memory_space<vmem>>
        %dma_wait3A_369 = arith.constant 0 : i32
        %dma_wait3A_370 = tpu.memref_slice %arg8[%add3A_363, %dma_wait3A_369] : memref<160x128xi32, #tpu.memory_space<vmem>> -> memref<1x128xi32, #tpu.memory_space<vmem>>
        %dma_wait3A_371 = tpu.memref_squeeze %dma_wait3A_370 : memref<1x128xi32, #tpu.memory_space<vmem>> -> memref<128xi32, #tpu.memory_space<vmem>>
        %dma_wait3A_372 = arith.constant 0 : i32
        %dma_wait3A_373 = arith.constant 0 : i32
        %dma_wait3A_374 = tpu.memref_slice %arg11[%dma_wait3A_372, %dma_wait3A_373] : memref<10240x64xf32, #tpu.memory_space<vmem_shared>> -> memref<10240x64xf32, #tpu.memory_space<vmem_shared>>
        tpu.wait_indirect_dma semaphore(%arg18 : memref<!tpu.dma_semaphore, #tpu.memory_space<semaphore_mem>>) src(%dma_wait3A_368 : memref<128x64xf32, #tpu.memory_space<vmem>>) dst(%dma_wait3A_374 : memref<10240x64xf32, #tpu.memory_space<vmem_shared>>)
        %lt3A_375 = arith.constant 19 : i32
        %lt3A_376 = arith.cmpi slt, %scan3A_218, %lt3A_375 : i32
        %convert_element_type3A_377 = arith.extui %lt3A_376 : i1 to i32
        %cond3A_378 = arith.constant 0 : i32
        %cond3A_379 = arith.cmpi ne, %convert_element_type3A_377, %cond3A_378 : i32
        scf.if %cond3A_379 {
          %add3A_399 = arith.constant 4 : i32
          %add3A_400 = arith.addi %add3A_223, %add3A_399 : i32
          %add3A_401 = arith.constant 2 : i32
          %add3A_402 = arith.addi %add3A_400, %add3A_401 : i32
          %dma_start3A_403 = arith.constant 2 : i32
          %dma_start3A_404 = arith.constant 0 : i32
          %dma_start3A_405 = arith.constant 0 : i32
          %dma_start3A_406 = tpu.memref_slice %arg9[%dma_start3A_403, %dma_start3A_404, %dma_start3A_405] : memref<4x128x64xf32, #tpu.memory_space<vmem>> -> memref<1x128x64xf32, #tpu.memory_space<vmem>>
          %dma_start3A_407 = tpu.memref_squeeze %dma_start3A_406 : memref<1x128x64xf32, #tpu.memory_space<vmem>> -> memref<128x64xf32, #tpu.memory_space<vmem>>
          %dma_start3A_408 = arith.constant 0 : i32
          %dma_start3A_409 = tpu.memref_slice %arg7[%add3A_402, %dma_start3A_408] : memref<160x128xi32, #tpu.memory_space<vmem>> -> memref<1x128xi32, #tpu.memory_space<vmem>>
          %dma_start3A_410 = tpu.memref_squeeze %dma_start3A_409 : memref<1x128xi32, #tpu.memory_space<vmem>> -> memref<128xi32, #tpu.memory_space<vmem>>
          %dma_start3A_411 = arith.constant 0 : i32
          %dma_start3A_412 = arith.constant 0 : i32
          %dma_start3A_413 = tpu.memref_slice %arg3[%dma_start3A_411, %dma_start3A_412] : memref<10240x64xf32, #tpu.memory_space<hbm>> -> memref<10240x64xf32, #tpu.memory_space<hbm>>
          tpu.enqueue_indirect_dma source(%dma_start3A_413 : memref<10240x64xf32, #tpu.memory_space<hbm>>) target(%dma_start3A_407 : memref<128x64xf32, #tpu.memory_space<vmem>>) offsets(%dma_start3A_410 : memref<128xi32, #tpu.memory_space<vmem>>) semaphore(%arg14 : memref<!tpu.dma_semaphore, #tpu.memory_space<semaphore_mem>>)
        } else {
        }
        %add3A_380 = arith.constant 3 : i32
        %add3A_381 = arith.addi %add3A_223, %add3A_380 : i32
        %dma_wait3A_382 = arith.constant 3 : i32
        %dma_wait3A_383 = arith.constant 0 : i32
        %dma_wait3A_384 = arith.constant 0 : i32
        %dma_wait3A_385 = tpu.memref_slice %arg9[%dma_wait3A_382, %dma_wait3A_383, %dma_wait3A_384] : memref<4x128x64xf32, #tpu.memory_space<vmem>> -> memref<1x128x64xf32, #tpu.memory_space<vmem>>
        %dma_wait3A_386 = tpu.memref_squeeze %dma_wait3A_385 : memref<1x128x64xf32, #tpu.memory_space<vmem>> -> memref<128x64xf32, #tpu.memory_space<vmem>>
        %dma_wait3A_387 = arith.constant 0 : i32
        %dma_wait3A_388 = tpu.memref_slice %arg8[%add3A_381, %dma_wait3A_387] : memref<160x128xi32, #tpu.memory_space<vmem>> -> memref<1x128xi32, #tpu.memory_space<vmem>>
        %dma_wait3A_389 = tpu.memref_squeeze %dma_wait3A_388 : memref<1x128xi32, #tpu.memory_space<vmem>> -> memref<128xi32, #tpu.memory_space<vmem>>
        %dma_wait3A_390 = arith.constant 0 : i32
        %dma_wait3A_391 = arith.constant 0 : i32
        %dma_wait3A_392 = tpu.memref_slice %arg11[%dma_wait3A_390, %dma_wait3A_391] : memref<10240x64xf32, #tpu.memory_space<vmem_shared>> -> memref<10240x64xf32, #tpu.memory_space<vmem_shared>>
        tpu.wait_indirect_dma semaphore(%arg19 : memref<!tpu.dma_semaphore, #tpu.memory_space<semaphore_mem>>) src(%dma_wait3A_386 : memref<128x64xf32, #tpu.memory_space<vmem>>) dst(%dma_wait3A_392 : memref<10240x64xf32, #tpu.memory_space<vmem_shared>>)
        %lt3A_393 = arith.constant 19 : i32
        %lt3A_394 = arith.cmpi slt, %scan3A_218, %lt3A_393 : i32
        %convert_element_type3A_395 = arith.extui %lt3A_394 : i1 to i32
        %cond3A_396 = arith.constant 0 : i32
        %cond3A_397 = arith.cmpi ne, %convert_element_type3A_395, %cond3A_396 : i32
        scf.if %cond3A_397 {
          %add3A_399 = arith.constant 4 : i32
          %add3A_400 = arith.addi %add3A_223, %add3A_399 : i32
          %add3A_401 = arith.constant 3 : i32
          %add3A_402 = arith.addi %add3A_400, %add3A_401 : i32
          %dma_start3A_403 = arith.constant 3 : i32
          %dma_start3A_404 = arith.constant 0 : i32
          %dma_start3A_405 = arith.constant 0 : i32
          %dma_start3A_406 = tpu.memref_slice %arg9[%dma_start3A_403, %dma_start3A_404, %dma_start3A_405] : memref<4x128x64xf32, #tpu.memory_space<vmem>> -> memref<1x128x64xf32, #tpu.memory_space<vmem>>
          %dma_start3A_407 = tpu.memref_squeeze %dma_start3A_406 : memref<1x128x64xf32, #tpu.memory_space<vmem>> -> memref<128x64xf32, #tpu.memory_space<vmem>>
          %dma_start3A_408 = arith.constant 0 : i32
          %dma_start3A_409 = tpu.memref_slice %arg7[%add3A_402, %dma_start3A_408] : memref<160x128xi32, #tpu.memory_space<vmem>> -> memref<1x128xi32, #tpu.memory_space<vmem>>
          %dma_start3A_410 = tpu.memref_squeeze %dma_start3A_409 : memref<1x128xi32, #tpu.memory_space<vmem>> -> memref<128xi32, #tpu.memory_space<vmem>>
          %dma_start3A_411 = arith.constant 0 : i32
          %dma_start3A_412 = arith.constant 0 : i32
          %dma_start3A_413 = tpu.memref_slice %arg3[%dma_start3A_411, %dma_start3A_412] : memref<10240x64xf32, #tpu.memory_space<hbm>> -> memref<10240x64xf32, #tpu.memory_space<hbm>>
          tpu.enqueue_indirect_dma source(%dma_start3A_413 : memref<10240x64xf32, #tpu.memory_space<hbm>>) target(%dma_start3A_407 : memref<128x64xf32, #tpu.memory_space<vmem>>) offsets(%dma_start3A_410 : memref<128xi32, #tpu.memory_space<vmem>>) semaphore(%arg15 : memref<!tpu.dma_semaphore, #tpu.memory_space<semaphore_mem>>)
        } else {
        }
        %scan3A_398 = arith.constant 0 : i32
        scf.yield %scan3A_398 : i32
      }
      %scan3A_217 = arith.constant 20 : i32
    } else {
    }
    %barrier3A_118 = arith.constant 0 : index
    tpu.barrier barrier_id(%barrier3A_118)
    %mul3A_119 = arith.constant 640 : i32
    %mul3A_120 = arith.muli %arg1, %mul3A_119 : i32
    %add3A_121 = arith.constant 0 : i32
    %add3A_122 = arith.addi %mul3A_120, %add3A_121 : i32
    %mul3A_123 = arith.constant 640 : i32
    %mul3A_124 = arith.muli %arg1, %mul3A_123 : i32
    %add3A_125 = arith.constant 0 : i32
    %add3A_126 = arith.addi %mul3A_124, %add3A_125 : i32
    %run_scoped3A_127 = arith.constant 1 : i32
    "tpu.region"() ({
      %run_scoped3A_164 = tpu.sem_alloc : memref<!tpu.dma_semaphore, #tpu.memory_space<semaphore_mem>>
      %dma_start3A = arith.constant 0 : i32
      %dma_start3A_165 = tpu.memref_slice %arg6[%run_scoped3A_127, %arg0, %add3A_126, %dma_start3A] : memref<2x2x10240x64xf32, #tpu.memory_space<hbm>> -> memref<1x1x128x64xf32, #tpu.memory_space<hbm>>
      %dma_start3A_166 = tpu.memref_squeeze %dma_start3A_165 : memref<1x1x128x64xf32, #tpu.memory_space<hbm>> -> memref<128x64xf32, #tpu.memory_space<hbm>>
      %dma_start3A_167 = arith.constant 0 : i32
      %dma_start3A_168 = tpu.memref_slice %arg11[%add3A_122, %dma_start3A_167] : memref<10240x64xf32, #tpu.memory_space<vmem_shared>> -> memref<128x64xf32, #tpu.memory_space<vmem_shared>>
      tpu.enqueue_dma source(%dma_start3A_168 : memref<128x64xf32, #tpu.memory_space<vmem_shared>>) target(%dma_start3A_166 : memref<128x64xf32, #tpu.memory_space<hbm>>) target_semaphore(%run_scoped3A_164 : memref<!tpu.dma_semaphore, #tpu.memory_space<semaphore_mem>>)
      %dma_wait3A = arith.constant 0 : i32
      %dma_wait3A_169 = tpu.memref_slice %arg6[%run_scoped3A_127, %arg0, %add3A_126, %dma_wait3A] : memref<2x2x10240x64xf32, #tpu.memory_space<hbm>> -> memref<1x1x128x64xf32, #tpu.memory_space<hbm>>
      %dma_wait3A_170 = tpu.memref_squeeze %dma_wait3A_169 : memref<1x1x128x64xf32, #tpu.memory_space<hbm>> -> memref<128x64xf32, #tpu.memory_space<hbm>>
      %dma_wait3A_171 = arith.constant 0 : i32
      %dma_wait3A_172 = tpu.memref_slice %arg11[%add3A_122, %dma_wait3A_171] : memref<10240x64xf32, #tpu.memory_space<vmem_shared>> -> memref<128x64xf32, #tpu.memory_space<vmem_shared>>
      tpu.wait_dma2 semaphore(%run_scoped3A_164 : memref<!tpu.dma_semaphore, #tpu.memory_space<semaphore_mem>>) src(%dma_wait3A_172 : memref<128x64xf32, #tpu.memory_space<vmem_shared>>) dst(%dma_wait3A_170 : memref<128x64xf32, #tpu.memory_space<hbm>>)
      tpu.yield
    }) : () -> ()
    %mul3A_128 = arith.constant 640 : i32
    %mul3A_129 = arith.muli %arg1, %mul3A_128 : i32
    %add3A_130 = arith.constant 128 : i32
    %add3A_131 = arith.addi %mul3A_129, %add3A_130 : i32
    %mul3A_132 = arith.constant 640 : i32
    %mul3A_133 = arith.muli %arg1, %mul3A_132 : i32
    %add3A_134 = arith.constant 128 : i32
    %add3A_135 = arith.addi %mul3A_133, %add3A_134 : i32
    %run_scoped3A_136 = arith.constant 1 : i32
    "tpu.region"() ({
      %run_scoped3A_164 = tpu.sem_alloc : memref<!tpu.dma_semaphore, #tpu.memory_space<semaphore_mem>>
      %dma_start3A = arith.constant 0 : i32
      %dma_start3A_165 = tpu.memref_slice %arg6[%run_scoped3A_136, %arg0, %add3A_135, %dma_start3A] : memref<2x2x10240x64xf32, #tpu.memory_space<hbm>> -> memref<1x1x128x64xf32, #tpu.memory_space<hbm>>
      %dma_start3A_166 = tpu.memref_squeeze %dma_start3A_165 : memref<1x1x128x64xf32, #tpu.memory_space<hbm>> -> memref<128x64xf32, #tpu.memory_space<hbm>>
      %dma_start3A_167 = arith.constant 0 : i32
      %dma_start3A_168 = tpu.memref_slice %arg11[%add3A_131, %dma_start3A_167] : memref<10240x64xf32, #tpu.memory_space<vmem_shared>> -> memref<128x64xf32, #tpu.memory_space<vmem_shared>>
      tpu.enqueue_dma source(%dma_start3A_168 : memref<128x64xf32, #tpu.memory_space<vmem_shared>>) target(%dma_start3A_166 : memref<128x64xf32, #tpu.memory_space<hbm>>) target_semaphore(%run_scoped3A_164 : memref<!tpu.dma_semaphore, #tpu.memory_space<semaphore_mem>>)
      %dma_wait3A = arith.constant 0 : i32
      %dma_wait3A_169 = tpu.memref_slice %arg6[%run_scoped3A_136, %arg0, %add3A_135, %dma_wait3A] : memref<2x2x10240x64xf32, #tpu.memory_space<hbm>> -> memref<1x1x128x64xf32, #tpu.memory_space<hbm>>
      %dma_wait3A_170 = tpu.memref_squeeze %dma_wait3A_169 : memref<1x1x128x64xf32, #tpu.memory_space<hbm>> -> memref<128x64xf32, #tpu.memory_space<hbm>>
      %dma_wait3A_171 = arith.constant 0 : i32
      %dma_wait3A_172 = tpu.memref_slice %arg11[%add3A_131, %dma_wait3A_171] : memref<10240x64xf32, #tpu.memory_space<vmem_shared>> -> memref<128x64xf32, #tpu.memory_space<vmem_shared>>
      tpu.wait_dma2 semaphore(%run_scoped3A_164 : memref<!tpu.dma_semaphore, #tpu.memory_space<semaphore_mem>>) src(%dma_wait3A_172 : memref<128x64xf32, #tpu.memory_space<vmem_shared>>) dst(%dma_wait3A_170 : memref<128x64xf32, #tpu.memory_space<hbm>>)
      tpu.yield
    }) : () -> ()
    %mul3A_137 = arith.constant 640 : i32
    %mul3A_138 = arith.muli %arg1, %mul3A_137 : i32
    %add3A_139 = arith.constant 256 : i32
    %add3A_140 = arith.addi %mul3A_138, %add3A_139 : i32
    %mul3A_141 = arith.constant 640 : i32
    %mul3A_142 = arith.muli %arg1, %mul3A_141 : i32
    %add3A_143 = arith.constant 256 : i32
    %add3A_144 = arith.addi %mul3A_142, %add3A_143 : i32
    %run_scoped3A_145 = arith.constant 1 : i32
    "tpu.region"() ({
      %run_scoped3A_164 = tpu.sem_alloc : memref<!tpu.dma_semaphore, #tpu.memory_space<semaphore_mem>>
      %dma_start3A = arith.constant 0 : i32
      %dma_start3A_165 = tpu.memref_slice %arg6[%run_scoped3A_145, %arg0, %add3A_144, %dma_start3A] : memref<2x2x10240x64xf32, #tpu.memory_space<hbm>> -> memref<1x1x128x64xf32, #tpu.memory_space<hbm>>
      %dma_start3A_166 = tpu.memref_squeeze %dma_start3A_165 : memref<1x1x128x64xf32, #tpu.memory_space<hbm>> -> memref<128x64xf32, #tpu.memory_space<hbm>>
      %dma_start3A_167 = arith.constant 0 : i32
      %dma_start3A_168 = tpu.memref_slice %arg11[%add3A_140, %dma_start3A_167] : memref<10240x64xf32, #tpu.memory_space<vmem_shared>> -> memref<128x64xf32, #tpu.memory_space<vmem_shared>>
      tpu.enqueue_dma source(%dma_start3A_168 : memref<128x64xf32, #tpu.memory_space<vmem_shared>>) target(%dma_start3A_166 : memref<128x64xf32, #tpu.memory_space<hbm>>) target_semaphore(%run_scoped3A_164 : memref<!tpu.dma_semaphore, #tpu.memory_space<semaphore_mem>>)
      %dma_wait3A = arith.constant 0 : i32
      %dma_wait3A_169 = tpu.memref_slice %arg6[%run_scoped3A_145, %arg0, %add3A_144, %dma_wait3A] : memref<2x2x10240x64xf32, #tpu.memory_space<hbm>> -> memref<1x1x128x64xf32, #tpu.memory_space<hbm>>
      %dma_wait3A_170 = tpu.memref_squeeze %dma_wait3A_169 : memref<1x1x128x64xf32, #tpu.memory_space<hbm>> -> memref<128x64xf32, #tpu.memory_space<hbm>>
      %dma_wait3A_171 = arith.constant 0 : i32
      %dma_wait3A_172 = tpu.memref_slice %arg11[%add3A_140, %dma_wait3A_171] : memref<10240x64xf32, #tpu.memory_space<vmem_shared>> -> memref<128x64xf32, #tpu.memory_space<vmem_shared>>
      tpu.wait_dma2 semaphore(%run_scoped3A_164 : memref<!tpu.dma_semaphore, #tpu.memory_space<semaphore_mem>>) src(%dma_wait3A_172 : memref<128x64xf32, #tpu.memory_space<vmem_shared>>) dst(%dma_wait3A_170 : memref<128x64xf32, #tpu.memory_space<hbm>>)
      tpu.yield
    }) : () -> ()
    %mul3A_146 = arith.constant 640 : i32
    %mul3A_147 = arith.muli %arg1, %mul3A_146 : i32
    %add3A_148 = arith.constant 384 : i32
    %add3A_149 = arith.addi %mul3A_147, %add3A_148 : i32
    %mul3A_150 = arith.constant 640 : i32
    %mul3A_151 = arith.muli %arg1, %mul3A_150 : i32
    %add3A_152 = arith.constant 384 : i32
    %add3A_153 = arith.addi %mul3A_151, %add3A_152 : i32
    %run_scoped3A_154 = arith.constant 1 : i32
    "tpu.region"() ({
      %run_scoped3A_164 = tpu.sem_alloc : memref<!tpu.dma_semaphore, #tpu.memory_space<semaphore_mem>>
      %dma_start3A = arith.constant 0 : i32
      %dma_start3A_165 = tpu.memref_slice %arg6[%run_scoped3A_154, %arg0, %add3A_153, %dma_start3A] : memref<2x2x10240x64xf32, #tpu.memory_space<hbm>> -> memref<1x1x128x64xf32, #tpu.memory_space<hbm>>
      %dma_start3A_166 = tpu.memref_squeeze %dma_start3A_165 : memref<1x1x128x64xf32, #tpu.memory_space<hbm>> -> memref<128x64xf32, #tpu.memory_space<hbm>>
      %dma_start3A_167 = arith.constant 0 : i32
      %dma_start3A_168 = tpu.memref_slice %arg11[%add3A_149, %dma_start3A_167] : memref<10240x64xf32, #tpu.memory_space<vmem_shared>> -> memref<128x64xf32, #tpu.memory_space<vmem_shared>>
      tpu.enqueue_dma source(%dma_start3A_168 : memref<128x64xf32, #tpu.memory_space<vmem_shared>>) target(%dma_start3A_166 : memref<128x64xf32, #tpu.memory_space<hbm>>) target_semaphore(%run_scoped3A_164 : memref<!tpu.dma_semaphore, #tpu.memory_space<semaphore_mem>>)
      %dma_wait3A = arith.constant 0 : i32
      %dma_wait3A_169 = tpu.memref_slice %arg6[%run_scoped3A_154, %arg0, %add3A_153, %dma_wait3A] : memref<2x2x10240x64xf32, #tpu.memory_space<hbm>> -> memref<1x1x128x64xf32, #tpu.memory_space<hbm>>
      %dma_wait3A_170 = tpu.memref_squeeze %dma_wait3A_169 : memref<1x1x128x64xf32, #tpu.memory_space<hbm>> -> memref<128x64xf32, #tpu.memory_space<hbm>>
      %dma_wait3A_171 = arith.constant 0 : i32
      %dma_wait3A_172 = tpu.memref_slice %arg11[%add3A_149, %dma_wait3A_171] : memref<10240x64xf32, #tpu.memory_space<vmem_shared>> -> memref<128x64xf32, #tpu.memory_space<vmem_shared>>
      tpu.wait_dma2 semaphore(%run_scoped3A_164 : memref<!tpu.dma_semaphore, #tpu.memory_space<semaphore_mem>>) src(%dma_wait3A_172 : memref<128x64xf32, #tpu.memory_space<vmem_shared>>) dst(%dma_wait3A_170 : memref<128x64xf32, #tpu.memory_space<hbm>>)
      tpu.yield
    }) : () -> ()
    %mul3A_155 = arith.constant 640 : i32
    %mul3A_156 = arith.muli %arg1, %mul3A_155 : i32
    %add3A_157 = arith.constant 512 : i32
    %add3A_158 = arith.addi %mul3A_156, %add3A_157 : i32
    %mul3A_159 = arith.constant 640 : i32
    %mul3A_160 = arith.muli %arg1, %mul3A_159 : i32
    %add3A_161 = arith.constant 512 : i32
    %add3A_162 = arith.addi %mul3A_160, %add3A_161 : i32
    %run_scoped3A_163 = arith.constant 1 : i32
    "tpu.region"() ({
      %run_scoped3A_164 = tpu.sem_alloc : memref<!tpu.dma_semaphore, #tpu.memory_space<semaphore_mem>>
      %dma_start3A = arith.constant 0 : i32
      %dma_start3A_165 = tpu.memref_slice %arg6[%run_scoped3A_163, %arg0, %add3A_162, %dma_start3A] : memref<2x2x10240x64xf32, #tpu.memory_space<hbm>> -> memref<1x1x128x64xf32, #tpu.memory_space<hbm>>
      %dma_start3A_166 = tpu.memref_squeeze %dma_start3A_165 : memref<1x1x128x64xf32, #tpu.memory_space<hbm>> -> memref<128x64xf32, #tpu.memory_space<hbm>>
      %dma_start3A_167 = arith.constant 0 : i32
      %dma_start3A_168 = tpu.memref_slice %arg11[%add3A_158, %dma_start3A_167] : memref<10240x64xf32, #tpu.memory_space<vmem_shared>> -> memref<128x64xf32, #tpu.memory_space<vmem_shared>>
      tpu.enqueue_dma source(%dma_start3A_168 : memref<128x64xf32, #tpu.memory_space<vmem_shared>>) target(%dma_start3A_166 : memref<128x64xf32, #tpu.memory_space<hbm>>) target_semaphore(%run_scoped3A_164 : memref<!tpu.dma_semaphore, #tpu.memory_space<semaphore_mem>>)
      %dma_wait3A = arith.constant 0 : i32
      %dma_wait3A_169 = tpu.memref_slice %arg6[%run_scoped3A_163, %arg0, %add3A_162, %dma_wait3A] : memref<2x2x10240x64xf32, #tpu.memory_space<hbm>> -> memref<1x1x128x64xf32, #tpu.memory_space<hbm>>
      %dma_wait3A_170 = tpu.memref_squeeze %dma_wait3A_169 : memref<1x1x128x64xf32, #tpu.memory_space<hbm>> -> memref<128x64xf32, #tpu.memory_space<hbm>>
      %dma_wait3A_171 = arith.constant 0 : i32
      %dma_wait3A_172 = tpu.memref_slice %arg11[%add3A_158, %dma_wait3A_171] : memref<10240x64xf32, #tpu.memory_space<vmem_shared>> -> memref<128x64xf32, #tpu.memory_space<vmem_shared>>
      tpu.wait_dma2 semaphore(%run_scoped3A_164 : memref<!tpu.dma_semaphore, #tpu.memory_space<semaphore_mem>>) src(%dma_wait3A_172 : memref<128x64xf32, #tpu.memory_space<vmem_shared>>) dst(%dma_wait3A_170 : memref<128x64xf32, #tpu.memory_space<hbm>>)
      tpu.yield
    }) : () -> ()
    return
  }
}

#map = affine_map<(d0, d1) -> (0, 0, 0)>
#map1 = affine_map<(d0, d1) -> (0, 0)>
module attributes {stable_mosaic.version = 14 : i64} {
  func.func @_seg_body(%arg0: i32, %arg1: i32, %arg2: memref<32x80x128xi32, #tpu.memory_space<hbm>>, %arg3: memref<32x80x128xi32, #tpu.memory_space<hbm>>, %arg4: memref<80x128xf32, #tpu.memory_space<hbm>>, %arg5: memref<80x128xi32, #tpu.memory_space<hbm>>, %arg6: memref<2x665600xf32, #tpu.memory_space<hbm>>, %arg7: memref<80x128xi32, #tpu.memory_space<vmem>>, %arg8: memref<80x128xi32, #tpu.memory_space<vmem>>, %arg9: memref<80x128xf32, #tpu.memory_space<vmem>>, %arg10: memref<80x128xi32, #tpu.memory_space<vmem>>, %arg11: memref<1x128xi32, #tpu.memory_space<vmem>>, %arg12: memref<128xf32, #tpu.memory_space<vmem>>, %arg13: memref<4160xf32, #tpu.memory_space<vmem>>, %arg14: memref<665600xf32, #tpu.memory_space<vmem_shared>>, %arg15: memref<!tpu.dma_semaphore, #tpu.memory_space<semaphore_mem>>) attributes {dimension_semantics = [#tpu.dimension_semantics<core_parallel>, #tpu.dimension_semantics<subcore_parallel>], iteration_bounds = array<i64: 2, 16>, scalar_prefetch = 0 : i64, scratch_operands = 9 : i64, tpu.core_type = #tpu.core_type<sc_vector_subcore>, window_params = [{transform_indices = #map}, {transform_indices = #map}, {transform_indices = #map1}, {transform_indices = #map1}, {transform_indices = #map1}]} {
    %mul3A = arith.constant 2 : i32
    %mul3A_0 = arith.muli %arg1, %mul3A : i32
    %add3A = arith.addi %mul3A_0, %arg0 : i32
    %broadcast_in_dim3A = arith.constant 0.000000e+00 : f32
    %broadcast_in_dim3A_1 = vector.broadcast %broadcast_in_dim3A : f32 to vector<16xf32>
    %scan3A = arith.constant 0 : i32
    %scan3A_2 = arith.constant 0 : i32
    %scan3A_3 = arith.constant 260 : i32
    %scan3A_4 = arith.addi %scan3A_2, %scan3A_3 : i32
    %scan3A_5 = arith.constant 1 : i32
    %scan3A_6 = scf.for %scan3A_701 = %scan3A_2 to %scan3A_4 step %scan3A_5 iter_args(%scan3A_702 = %scan3A) -> (i32)  : i32 {
      %mul3A_703 = arith.constant 16 : i32
      %mul3A_704 = arith.muli %scan3A_701, %mul3A_703 : i32
      %swap3A_705 = arith.index_cast %mul3A_704 : i32 to index
      %swap3A_706 = tpu.vector_load %arg13[%swap3A_705] {strides = array<i32>} : memref<4160xf32, #tpu.memory_space<vmem>>, vector<16xf32>,
      tpu.vector_store %arg13[%swap3A_705], %broadcast_in_dim3A_1 {strides = array<i32>} : memref<4160xf32, #tpu.memory_space<vmem>>, vector<16xf32>,
      %scan3A_707 = arith.constant 0 : i32
      scf.yield %scan3A_707 : i32
    }
    %scan3A_7 = arith.constant 260 : i32
    %mul3A_8 = arith.constant 41600 : i32
    %mul3A_9 = arith.muli %arg1, %mul3A_8 : i32
    %add3A_10 = arith.constant 0 : i32
    %add3A_11 = arith.addi %mul3A_9, %add3A_10 : i32
    "tpu.region"() ({
      %run_scoped3A_701 = tpu.sem_alloc : memref<!tpu.dma_semaphore, #tpu.memory_space<semaphore_mem>>
      %dma_start3A = tpu.memref_slice %arg14[%add3A_11] : memref<665600xf32, #tpu.memory_space<vmem_shared>> -> memref<4160xf32, #tpu.memory_space<vmem_shared>>
      %dma_start3A_702 = tpu.memref_slice %arg14[%add3A_11] : memref<665600xf32, #tpu.memory_space<vmem_shared>> -> memref<4160xf32, #tpu.memory_space<vmem_shared>>
      tpu.enqueue_dma source(%arg13 : memref<4160xf32, #tpu.memory_space<vmem>>) target(%dma_start3A_702 : memref<4160xf32, #tpu.memory_space<vmem_shared>>) target_semaphore(%run_scoped3A_701 : memref<!tpu.dma_semaphore, #tpu.memory_space<semaphore_mem>>)
      %dma_wait3A = tpu.memref_slice %arg14[%add3A_11] : memref<665600xf32, #tpu.memory_space<vmem_shared>> -> memref<4160xf32, #tpu.memory_space<vmem_shared>>
      %dma_wait3A_703 = tpu.memref_slice %arg14[%add3A_11] : memref<665600xf32, #tpu.memory_space<vmem_shared>> -> memref<4160xf32, #tpu.memory_space<vmem_shared>>
      tpu.wait_dma2 semaphore(%run_scoped3A_701 : memref<!tpu.dma_semaphore, #tpu.memory_space<semaphore_mem>>) src(%arg13 : memref<4160xf32, #tpu.memory_space<vmem>>) dst(%dma_wait3A_703 : memref<4160xf32, #tpu.memory_space<vmem_shared>>)
      tpu.yield
    }) : () -> ()
    %mul3A_12 = arith.constant 41600 : i32
    %mul3A_13 = arith.muli %arg1, %mul3A_12 : i32
    %add3A_14 = arith.constant 4160 : i32
    %add3A_15 = arith.addi %mul3A_13, %add3A_14 : i32
    "tpu.region"() ({
      %run_scoped3A_701 = tpu.sem_alloc : memref<!tpu.dma_semaphore, #tpu.memory_space<semaphore_mem>>
      %dma_start3A = tpu.memref_slice %arg14[%add3A_15] : memref<665600xf32, #tpu.memory_space<vmem_shared>> -> memref<4160xf32, #tpu.memory_space<vmem_shared>>
      %dma_start3A_702 = tpu.memref_slice %arg14[%add3A_15] : memref<665600xf32, #tpu.memory_space<vmem_shared>> -> memref<4160xf32, #tpu.memory_space<vmem_shared>>
      tpu.enqueue_dma source(%arg13 : memref<4160xf32, #tpu.memory_space<vmem>>) target(%dma_start3A_702 : memref<4160xf32, #tpu.memory_space<vmem_shared>>) target_semaphore(%run_scoped3A_701 : memref<!tpu.dma_semaphore, #tpu.memory_space<semaphore_mem>>)
      %dma_wait3A = tpu.memref_slice %arg14[%add3A_15] : memref<665600xf32, #tpu.memory_space<vmem_shared>> -> memref<4160xf32, #tpu.memory_space<vmem_shared>>
      %dma_wait3A_703 = tpu.memref_slice %arg14[%add3A_15] : memref<665600xf32, #tpu.memory_space<vmem_shared>> -> memref<4160xf32, #tpu.memory_space<vmem_shared>>
      tpu.wait_dma2 semaphore(%run_scoped3A_701 : memref<!tpu.dma_semaphore, #tpu.memory_space<semaphore_mem>>) src(%arg13 : memref<4160xf32, #tpu.memory_space<vmem>>) dst(%dma_wait3A_703 : memref<4160xf32, #tpu.memory_space<vmem_shared>>)
      tpu.yield
    }) : () -> ()
    %mul3A_16 = arith.constant 41600 : i32
    %mul3A_17 = arith.muli %arg1, %mul3A_16 : i32
    %add3A_18 = arith.constant 8320 : i32
    %add3A_19 = arith.addi %mul3A_17, %add3A_18 : i32
    "tpu.region"() ({
      %run_scoped3A_701 = tpu.sem_alloc : memref<!tpu.dma_semaphore, #tpu.memory_space<semaphore_mem>>
      %dma_start3A = tpu.memref_slice %arg14[%add3A_19] : memref<665600xf32, #tpu.memory_space<vmem_shared>> -> memref<4160xf32, #tpu.memory_space<vmem_shared>>
      %dma_start3A_702 = tpu.memref_slice %arg14[%add3A_19] : memref<665600xf32, #tpu.memory_space<vmem_shared>> -> memref<4160xf32, #tpu.memory_space<vmem_shared>>
      tpu.enqueue_dma source(%arg13 : memref<4160xf32, #tpu.memory_space<vmem>>) target(%dma_start3A_702 : memref<4160xf32, #tpu.memory_space<vmem_shared>>) target_semaphore(%run_scoped3A_701 : memref<!tpu.dma_semaphore, #tpu.memory_space<semaphore_mem>>)
      %dma_wait3A = tpu.memref_slice %arg14[%add3A_19] : memref<665600xf32, #tpu.memory_space<vmem_shared>> -> memref<4160xf32, #tpu.memory_space<vmem_shared>>
      %dma_wait3A_703 = tpu.memref_slice %arg14[%add3A_19] : memref<665600xf32, #tpu.memory_space<vmem_shared>> -> memref<4160xf32, #tpu.memory_space<vmem_shared>>
      tpu.wait_dma2 semaphore(%run_scoped3A_701 : memref<!tpu.dma_semaphore, #tpu.memory_space<semaphore_mem>>) src(%arg13 : memref<4160xf32, #tpu.memory_space<vmem>>) dst(%dma_wait3A_703 : memref<4160xf32, #tpu.memory_space<vmem_shared>>)
      tpu.yield
    }) : () -> ()
    %mul3A_20 = arith.constant 41600 : i32
    %mul3A_21 = arith.muli %arg1, %mul3A_20 : i32
    %add3A_22 = arith.constant 12480 : i32
    %add3A_23 = arith.addi %mul3A_21, %add3A_22 : i32
    "tpu.region"() ({
      %run_scoped3A_701 = tpu.sem_alloc : memref<!tpu.dma_semaphore, #tpu.memory_space<semaphore_mem>>
      %dma_start3A = tpu.memref_slice %arg14[%add3A_23] : memref<665600xf32, #tpu.memory_space<vmem_shared>> -> memref<4160xf32, #tpu.memory_space<vmem_shared>>
      %dma_start3A_702 = tpu.memref_slice %arg14[%add3A_23] : memref<665600xf32, #tpu.memory_space<vmem_shared>> -> memref<4160xf32, #tpu.memory_space<vmem_shared>>
      tpu.enqueue_dma source(%arg13 : memref<4160xf32, #tpu.memory_space<vmem>>) target(%dma_start3A_702 : memref<4160xf32, #tpu.memory_space<vmem_shared>>) target_semaphore(%run_scoped3A_701 : memref<!tpu.dma_semaphore, #tpu.memory_space<semaphore_mem>>)
      %dma_wait3A = tpu.memref_slice %arg14[%add3A_23] : memref<665600xf32, #tpu.memory_space<vmem_shared>> -> memref<4160xf32, #tpu.memory_space<vmem_shared>>
      %dma_wait3A_703 = tpu.memref_slice %arg14[%add3A_23] : memref<665600xf32, #tpu.memory_space<vmem_shared>> -> memref<4160xf32, #tpu.memory_space<vmem_shared>>
      tpu.wait_dma2 semaphore(%run_scoped3A_701 : memref<!tpu.dma_semaphore, #tpu.memory_space<semaphore_mem>>) src(%arg13 : memref<4160xf32, #tpu.memory_space<vmem>>) dst(%dma_wait3A_703 : memref<4160xf32, #tpu.memory_space<vmem_shared>>)
      tpu.yield
    }) : () -> ()
    %mul3A_24 = arith.constant 41600 : i32
    %mul3A_25 = arith.muli %arg1, %mul3A_24 : i32
    %add3A_26 = arith.constant 16640 : i32
    %add3A_27 = arith.addi %mul3A_25, %add3A_26 : i32
    "tpu.region"() ({
      %run_scoped3A_701 = tpu.sem_alloc : memref<!tpu.dma_semaphore, #tpu.memory_space<semaphore_mem>>
      %dma_start3A = tpu.memref_slice %arg14[%add3A_27] : memref<665600xf32, #tpu.memory_space<vmem_shared>> -> memref<4160xf32, #tpu.memory_space<vmem_shared>>
      %dma_start3A_702 = tpu.memref_slice %arg14[%add3A_27] : memref<665600xf32, #tpu.memory_space<vmem_shared>> -> memref<4160xf32, #tpu.memory_space<vmem_shared>>
      tpu.enqueue_dma source(%arg13 : memref<4160xf32, #tpu.memory_space<vmem>>) target(%dma_start3A_702 : memref<4160xf32, #tpu.memory_space<vmem_shared>>) target_semaphore(%run_scoped3A_701 : memref<!tpu.dma_semaphore, #tpu.memory_space<semaphore_mem>>)
      %dma_wait3A = tpu.memref_slice %arg14[%add3A_27] : memref<665600xf32, #tpu.memory_space<vmem_shared>> -> memref<4160xf32, #tpu.memory_space<vmem_shared>>
      %dma_wait3A_703 = tpu.memref_slice %arg14[%add3A_27] : memref<665600xf32, #tpu.memory_space<vmem_shared>> -> memref<4160xf32, #tpu.memory_space<vmem_shared>>
      tpu.wait_dma2 semaphore(%run_scoped3A_701 : memref<!tpu.dma_semaphore, #tpu.memory_space<semaphore_mem>>) src(%arg13 : memref<4160xf32, #tpu.memory_space<vmem>>) dst(%dma_wait3A_703 : memref<4160xf32, #tpu.memory_space<vmem_shared>>)
      tpu.yield
    }) : () -> ()
    %mul3A_28 = arith.constant 41600 : i32
    %mul3A_29 = arith.muli %arg1, %mul3A_28 : i32
    %add3A_30 = arith.constant 20800 : i32
    %add3A_31 = arith.addi %mul3A_29, %add3A_30 : i32
    "tpu.region"() ({
      %run_scoped3A_701 = tpu.sem_alloc : memref<!tpu.dma_semaphore, #tpu.memory_space<semaphore_mem>>
      %dma_start3A = tpu.memref_slice %arg14[%add3A_31] : memref<665600xf32, #tpu.memory_space<vmem_shared>> -> memref<4160xf32, #tpu.memory_space<vmem_shared>>
      %dma_start3A_702 = tpu.memref_slice %arg14[%add3A_31] : memref<665600xf32, #tpu.memory_space<vmem_shared>> -> memref<4160xf32, #tpu.memory_space<vmem_shared>>
      tpu.enqueue_dma source(%arg13 : memref<4160xf32, #tpu.memory_space<vmem>>) target(%dma_start3A_702 : memref<4160xf32, #tpu.memory_space<vmem_shared>>) target_semaphore(%run_scoped3A_701 : memref<!tpu.dma_semaphore, #tpu.memory_space<semaphore_mem>>)
      %dma_wait3A = tpu.memref_slice %arg14[%add3A_31] : memref<665600xf32, #tpu.memory_space<vmem_shared>> -> memref<4160xf32, #tpu.memory_space<vmem_shared>>
      %dma_wait3A_703 = tpu.memref_slice %arg14[%add3A_31] : memref<665600xf32, #tpu.memory_space<vmem_shared>> -> memref<4160xf32, #tpu.memory_space<vmem_shared>>
      tpu.wait_dma2 semaphore(%run_scoped3A_701 : memref<!tpu.dma_semaphore, #tpu.memory_space<semaphore_mem>>) src(%arg13 : memref<4160xf32, #tpu.memory_space<vmem>>) dst(%dma_wait3A_703 : memref<4160xf32, #tpu.memory_space<vmem_shared>>)
      tpu.yield
    }) : () -> ()
    %mul3A_32 = arith.constant 41600 : i32
    %mul3A_33 = arith.muli %arg1, %mul3A_32 : i32
    %add3A_34 = arith.constant 24960 : i32
    %add3A_35 = arith.addi %mul3A_33, %add3A_34 : i32
    "tpu.region"() ({
      %run_scoped3A_701 = tpu.sem_alloc : memref<!tpu.dma_semaphore, #tpu.memory_space<semaphore_mem>>
      %dma_start3A = tpu.memref_slice %arg14[%add3A_35] : memref<665600xf32, #tpu.memory_space<vmem_shared>> -> memref<4160xf32, #tpu.memory_space<vmem_shared>>
      %dma_start3A_702 = tpu.memref_slice %arg14[%add3A_35] : memref<665600xf32, #tpu.memory_space<vmem_shared>> -> memref<4160xf32, #tpu.memory_space<vmem_shared>>
      tpu.enqueue_dma source(%arg13 : memref<4160xf32, #tpu.memory_space<vmem>>) target(%dma_start3A_702 : memref<4160xf32, #tpu.memory_space<vmem_shared>>) target_semaphore(%run_scoped3A_701 : memref<!tpu.dma_semaphore, #tpu.memory_space<semaphore_mem>>)
      %dma_wait3A = tpu.memref_slice %arg14[%add3A_35] : memref<665600xf32, #tpu.memory_space<vmem_shared>> -> memref<4160xf32, #tpu.memory_space<vmem_shared>>
      %dma_wait3A_703 = tpu.memref_slice %arg14[%add3A_35] : memref<665600xf32, #tpu.memory_space<vmem_shared>> -> memref<4160xf32, #tpu.memory_space<vmem_shared>>
      tpu.wait_dma2 semaphore(%run_scoped3A_701 : memref<!tpu.dma_semaphore, #tpu.memory_space<semaphore_mem>>) src(%arg13 : memref<4160xf32, #tpu.memory_space<vmem>>) dst(%dma_wait3A_703 : memref<4160xf32, #tpu.memory_space<vmem_shared>>)
      tpu.yield
    }) : () -> ()
    %mul3A_36 = arith.constant 41600 : i32
    %mul3A_37 = arith.muli %arg1, %mul3A_36 : i32
    %add3A_38 = arith.constant 29120 : i32
    %add3A_39 = arith.addi %mul3A_37, %add3A_38 : i32
    "tpu.region"() ({
      %run_scoped3A_701 = tpu.sem_alloc : memref<!tpu.dma_semaphore, #tpu.memory_space<semaphore_mem>>
      %dma_start3A = tpu.memref_slice %arg14[%add3A_39] : memref<665600xf32, #tpu.memory_space<vmem_shared>> -> memref<4160xf32, #tpu.memory_space<vmem_shared>>
      %dma_start3A_702 = tpu.memref_slice %arg14[%add3A_39] : memref<665600xf32, #tpu.memory_space<vmem_shared>> -> memref<4160xf32, #tpu.memory_space<vmem_shared>>
      tpu.enqueue_dma source(%arg13 : memref<4160xf32, #tpu.memory_space<vmem>>) target(%dma_start3A_702 : memref<4160xf32, #tpu.memory_space<vmem_shared>>) target_semaphore(%run_scoped3A_701 : memref<!tpu.dma_semaphore, #tpu.memory_space<semaphore_mem>>)
      %dma_wait3A = tpu.memref_slice %arg14[%add3A_39] : memref<665600xf32, #tpu.memory_space<vmem_shared>> -> memref<4160xf32, #tpu.memory_space<vmem_shared>>
      %dma_wait3A_703 = tpu.memref_slice %arg14[%add3A_39] : memref<665600xf32, #tpu.memory_space<vmem_shared>> -> memref<4160xf32, #tpu.memory_space<vmem_shared>>
      tpu.wait_dma2 semaphore(%run_scoped3A_701 : memref<!tpu.dma_semaphore, #tpu.memory_space<semaphore_mem>>) src(%arg13 : memref<4160xf32, #tpu.memory_space<vmem>>) dst(%dma_wait3A_703 : memref<4160xf32, #tpu.memory_space<vmem_shared>>)
      tpu.yield
    }) : () -> ()
    %mul3A_40 = arith.constant 41600 : i32
    %mul3A_41 = arith.muli %arg1, %mul3A_40 : i32
    %add3A_42 = arith.constant 33280 : i32
    %add3A_43 = arith.addi %mul3A_41, %add3A_42 : i32
    "tpu.region"() ({
      %run_scoped3A_701 = tpu.sem_alloc : memref<!tpu.dma_semaphore, #tpu.memory_space<semaphore_mem>>
      %dma_start3A = tpu.memref_slice %arg14[%add3A_43] : memref<665600xf32, #tpu.memory_space<vmem_shared>> -> memref<4160xf32, #tpu.memory_space<vmem_shared>>
      %dma_start3A_702 = tpu.memref_slice %arg14[%add3A_43] : memref<665600xf32, #tpu.memory_space<vmem_shared>> -> memref<4160xf32, #tpu.memory_space<vmem_shared>>
      tpu.enqueue_dma source(%arg13 : memref<4160xf32, #tpu.memory_space<vmem>>) target(%dma_start3A_702 : memref<4160xf32, #tpu.memory_space<vmem_shared>>) target_semaphore(%run_scoped3A_701 : memref<!tpu.dma_semaphore, #tpu.memory_space<semaphore_mem>>)
      %dma_wait3A = tpu.memref_slice %arg14[%add3A_43] : memref<665600xf32, #tpu.memory_space<vmem_shared>> -> memref<4160xf32, #tpu.memory_space<vmem_shared>>
      %dma_wait3A_703 = tpu.memref_slice %arg14[%add3A_43] : memref<665600xf32, #tpu.memory_space<vmem_shared>> -> memref<4160xf32, #tpu.memory_space<vmem_shared>>
      tpu.wait_dma2 semaphore(%run_scoped3A_701 : memref<!tpu.dma_semaphore, #tpu.memory_space<semaphore_mem>>) src(%arg13 : memref<4160xf32, #tpu.memory_space<vmem>>) dst(%dma_wait3A_703 : memref<4160xf32, #tpu.memory_space<vmem_shared>>)
      tpu.yield
    }) : () -> ()
    %mul3A_44 = arith.constant 41600 : i32
    %mul3A_45 = arith.muli %arg1, %mul3A_44 : i32
    %add3A_46 = arith.constant 37440 : i32
    %add3A_47 = arith.addi %mul3A_45, %add3A_46 : i32
    "tpu.region"() ({
      %run_scoped3A_701 = tpu.sem_alloc : memref<!tpu.dma_semaphore, #tpu.memory_space<semaphore_mem>>
      %dma_start3A = tpu.memref_slice %arg14[%add3A_47] : memref<665600xf32, #tpu.memory_space<vmem_shared>> -> memref<4160xf32, #tpu.memory_space<vmem_shared>>
      %dma_start3A_702 = tpu.memref_slice %arg14[%add3A_47] : memref<665600xf32, #tpu.memory_space<vmem_shared>> -> memref<4160xf32, #tpu.memory_space<vmem_shared>>
      tpu.enqueue_dma source(%arg13 : memref<4160xf32, #tpu.memory_space<vmem>>) target(%dma_start3A_702 : memref<4160xf32, #tpu.memory_space<vmem_shared>>) target_semaphore(%run_scoped3A_701 : memref<!tpu.dma_semaphore, #tpu.memory_space<semaphore_mem>>)
      %dma_wait3A = tpu.memref_slice %arg14[%add3A_47] : memref<665600xf32, #tpu.memory_space<vmem_shared>> -> memref<4160xf32, #tpu.memory_space<vmem_shared>>
      %dma_wait3A_703 = tpu.memref_slice %arg14[%add3A_47] : memref<665600xf32, #tpu.memory_space<vmem_shared>> -> memref<4160xf32, #tpu.memory_space<vmem_shared>>
      tpu.wait_dma2 semaphore(%run_scoped3A_701 : memref<!tpu.dma_semaphore, #tpu.memory_space<semaphore_mem>>) src(%arg13 : memref<4160xf32, #tpu.memory_space<vmem>>) dst(%dma_wait3A_703 : memref<4160xf32, #tpu.memory_space<vmem_shared>>)
      tpu.yield
    }) : () -> ()
    "tpu.region"() ({
      %run_scoped3A_701 = tpu.sem_alloc : memref<!tpu.dma_semaphore, #tpu.memory_space<semaphore_mem>>
      %dma_start3A = arith.constant 0 : i32
      %dma_start3A_702 = arith.constant 0 : i32
      %dma_start3A_703 = tpu.memref_slice %arg2[%add3A, %dma_start3A, %dma_start3A_702] : memref<32x80x128xi32, #tpu.memory_space<hbm>> -> memref<1x80x128xi32, #tpu.memory_space<hbm>>
      %dma_start3A_704 = tpu.memref_squeeze %dma_start3A_703 : memref<1x80x128xi32, #tpu.memory_space<hbm>> -> memref<80x128xi32, #tpu.memory_space<hbm>>
      %dma_start3A_705 = arith.constant 0 : i32
      %dma_start3A_706 = arith.constant 0 : i32
      %dma_start3A_707 = tpu.memref_slice %arg2[%add3A, %dma_start3A_705, %dma_start3A_706] : memref<32x80x128xi32, #tpu.memory_space<hbm>> -> memref<1x80x128xi32, #tpu.memory_space<hbm>>
      %dma_start3A_708 = tpu.memref_squeeze %dma_start3A_707 : memref<1x80x128xi32, #tpu.memory_space<hbm>> -> memref<80x128xi32, #tpu.memory_space<hbm>>
      tpu.enqueue_dma source(%dma_start3A_708 : memref<80x128xi32, #tpu.memory_space<hbm>>) target(%arg7 : memref<80x128xi32, #tpu.memory_space<vmem>>) target_semaphore(%run_scoped3A_701 : memref<!tpu.dma_semaphore, #tpu.memory_space<semaphore_mem>>)
      %dma_wait3A = arith.constant 0 : i32
      %dma_wait3A_709 = arith.constant 0 : i32
      %dma_wait3A_710 = tpu.memref_slice %arg2[%add3A, %dma_wait3A, %dma_wait3A_709] : memref<32x80x128xi32, #tpu.memory_space<hbm>> -> memref<1x80x128xi32, #tpu.memory_space<hbm>>
      %dma_wait3A_711 = tpu.memref_squeeze %dma_wait3A_710 : memref<1x80x128xi32, #tpu.memory_space<hbm>> -> memref<80x128xi32, #tpu.memory_space<hbm>>
      %dma_wait3A_712 = arith.constant 0 : i32
      %dma_wait3A_713 = arith.constant 0 : i32
      %dma_wait3A_714 = tpu.memref_slice %arg2[%add3A, %dma_wait3A_712, %dma_wait3A_713] : memref<32x80x128xi32, #tpu.memory_space<hbm>> -> memref<1x80x128xi32, #tpu.memory_space<hbm>>
      %dma_wait3A_715 = tpu.memref_squeeze %dma_wait3A_714 : memref<1x80x128xi32, #tpu.memory_space<hbm>> -> memref<80x128xi32, #tpu.memory_space<hbm>>
      tpu.wait_dma2 semaphore(%run_scoped3A_701 : memref<!tpu.dma_semaphore, #tpu.memory_space<semaphore_mem>>) src(%dma_wait3A_715 : memref<80x128xi32, #tpu.memory_space<hbm>>) dst(%arg7 : memref<80x128xi32, #tpu.memory_space<vmem>>)
      tpu.yield
    }) : () -> ()
    "tpu.region"() ({
      %run_scoped3A_701 = tpu.sem_alloc : memref<!tpu.dma_semaphore, #tpu.memory_space<semaphore_mem>>
      %dma_start3A = arith.constant 0 : i32
      %dma_start3A_702 = arith.constant 0 : i32
      %dma_start3A_703 = tpu.memref_slice %arg3[%add3A, %dma_start3A, %dma_start3A_702] : memref<32x80x128xi32, #tpu.memory_space<hbm>> -> memref<1x80x128xi32, #tpu.memory_space<hbm>>
      %dma_start3A_704 = tpu.memref_squeeze %dma_start3A_703 : memref<1x80x128xi32, #tpu.memory_space<hbm>> -> memref<80x128xi32, #tpu.memory_space<hbm>>
      %dma_start3A_705 = arith.constant 0 : i32
      %dma_start3A_706 = arith.constant 0 : i32
      %dma_start3A_707 = tpu.memref_slice %arg3[%add3A, %dma_start3A_705, %dma_start3A_706] : memref<32x80x128xi32, #tpu.memory_space<hbm>> -> memref<1x80x128xi32, #tpu.memory_space<hbm>>
      %dma_start3A_708 = tpu.memref_squeeze %dma_start3A_707 : memref<1x80x128xi32, #tpu.memory_space<hbm>> -> memref<80x128xi32, #tpu.memory_space<hbm>>
      tpu.enqueue_dma source(%dma_start3A_708 : memref<80x128xi32, #tpu.memory_space<hbm>>) target(%arg8 : memref<80x128xi32, #tpu.memory_space<vmem>>) target_semaphore(%run_scoped3A_701 : memref<!tpu.dma_semaphore, #tpu.memory_space<semaphore_mem>>)
      %dma_wait3A = arith.constant 0 : i32
      %dma_wait3A_709 = arith.constant 0 : i32
      %dma_wait3A_710 = tpu.memref_slice %arg3[%add3A, %dma_wait3A, %dma_wait3A_709] : memref<32x80x128xi32, #tpu.memory_space<hbm>> -> memref<1x80x128xi32, #tpu.memory_space<hbm>>
      %dma_wait3A_711 = tpu.memref_squeeze %dma_wait3A_710 : memref<1x80x128xi32, #tpu.memory_space<hbm>> -> memref<80x128xi32, #tpu.memory_space<hbm>>
      %dma_wait3A_712 = arith.constant 0 : i32
      %dma_wait3A_713 = arith.constant 0 : i32
      %dma_wait3A_714 = tpu.memref_slice %arg3[%add3A, %dma_wait3A_712, %dma_wait3A_713] : memref<32x80x128xi32, #tpu.memory_space<hbm>> -> memref<1x80x128xi32, #tpu.memory_space<hbm>>
      %dma_wait3A_715 = tpu.memref_squeeze %dma_wait3A_714 : memref<1x80x128xi32, #tpu.memory_space<hbm>> -> memref<80x128xi32, #tpu.memory_space<hbm>>
      tpu.wait_dma2 semaphore(%run_scoped3A_701 : memref<!tpu.dma_semaphore, #tpu.memory_space<semaphore_mem>>) src(%dma_wait3A_715 : memref<80x128xi32, #tpu.memory_space<hbm>>) dst(%arg8 : memref<80x128xi32, #tpu.memory_space<vmem>>)
      tpu.yield
    }) : () -> ()
    "tpu.region"() ({
      %run_scoped3A_701 = tpu.sem_alloc : memref<!tpu.dma_semaphore, #tpu.memory_space<semaphore_mem>>
      tpu.enqueue_dma source(%arg4 : memref<80x128xf32, #tpu.memory_space<hbm>>) target(%arg9 : memref<80x128xf32, #tpu.memory_space<vmem>>) target_semaphore(%run_scoped3A_701 : memref<!tpu.dma_semaphore, #tpu.memory_space<semaphore_mem>>)
      tpu.wait_dma2 semaphore(%run_scoped3A_701 : memref<!tpu.dma_semaphore, #tpu.memory_space<semaphore_mem>>) src(%arg4 : memref<80x128xf32, #tpu.memory_space<hbm>>) dst(%arg9 : memref<80x128xf32, #tpu.memory_space<vmem>>)
      tpu.yield
    }) : () -> ()
    "tpu.region"() ({
      %run_scoped3A_701 = tpu.sem_alloc : memref<!tpu.dma_semaphore, #tpu.memory_space<semaphore_mem>>
      tpu.enqueue_dma source(%arg5 : memref<80x128xi32, #tpu.memory_space<hbm>>) target(%arg10 : memref<80x128xi32, #tpu.memory_space<vmem>>) target_semaphore(%run_scoped3A_701 : memref<!tpu.dma_semaphore, #tpu.memory_space<semaphore_mem>>)
      tpu.wait_dma2 semaphore(%run_scoped3A_701 : memref<!tpu.dma_semaphore, #tpu.memory_space<semaphore_mem>>) src(%arg5 : memref<80x128xi32, #tpu.memory_space<hbm>>) dst(%arg10 : memref<80x128xi32, #tpu.memory_space<vmem>>)
      tpu.yield
    }) : () -> ()
    %barrier3A = arith.constant 0 : index
    tpu.barrier barrier_id(%barrier3A)
    %scan3A_48 = arith.constant 0 : i32
    %scan3A_49 = arith.constant 0 : i32
    %scan3A_50 = arith.constant 80 : i32
    %scan3A_51 = arith.addi %scan3A_49, %scan3A_50 : i32
    %scan3A_52 = arith.constant 1 : i32
    %scan3A_53 = scf.for %scan3A_701 = %scan3A_49 to %scan3A_51 step %scan3A_52 iter_args(%scan3A_702 = %scan3A_48) -> (i32)  : i32 {
      %get3A = arith.index_cast %scan3A_701 : i32 to index
      %get3A_703 = arith.constant 0 : index
      %get3A_704 = tpu.vector_load %arg7[%get3A, %get3A_703] {strides = array<i32>} : memref<80x128xi32, #tpu.memory_space<vmem>>, vector<16xi32>,
      %get3A_705 = arith.index_cast %scan3A_701 : i32 to index
      %get3A_706 = arith.constant 0 : index
      %get3A_707 = tpu.vector_load %arg8[%get3A_705, %get3A_706] {strides = array<i32>} : memref<80x128xi32, #tpu.memory_space<vmem>>, vector<16xi32>,
      %shift_right_logical3A_708 = arith.constant 7 : i32
      %shift_right_logical3A_709 = vector.broadcast %shift_right_logical3A_708 : i32 to vector<16xi32>
      %shift_right_logical3A_710 = arith.shrui %get3A_707, %shift_right_logical3A_709 : vector<16xi32>
      %and3A_711 = arith.constant 127 : i32
      %and3A_712 = vector.broadcast %and3A_711 : i32 to vector<16xi32>
      %and3A_713 = arith.andi %get3A_707, %and3A_712 : vector<16xi32>
      %gather3A_714 = tpu.vector_load_idx %arg10[%shift_right_logical3A_710, %and3A_713] : memref<80x128xi32, #tpu.memory_space<vmem>>[vector<16xi32>, vector<16xi32>], vector<16xi32>,
      %gather3A_715 = tpu.vector_load_idx %arg9[%shift_right_logical3A_710, %and3A_713] : memref<80x128xf32, #tpu.memory_space<vmem>>[vector<16xi32>, vector<16xi32>], vector<16xf32>,
      %mul3A_716 = arith.constant 10240 : i32
      %mul3A_717 = vector.broadcast %mul3A_716 : i32 to vector<16xi32>
      %mul3A_718 = arith.muli %gather3A_714, %mul3A_717 : vector<16xi32>
      %add3A_719 = arith.addi %mul3A_718, %get3A_704 : vector<16xi32>
      %swap3A_720 = arith.constant 0 : i32
      %swap3A_721 = arith.index_cast %swap3A_720 : i32 to index
      %swap3A_722 = arith.constant 0 : index
      %swap3A_723 = tpu.vector_load %arg11[%swap3A_721, %swap3A_722] {strides = array<i32>} : memref<1x128xi32, #tpu.memory_space<vmem>>, vector<16xi32>,
      tpu.vector_store %arg11[%swap3A_721, %swap3A_722], %add3A_719 {strides = array<i32>} : memref<1x128xi32, #tpu.memory_space<vmem>>, vector<16xi32>,
      %swap3A_724 = arith.constant 0 : index
      %swap3A_725 = tpu.vector_load %arg12[%swap3A_724] {strides = array<i32>} : memref<128xf32, #tpu.memory_space<vmem>>, vector<16xf32>,
      tpu.vector_store %arg12[%swap3A_724], %gather3A_715 {strides = array<i32>} : memref<128xf32, #tpu.memory_space<vmem>>, vector<16xf32>,
      %get3A_726 = arith.index_cast %scan3A_701 : i32 to index
      %get3A_727 = arith.constant 16 : index
      %get3A_728 = tpu.vector_load %arg7[%get3A_726, %get3A_727] {strides = array<i32>} : memref<80x128xi32, #tpu.memory_space<vmem>>, vector<16xi32>,
      %get3A_729 = arith.index_cast %scan3A_701 : i32 to index
      %get3A_730 = arith.constant 16 : index
      %get3A_731 = tpu.vector_load %arg8[%get3A_729, %get3A_730] {strides = array<i32>} : memref<80x128xi32, #tpu.memory_space<vmem>>, vector<16xi32>,
      %shift_right_logical3A_732 = arith.constant 7 : i32
      %shift_right_logical3A_733 = vector.broadcast %shift_right_logical3A_732 : i32 to vector<16xi32>
      %shift_right_logical3A_734 = arith.shrui %get3A_731, %shift_right_logical3A_733 : vector<16xi32>
      %and3A_735 = arith.constant 127 : i32
      %and3A_736 = vector.broadcast %and3A_735 : i32 to vector<16xi32>
      %and3A_737 = arith.andi %get3A_731, %and3A_736 : vector<16xi32>
      %gather3A_738 = tpu.vector_load_idx %arg10[%shift_right_logical3A_734, %and3A_737] : memref<80x128xi32, #tpu.memory_space<vmem>>[vector<16xi32>, vector<16xi32>], vector<16xi32>,
      %gather3A_739 = tpu.vector_load_idx %arg9[%shift_right_logical3A_734, %and3A_737] : memref<80x128xf32, #tpu.memory_space<vmem>>[vector<16xi32>, vector<16xi32>], vector<16xf32>,
      %mul3A_740 = arith.constant 10240 : i32
      %mul3A_741 = vector.broadcast %mul3A_740 : i32 to vector<16xi32>
      %mul3A_742 = arith.muli %gather3A_738, %mul3A_741 : vector<16xi32>
      %add3A_743 = arith.addi %mul3A_742, %get3A_728 : vector<16xi32>
      %swap3A_744 = arith.constant 0 : i32
      %swap3A_745 = arith.index_cast %swap3A_744 : i32 to index
      %swap3A_746 = arith.constant 16 : index
      %swap3A_747 = tpu.vector_load %arg11[%swap3A_745, %swap3A_746] {strides = array<i32>} : memref<1x128xi32, #tpu.memory_space<vmem>>, vector<16xi32>,
      tpu.vector_store %arg11[%swap3A_745, %swap3A_746], %add3A_743 {strides = array<i32>} : memref<1x128xi32, #tpu.memory_space<vmem>>, vector<16xi32>,
      %swap3A_748 = arith.constant 16 : index
      %swap3A_749 = tpu.vector_load %arg12[%swap3A_748] {strides = array<i32>} : memref<128xf32, #tpu.memory_space<vmem>>, vector<16xf32>,
      tpu.vector_store %arg12[%swap3A_748], %gather3A_739 {strides = array<i32>} : memref<128xf32, #tpu.memory_space<vmem>>, vector<16xf32>,
      %get3A_750 = arith.index_cast %scan3A_701 : i32 to index
      %get3A_751 = arith.constant 32 : index
      %get3A_752 = tpu.vector_load %arg7[%get3A_750, %get3A_751] {strides = array<i32>} : memref<80x128xi32, #tpu.memory_space<vmem>>, vector<16xi32>,
      %get3A_753 = arith.index_cast %scan3A_701 : i32 to index
      %get3A_754 = arith.constant 32 : index
      %get3A_755 = tpu.vector_load %arg8[%get3A_753, %get3A_754] {strides = array<i32>} : memref<80x128xi32, #tpu.memory_space<vmem>>, vector<16xi32>,
      %shift_right_logical3A_756 = arith.constant 7 : i32
      %shift_right_logical3A_757 = vector.broadcast %shift_right_logical3A_756 : i32 to vector<16xi32>
      %shift_right_logical3A_758 = arith.shrui %get3A_755, %shift_right_logical3A_757 : vector<16xi32>
      %and3A_759 = arith.constant 127 : i32
      %and3A_760 = vector.broadcast %and3A_759 : i32 to vector<16xi32>
      %and3A_761 = arith.andi %get3A_755, %and3A_760 : vector<16xi32>
      %gather3A_762 = tpu.vector_load_idx %arg10[%shift_right_logical3A_758, %and3A_761] : memref<80x128xi32, #tpu.memory_space<vmem>>[vector<16xi32>, vector<16xi32>], vector<16xi32>,
      %gather3A_763 = tpu.vector_load_idx %arg9[%shift_right_logical3A_758, %and3A_761] : memref<80x128xf32, #tpu.memory_space<vmem>>[vector<16xi32>, vector<16xi32>], vector<16xf32>,
      %mul3A_764 = arith.constant 10240 : i32
      %mul3A_765 = vector.broadcast %mul3A_764 : i32 to vector<16xi32>
      %mul3A_766 = arith.muli %gather3A_762, %mul3A_765 : vector<16xi32>
      %add3A_767 = arith.addi %mul3A_766, %get3A_752 : vector<16xi32>
      %swap3A_768 = arith.constant 0 : i32
      %swap3A_769 = arith.index_cast %swap3A_768 : i32 to index
      %swap3A_770 = arith.constant 32 : index
      %swap3A_771 = tpu.vector_load %arg11[%swap3A_769, %swap3A_770] {strides = array<i32>} : memref<1x128xi32, #tpu.memory_space<vmem>>, vector<16xi32>,
      tpu.vector_store %arg11[%swap3A_769, %swap3A_770], %add3A_767 {strides = array<i32>} : memref<1x128xi32, #tpu.memory_space<vmem>>, vector<16xi32>,
      %swap3A_772 = arith.constant 32 : index
      %swap3A_773 = tpu.vector_load %arg12[%swap3A_772] {strides = array<i32>} : memref<128xf32, #tpu.memory_space<vmem>>, vector<16xf32>,
      tpu.vector_store %arg12[%swap3A_772], %gather3A_763 {strides = array<i32>} : memref<128xf32, #tpu.memory_space<vmem>>, vector<16xf32>,
      %get3A_774 = arith.index_cast %scan3A_701 : i32 to index
      %get3A_775 = arith.constant 48 : index
      %get3A_776 = tpu.vector_load %arg7[%get3A_774, %get3A_775] {strides = array<i32>} : memref<80x128xi32, #tpu.memory_space<vmem>>, vector<16xi32>,
      %get3A_777 = arith.index_cast %scan3A_701 : i32 to index
      %get3A_778 = arith.constant 48 : index
      %get3A_779 = tpu.vector_load %arg8[%get3A_777, %get3A_778] {strides = array<i32>} : memref<80x128xi32, #tpu.memory_space<vmem>>, vector<16xi32>,
      %shift_right_logical3A_780 = arith.constant 7 : i32
      %shift_right_logical3A_781 = vector.broadcast %shift_right_logical3A_780 : i32 to vector<16xi32>
      %shift_right_logical3A_782 = arith.shrui %get3A_779, %shift_right_logical3A_781 : vector<16xi32>
      %and3A_783 = arith.constant 127 : i32
      %and3A_784 = vector.broadcast %and3A_783 : i32 to vector<16xi32>
      %and3A_785 = arith.andi %get3A_779, %and3A_784 : vector<16xi32>
      %gather3A_786 = tpu.vector_load_idx %arg10[%shift_right_logical3A_782, %and3A_785] : memref<80x128xi32, #tpu.memory_space<vmem>>[vector<16xi32>, vector<16xi32>], vector<16xi32>,
      %gather3A_787 = tpu.vector_load_idx %arg9[%shift_right_logical3A_782, %and3A_785] : memref<80x128xf32, #tpu.memory_space<vmem>>[vector<16xi32>, vector<16xi32>], vector<16xf32>,
      %mul3A_788 = arith.constant 10240 : i32
      %mul3A_789 = vector.broadcast %mul3A_788 : i32 to vector<16xi32>
      %mul3A_790 = arith.muli %gather3A_786, %mul3A_789 : vector<16xi32>
      %add3A_791 = arith.addi %mul3A_790, %get3A_776 : vector<16xi32>
      %swap3A_792 = arith.constant 0 : i32
      %swap3A_793 = arith.index_cast %swap3A_792 : i32 to index
      %swap3A_794 = arith.constant 48 : index
      %swap3A_795 = tpu.vector_load %arg11[%swap3A_793, %swap3A_794] {strides = array<i32>} : memref<1x128xi32, #tpu.memory_space<vmem>>, vector<16xi32>,
      tpu.vector_store %arg11[%swap3A_793, %swap3A_794], %add3A_791 {strides = array<i32>} : memref<1x128xi32, #tpu.memory_space<vmem>>, vector<16xi32>,
      %swap3A_796 = arith.constant 48 : index
      %swap3A_797 = tpu.vector_load %arg12[%swap3A_796] {strides = array<i32>} : memref<128xf32, #tpu.memory_space<vmem>>, vector<16xf32>,
      tpu.vector_store %arg12[%swap3A_796], %gather3A_787 {strides = array<i32>} : memref<128xf32, #tpu.memory_space<vmem>>, vector<16xf32>,
      %get3A_798 = arith.index_cast %scan3A_701 : i32 to index
      %get3A_799 = arith.constant 64 : index
      %get3A_800 = tpu.vector_load %arg7[%get3A_798, %get3A_799] {strides = array<i32>} : memref<80x128xi32, #tpu.memory_space<vmem>>, vector<16xi32>,
      %get3A_801 = arith.index_cast %scan3A_701 : i32 to index
      %get3A_802 = arith.constant 64 : index
      %get3A_803 = tpu.vector_load %arg8[%get3A_801, %get3A_802] {strides = array<i32>} : memref<80x128xi32, #tpu.memory_space<vmem>>, vector<16xi32>,
      %shift_right_logical3A_804 = arith.constant 7 : i32
      %shift_right_logical3A_805 = vector.broadcast %shift_right_logical3A_804 : i32 to vector<16xi32>
      %shift_right_logical3A_806 = arith.shrui %get3A_803, %shift_right_logical3A_805 : vector<16xi32>
      %and3A_807 = arith.constant 127 : i32
      %and3A_808 = vector.broadcast %and3A_807 : i32 to vector<16xi32>
      %and3A_809 = arith.andi %get3A_803, %and3A_808 : vector<16xi32>
      %gather3A_810 = tpu.vector_load_idx %arg10[%shift_right_logical3A_806, %and3A_809] : memref<80x128xi32, #tpu.memory_space<vmem>>[vector<16xi32>, vector<16xi32>], vector<16xi32>,
      %gather3A_811 = tpu.vector_load_idx %arg9[%shift_right_logical3A_806, %and3A_809] : memref<80x128xf32, #tpu.memory_space<vmem>>[vector<16xi32>, vector<16xi32>], vector<16xf32>,
      %mul3A_812 = arith.constant 10240 : i32
      %mul3A_813 = vector.broadcast %mul3A_812 : i32 to vector<16xi32>
      %mul3A_814 = arith.muli %gather3A_810, %mul3A_813 : vector<16xi32>
      %add3A_815 = arith.addi %mul3A_814, %get3A_800 : vector<16xi32>
      %swap3A_816 = arith.constant 0 : i32
      %swap3A_817 = arith.index_cast %swap3A_816 : i32 to index
      %swap3A_818 = arith.constant 64 : index
      %swap3A_819 = tpu.vector_load %arg11[%swap3A_817, %swap3A_818] {strides = array<i32>} : memref<1x128xi32, #tpu.memory_space<vmem>>, vector<16xi32>,
      tpu.vector_store %arg11[%swap3A_817, %swap3A_818], %add3A_815 {strides = array<i32>} : memref<1x128xi32, #tpu.memory_space<vmem>>, vector<16xi32>,
      %swap3A_820 = arith.constant 64 : index
      %swap3A_821 = tpu.vector_load %arg12[%swap3A_820] {strides = array<i32>} : memref<128xf32, #tpu.memory_space<vmem>>, vector<16xf32>,
      tpu.vector_store %arg12[%swap3A_820], %gather3A_811 {strides = array<i32>} : memref<128xf32, #tpu.memory_space<vmem>>, vector<16xf32>,
      %get3A_822 = arith.index_cast %scan3A_701 : i32 to index
      %get3A_823 = arith.constant 80 : index
      %get3A_824 = tpu.vector_load %arg7[%get3A_822, %get3A_823] {strides = array<i32>} : memref<80x128xi32, #tpu.memory_space<vmem>>, vector<16xi32>,
      %get3A_825 = arith.index_cast %scan3A_701 : i32 to index
      %get3A_826 = arith.constant 80 : index
      %get3A_827 = tpu.vector_load %arg8[%get3A_825, %get3A_826] {strides = array<i32>} : memref<80x128xi32, #tpu.memory_space<vmem>>, vector<16xi32>,
      %shift_right_logical3A_828 = arith.constant 7 : i32
      %shift_right_logical3A_829 = vector.broadcast %shift_right_logical3A_828 : i32 to vector<16xi32>
      %shift_right_logical3A_830 = arith.shrui %get3A_827, %shift_right_logical3A_829 : vector<16xi32>
      %and3A_831 = arith.constant 127 : i32
      %and3A_832 = vector.broadcast %and3A_831 : i32 to vector<16xi32>
      %and3A_833 = arith.andi %get3A_827, %and3A_832 : vector<16xi32>
      %gather3A_834 = tpu.vector_load_idx %arg10[%shift_right_logical3A_830, %and3A_833] : memref<80x128xi32, #tpu.memory_space<vmem>>[vector<16xi32>, vector<16xi32>], vector<16xi32>,
      %gather3A_835 = tpu.vector_load_idx %arg9[%shift_right_logical3A_830, %and3A_833] : memref<80x128xf32, #tpu.memory_space<vmem>>[vector<16xi32>, vector<16xi32>], vector<16xf32>,
      %mul3A_836 = arith.constant 10240 : i32
      %mul3A_837 = vector.broadcast %mul3A_836 : i32 to vector<16xi32>
      %mul3A_838 = arith.muli %gather3A_834, %mul3A_837 : vector<16xi32>
      %add3A_839 = arith.addi %mul3A_838, %get3A_824 : vector<16xi32>
      %swap3A_840 = arith.constant 0 : i32
      %swap3A_841 = arith.index_cast %swap3A_840 : i32 to index
      %swap3A_842 = arith.constant 80 : index
      %swap3A_843 = tpu.vector_load %arg11[%swap3A_841, %swap3A_842] {strides = array<i32>} : memref<1x128xi32, #tpu.memory_space<vmem>>, vector<16xi32>,
      tpu.vector_store %arg11[%swap3A_841, %swap3A_842], %add3A_839 {strides = array<i32>} : memref<1x128xi32, #tpu.memory_space<vmem>>, vector<16xi32>,
      %swap3A_844 = arith.constant 80 : index
      %swap3A_845 = tpu.vector_load %arg12[%swap3A_844] {strides = array<i32>} : memref<128xf32, #tpu.memory_space<vmem>>, vector<16xf32>,
      tpu.vector_store %arg12[%swap3A_844], %gather3A_835 {strides = array<i32>} : memref<128xf32, #tpu.memory_space<vmem>>, vector<16xf32>,
      %get3A_846 = arith.index_cast %scan3A_701 : i32 to index
      %get3A_847 = arith.constant 96 : index
      %get3A_848 = tpu.vector_load %arg7[%get3A_846, %get3A_847] {strides = array<i32>} : memref<80x128xi32, #tpu.memory_space<vmem>>, vector<16xi32>,
      %get3A_849 = arith.index_cast %scan3A_701 : i32 to index
      %get3A_850 = arith.constant 96 : index
      %get3A_851 = tpu.vector_load %arg8[%get3A_849, %get3A_850] {strides = array<i32>} : memref<80x128xi32, #tpu.memory_space<vmem>>, vector<16xi32>,
      %shift_right_logical3A_852 = arith.constant 7 : i32
      %shift_right_logical3A_853 = vector.broadcast %shift_right_logical3A_852 : i32 to vector<16xi32>
      %shift_right_logical3A_854 = arith.shrui %get3A_851, %shift_right_logical3A_853 : vector<16xi32>
      %and3A_855 = arith.constant 127 : i32
      %and3A_856 = vector.broadcast %and3A_855 : i32 to vector<16xi32>
      %and3A_857 = arith.andi %get3A_851, %and3A_856 : vector<16xi32>
      %gather3A_858 = tpu.vector_load_idx %arg10[%shift_right_logical3A_854, %and3A_857] : memref<80x128xi32, #tpu.memory_space<vmem>>[vector<16xi32>, vector<16xi32>], vector<16xi32>,
      %gather3A_859 = tpu.vector_load_idx %arg9[%shift_right_logical3A_854, %and3A_857] : memref<80x128xf32, #tpu.memory_space<vmem>>[vector<16xi32>, vector<16xi32>], vector<16xf32>,
      %mul3A_860 = arith.constant 10240 : i32
      %mul3A_861 = vector.broadcast %mul3A_860 : i32 to vector<16xi32>
      %mul3A_862 = arith.muli %gather3A_858, %mul3A_861 : vector<16xi32>
      %add3A_863 = arith.addi %mul3A_862, %get3A_848 : vector<16xi32>
      %swap3A_864 = arith.constant 0 : i32
      %swap3A_865 = arith.index_cast %swap3A_864 : i32 to index
      %swap3A_866 = arith.constant 96 : index
      %swap3A_867 = tpu.vector_load %arg11[%swap3A_865, %swap3A_866] {strides = array<i32>} : memref<1x128xi32, #tpu.memory_space<vmem>>, vector<16xi32>,
      tpu.vector_store %arg11[%swap3A_865, %swap3A_866], %add3A_863 {strides = array<i32>} : memref<1x128xi32, #tpu.memory_space<vmem>>, vector<16xi32>,
      %swap3A_868 = arith.constant 96 : index
      %swap3A_869 = tpu.vector_load %arg12[%swap3A_868] {strides = array<i32>} : memref<128xf32, #tpu.memory_space<vmem>>, vector<16xf32>,
      tpu.vector_store %arg12[%swap3A_868], %gather3A_859 {strides = array<i32>} : memref<128xf32, #tpu.memory_space<vmem>>, vector<16xf32>,
      %get3A_870 = arith.index_cast %scan3A_701 : i32 to index
      %get3A_871 = arith.constant 112 : index
      %get3A_872 = tpu.vector_load %arg7[%get3A_870, %get3A_871] {strides = array<i32>} : memref<80x128xi32, #tpu.memory_space<vmem>>, vector<16xi32>,
      %get3A_873 = arith.index_cast %scan3A_701 : i32 to index
      %get3A_874 = arith.constant 112 : index
      %get3A_875 = tpu.vector_load %arg8[%get3A_873, %get3A_874] {strides = array<i32>} : memref<80x128xi32, #tpu.memory_space<vmem>>, vector<16xi32>,
      %shift_right_logical3A_876 = arith.constant 7 : i32
      %shift_right_logical3A_877 = vector.broadcast %shift_right_logical3A_876 : i32 to vector<16xi32>
      %shift_right_logical3A_878 = arith.shrui %get3A_875, %shift_right_logical3A_877 : vector<16xi32>
      %and3A_879 = arith.constant 127 : i32
      %and3A_880 = vector.broadcast %and3A_879 : i32 to vector<16xi32>
      %and3A_881 = arith.andi %get3A_875, %and3A_880 : vector<16xi32>
      %gather3A_882 = tpu.vector_load_idx %arg10[%shift_right_logical3A_878, %and3A_881] : memref<80x128xi32, #tpu.memory_space<vmem>>[vector<16xi32>, vector<16xi32>], vector<16xi32>,
      %gather3A_883 = tpu.vector_load_idx %arg9[%shift_right_logical3A_878, %and3A_881] : memref<80x128xf32, #tpu.memory_space<vmem>>[vector<16xi32>, vector<16xi32>], vector<16xf32>,
      %mul3A_884 = arith.constant 10240 : i32
      %mul3A_885 = vector.broadcast %mul3A_884 : i32 to vector<16xi32>
      %mul3A_886 = arith.muli %gather3A_882, %mul3A_885 : vector<16xi32>
      %add3A_887 = arith.addi %mul3A_886, %get3A_872 : vector<16xi32>
      %swap3A_888 = arith.constant 0 : i32
      %swap3A_889 = arith.index_cast %swap3A_888 : i32 to index
      %swap3A_890 = arith.constant 112 : index
      %swap3A_891 = tpu.vector_load %arg11[%swap3A_889, %swap3A_890] {strides = array<i32>} : memref<1x128xi32, #tpu.memory_space<vmem>>, vector<16xi32>,
      tpu.vector_store %arg11[%swap3A_889, %swap3A_890], %add3A_887 {strides = array<i32>} : memref<1x128xi32, #tpu.memory_space<vmem>>, vector<16xi32>,
      %swap3A_892 = arith.constant 112 : index
      %swap3A_893 = tpu.vector_load %arg12[%swap3A_892] {strides = array<i32>} : memref<128xf32, #tpu.memory_space<vmem>>, vector<16xf32>,
      tpu.vector_store %arg12[%swap3A_892], %gather3A_883 {strides = array<i32>} : memref<128xf32, #tpu.memory_space<vmem>>, vector<16xf32>,
      %run_scoped3A_894 = arith.constant 0 : i32
      "tpu.region"() ({
        %run_scoped3A_896 = tpu.sem_alloc : memref<!tpu.dma_semaphore, #tpu.memory_space<semaphore_mem>>
        %dma_start3A = arith.constant 0 : i32
        %dma_start3A_897 = tpu.memref_slice %arg11[%run_scoped3A_894, %dma_start3A] : memref<1x128xi32, #tpu.memory_space<vmem>> -> memref<1x128xi32, #tpu.memory_space<vmem>>
        %dma_start3A_898 = tpu.memref_squeeze %dma_start3A_897 : memref<1x128xi32, #tpu.memory_space<vmem>> -> memref<128xi32, #tpu.memory_space<vmem>>
        %dma_start3A_899 = arith.constant 0 : i32
        %dma_start3A_900 = tpu.memref_slice %arg14[%dma_start3A_899] : memref<665600xf32, #tpu.memory_space<vmem_shared>> -> memref<665600xf32, #tpu.memory_space<vmem_shared>>
        tpu.enqueue_indirect_dma source(%arg12 : memref<128xf32, #tpu.memory_space<vmem>>) target(%dma_start3A_900 : memref<665600xf32, #tpu.memory_space<vmem_shared>>) offsets(%dma_start3A_898 : memref<128xi32, #tpu.memory_space<vmem>>) semaphore(%run_scoped3A_896 : memref<!tpu.dma_semaphore, #tpu.memory_space<semaphore_mem>>) {add = true}
        %dma_wait3A = arith.constant 0 : i32
        %dma_wait3A_901 = tpu.memref_slice %arg11[%run_scoped3A_894, %dma_wait3A] : memref<1x128xi32, #tpu.memory_space<vmem>> -> memref<1x128xi32, #tpu.memory_space<vmem>>
        %dma_wait3A_902 = tpu.memref_squeeze %dma_wait3A_901 : memref<1x128xi32, #tpu.memory_space<vmem>> -> memref<128xi32, #tpu.memory_space<vmem>>
        %dma_wait3A_903 = arith.constant 0 : i32
        %dma_wait3A_904 = tpu.memref_slice %arg14[%dma_wait3A_903] : memref<665600xf32, #tpu.memory_space<vmem_shared>> -> memref<665600xf32, #tpu.memory_space<vmem_shared>>
        tpu.wait_indirect_dma semaphore(%run_scoped3A_896 : memref<!tpu.dma_semaphore, #tpu.memory_space<semaphore_mem>>) src(%arg12 : memref<128xf32, #tpu.memory_space<vmem>>) dst(%dma_wait3A_904 : memref<665600xf32, #tpu.memory_space<vmem_shared>>)
        tpu.yield
      }) : () -> ()
      %scan3A_895 = arith.constant 0 : i32
      scf.yield %scan3A_895 : i32
    }
    %scan3A_54 = arith.constant 80 : i32
    %iota3A = tpu.iota {dimensions = array<i32: 0>} : vector<16xi32>
    %mul3A_55 = arith.constant 320 : i32
    %mul3A_56 = arith.muli %add3A, %mul3A_55 : i32
    %add3A_57 = arith.constant 0 : i32
    %add3A_58 = arith.addi %mul3A_56, %add3A_57 : i32
    %add3A_59 = vector.broadcast %add3A_58 : i32 to vector<16xi32>
    %add3A_60 = arith.addi %add3A_59, %iota3A : vector<16xi32>
    %min3A = arith.constant 10239 : i32
    %min3A_61 = vector.broadcast %min3A : i32 to vector<16xi32>
    %min3A_62 = arith.minsi %add3A_60, %min3A_61 : vector<16xi32>
    %shift_right_logical3A = arith.constant 7 : i32
    %shift_right_logical3A_63 = vector.broadcast %shift_right_logical3A : i32 to vector<16xi32>
    %shift_right_logical3A_64 = arith.shrui %min3A_62, %shift_right_logical3A_63 : vector<16xi32>
    %and3A = arith.constant 127 : i32
    %and3A_65 = vector.broadcast %and3A : i32 to vector<16xi32>
    %and3A_66 = arith.andi %min3A_62, %and3A_65 : vector<16xi32>
    %gather3A = tpu.vector_load_idx %arg10[%shift_right_logical3A_64, %and3A_66] : memref<80x128xi32, #tpu.memory_space<vmem>>[vector<16xi32>, vector<16xi32>], vector<16xi32>,
    %gather3A_67 = tpu.vector_load_idx %arg9[%shift_right_logical3A_64, %and3A_66] : memref<80x128xf32, #tpu.memory_space<vmem>>[vector<16xi32>, vector<16xi32>], vector<16xf32>,
    %mul3A_68 = arith.constant 10240 : i32
    %mul3A_69 = vector.broadcast %mul3A_68 : i32 to vector<16xi32>
    %mul3A_70 = arith.muli %gather3A, %mul3A_69 : vector<16xi32>
    %add3A_71 = arith.addi %mul3A_70, %add3A_60 : vector<16xi32>
    %swap3A = arith.constant 0 : i32
    %swap3A_72 = arith.index_cast %swap3A : i32 to index
    %swap3A_73 = arith.constant 0 : index
    %swap3A_74 = tpu.vector_load %arg11[%swap3A_72, %swap3A_73] {strides = array<i32>} : memref<1x128xi32, #tpu.memory_space<vmem>>, vector<16xi32>,
    tpu.vector_store %arg11[%swap3A_72, %swap3A_73], %add3A_71 {strides = array<i32>} : memref<1x128xi32, #tpu.memory_space<vmem>>, vector<16xi32>,
    %swap3A_75 = arith.constant 0 : index
    %swap3A_76 = tpu.vector_load %arg12[%swap3A_75] {strides = array<i32>} : memref<128xf32, #tpu.memory_space<vmem>>, vector<16xf32>,
    tpu.vector_store %arg12[%swap3A_75], %gather3A_67 {strides = array<i32>} : memref<128xf32, #tpu.memory_space<vmem>>, vector<16xf32>,
    %mul3A_77 = arith.constant 320 : i32
    %mul3A_78 = arith.muli %add3A, %mul3A_77 : i32
    %add3A_79 = arith.constant 16 : i32
    %add3A_80 = arith.addi %mul3A_78, %add3A_79 : i32
    %add3A_81 = vector.broadcast %add3A_80 : i32 to vector<16xi32>
    %add3A_82 = arith.addi %add3A_81, %iota3A : vector<16xi32>
    %min3A_83 = arith.constant 10239 : i32
    %min3A_84 = vector.broadcast %min3A_83 : i32 to vector<16xi32>
    %min3A_85 = arith.minsi %add3A_82, %min3A_84 : vector<16xi32>
    %shift_right_logical3A_86 = arith.constant 7 : i32
    %shift_right_logical3A_87 = vector.broadcast %shift_right_logical3A_86 : i32 to vector<16xi32>
    %shift_right_logical3A_88 = arith.shrui %min3A_85, %shift_right_logical3A_87 : vector<16xi32>
    %and3A_89 = arith.constant 127 : i32
    %and3A_90 = vector.broadcast %and3A_89 : i32 to vector<16xi32>
    %and3A_91 = arith.andi %min3A_85, %and3A_90 : vector<16xi32>
    %gather3A_92 = tpu.vector_load_idx %arg10[%shift_right_logical3A_88, %and3A_91] : memref<80x128xi32, #tpu.memory_space<vmem>>[vector<16xi32>, vector<16xi32>], vector<16xi32>,
    %gather3A_93 = tpu.vector_load_idx %arg9[%shift_right_logical3A_88, %and3A_91] : memref<80x128xf32, #tpu.memory_space<vmem>>[vector<16xi32>, vector<16xi32>], vector<16xf32>,
    %mul3A_94 = arith.constant 10240 : i32
    %mul3A_95 = vector.broadcast %mul3A_94 : i32 to vector<16xi32>
    %mul3A_96 = arith.muli %gather3A_92, %mul3A_95 : vector<16xi32>
    %add3A_97 = arith.addi %mul3A_96, %add3A_82 : vector<16xi32>
    %swap3A_98 = arith.constant 0 : i32
    %swap3A_99 = arith.index_cast %swap3A_98 : i32 to index
    %swap3A_100 = arith.constant 16 : index
    %swap3A_101 = tpu.vector_load %arg11[%swap3A_99, %swap3A_100] {strides = array<i32>} : memref<1x128xi32, #tpu.memory_space<vmem>>, vector<16xi32>,
    tpu.vector_store %arg11[%swap3A_99, %swap3A_100], %add3A_97 {strides = array<i32>} : memref<1x128xi32, #tpu.memory_space<vmem>>, vector<16xi32>,
    %swap3A_102 = arith.constant 16 : index
    %swap3A_103 = tpu.vector_load %arg12[%swap3A_102] {strides = array<i32>} : memref<128xf32, #tpu.memory_space<vmem>>, vector<16xf32>,
    tpu.vector_store %arg12[%swap3A_102], %gather3A_93 {strides = array<i32>} : memref<128xf32, #tpu.memory_space<vmem>>, vector<16xf32>,
    %mul3A_104 = arith.constant 320 : i32
    %mul3A_105 = arith.muli %add3A, %mul3A_104 : i32
    %add3A_106 = arith.constant 32 : i32
    %add3A_107 = arith.addi %mul3A_105, %add3A_106 : i32
    %add3A_108 = vector.broadcast %add3A_107 : i32 to vector<16xi32>
    %add3A_109 = arith.addi %add3A_108, %iota3A : vector<16xi32>
    %min3A_110 = arith.constant 10239 : i32
    %min3A_111 = vector.broadcast %min3A_110 : i32 to vector<16xi32>
    %min3A_112 = arith.minsi %add3A_109, %min3A_111 : vector<16xi32>
    %shift_right_logical3A_113 = arith.constant 7 : i32
    %shift_right_logical3A_114 = vector.broadcast %shift_right_logical3A_113 : i32 to vector<16xi32>
    %shift_right_logical3A_115 = arith.shrui %min3A_112, %shift_right_logical3A_114 : vector<16xi32>
    %and3A_116 = arith.constant 127 : i32
    %and3A_117 = vector.broadcast %and3A_116 : i32 to vector<16xi32>
    %and3A_118 = arith.andi %min3A_112, %and3A_117 : vector<16xi32>
    %gather3A_119 = tpu.vector_load_idx %arg10[%shift_right_logical3A_115, %and3A_118] : memref<80x128xi32, #tpu.memory_space<vmem>>[vector<16xi32>, vector<16xi32>], vector<16xi32>,
    %gather3A_120 = tpu.vector_load_idx %arg9[%shift_right_logical3A_115, %and3A_118] : memref<80x128xf32, #tpu.memory_space<vmem>>[vector<16xi32>, vector<16xi32>], vector<16xf32>,
    %mul3A_121 = arith.constant 10240 : i32
    %mul3A_122 = vector.broadcast %mul3A_121 : i32 to vector<16xi32>
    %mul3A_123 = arith.muli %gather3A_119, %mul3A_122 : vector<16xi32>
    %add3A_124 = arith.addi %mul3A_123, %add3A_109 : vector<16xi32>
    %swap3A_125 = arith.constant 0 : i32
    %swap3A_126 = arith.index_cast %swap3A_125 : i32 to index
    %swap3A_127 = arith.constant 32 : index
    %swap3A_128 = tpu.vector_load %arg11[%swap3A_126, %swap3A_127] {strides = array<i32>} : memref<1x128xi32, #tpu.memory_space<vmem>>, vector<16xi32>,
    tpu.vector_store %arg11[%swap3A_126, %swap3A_127], %add3A_124 {strides = array<i32>} : memref<1x128xi32, #tpu.memory_space<vmem>>, vector<16xi32>,
    %swap3A_129 = arith.constant 32 : index
    %swap3A_130 = tpu.vector_load %arg12[%swap3A_129] {strides = array<i32>} : memref<128xf32, #tpu.memory_space<vmem>>, vector<16xf32>,
    tpu.vector_store %arg12[%swap3A_129], %gather3A_120 {strides = array<i32>} : memref<128xf32, #tpu.memory_space<vmem>>, vector<16xf32>,
    %mul3A_131 = arith.constant 320 : i32
    %mul3A_132 = arith.muli %add3A, %mul3A_131 : i32
    %add3A_133 = arith.constant 48 : i32
    %add3A_134 = arith.addi %mul3A_132, %add3A_133 : i32
    %add3A_135 = vector.broadcast %add3A_134 : i32 to vector<16xi32>
    %add3A_136 = arith.addi %add3A_135, %iota3A : vector<16xi32>
    %min3A_137 = arith.constant 10239 : i32
    %min3A_138 = vector.broadcast %min3A_137 : i32 to vector<16xi32>
    %min3A_139 = arith.minsi %add3A_136, %min3A_138 : vector<16xi32>
    %shift_right_logical3A_140 = arith.constant 7 : i32
    %shift_right_logical3A_141 = vector.broadcast %shift_right_logical3A_140 : i32 to vector<16xi32>
    %shift_right_logical3A_142 = arith.shrui %min3A_139, %shift_right_logical3A_141 : vector<16xi32>
    %and3A_143 = arith.constant 127 : i32
    %and3A_144 = vector.broadcast %and3A_143 : i32 to vector<16xi32>
    %and3A_145 = arith.andi %min3A_139, %and3A_144 : vector<16xi32>
    %gather3A_146 = tpu.vector_load_idx %arg10[%shift_right_logical3A_142, %and3A_145] : memref<80x128xi32, #tpu.memory_space<vmem>>[vector<16xi32>, vector<16xi32>], vector<16xi32>,
    %gather3A_147 = tpu.vector_load_idx %arg9[%shift_right_logical3A_142, %and3A_145] : memref<80x128xf32, #tpu.memory_space<vmem>>[vector<16xi32>, vector<16xi32>], vector<16xf32>,
    %mul3A_148 = arith.constant 10240 : i32
    %mul3A_149 = vector.broadcast %mul3A_148 : i32 to vector<16xi32>
    %mul3A_150 = arith.muli %gather3A_146, %mul3A_149 : vector<16xi32>
    %add3A_151 = arith.addi %mul3A_150, %add3A_136 : vector<16xi32>
    %swap3A_152 = arith.constant 0 : i32
    %swap3A_153 = arith.index_cast %swap3A_152 : i32 to index
    %swap3A_154 = arith.constant 48 : index
    %swap3A_155 = tpu.vector_load %arg11[%swap3A_153, %swap3A_154] {strides = array<i32>} : memref<1x128xi32, #tpu.memory_space<vmem>>, vector<16xi32>,
    tpu.vector_store %arg11[%swap3A_153, %swap3A_154], %add3A_151 {strides = array<i32>} : memref<1x128xi32, #tpu.memory_space<vmem>>, vector<16xi32>,
    %swap3A_156 = arith.constant 48 : index
    %swap3A_157 = tpu.vector_load %arg12[%swap3A_156] {strides = array<i32>} : memref<128xf32, #tpu.memory_space<vmem>>, vector<16xf32>,
    tpu.vector_store %arg12[%swap3A_156], %gather3A_147 {strides = array<i32>} : memref<128xf32, #tpu.memory_space<vmem>>, vector<16xf32>,
    %mul3A_158 = arith.constant 320 : i32
    %mul3A_159 = arith.muli %add3A, %mul3A_158 : i32
    %add3A_160 = arith.constant 64 : i32
    %add3A_161 = arith.addi %mul3A_159, %add3A_160 : i32
    %add3A_162 = vector.broadcast %add3A_161 : i32 to vector<16xi32>
    %add3A_163 = arith.addi %add3A_162, %iota3A : vector<16xi32>
    %min3A_164 = arith.constant 10239 : i32
    %min3A_165 = vector.broadcast %min3A_164 : i32 to vector<16xi32>
    %min3A_166 = arith.minsi %add3A_163, %min3A_165 : vector<16xi32>
    %shift_right_logical3A_167 = arith.constant 7 : i32
    %shift_right_logical3A_168 = vector.broadcast %shift_right_logical3A_167 : i32 to vector<16xi32>
    %shift_right_logical3A_169 = arith.shrui %min3A_166, %shift_right_logical3A_168 : vector<16xi32>
    %and3A_170 = arith.constant 127 : i32
    %and3A_171 = vector.broadcast %and3A_170 : i32 to vector<16xi32>
    %and3A_172 = arith.andi %min3A_166, %and3A_171 : vector<16xi32>
    %gather3A_173 = tpu.vector_load_idx %arg10[%shift_right_logical3A_169, %and3A_172] : memref<80x128xi32, #tpu.memory_space<vmem>>[vector<16xi32>, vector<16xi32>], vector<16xi32>,
    %gather3A_174 = tpu.vector_load_idx %arg9[%shift_right_logical3A_169, %and3A_172] : memref<80x128xf32, #tpu.memory_space<vmem>>[vector<16xi32>, vector<16xi32>], vector<16xf32>,
    %mul3A_175 = arith.constant 10240 : i32
    %mul3A_176 = vector.broadcast %mul3A_175 : i32 to vector<16xi32>
    %mul3A_177 = arith.muli %gather3A_173, %mul3A_176 : vector<16xi32>
    %add3A_178 = arith.addi %mul3A_177, %add3A_163 : vector<16xi32>
    %swap3A_179 = arith.constant 0 : i32
    %swap3A_180 = arith.index_cast %swap3A_179 : i32 to index
    %swap3A_181 = arith.constant 64 : index
    %swap3A_182 = tpu.vector_load %arg11[%swap3A_180, %swap3A_181] {strides = array<i32>} : memref<1x128xi32, #tpu.memory_space<vmem>>, vector<16xi32>,
    tpu.vector_store %arg11[%swap3A_180, %swap3A_181], %add3A_178 {strides = array<i32>} : memref<1x128xi32, #tpu.memory_space<vmem>>, vector<16xi32>,
    %swap3A_183 = arith.constant 64 : index
    %swap3A_184 = tpu.vector_load %arg12[%swap3A_183] {strides = array<i32>} : memref<128xf32, #tpu.memory_space<vmem>>, vector<16xf32>,
    tpu.vector_store %arg12[%swap3A_183], %gather3A_174 {strides = array<i32>} : memref<128xf32, #tpu.memory_space<vmem>>, vector<16xf32>,
    %mul3A_185 = arith.constant 320 : i32
    %mul3A_186 = arith.muli %add3A, %mul3A_185 : i32
    %add3A_187 = arith.constant 80 : i32
    %add3A_188 = arith.addi %mul3A_186, %add3A_187 : i32
    %add3A_189 = vector.broadcast %add3A_188 : i32 to vector<16xi32>
    %add3A_190 = arith.addi %add3A_189, %iota3A : vector<16xi32>
    %min3A_191 = arith.constant 10239 : i32
    %min3A_192 = vector.broadcast %min3A_191 : i32 to vector<16xi32>
    %min3A_193 = arith.minsi %add3A_190, %min3A_192 : vector<16xi32>
    %shift_right_logical3A_194 = arith.constant 7 : i32
    %shift_right_logical3A_195 = vector.broadcast %shift_right_logical3A_194 : i32 to vector<16xi32>
    %shift_right_logical3A_196 = arith.shrui %min3A_193, %shift_right_logical3A_195 : vector<16xi32>
    %and3A_197 = arith.constant 127 : i32
    %and3A_198 = vector.broadcast %and3A_197 : i32 to vector<16xi32>
    %and3A_199 = arith.andi %min3A_193, %and3A_198 : vector<16xi32>
    %gather3A_200 = tpu.vector_load_idx %arg10[%shift_right_logical3A_196, %and3A_199] : memref<80x128xi32, #tpu.memory_space<vmem>>[vector<16xi32>, vector<16xi32>], vector<16xi32>,
    %gather3A_201 = tpu.vector_load_idx %arg9[%shift_right_logical3A_196, %and3A_199] : memref<80x128xf32, #tpu.memory_space<vmem>>[vector<16xi32>, vector<16xi32>], vector<16xf32>,
    %mul3A_202 = arith.constant 10240 : i32
    %mul3A_203 = vector.broadcast %mul3A_202 : i32 to vector<16xi32>
    %mul3A_204 = arith.muli %gather3A_200, %mul3A_203 : vector<16xi32>
    %add3A_205 = arith.addi %mul3A_204, %add3A_190 : vector<16xi32>
    %swap3A_206 = arith.constant 0 : i32
    %swap3A_207 = arith.index_cast %swap3A_206 : i32 to index
    %swap3A_208 = arith.constant 80 : index
    %swap3A_209 = tpu.vector_load %arg11[%swap3A_207, %swap3A_208] {strides = array<i32>} : memref<1x128xi32, #tpu.memory_space<vmem>>, vector<16xi32>,
    tpu.vector_store %arg11[%swap3A_207, %swap3A_208], %add3A_205 {strides = array<i32>} : memref<1x128xi32, #tpu.memory_space<vmem>>, vector<16xi32>,
    %swap3A_210 = arith.constant 80 : index
    %swap3A_211 = tpu.vector_load %arg12[%swap3A_210] {strides = array<i32>} : memref<128xf32, #tpu.memory_space<vmem>>, vector<16xf32>,
    tpu.vector_store %arg12[%swap3A_210], %gather3A_201 {strides = array<i32>} : memref<128xf32, #tpu.memory_space<vmem>>, vector<16xf32>,
    %mul3A_212 = arith.constant 320 : i32
    %mul3A_213 = arith.muli %add3A, %mul3A_212 : i32
    %add3A_214 = arith.constant 96 : i32
    %add3A_215 = arith.addi %mul3A_213, %add3A_214 : i32
    %add3A_216 = vector.broadcast %add3A_215 : i32 to vector<16xi32>
    %add3A_217 = arith.addi %add3A_216, %iota3A : vector<16xi32>
    %min3A_218 = arith.constant 10239 : i32
    %min3A_219 = vector.broadcast %min3A_218 : i32 to vector<16xi32>
    %min3A_220 = arith.minsi %add3A_217, %min3A_219 : vector<16xi32>
    %shift_right_logical3A_221 = arith.constant 7 : i32
    %shift_right_logical3A_222 = vector.broadcast %shift_right_logical3A_221 : i32 to vector<16xi32>
    %shift_right_logical3A_223 = arith.shrui %min3A_220, %shift_right_logical3A_222 : vector<16xi32>
    %and3A_224 = arith.constant 127 : i32
    %and3A_225 = vector.broadcast %and3A_224 : i32 to vector<16xi32>
    %and3A_226 = arith.andi %min3A_220, %and3A_225 : vector<16xi32>
    %gather3A_227 = tpu.vector_load_idx %arg10[%shift_right_logical3A_223, %and3A_226] : memref<80x128xi32, #tpu.memory_space<vmem>>[vector<16xi32>, vector<16xi32>], vector<16xi32>,
    %gather3A_228 = tpu.vector_load_idx %arg9[%shift_right_logical3A_223, %and3A_226] : memref<80x128xf32, #tpu.memory_space<vmem>>[vector<16xi32>, vector<16xi32>], vector<16xf32>,
    %mul3A_229 = arith.constant 10240 : i32
    %mul3A_230 = vector.broadcast %mul3A_229 : i32 to vector<16xi32>
    %mul3A_231 = arith.muli %gather3A_227, %mul3A_230 : vector<16xi32>
    %add3A_232 = arith.addi %mul3A_231, %add3A_217 : vector<16xi32>
    %swap3A_233 = arith.constant 0 : i32
    %swap3A_234 = arith.index_cast %swap3A_233 : i32 to index
    %swap3A_235 = arith.constant 96 : index
    %swap3A_236 = tpu.vector_load %arg11[%swap3A_234, %swap3A_235] {strides = array<i32>} : memref<1x128xi32, #tpu.memory_space<vmem>>, vector<16xi32>,
    tpu.vector_store %arg11[%swap3A_234, %swap3A_235], %add3A_232 {strides = array<i32>} : memref<1x128xi32, #tpu.memory_space<vmem>>, vector<16xi32>,
    %swap3A_237 = arith.constant 96 : index
    %swap3A_238 = tpu.vector_load %arg12[%swap3A_237] {strides = array<i32>} : memref<128xf32, #tpu.memory_space<vmem>>, vector<16xf32>,
    tpu.vector_store %arg12[%swap3A_237], %gather3A_228 {strides = array<i32>} : memref<128xf32, #tpu.memory_space<vmem>>, vector<16xf32>,
    %mul3A_239 = arith.constant 320 : i32
    %mul3A_240 = arith.muli %add3A, %mul3A_239 : i32
    %add3A_241 = arith.constant 112 : i32
    %add3A_242 = arith.addi %mul3A_240, %add3A_241 : i32
    %add3A_243 = vector.broadcast %add3A_242 : i32 to vector<16xi32>
    %add3A_244 = arith.addi %add3A_243, %iota3A : vector<16xi32>
    %min3A_245 = arith.constant 10239 : i32
    %min3A_246 = vector.broadcast %min3A_245 : i32 to vector<16xi32>
    %min3A_247 = arith.minsi %add3A_244, %min3A_246 : vector<16xi32>
    %shift_right_logical3A_248 = arith.constant 7 : i32
    %shift_right_logical3A_249 = vector.broadcast %shift_right_logical3A_248 : i32 to vector<16xi32>
    %shift_right_logical3A_250 = arith.shrui %min3A_247, %shift_right_logical3A_249 : vector<16xi32>
    %and3A_251 = arith.constant 127 : i32
    %and3A_252 = vector.broadcast %and3A_251 : i32 to vector<16xi32>
    %and3A_253 = arith.andi %min3A_247, %and3A_252 : vector<16xi32>
    %gather3A_254 = tpu.vector_load_idx %arg10[%shift_right_logical3A_250, %and3A_253] : memref<80x128xi32, #tpu.memory_space<vmem>>[vector<16xi32>, vector<16xi32>], vector<16xi32>,
    %gather3A_255 = tpu.vector_load_idx %arg9[%shift_right_logical3A_250, %and3A_253] : memref<80x128xf32, #tpu.memory_space<vmem>>[vector<16xi32>, vector<16xi32>], vector<16xf32>,
    %mul3A_256 = arith.constant 10240 : i32
    %mul3A_257 = vector.broadcast %mul3A_256 : i32 to vector<16xi32>
    %mul3A_258 = arith.muli %gather3A_254, %mul3A_257 : vector<16xi32>
    %add3A_259 = arith.addi %mul3A_258, %add3A_244 : vector<16xi32>
    %swap3A_260 = arith.constant 0 : i32
    %swap3A_261 = arith.index_cast %swap3A_260 : i32 to index
    %swap3A_262 = arith.constant 112 : index
    %swap3A_263 = tpu.vector_load %arg11[%swap3A_261, %swap3A_262] {strides = array<i32>} : memref<1x128xi32, #tpu.memory_space<vmem>>, vector<16xi32>,
    tpu.vector_store %arg11[%swap3A_261, %swap3A_262], %add3A_259 {strides = array<i32>} : memref<1x128xi32, #tpu.memory_space<vmem>>, vector<16xi32>,
    %swap3A_264 = arith.constant 112 : index
    %swap3A_265 = tpu.vector_load %arg12[%swap3A_264] {strides = array<i32>} : memref<128xf32, #tpu.memory_space<vmem>>, vector<16xf32>,
    tpu.vector_store %arg12[%swap3A_264], %gather3A_255 {strides = array<i32>} : memref<128xf32, #tpu.memory_space<vmem>>, vector<16xf32>,
    %run_scoped3A = arith.constant 0 : i32
    "tpu.region"() ({
      %run_scoped3A_701 = tpu.sem_alloc : memref<!tpu.dma_semaphore, #tpu.memory_space<semaphore_mem>>
      %dma_start3A = arith.constant 0 : i32
      %dma_start3A_702 = tpu.memref_slice %arg11[%run_scoped3A, %dma_start3A] : memref<1x128xi32, #tpu.memory_space<vmem>> -> memref<1x128xi32, #tpu.memory_space<vmem>>
      %dma_start3A_703 = tpu.memref_squeeze %dma_start3A_702 : memref<1x128xi32, #tpu.memory_space<vmem>> -> memref<128xi32, #tpu.memory_space<vmem>>
      %dma_start3A_704 = arith.constant 0 : i32
      %dma_start3A_705 = tpu.memref_slice %arg14[%dma_start3A_704] : memref<665600xf32, #tpu.memory_space<vmem_shared>> -> memref<665600xf32, #tpu.memory_space<vmem_shared>>
      tpu.enqueue_indirect_dma source(%arg12 : memref<128xf32, #tpu.memory_space<vmem>>) target(%dma_start3A_705 : memref<665600xf32, #tpu.memory_space<vmem_shared>>) offsets(%dma_start3A_703 : memref<128xi32, #tpu.memory_space<vmem>>) semaphore(%run_scoped3A_701 : memref<!tpu.dma_semaphore, #tpu.memory_space<semaphore_mem>>) {add = true}
      %dma_wait3A = arith.constant 0 : i32
      %dma_wait3A_706 = tpu.memref_slice %arg11[%run_scoped3A, %dma_wait3A] : memref<1x128xi32, #tpu.memory_space<vmem>> -> memref<1x128xi32, #tpu.memory_space<vmem>>
      %dma_wait3A_707 = tpu.memref_squeeze %dma_wait3A_706 : memref<1x128xi32, #tpu.memory_space<vmem>> -> memref<128xi32, #tpu.memory_space<vmem>>
      %dma_wait3A_708 = arith.constant 0 : i32
      %dma_wait3A_709 = tpu.memref_slice %arg14[%dma_wait3A_708] : memref<665600xf32, #tpu.memory_space<vmem_shared>> -> memref<665600xf32, #tpu.memory_space<vmem_shared>>
      tpu.wait_indirect_dma semaphore(%run_scoped3A_701 : memref<!tpu.dma_semaphore, #tpu.memory_space<semaphore_mem>>) src(%arg12 : memref<128xf32, #tpu.memory_space<vmem>>) dst(%dma_wait3A_709 : memref<665600xf32, #tpu.memory_space<vmem_shared>>)
      tpu.yield
    }) : () -> ()
    %mul3A_266 = arith.constant 320 : i32
    %mul3A_267 = arith.muli %add3A, %mul3A_266 : i32
    %add3A_268 = arith.constant 128 : i32
    %add3A_269 = arith.addi %mul3A_267, %add3A_268 : i32
    %add3A_270 = vector.broadcast %add3A_269 : i32 to vector<16xi32>
    %add3A_271 = arith.addi %add3A_270, %iota3A : vector<16xi32>
    %min3A_272 = arith.constant 10239 : i32
    %min3A_273 = vector.broadcast %min3A_272 : i32 to vector<16xi32>
    %min3A_274 = arith.minsi %add3A_271, %min3A_273 : vector<16xi32>
    %shift_right_logical3A_275 = arith.constant 7 : i32
    %shift_right_logical3A_276 = vector.broadcast %shift_right_logical3A_275 : i32 to vector<16xi32>
    %shift_right_logical3A_277 = arith.shrui %min3A_274, %shift_right_logical3A_276 : vector<16xi32>
    %and3A_278 = arith.constant 127 : i32
    %and3A_279 = vector.broadcast %and3A_278 : i32 to vector<16xi32>
    %and3A_280 = arith.andi %min3A_274, %and3A_279 : vector<16xi32>
    %gather3A_281 = tpu.vector_load_idx %arg10[%shift_right_logical3A_277, %and3A_280] : memref<80x128xi32, #tpu.memory_space<vmem>>[vector<16xi32>, vector<16xi32>], vector<16xi32>,
    %gather3A_282 = tpu.vector_load_idx %arg9[%shift_right_logical3A_277, %and3A_280] : memref<80x128xf32, #tpu.memory_space<vmem>>[vector<16xi32>, vector<16xi32>], vector<16xf32>,
    %mul3A_283 = arith.constant 10240 : i32
    %mul3A_284 = vector.broadcast %mul3A_283 : i32 to vector<16xi32>
    %mul3A_285 = arith.muli %gather3A_281, %mul3A_284 : vector<16xi32>
    %add3A_286 = arith.addi %mul3A_285, %add3A_271 : vector<16xi32>
    %swap3A_287 = arith.constant 0 : i32
    %swap3A_288 = arith.index_cast %swap3A_287 : i32 to index
    %swap3A_289 = arith.constant 0 : index
    %swap3A_290 = tpu.vector_load %arg11[%swap3A_288, %swap3A_289] {strides = array<i32>} : memref<1x128xi32, #tpu.memory_space<vmem>>, vector<16xi32>,
    tpu.vector_store %arg11[%swap3A_288, %swap3A_289], %add3A_286 {strides = array<i32>} : memref<1x128xi32, #tpu.memory_space<vmem>>, vector<16xi32>,
    %swap3A_291 = arith.constant 0 : index
    %swap3A_292 = tpu.vector_load %arg12[%swap3A_291] {strides = array<i32>} : memref<128xf32, #tpu.memory_space<vmem>>, vector<16xf32>,
    tpu.vector_store %arg12[%swap3A_291], %gather3A_282 {strides = array<i32>} : memref<128xf32, #tpu.memory_space<vmem>>, vector<16xf32>,
    %mul3A_293 = arith.constant 320 : i32
    %mul3A_294 = arith.muli %add3A, %mul3A_293 : i32
    %add3A_295 = arith.constant 144 : i32
    %add3A_296 = arith.addi %mul3A_294, %add3A_295 : i32
    %add3A_297 = vector.broadcast %add3A_296 : i32 to vector<16xi32>
    %add3A_298 = arith.addi %add3A_297, %iota3A : vector<16xi32>
    %min3A_299 = arith.constant 10239 : i32
    %min3A_300 = vector.broadcast %min3A_299 : i32 to vector<16xi32>
    %min3A_301 = arith.minsi %add3A_298, %min3A_300 : vector<16xi32>
    %shift_right_logical3A_302 = arith.constant 7 : i32
    %shift_right_logical3A_303 = vector.broadcast %shift_right_logical3A_302 : i32 to vector<16xi32>
    %shift_right_logical3A_304 = arith.shrui %min3A_301, %shift_right_logical3A_303 : vector<16xi32>
    %and3A_305 = arith.constant 127 : i32
    %and3A_306 = vector.broadcast %and3A_305 : i32 to vector<16xi32>
    %and3A_307 = arith.andi %min3A_301, %and3A_306 : vector<16xi32>
    %gather3A_308 = tpu.vector_load_idx %arg10[%shift_right_logical3A_304, %and3A_307] : memref<80x128xi32, #tpu.memory_space<vmem>>[vector<16xi32>, vector<16xi32>], vector<16xi32>,
    %gather3A_309 = tpu.vector_load_idx %arg9[%shift_right_logical3A_304, %and3A_307] : memref<80x128xf32, #tpu.memory_space<vmem>>[vector<16xi32>, vector<16xi32>], vector<16xf32>,
    %mul3A_310 = arith.constant 10240 : i32
    %mul3A_311 = vector.broadcast %mul3A_310 : i32 to vector<16xi32>
    %mul3A_312 = arith.muli %gather3A_308, %mul3A_311 : vector<16xi32>
    %add3A_313 = arith.addi %mul3A_312, %add3A_298 : vector<16xi32>
    %swap3A_314 = arith.constant 0 : i32
    %swap3A_315 = arith.index_cast %swap3A_314 : i32 to index
    %swap3A_316 = arith.constant 16 : index
    %swap3A_317 = tpu.vector_load %arg11[%swap3A_315, %swap3A_316] {strides = array<i32>} : memref<1x128xi32, #tpu.memory_space<vmem>>, vector<16xi32>,
    tpu.vector_store %arg11[%swap3A_315, %swap3A_316], %add3A_313 {strides = array<i32>} : memref<1x128xi32, #tpu.memory_space<vmem>>, vector<16xi32>,
    %swap3A_318 = arith.constant 16 : index
    %swap3A_319 = tpu.vector_load %arg12[%swap3A_318] {strides = array<i32>} : memref<128xf32, #tpu.memory_space<vmem>>, vector<16xf32>,
    tpu.vector_store %arg12[%swap3A_318], %gather3A_309 {strides = array<i32>} : memref<128xf32, #tpu.memory_space<vmem>>, vector<16xf32>,
    %mul3A_320 = arith.constant 320 : i32
    %mul3A_321 = arith.muli %add3A, %mul3A_320 : i32
    %add3A_322 = arith.constant 160 : i32
    %add3A_323 = arith.addi %mul3A_321, %add3A_322 : i32
    %add3A_324 = vector.broadcast %add3A_323 : i32 to vector<16xi32>
    %add3A_325 = arith.addi %add3A_324, %iota3A : vector<16xi32>
    %min3A_326 = arith.constant 10239 : i32
    %min3A_327 = vector.broadcast %min3A_326 : i32 to vector<16xi32>
    %min3A_328 = arith.minsi %add3A_325, %min3A_327 : vector<16xi32>
    %shift_right_logical3A_329 = arith.constant 7 : i32
    %shift_right_logical3A_330 = vector.broadcast %shift_right_logical3A_329 : i32 to vector<16xi32>
    %shift_right_logical3A_331 = arith.shrui %min3A_328, %shift_right_logical3A_330 : vector<16xi32>
    %and3A_332 = arith.constant 127 : i32
    %and3A_333 = vector.broadcast %and3A_332 : i32 to vector<16xi32>
    %and3A_334 = arith.andi %min3A_328, %and3A_333 : vector<16xi32>
    %gather3A_335 = tpu.vector_load_idx %arg10[%shift_right_logical3A_331, %and3A_334] : memref<80x128xi32, #tpu.memory_space<vmem>>[vector<16xi32>, vector<16xi32>], vector<16xi32>,
    %gather3A_336 = tpu.vector_load_idx %arg9[%shift_right_logical3A_331, %and3A_334] : memref<80x128xf32, #tpu.memory_space<vmem>>[vector<16xi32>, vector<16xi32>], vector<16xf32>,
    %mul3A_337 = arith.constant 10240 : i32
    %mul3A_338 = vector.broadcast %mul3A_337 : i32 to vector<16xi32>
    %mul3A_339 = arith.muli %gather3A_335, %mul3A_338 : vector<16xi32>
    %add3A_340 = arith.addi %mul3A_339, %add3A_325 : vector<16xi32>
    %swap3A_341 = arith.constant 0 : i32
    %swap3A_342 = arith.index_cast %swap3A_341 : i32 to index
    %swap3A_343 = arith.constant 32 : index
    %swap3A_344 = tpu.vector_load %arg11[%swap3A_342, %swap3A_343] {strides = array<i32>} : memref<1x128xi32, #tpu.memory_space<vmem>>, vector<16xi32>,
    tpu.vector_store %arg11[%swap3A_342, %swap3A_343], %add3A_340 {strides = array<i32>} : memref<1x128xi32, #tpu.memory_space<vmem>>, vector<16xi32>,
    %swap3A_345 = arith.constant 32 : index
    %swap3A_346 = tpu.vector_load %arg12[%swap3A_345] {strides = array<i32>} : memref<128xf32, #tpu.memory_space<vmem>>, vector<16xf32>,
    tpu.vector_store %arg12[%swap3A_345], %gather3A_336 {strides = array<i32>} : memref<128xf32, #tpu.memory_space<vmem>>, vector<16xf32>,
    %mul3A_347 = arith.constant 320 : i32
    %mul3A_348 = arith.muli %add3A, %mul3A_347 : i32
    %add3A_349 = arith.constant 176 : i32
    %add3A_350 = arith.addi %mul3A_348, %add3A_349 : i32
    %add3A_351 = vector.broadcast %add3A_350 : i32 to vector<16xi32>
    %add3A_352 = arith.addi %add3A_351, %iota3A : vector<16xi32>
    %min3A_353 = arith.constant 10239 : i32
    %min3A_354 = vector.broadcast %min3A_353 : i32 to vector<16xi32>
    %min3A_355 = arith.minsi %add3A_352, %min3A_354 : vector<16xi32>
    %shift_right_logical3A_356 = arith.constant 7 : i32
    %shift_right_logical3A_357 = vector.broadcast %shift_right_logical3A_356 : i32 to vector<16xi32>
    %shift_right_logical3A_358 = arith.shrui %min3A_355, %shift_right_logical3A_357 : vector<16xi32>
    %and3A_359 = arith.constant 127 : i32
    %and3A_360 = vector.broadcast %and3A_359 : i32 to vector<16xi32>
    %and3A_361 = arith.andi %min3A_355, %and3A_360 : vector<16xi32>
    %gather3A_362 = tpu.vector_load_idx %arg10[%shift_right_logical3A_358, %and3A_361] : memref<80x128xi32, #tpu.memory_space<vmem>>[vector<16xi32>, vector<16xi32>], vector<16xi32>,
    %gather3A_363 = tpu.vector_load_idx %arg9[%shift_right_logical3A_358, %and3A_361] : memref<80x128xf32, #tpu.memory_space<vmem>>[vector<16xi32>, vector<16xi32>], vector<16xf32>,
    %mul3A_364 = arith.constant 10240 : i32
    %mul3A_365 = vector.broadcast %mul3A_364 : i32 to vector<16xi32>
    %mul3A_366 = arith.muli %gather3A_362, %mul3A_365 : vector<16xi32>
    %add3A_367 = arith.addi %mul3A_366, %add3A_352 : vector<16xi32>
    %swap3A_368 = arith.constant 0 : i32
    %swap3A_369 = arith.index_cast %swap3A_368 : i32 to index
    %swap3A_370 = arith.constant 48 : index
    %swap3A_371 = tpu.vector_load %arg11[%swap3A_369, %swap3A_370] {strides = array<i32>} : memref<1x128xi32, #tpu.memory_space<vmem>>, vector<16xi32>,
    tpu.vector_store %arg11[%swap3A_369, %swap3A_370], %add3A_367 {strides = array<i32>} : memref<1x128xi32, #tpu.memory_space<vmem>>, vector<16xi32>,
    %swap3A_372 = arith.constant 48 : index
    %swap3A_373 = tpu.vector_load %arg12[%swap3A_372] {strides = array<i32>} : memref<128xf32, #tpu.memory_space<vmem>>, vector<16xf32>,
    tpu.vector_store %arg12[%swap3A_372], %gather3A_363 {strides = array<i32>} : memref<128xf32, #tpu.memory_space<vmem>>, vector<16xf32>,
    %mul3A_374 = arith.constant 320 : i32
    %mul3A_375 = arith.muli %add3A, %mul3A_374 : i32
    %add3A_376 = arith.constant 192 : i32
    %add3A_377 = arith.addi %mul3A_375, %add3A_376 : i32
    %add3A_378 = vector.broadcast %add3A_377 : i32 to vector<16xi32>
    %add3A_379 = arith.addi %add3A_378, %iota3A : vector<16xi32>
    %min3A_380 = arith.constant 10239 : i32
    %min3A_381 = vector.broadcast %min3A_380 : i32 to vector<16xi32>
    %min3A_382 = arith.minsi %add3A_379, %min3A_381 : vector<16xi32>
    %shift_right_logical3A_383 = arith.constant 7 : i32
    %shift_right_logical3A_384 = vector.broadcast %shift_right_logical3A_383 : i32 to vector<16xi32>
    %shift_right_logical3A_385 = arith.shrui %min3A_382, %shift_right_logical3A_384 : vector<16xi32>
    %and3A_386 = arith.constant 127 : i32
    %and3A_387 = vector.broadcast %and3A_386 : i32 to vector<16xi32>
    %and3A_388 = arith.andi %min3A_382, %and3A_387 : vector<16xi32>
    %gather3A_389 = tpu.vector_load_idx %arg10[%shift_right_logical3A_385, %and3A_388] : memref<80x128xi32, #tpu.memory_space<vmem>>[vector<16xi32>, vector<16xi32>], vector<16xi32>,
    %gather3A_390 = tpu.vector_load_idx %arg9[%shift_right_logical3A_385, %and3A_388] : memref<80x128xf32, #tpu.memory_space<vmem>>[vector<16xi32>, vector<16xi32>], vector<16xf32>,
    %mul3A_391 = arith.constant 10240 : i32
    %mul3A_392 = vector.broadcast %mul3A_391 : i32 to vector<16xi32>
    %mul3A_393 = arith.muli %gather3A_389, %mul3A_392 : vector<16xi32>
    %add3A_394 = arith.addi %mul3A_393, %add3A_379 : vector<16xi32>
    %swap3A_395 = arith.constant 0 : i32
    %swap3A_396 = arith.index_cast %swap3A_395 : i32 to index
    %swap3A_397 = arith.constant 64 : index
    %swap3A_398 = tpu.vector_load %arg11[%swap3A_396, %swap3A_397] {strides = array<i32>} : memref<1x128xi32, #tpu.memory_space<vmem>>, vector<16xi32>,
    tpu.vector_store %arg11[%swap3A_396, %swap3A_397], %add3A_394 {strides = array<i32>} : memref<1x128xi32, #tpu.memory_space<vmem>>, vector<16xi32>,
    %swap3A_399 = arith.constant 64 : index
    %swap3A_400 = tpu.vector_load %arg12[%swap3A_399] {strides = array<i32>} : memref<128xf32, #tpu.memory_space<vmem>>, vector<16xf32>,
    tpu.vector_store %arg12[%swap3A_399], %gather3A_390 {strides = array<i32>} : memref<128xf32, #tpu.memory_space<vmem>>, vector<16xf32>,
    %mul3A_401 = arith.constant 320 : i32
    %mul3A_402 = arith.muli %add3A, %mul3A_401 : i32
    %add3A_403 = arith.constant 208 : i32
    %add3A_404 = arith.addi %mul3A_402, %add3A_403 : i32
    %add3A_405 = vector.broadcast %add3A_404 : i32 to vector<16xi32>
    %add3A_406 = arith.addi %add3A_405, %iota3A : vector<16xi32>
    %min3A_407 = arith.constant 10239 : i32
    %min3A_408 = vector.broadcast %min3A_407 : i32 to vector<16xi32>
    %min3A_409 = arith.minsi %add3A_406, %min3A_408 : vector<16xi32>
    %shift_right_logical3A_410 = arith.constant 7 : i32
    %shift_right_logical3A_411 = vector.broadcast %shift_right_logical3A_410 : i32 to vector<16xi32>
    %shift_right_logical3A_412 = arith.shrui %min3A_409, %shift_right_logical3A_411 : vector<16xi32>
    %and3A_413 = arith.constant 127 : i32
    %and3A_414 = vector.broadcast %and3A_413 : i32 to vector<16xi32>
    %and3A_415 = arith.andi %min3A_409, %and3A_414 : vector<16xi32>
    %gather3A_416 = tpu.vector_load_idx %arg10[%shift_right_logical3A_412, %and3A_415] : memref<80x128xi32, #tpu.memory_space<vmem>>[vector<16xi32>, vector<16xi32>], vector<16xi32>,
    %gather3A_417 = tpu.vector_load_idx %arg9[%shift_right_logical3A_412, %and3A_415] : memref<80x128xf32, #tpu.memory_space<vmem>>[vector<16xi32>, vector<16xi32>], vector<16xf32>,
    %mul3A_418 = arith.constant 10240 : i32
    %mul3A_419 = vector.broadcast %mul3A_418 : i32 to vector<16xi32>
    %mul3A_420 = arith.muli %gather3A_416, %mul3A_419 : vector<16xi32>
    %add3A_421 = arith.addi %mul3A_420, %add3A_406 : vector<16xi32>
    %swap3A_422 = arith.constant 0 : i32
    %swap3A_423 = arith.index_cast %swap3A_422 : i32 to index
    %swap3A_424 = arith.constant 80 : index
    %swap3A_425 = tpu.vector_load %arg11[%swap3A_423, %swap3A_424] {strides = array<i32>} : memref<1x128xi32, #tpu.memory_space<vmem>>, vector<16xi32>,
    tpu.vector_store %arg11[%swap3A_423, %swap3A_424], %add3A_421 {strides = array<i32>} : memref<1x128xi32, #tpu.memory_space<vmem>>, vector<16xi32>,
    %swap3A_426 = arith.constant 80 : index
    %swap3A_427 = tpu.vector_load %arg12[%swap3A_426] {strides = array<i32>} : memref<128xf32, #tpu.memory_space<vmem>>, vector<16xf32>,
    tpu.vector_store %arg12[%swap3A_426], %gather3A_417 {strides = array<i32>} : memref<128xf32, #tpu.memory_space<vmem>>, vector<16xf32>,
    %mul3A_428 = arith.constant 320 : i32
    %mul3A_429 = arith.muli %add3A, %mul3A_428 : i32
    %add3A_430 = arith.constant 224 : i32
    %add3A_431 = arith.addi %mul3A_429, %add3A_430 : i32
    %add3A_432 = vector.broadcast %add3A_431 : i32 to vector<16xi32>
    %add3A_433 = arith.addi %add3A_432, %iota3A : vector<16xi32>
    %min3A_434 = arith.constant 10239 : i32
    %min3A_435 = vector.broadcast %min3A_434 : i32 to vector<16xi32>
    %min3A_436 = arith.minsi %add3A_433, %min3A_435 : vector<16xi32>
    %shift_right_logical3A_437 = arith.constant 7 : i32
    %shift_right_logical3A_438 = vector.broadcast %shift_right_logical3A_437 : i32 to vector<16xi32>
    %shift_right_logical3A_439 = arith.shrui %min3A_436, %shift_right_logical3A_438 : vector<16xi32>
    %and3A_440 = arith.constant 127 : i32
    %and3A_441 = vector.broadcast %and3A_440 : i32 to vector<16xi32>
    %and3A_442 = arith.andi %min3A_436, %and3A_441 : vector<16xi32>
    %gather3A_443 = tpu.vector_load_idx %arg10[%shift_right_logical3A_439, %and3A_442] : memref<80x128xi32, #tpu.memory_space<vmem>>[vector<16xi32>, vector<16xi32>], vector<16xi32>,
    %gather3A_444 = tpu.vector_load_idx %arg9[%shift_right_logical3A_439, %and3A_442] : memref<80x128xf32, #tpu.memory_space<vmem>>[vector<16xi32>, vector<16xi32>], vector<16xf32>,
    %mul3A_445 = arith.constant 10240 : i32
    %mul3A_446 = vector.broadcast %mul3A_445 : i32 to vector<16xi32>
    %mul3A_447 = arith.muli %gather3A_443, %mul3A_446 : vector<16xi32>
    %add3A_448 = arith.addi %mul3A_447, %add3A_433 : vector<16xi32>
    %swap3A_449 = arith.constant 0 : i32
    %swap3A_450 = arith.index_cast %swap3A_449 : i32 to index
    %swap3A_451 = arith.constant 96 : index
    %swap3A_452 = tpu.vector_load %arg11[%swap3A_450, %swap3A_451] {strides = array<i32>} : memref<1x128xi32, #tpu.memory_space<vmem>>, vector<16xi32>,
    tpu.vector_store %arg11[%swap3A_450, %swap3A_451], %add3A_448 {strides = array<i32>} : memref<1x128xi32, #tpu.memory_space<vmem>>, vector<16xi32>,
    %swap3A_453 = arith.constant 96 : index
    %swap3A_454 = tpu.vector_load %arg12[%swap3A_453] {strides = array<i32>} : memref<128xf32, #tpu.memory_space<vmem>>, vector<16xf32>,
    tpu.vector_store %arg12[%swap3A_453], %gather3A_444 {strides = array<i32>} : memref<128xf32, #tpu.memory_space<vmem>>, vector<16xf32>,
    %mul3A_455 = arith.constant 320 : i32
    %mul3A_456 = arith.muli %add3A, %mul3A_455 : i32
    %add3A_457 = arith.constant 240 : i32
    %add3A_458 = arith.addi %mul3A_456, %add3A_457 : i32
    %add3A_459 = vector.broadcast %add3A_458 : i32 to vector<16xi32>
    %add3A_460 = arith.addi %add3A_459, %iota3A : vector<16xi32>
    %min3A_461 = arith.constant 10239 : i32
    %min3A_462 = vector.broadcast %min3A_461 : i32 to vector<16xi32>
    %min3A_463 = arith.minsi %add3A_460, %min3A_462 : vector<16xi32>
    %shift_right_logical3A_464 = arith.constant 7 : i32
    %shift_right_logical3A_465 = vector.broadcast %shift_right_logical3A_464 : i32 to vector<16xi32>
    %shift_right_logical3A_466 = arith.shrui %min3A_463, %shift_right_logical3A_465 : vector<16xi32>
    %and3A_467 = arith.constant 127 : i32
    %and3A_468 = vector.broadcast %and3A_467 : i32 to vector<16xi32>
    %and3A_469 = arith.andi %min3A_463, %and3A_468 : vector<16xi32>
    %gather3A_470 = tpu.vector_load_idx %arg10[%shift_right_logical3A_466, %and3A_469] : memref<80x128xi32, #tpu.memory_space<vmem>>[vector<16xi32>, vector<16xi32>], vector<16xi32>,
    %gather3A_471 = tpu.vector_load_idx %arg9[%shift_right_logical3A_466, %and3A_469] : memref<80x128xf32, #tpu.memory_space<vmem>>[vector<16xi32>, vector<16xi32>], vector<16xf32>,
    %mul3A_472 = arith.constant 10240 : i32
    %mul3A_473 = vector.broadcast %mul3A_472 : i32 to vector<16xi32>
    %mul3A_474 = arith.muli %gather3A_470, %mul3A_473 : vector<16xi32>
    %add3A_475 = arith.addi %mul3A_474, %add3A_460 : vector<16xi32>
    %swap3A_476 = arith.constant 0 : i32
    %swap3A_477 = arith.index_cast %swap3A_476 : i32 to index
    %swap3A_478 = arith.constant 112 : index
    %swap3A_479 = tpu.vector_load %arg11[%swap3A_477, %swap3A_478] {strides = array<i32>} : memref<1x128xi32, #tpu.memory_space<vmem>>, vector<16xi32>,
    tpu.vector_store %arg11[%swap3A_477, %swap3A_478], %add3A_475 {strides = array<i32>} : memref<1x128xi32, #tpu.memory_space<vmem>>, vector<16xi32>,
    %swap3A_480 = arith.constant 112 : index
    %swap3A_481 = tpu.vector_load %arg12[%swap3A_480] {strides = array<i32>} : memref<128xf32, #tpu.memory_space<vmem>>, vector<16xf32>,
    tpu.vector_store %arg12[%swap3A_480], %gather3A_471 {strides = array<i32>} : memref<128xf32, #tpu.memory_space<vmem>>, vector<16xf32>,
    %run_scoped3A_482 = arith.constant 0 : i32
    "tpu.region"() ({
      %run_scoped3A_701 = tpu.sem_alloc : memref<!tpu.dma_semaphore, #tpu.memory_space<semaphore_mem>>
      %dma_start3A = arith.constant 0 : i32
      %dma_start3A_702 = tpu.memref_slice %arg11[%run_scoped3A_482, %dma_start3A] : memref<1x128xi32, #tpu.memory_space<vmem>> -> memref<1x128xi32, #tpu.memory_space<vmem>>
      %dma_start3A_703 = tpu.memref_squeeze %dma_start3A_702 : memref<1x128xi32, #tpu.memory_space<vmem>> -> memref<128xi32, #tpu.memory_space<vmem>>
      %dma_start3A_704 = arith.constant 0 : i32
      %dma_start3A_705 = tpu.memref_slice %arg14[%dma_start3A_704] : memref<665600xf32, #tpu.memory_space<vmem_shared>> -> memref<665600xf32, #tpu.memory_space<vmem_shared>>
      tpu.enqueue_indirect_dma source(%arg12 : memref<128xf32, #tpu.memory_space<vmem>>) target(%dma_start3A_705 : memref<665600xf32, #tpu.memory_space<vmem_shared>>) offsets(%dma_start3A_703 : memref<128xi32, #tpu.memory_space<vmem>>) semaphore(%run_scoped3A_701 : memref<!tpu.dma_semaphore, #tpu.memory_space<semaphore_mem>>) {add = true}
      %dma_wait3A = arith.constant 0 : i32
      %dma_wait3A_706 = tpu.memref_slice %arg11[%run_scoped3A_482, %dma_wait3A] : memref<1x128xi32, #tpu.memory_space<vmem>> -> memref<1x128xi32, #tpu.memory_space<vmem>>
      %dma_wait3A_707 = tpu.memref_squeeze %dma_wait3A_706 : memref<1x128xi32, #tpu.memory_space<vmem>> -> memref<128xi32, #tpu.memory_space<vmem>>
      %dma_wait3A_708 = arith.constant 0 : i32
      %dma_wait3A_709 = tpu.memref_slice %arg14[%dma_wait3A_708] : memref<665600xf32, #tpu.memory_space<vmem_shared>> -> memref<665600xf32, #tpu.memory_space<vmem_shared>>
      tpu.wait_indirect_dma semaphore(%run_scoped3A_701 : memref<!tpu.dma_semaphore, #tpu.memory_space<semaphore_mem>>) src(%arg12 : memref<128xf32, #tpu.memory_space<vmem>>) dst(%dma_wait3A_709 : memref<665600xf32, #tpu.memory_space<vmem_shared>>)
      tpu.yield
    }) : () -> ()
    %mul3A_483 = arith.constant 320 : i32
    %mul3A_484 = arith.muli %add3A, %mul3A_483 : i32
    %add3A_485 = arith.constant 256 : i32
    %add3A_486 = arith.addi %mul3A_484, %add3A_485 : i32
    %add3A_487 = vector.broadcast %add3A_486 : i32 to vector<16xi32>
    %add3A_488 = arith.addi %add3A_487, %iota3A : vector<16xi32>
    %min3A_489 = arith.constant 10239 : i32
    %min3A_490 = vector.broadcast %min3A_489 : i32 to vector<16xi32>
    %min3A_491 = arith.minsi %add3A_488, %min3A_490 : vector<16xi32>
    %shift_right_logical3A_492 = arith.constant 7 : i32
    %shift_right_logical3A_493 = vector.broadcast %shift_right_logical3A_492 : i32 to vector<16xi32>
    %shift_right_logical3A_494 = arith.shrui %min3A_491, %shift_right_logical3A_493 : vector<16xi32>
    %and3A_495 = arith.constant 127 : i32
    %and3A_496 = vector.broadcast %and3A_495 : i32 to vector<16xi32>
    %and3A_497 = arith.andi %min3A_491, %and3A_496 : vector<16xi32>
    %gather3A_498 = tpu.vector_load_idx %arg10[%shift_right_logical3A_494, %and3A_497] : memref<80x128xi32, #tpu.memory_space<vmem>>[vector<16xi32>, vector<16xi32>], vector<16xi32>,
    %gather3A_499 = tpu.vector_load_idx %arg9[%shift_right_logical3A_494, %and3A_497] : memref<80x128xf32, #tpu.memory_space<vmem>>[vector<16xi32>, vector<16xi32>], vector<16xf32>,
    %mul3A_500 = arith.constant 10240 : i32
    %mul3A_501 = vector.broadcast %mul3A_500 : i32 to vector<16xi32>
    %mul3A_502 = arith.muli %gather3A_498, %mul3A_501 : vector<16xi32>
    %add3A_503 = arith.addi %mul3A_502, %add3A_488 : vector<16xi32>
    %swap3A_504 = arith.constant 0 : i32
    %swap3A_505 = arith.index_cast %swap3A_504 : i32 to index
    %swap3A_506 = arith.constant 0 : index
    %swap3A_507 = tpu.vector_load %arg11[%swap3A_505, %swap3A_506] {strides = array<i32>} : memref<1x128xi32, #tpu.memory_space<vmem>>, vector<16xi32>,
    tpu.vector_store %arg11[%swap3A_505, %swap3A_506], %add3A_503 {strides = array<i32>} : memref<1x128xi32, #tpu.memory_space<vmem>>, vector<16xi32>,
    %swap3A_508 = arith.constant 0 : index
    %swap3A_509 = tpu.vector_load %arg12[%swap3A_508] {strides = array<i32>} : memref<128xf32, #tpu.memory_space<vmem>>, vector<16xf32>,
    tpu.vector_store %arg12[%swap3A_508], %gather3A_499 {strides = array<i32>} : memref<128xf32, #tpu.memory_space<vmem>>, vector<16xf32>,
    %mul3A_510 = arith.constant 320 : i32
    %mul3A_511 = arith.muli %add3A, %mul3A_510 : i32
    %add3A_512 = arith.constant 272 : i32
    %add3A_513 = arith.addi %mul3A_511, %add3A_512 : i32
    %add3A_514 = vector.broadcast %add3A_513 : i32 to vector<16xi32>
    %add3A_515 = arith.addi %add3A_514, %iota3A : vector<16xi32>
    %min3A_516 = arith.constant 10239 : i32
    %min3A_517 = vector.broadcast %min3A_516 : i32 to vector<16xi32>
    %min3A_518 = arith.minsi %add3A_515, %min3A_517 : vector<16xi32>
    %shift_right_logical3A_519 = arith.constant 7 : i32
    %shift_right_logical3A_520 = vector.broadcast %shift_right_logical3A_519 : i32 to vector<16xi32>
    %shift_right_logical3A_521 = arith.shrui %min3A_518, %shift_right_logical3A_520 : vector<16xi32>
    %and3A_522 = arith.constant 127 : i32
    %and3A_523 = vector.broadcast %and3A_522 : i32 to vector<16xi32>
    %and3A_524 = arith.andi %min3A_518, %and3A_523 : vector<16xi32>
    %gather3A_525 = tpu.vector_load_idx %arg10[%shift_right_logical3A_521, %and3A_524] : memref<80x128xi32, #tpu.memory_space<vmem>>[vector<16xi32>, vector<16xi32>], vector<16xi32>,
    %gather3A_526 = tpu.vector_load_idx %arg9[%shift_right_logical3A_521, %and3A_524] : memref<80x128xf32, #tpu.memory_space<vmem>>[vector<16xi32>, vector<16xi32>], vector<16xf32>,
    %mul3A_527 = arith.constant 10240 : i32
    %mul3A_528 = vector.broadcast %mul3A_527 : i32 to vector<16xi32>
    %mul3A_529 = arith.muli %gather3A_525, %mul3A_528 : vector<16xi32>
    %add3A_530 = arith.addi %mul3A_529, %add3A_515 : vector<16xi32>
    %swap3A_531 = arith.constant 0 : i32
    %swap3A_532 = arith.index_cast %swap3A_531 : i32 to index
    %swap3A_533 = arith.constant 16 : index
    %swap3A_534 = tpu.vector_load %arg11[%swap3A_532, %swap3A_533] {strides = array<i32>} : memref<1x128xi32, #tpu.memory_space<vmem>>, vector<16xi32>,
    tpu.vector_store %arg11[%swap3A_532, %swap3A_533], %add3A_530 {strides = array<i32>} : memref<1x128xi32, #tpu.memory_space<vmem>>, vector<16xi32>,
    %swap3A_535 = arith.constant 16 : index
    %swap3A_536 = tpu.vector_load %arg12[%swap3A_535] {strides = array<i32>} : memref<128xf32, #tpu.memory_space<vmem>>, vector<16xf32>,
    tpu.vector_store %arg12[%swap3A_535], %gather3A_526 {strides = array<i32>} : memref<128xf32, #tpu.memory_space<vmem>>, vector<16xf32>,
    %mul3A_537 = arith.constant 320 : i32
    %mul3A_538 = arith.muli %add3A, %mul3A_537 : i32
    %add3A_539 = arith.constant 288 : i32
    %add3A_540 = arith.addi %mul3A_538, %add3A_539 : i32
    %add3A_541 = vector.broadcast %add3A_540 : i32 to vector<16xi32>
    %add3A_542 = arith.addi %add3A_541, %iota3A : vector<16xi32>
    %min3A_543 = arith.constant 10239 : i32
    %min3A_544 = vector.broadcast %min3A_543 : i32 to vector<16xi32>
    %min3A_545 = arith.minsi %add3A_542, %min3A_544 : vector<16xi32>
    %shift_right_logical3A_546 = arith.constant 7 : i32
    %shift_right_logical3A_547 = vector.broadcast %shift_right_logical3A_546 : i32 to vector<16xi32>
    %shift_right_logical3A_548 = arith.shrui %min3A_545, %shift_right_logical3A_547 : vector<16xi32>
    %and3A_549 = arith.constant 127 : i32
    %and3A_550 = vector.broadcast %and3A_549 : i32 to vector<16xi32>
    %and3A_551 = arith.andi %min3A_545, %and3A_550 : vector<16xi32>
    %gather3A_552 = tpu.vector_load_idx %arg10[%shift_right_logical3A_548, %and3A_551] : memref<80x128xi32, #tpu.memory_space<vmem>>[vector<16xi32>, vector<16xi32>], vector<16xi32>,
    %gather3A_553 = tpu.vector_load_idx %arg9[%shift_right_logical3A_548, %and3A_551] : memref<80x128xf32, #tpu.memory_space<vmem>>[vector<16xi32>, vector<16xi32>], vector<16xf32>,
    %mul3A_554 = arith.constant 10240 : i32
    %mul3A_555 = vector.broadcast %mul3A_554 : i32 to vector<16xi32>
    %mul3A_556 = arith.muli %gather3A_552, %mul3A_555 : vector<16xi32>
    %add3A_557 = arith.addi %mul3A_556, %add3A_542 : vector<16xi32>
    %swap3A_558 = arith.constant 0 : i32
    %swap3A_559 = arith.index_cast %swap3A_558 : i32 to index
    %swap3A_560 = arith.constant 32 : index
    %swap3A_561 = tpu.vector_load %arg11[%swap3A_559, %swap3A_560] {strides = array<i32>} : memref<1x128xi32, #tpu.memory_space<vmem>>, vector<16xi32>,
    tpu.vector_store %arg11[%swap3A_559, %swap3A_560], %add3A_557 {strides = array<i32>} : memref<1x128xi32, #tpu.memory_space<vmem>>, vector<16xi32>,
    %swap3A_562 = arith.constant 32 : index
    %swap3A_563 = tpu.vector_load %arg12[%swap3A_562] {strides = array<i32>} : memref<128xf32, #tpu.memory_space<vmem>>, vector<16xf32>,
    tpu.vector_store %arg12[%swap3A_562], %gather3A_553 {strides = array<i32>} : memref<128xf32, #tpu.memory_space<vmem>>, vector<16xf32>,
    %mul3A_564 = arith.constant 320 : i32
    %mul3A_565 = arith.muli %add3A, %mul3A_564 : i32
    %add3A_566 = arith.constant 304 : i32
    %add3A_567 = arith.addi %mul3A_565, %add3A_566 : i32
    %add3A_568 = vector.broadcast %add3A_567 : i32 to vector<16xi32>
    %add3A_569 = arith.addi %add3A_568, %iota3A : vector<16xi32>
    %min3A_570 = arith.constant 10239 : i32
    %min3A_571 = vector.broadcast %min3A_570 : i32 to vector<16xi32>
    %min3A_572 = arith.minsi %add3A_569, %min3A_571 : vector<16xi32>
    %shift_right_logical3A_573 = arith.constant 7 : i32
    %shift_right_logical3A_574 = vector.broadcast %shift_right_logical3A_573 : i32 to vector<16xi32>
    %shift_right_logical3A_575 = arith.shrui %min3A_572, %shift_right_logical3A_574 : vector<16xi32>
    %and3A_576 = arith.constant 127 : i32
    %and3A_577 = vector.broadcast %and3A_576 : i32 to vector<16xi32>
    %and3A_578 = arith.andi %min3A_572, %and3A_577 : vector<16xi32>
    %gather3A_579 = tpu.vector_load_idx %arg10[%shift_right_logical3A_575, %and3A_578] : memref<80x128xi32, #tpu.memory_space<vmem>>[vector<16xi32>, vector<16xi32>], vector<16xi32>,
    %gather3A_580 = tpu.vector_load_idx %arg9[%shift_right_logical3A_575, %and3A_578] : memref<80x128xf32, #tpu.memory_space<vmem>>[vector<16xi32>, vector<16xi32>], vector<16xf32>,
    %mul3A_581 = arith.constant 10240 : i32
    %mul3A_582 = vector.broadcast %mul3A_581 : i32 to vector<16xi32>
    %mul3A_583 = arith.muli %gather3A_579, %mul3A_582 : vector<16xi32>
    %add3A_584 = arith.addi %mul3A_583, %add3A_569 : vector<16xi32>
    %swap3A_585 = arith.constant 0 : i32
    %swap3A_586 = arith.index_cast %swap3A_585 : i32 to index
    %swap3A_587 = arith.constant 48 : index
    %swap3A_588 = tpu.vector_load %arg11[%swap3A_586, %swap3A_587] {strides = array<i32>} : memref<1x128xi32, #tpu.memory_space<vmem>>, vector<16xi32>,
    tpu.vector_store %arg11[%swap3A_586, %swap3A_587], %add3A_584 {strides = array<i32>} : memref<1x128xi32, #tpu.memory_space<vmem>>, vector<16xi32>,
    %swap3A_589 = arith.constant 48 : index
    %swap3A_590 = tpu.vector_load %arg12[%swap3A_589] {strides = array<i32>} : memref<128xf32, #tpu.memory_space<vmem>>, vector<16xf32>,
    tpu.vector_store %arg12[%swap3A_589], %gather3A_580 {strides = array<i32>} : memref<128xf32, #tpu.memory_space<vmem>>, vector<16xf32>,
    %mul3A_591 = arith.constant 320 : i32
    %mul3A_592 = arith.muli %add3A, %mul3A_591 : i32
    %add3A_593 = arith.constant 320 : i32
    %add3A_594 = arith.addi %mul3A_592, %add3A_593 : i32
    %add3A_595 = vector.broadcast %add3A_594 : i32 to vector<16xi32>
    %add3A_596 = arith.addi %add3A_595, %iota3A : vector<16xi32>
    %min3A_597 = arith.constant 10239 : i32
    %min3A_598 = vector.broadcast %min3A_597 : i32 to vector<16xi32>
    %min3A_599 = arith.minsi %add3A_596, %min3A_598 : vector<16xi32>
    %shift_right_logical3A_600 = arith.constant 7 : i32
    %shift_right_logical3A_601 = vector.broadcast %shift_right_logical3A_600 : i32 to vector<16xi32>
    %shift_right_logical3A_602 = arith.shrui %min3A_599, %shift_right_logical3A_601 : vector<16xi32>
    %and3A_603 = arith.constant 127 : i32
    %and3A_604 = vector.broadcast %and3A_603 : i32 to vector<16xi32>
    %and3A_605 = arith.andi %min3A_599, %and3A_604 : vector<16xi32>
    %gather3A_606 = tpu.vector_load_idx %arg10[%shift_right_logical3A_602, %and3A_605] : memref<80x128xi32, #tpu.memory_space<vmem>>[vector<16xi32>, vector<16xi32>], vector<16xi32>,
    %gather3A_607 = tpu.vector_load_idx %arg9[%shift_right_logical3A_602, %and3A_605] : memref<80x128xf32, #tpu.memory_space<vmem>>[vector<16xi32>, vector<16xi32>], vector<16xf32>,
    %add3A_608 = arith.constant 655360 : i32
    %add3A_609 = vector.broadcast %add3A_608 : i32 to vector<16xi32>
    %add3A_610 = arith.addi %add3A_609, %min3A_599 : vector<16xi32>
    %swap3A_611 = arith.constant 0 : i32
    %swap3A_612 = arith.index_cast %swap3A_611 : i32 to index
    %swap3A_613 = arith.constant 64 : index
    %swap3A_614 = tpu.vector_load %arg11[%swap3A_612, %swap3A_613] {strides = array<i32>} : memref<1x128xi32, #tpu.memory_space<vmem>>, vector<16xi32>,
    tpu.vector_store %arg11[%swap3A_612, %swap3A_613], %add3A_610 {strides = array<i32>} : memref<1x128xi32, #tpu.memory_space<vmem>>, vector<16xi32>,
    %swap3A_615 = arith.constant 64 : index
    %swap3A_616 = tpu.vector_load %arg12[%swap3A_615] {strides = array<i32>} : memref<128xf32, #tpu.memory_space<vmem>>, vector<16xf32>,
    tpu.vector_store %arg12[%swap3A_615], %gather3A_607 {strides = array<i32>} : memref<128xf32, #tpu.memory_space<vmem>>, vector<16xf32>,
    %mul3A_617 = arith.constant 320 : i32
    %mul3A_618 = arith.muli %add3A, %mul3A_617 : i32
    %add3A_619 = arith.constant 336 : i32
    %add3A_620 = arith.addi %mul3A_618, %add3A_619 : i32
    %add3A_621 = vector.broadcast %add3A_620 : i32 to vector<16xi32>
    %add3A_622 = arith.addi %add3A_621, %iota3A : vector<16xi32>
    %min3A_623 = arith.constant 10239 : i32
    %min3A_624 = vector.broadcast %min3A_623 : i32 to vector<16xi32>
    %min3A_625 = arith.minsi %add3A_622, %min3A_624 : vector<16xi32>
    %shift_right_logical3A_626 = arith.constant 7 : i32
    %shift_right_logical3A_627 = vector.broadcast %shift_right_logical3A_626 : i32 to vector<16xi32>
    %shift_right_logical3A_628 = arith.shrui %min3A_625, %shift_right_logical3A_627 : vector<16xi32>
    %and3A_629 = arith.constant 127 : i32
    %and3A_630 = vector.broadcast %and3A_629 : i32 to vector<16xi32>
    %and3A_631 = arith.andi %min3A_625, %and3A_630 : vector<16xi32>
    %gather3A_632 = tpu.vector_load_idx %arg10[%shift_right_logical3A_628, %and3A_631] : memref<80x128xi32, #tpu.memory_space<vmem>>[vector<16xi32>, vector<16xi32>], vector<16xi32>,
    %gather3A_633 = tpu.vector_load_idx %arg9[%shift_right_logical3A_628, %and3A_631] : memref<80x128xf32, #tpu.memory_space<vmem>>[vector<16xi32>, vector<16xi32>], vector<16xf32>,
    %add3A_634 = arith.constant 655360 : i32
    %add3A_635 = vector.broadcast %add3A_634 : i32 to vector<16xi32>
    %add3A_636 = arith.addi %add3A_635, %min3A_625 : vector<16xi32>
    %swap3A_637 = arith.constant 0 : i32
    %swap3A_638 = arith.index_cast %swap3A_637 : i32 to index
    %swap3A_639 = arith.constant 80 : index
    %swap3A_640 = tpu.vector_load %arg11[%swap3A_638, %swap3A_639] {strides = array<i32>} : memref<1x128xi32, #tpu.memory_space<vmem>>, vector<16xi32>,
    tpu.vector_store %arg11[%swap3A_638, %swap3A_639], %add3A_636 {strides = array<i32>} : memref<1x128xi32, #tpu.memory_space<vmem>>, vector<16xi32>,
    %swap3A_641 = arith.constant 80 : index
    %swap3A_642 = tpu.vector_load %arg12[%swap3A_641] {strides = array<i32>} : memref<128xf32, #tpu.memory_space<vmem>>, vector<16xf32>,
    tpu.vector_store %arg12[%swap3A_641], %gather3A_633 {strides = array<i32>} : memref<128xf32, #tpu.memory_space<vmem>>, vector<16xf32>,
    %mul3A_643 = arith.constant 320 : i32
    %mul3A_644 = arith.muli %add3A, %mul3A_643 : i32
    %add3A_645 = arith.constant 352 : i32
    %add3A_646 = arith.addi %mul3A_644, %add3A_645 : i32
    %add3A_647 = vector.broadcast %add3A_646 : i32 to vector<16xi32>
    %add3A_648 = arith.addi %add3A_647, %iota3A : vector<16xi32>
    %min3A_649 = arith.constant 10239 : i32
    %min3A_650 = vector.broadcast %min3A_649 : i32 to vector<16xi32>
    %min3A_651 = arith.minsi %add3A_648, %min3A_650 : vector<16xi32>
    %shift_right_logical3A_652 = arith.constant 7 : i32
    %shift_right_logical3A_653 = vector.broadcast %shift_right_logical3A_652 : i32 to vector<16xi32>
    %shift_right_logical3A_654 = arith.shrui %min3A_651, %shift_right_logical3A_653 : vector<16xi32>
    %and3A_655 = arith.constant 127 : i32
    %and3A_656 = vector.broadcast %and3A_655 : i32 to vector<16xi32>
    %and3A_657 = arith.andi %min3A_651, %and3A_656 : vector<16xi32>
    %gather3A_658 = tpu.vector_load_idx %arg10[%shift_right_logical3A_654, %and3A_657] : memref<80x128xi32, #tpu.memory_space<vmem>>[vector<16xi32>, vector<16xi32>], vector<16xi32>,
    %gather3A_659 = tpu.vector_load_idx %arg9[%shift_right_logical3A_654, %and3A_657] : memref<80x128xf32, #tpu.memory_space<vmem>>[vector<16xi32>, vector<16xi32>], vector<16xf32>,
    %add3A_660 = arith.constant 655360 : i32
    %add3A_661 = vector.broadcast %add3A_660 : i32 to vector<16xi32>
    %add3A_662 = arith.addi %add3A_661, %min3A_651 : vector<16xi32>
    %swap3A_663 = arith.constant 0 : i32
    %swap3A_664 = arith.index_cast %swap3A_663 : i32 to index
    %swap3A_665 = arith.constant 96 : index
    %swap3A_666 = tpu.vector_load %arg11[%swap3A_664, %swap3A_665] {strides = array<i32>} : memref<1x128xi32, #tpu.memory_space<vmem>>, vector<16xi32>,
    tpu.vector_store %arg11[%swap3A_664, %swap3A_665], %add3A_662 {strides = array<i32>} : memref<1x128xi32, #tpu.memory_space<vmem>>, vector<16xi32>,
    %swap3A_667 = arith.constant 96 : index
    %swap3A_668 = tpu.vector_load %arg12[%swap3A_667] {strides = array<i32>} : memref<128xf32, #tpu.memory_space<vmem>>, vector<16xf32>,
    tpu.vector_store %arg12[%swap3A_667], %gather3A_659 {strides = array<i32>} : memref<128xf32, #tpu.memory_space<vmem>>, vector<16xf32>,
    %mul3A_669 = arith.constant 320 : i32
    %mul3A_670 = arith.muli %add3A, %mul3A_669 : i32
    %add3A_671 = arith.constant 368 : i32
    %add3A_672 = arith.addi %mul3A_670, %add3A_671 : i32
    %add3A_673 = vector.broadcast %add3A_672 : i32 to vector<16xi32>
    %add3A_674 = arith.addi %add3A_673, %iota3A : vector<16xi32>
    %min3A_675 = arith.constant 10239 : i32
    %min3A_676 = vector.broadcast %min3A_675 : i32 to vector<16xi32>
    %min3A_677 = arith.minsi %add3A_674, %min3A_676 : vector<16xi32>
    %shift_right_logical3A_678 = arith.constant 7 : i32
    %shift_right_logical3A_679 = vector.broadcast %shift_right_logical3A_678 : i32 to vector<16xi32>
    %shift_right_logical3A_680 = arith.shrui %min3A_677, %shift_right_logical3A_679 : vector<16xi32>
    %and3A_681 = arith.constant 127 : i32
    %and3A_682 = vector.broadcast %and3A_681 : i32 to vector<16xi32>
    %and3A_683 = arith.andi %min3A_677, %and3A_682 : vector<16xi32>
    %gather3A_684 = tpu.vector_load_idx %arg10[%shift_right_logical3A_680, %and3A_683] : memref<80x128xi32, #tpu.memory_space<vmem>>[vector<16xi32>, vector<16xi32>], vector<16xi32>,
    %gather3A_685 = tpu.vector_load_idx %arg9[%shift_right_logical3A_680, %and3A_683] : memref<80x128xf32, #tpu.memory_space<vmem>>[vector<16xi32>, vector<16xi32>], vector<16xf32>,
    %add3A_686 = arith.constant 655360 : i32
    %add3A_687 = vector.broadcast %add3A_686 : i32 to vector<16xi32>
    %add3A_688 = arith.addi %add3A_687, %min3A_677 : vector<16xi32>
    %swap3A_689 = arith.constant 0 : i32
    %swap3A_690 = arith.index_cast %swap3A_689 : i32 to index
    %swap3A_691 = arith.constant 112 : index
    %swap3A_692 = tpu.vector_load %arg11[%swap3A_690, %swap3A_691] {strides = array<i32>} : memref<1x128xi32, #tpu.memory_space<vmem>>, vector<16xi32>,
    tpu.vector_store %arg11[%swap3A_690, %swap3A_691], %add3A_688 {strides = array<i32>} : memref<1x128xi32, #tpu.memory_space<vmem>>, vector<16xi32>,
    %swap3A_693 = arith.constant 112 : index
    %swap3A_694 = tpu.vector_load %arg12[%swap3A_693] {strides = array<i32>} : memref<128xf32, #tpu.memory_space<vmem>>, vector<16xf32>,
    tpu.vector_store %arg12[%swap3A_693], %gather3A_685 {strides = array<i32>} : memref<128xf32, #tpu.memory_space<vmem>>, vector<16xf32>,
    %run_scoped3A_695 = arith.constant 0 : i32
    "tpu.region"() ({
      %run_scoped3A_701 = tpu.sem_alloc : memref<!tpu.dma_semaphore, #tpu.memory_space<semaphore_mem>>
      %dma_start3A = arith.constant 0 : i32
      %dma_start3A_702 = tpu.memref_slice %arg11[%run_scoped3A_695, %dma_start3A] : memref<1x128xi32, #tpu.memory_space<vmem>> -> memref<1x128xi32, #tpu.memory_space<vmem>>
      %dma_start3A_703 = tpu.memref_squeeze %dma_start3A_702 : memref<1x128xi32, #tpu.memory_space<vmem>> -> memref<128xi32, #tpu.memory_space<vmem>>
      %dma_start3A_704 = arith.constant 0 : i32
      %dma_start3A_705 = tpu.memref_slice %arg14[%dma_start3A_704] : memref<665600xf32, #tpu.memory_space<vmem_shared>> -> memref<665600xf32, #tpu.memory_space<vmem_shared>>
      tpu.enqueue_indirect_dma source(%arg12 : memref<128xf32, #tpu.memory_space<vmem>>) target(%dma_start3A_705 : memref<665600xf32, #tpu.memory_space<vmem_shared>>) offsets(%dma_start3A_703 : memref<128xi32, #tpu.memory_space<vmem>>) semaphore(%run_scoped3A_701 : memref<!tpu.dma_semaphore, #tpu.memory_space<semaphore_mem>>) {add = true}
      %dma_wait3A = arith.constant 0 : i32
      %dma_wait3A_706 = tpu.memref_slice %arg11[%run_scoped3A_695, %dma_wait3A] : memref<1x128xi32, #tpu.memory_space<vmem>> -> memref<1x128xi32, #tpu.memory_space<vmem>>
      %dma_wait3A_707 = tpu.memref_squeeze %dma_wait3A_706 : memref<1x128xi32, #tpu.memory_space<vmem>> -> memref<128xi32, #tpu.memory_space<vmem>>
      %dma_wait3A_708 = arith.constant 0 : i32
      %dma_wait3A_709 = tpu.memref_slice %arg14[%dma_wait3A_708] : memref<665600xf32, #tpu.memory_space<vmem_shared>> -> memref<665600xf32, #tpu.memory_space<vmem_shared>>
      tpu.wait_indirect_dma semaphore(%run_scoped3A_701 : memref<!tpu.dma_semaphore, #tpu.memory_space<semaphore_mem>>) src(%arg12 : memref<128xf32, #tpu.memory_space<vmem>>) dst(%dma_wait3A_709 : memref<665600xf32, #tpu.memory_space<vmem_shared>>)
      tpu.yield
    }) : () -> ()
    %barrier3A_696 = arith.constant 0 : index
    tpu.barrier barrier_id(%barrier3A_696)
    %mul3A_697 = arith.constant 41600 : i32
    %mul3A_698 = arith.muli %arg1, %mul3A_697 : i32
    %mul3A_699 = arith.constant 41600 : i32
    %mul3A_700 = arith.muli %arg1, %mul3A_699 : i32
    "tpu.region"() ({
      %run_scoped3A_701 = tpu.sem_alloc : memref<!tpu.dma_semaphore, #tpu.memory_space<semaphore_mem>>
      %dma_start3A = tpu.memref_slice %arg6[%arg0, %mul3A_700] : memref<2x665600xf32, #tpu.memory_space<hbm>> -> memref<1x41600xf32, #tpu.memory_space<hbm>>
      %dma_start3A_702 = tpu.memref_squeeze %dma_start3A : memref<1x41600xf32, #tpu.memory_space<hbm>> -> memref<41600xf32, #tpu.memory_space<hbm>>
      %dma_start3A_703 = tpu.memref_slice %arg14[%mul3A_698] : memref<665600xf32, #tpu.memory_space<vmem_shared>> -> memref<41600xf32, #tpu.memory_space<vmem_shared>>
      tpu.enqueue_dma source(%dma_start3A_703 : memref<41600xf32, #tpu.memory_space<vmem_shared>>) target(%dma_start3A_702 : memref<41600xf32, #tpu.memory_space<hbm>>) target_semaphore(%run_scoped3A_701 : memref<!tpu.dma_semaphore, #tpu.memory_space<semaphore_mem>>)
      %dma_wait3A = tpu.memref_slice %arg6[%arg0, %mul3A_700] : memref<2x665600xf32, #tpu.memory_space<hbm>> -> memref<1x41600xf32, #tpu.memory_space<hbm>>
      %dma_wait3A_704 = tpu.memref_squeeze %dma_wait3A : memref<1x41600xf32, #tpu.memory_space<hbm>> -> memref<41600xf32, #tpu.memory_space<hbm>>
      %dma_wait3A_705 = tpu.memref_slice %arg14[%mul3A_698] : memref<665600xf32, #tpu.memory_space<vmem_shared>> -> memref<41600xf32, #tpu.memory_space<vmem_shared>>
      tpu.wait_dma2 semaphore(%run_scoped3A_701 : memref<!tpu.dma_semaphore, #tpu.memory_space<semaphore_mem>>) src(%dma_wait3A_705 : memref<41600xf32, #tpu.memory_space<vmem_shared>>) dst(%dma_wait3A_704 : memref<41600xf32, #tpu.memory_space<hbm>>)
      tpu.yield
    }) : () -> ()
    return
  }
}

#map = affine_map<(d0, d1) -> (0, 0, 0)>
#map1 = affine_map<(d0, d1) -> (0, 0)>
module attributes {stable_mosaic.version = 14 : i64} {
  func.func @_deg_body(%arg0: i32, %arg1: i32, %arg2: memref<32x80x128xi32, #tpu.memory_space<hbm>>, %arg3: memref<2x10240xf32, #tpu.memory_space<hbm>>, %arg4: memref<80x128xi32, #tpu.memory_space<vmem>>, %arg5: memref<640xf32, #tpu.memory_space<vmem>>, %arg6: memref<10240xf32, #tpu.memory_space<vmem_shared>>, %arg7: memref<!tpu.dma_semaphore, #tpu.memory_space<semaphore_mem>>) attributes {dimension_semantics = [#tpu.dimension_semantics<core_parallel>, #tpu.dimension_semantics<subcore_parallel>], iteration_bounds = array<i64: 2, 16>, scalar_prefetch = 0 : i64, scratch_operands = 4 : i64, tpu.core_type = #tpu.core_type<sc_vector_subcore>, window_params = [{transform_indices = #map}, {transform_indices = #map1}]} {
    %mul3A = arith.constant 2 : i32
    %mul3A_0 = arith.muli %arg1, %mul3A : i32
    %add3A = arith.addi %mul3A_0, %arg0 : i32
    %broadcast_in_dim3A = arith.constant 0.000000e+00 : f32
    %broadcast_in_dim3A_1 = vector.broadcast %broadcast_in_dim3A : f32 to vector<16xf32>
    %scan3A = arith.constant 0 : i32
    %scan3A_2 = arith.constant 0 : i32
    %scan3A_3 = arith.constant 40 : i32
    %scan3A_4 = arith.addi %scan3A_2, %scan3A_3 : i32
    %scan3A_5 = arith.constant 1 : i32
    %scan3A_6 = scf.for %scan3A_55 = %scan3A_2 to %scan3A_4 step %scan3A_5 iter_args(%scan3A_56 = %scan3A) -> (i32)  : i32 {
      %mul3A_57 = arith.constant 16 : i32
      %mul3A_58 = arith.muli %scan3A_55, %mul3A_57 : i32
      %swap3A_59 = arith.index_cast %mul3A_58 : i32 to index
      %swap3A_60 = tpu.vector_load %arg5[%swap3A_59] {strides = array<i32>} : memref<640xf32, #tpu.memory_space<vmem>>, vector<16xf32>,
      %swap3A_61 = vector.shape_cast %swap3A_60 : vector<16xf32> to vector<16xf32>
      %swap3A_62 = vector.shape_cast %broadcast_in_dim3A_1 : vector<16xf32> to vector<16xf32>
      tpu.vector_store %arg5[%swap3A_59], %swap3A_62 {strides = array<i32>} : memref<640xf32, #tpu.memory_space<vmem>>, vector<16xf32>,
      %scan3A_63 = arith.constant 0 : i32
      scf.yield %scan3A_63 : i32
    }
    %scan3A_7 = arith.constant 40 : i32
    %mul3A_8 = arith.constant 640 : i32
    %mul3A_9 = arith.muli %arg1, %mul3A_8 : i32
    "tpu.region"() ({
      %run_scoped3A = tpu.sem_alloc : memref<!tpu.dma_semaphore, #tpu.memory_space<semaphore_mem>>
      %dma_start3A = arith.constant 0 : i32
      %dma_start3A_55 = tpu.memref_slice %arg5[%dma_start3A] : memref<640xf32, #tpu.memory_space<vmem>> -> memref<640xf32, #tpu.memory_space<vmem>>
      %dma_start3A_56 = tpu.memref_slice %arg6[%mul3A_9] : memref<10240xf32, #tpu.memory_space<vmem_shared>> -> memref<640xf32, #tpu.memory_space<vmem_shared>>
      %dma_start3A_57 = tpu.memref_slice %arg6[%mul3A_9] : memref<10240xf32, #tpu.memory_space<vmem_shared>> -> memref<640xf32, #tpu.memory_space<vmem_shared>>
      %dma_start3A_58 = arith.constant 0 : i32
      %dma_start3A_59 = tpu.memref_slice %arg5[%dma_start3A_58] : memref<640xf32, #tpu.memory_space<vmem>> -> memref<640xf32, #tpu.memory_space<vmem>>
      tpu.enqueue_dma source(%dma_start3A_59 : memref<640xf32, #tpu.memory_space<vmem>>) target(%dma_start3A_57 : memref<640xf32, #tpu.memory_space<vmem_shared>>) target_semaphore(%run_scoped3A : memref<!tpu.dma_semaphore, #tpu.memory_space<semaphore_mem>>)
      %dma_wait3A = arith.constant 0 : i32
      %dma_wait3A_60 = tpu.memref_slice %arg5[%dma_wait3A] : memref<640xf32, #tpu.memory_space<vmem>> -> memref<640xf32, #tpu.memory_space<vmem>>
      %dma_wait3A_61 = tpu.memref_slice %arg6[%mul3A_9] : memref<10240xf32, #tpu.memory_space<vmem_shared>> -> memref<640xf32, #tpu.memory_space<vmem_shared>>
      %dma_wait3A_62 = tpu.memref_slice %arg6[%mul3A_9] : memref<10240xf32, #tpu.memory_space<vmem_shared>> -> memref<640xf32, #tpu.memory_space<vmem_shared>>
      %dma_wait3A_63 = arith.constant 0 : i32
      %dma_wait3A_64 = tpu.memref_slice %arg5[%dma_wait3A_63] : memref<640xf32, #tpu.memory_space<vmem>> -> memref<640xf32, #tpu.memory_space<vmem>>
      tpu.wait_dma2 semaphore(%run_scoped3A : memref<!tpu.dma_semaphore, #tpu.memory_space<semaphore_mem>>) src(%dma_wait3A_64 : memref<640xf32, #tpu.memory_space<vmem>>) dst(%dma_wait3A_62 : memref<640xf32, #tpu.memory_space<vmem_shared>>)
      tpu.yield
    }) : () -> ()
    "tpu.region"() ({
      %run_scoped3A = tpu.sem_alloc : memref<!tpu.dma_semaphore, #tpu.memory_space<semaphore_mem>>
      %dma_start3A = arith.constant 0 : i32
      %dma_start3A_55 = arith.constant 0 : i32
      %dma_start3A_56 = tpu.memref_slice %arg2[%add3A, %dma_start3A, %dma_start3A_55] : memref<32x80x128xi32, #tpu.memory_space<hbm>> -> memref<1x80x128xi32, #tpu.memory_space<hbm>>
      %dma_start3A_57 = tpu.memref_squeeze %dma_start3A_56 : memref<1x80x128xi32, #tpu.memory_space<hbm>> -> memref<80x128xi32, #tpu.memory_space<hbm>>
      %dma_start3A_58 = arith.constant 0 : i32
      %dma_start3A_59 = arith.constant 0 : i32
      %dma_start3A_60 = tpu.memref_slice %arg2[%add3A, %dma_start3A_58, %dma_start3A_59] : memref<32x80x128xi32, #tpu.memory_space<hbm>> -> memref<1x80x128xi32, #tpu.memory_space<hbm>>
      %dma_start3A_61 = tpu.memref_squeeze %dma_start3A_60 : memref<1x80x128xi32, #tpu.memory_space<hbm>> -> memref<80x128xi32, #tpu.memory_space<hbm>>
      tpu.enqueue_dma source(%dma_start3A_61 : memref<80x128xi32, #tpu.memory_space<hbm>>) target(%arg4 : memref<80x128xi32, #tpu.memory_space<vmem>>) target_semaphore(%run_scoped3A : memref<!tpu.dma_semaphore, #tpu.memory_space<semaphore_mem>>)
      %dma_wait3A = arith.constant 0 : i32
      %dma_wait3A_62 = arith.constant 0 : i32
      %dma_wait3A_63 = tpu.memref_slice %arg2[%add3A, %dma_wait3A, %dma_wait3A_62] : memref<32x80x128xi32, #tpu.memory_space<hbm>> -> memref<1x80x128xi32, #tpu.memory_space<hbm>>
      %dma_wait3A_64 = tpu.memref_squeeze %dma_wait3A_63 : memref<1x80x128xi32, #tpu.memory_space<hbm>> -> memref<80x128xi32, #tpu.memory_space<hbm>>
      %dma_wait3A_65 = arith.constant 0 : i32
      %dma_wait3A_66 = arith.constant 0 : i32
      %dma_wait3A_67 = tpu.memref_slice %arg2[%add3A, %dma_wait3A_65, %dma_wait3A_66] : memref<32x80x128xi32, #tpu.memory_space<hbm>> -> memref<1x80x128xi32, #tpu.memory_space<hbm>>
      %dma_wait3A_68 = tpu.memref_squeeze %dma_wait3A_67 : memref<1x80x128xi32, #tpu.memory_space<hbm>> -> memref<80x128xi32, #tpu.memory_space<hbm>>
      tpu.wait_dma2 semaphore(%run_scoped3A : memref<!tpu.dma_semaphore, #tpu.memory_space<semaphore_mem>>) src(%dma_wait3A_68 : memref<80x128xi32, #tpu.memory_space<hbm>>) dst(%arg4 : memref<80x128xi32, #tpu.memory_space<vmem>>)
      tpu.yield
    }) : () -> ()
    %broadcast_in_dim3A_10 = arith.constant 1.000000e+00 : f32
    %broadcast_in_dim3A_11 = vector.broadcast %broadcast_in_dim3A_10 : f32 to vector<16xf32>
    %swap3A = arith.constant 0 : index
    %swap3A_12 = tpu.vector_load %arg5[%swap3A] {strides = array<i32>} : memref<640xf32, #tpu.memory_space<vmem>>, vector<16xf32>,
    %swap3A_13 = vector.shape_cast %swap3A_12 : vector<16xf32> to vector<16xf32>
    %swap3A_14 = vector.shape_cast %broadcast_in_dim3A_11 : vector<16xf32> to vector<16xf32>
    tpu.vector_store %arg5[%swap3A], %swap3A_14 {strides = array<i32>} : memref<640xf32, #tpu.memory_space<vmem>>, vector<16xf32>,
    %swap3A_15 = arith.constant 16 : index
    %swap3A_16 = tpu.vector_load %arg5[%swap3A_15] {strides = array<i32>} : memref<640xf32, #tpu.memory_space<vmem>>, vector<16xf32>,
    %swap3A_17 = vector.shape_cast %swap3A_16 : vector<16xf32> to vector<16xf32>
    %swap3A_18 = vector.shape_cast %broadcast_in_dim3A_11 : vector<16xf32> to vector<16xf32>
    tpu.vector_store %arg5[%swap3A_15], %swap3A_18 {strides = array<i32>} : memref<640xf32, #tpu.memory_space<vmem>>, vector<16xf32>,
    %swap3A_19 = arith.constant 32 : index
    %swap3A_20 = tpu.vector_load %arg5[%swap3A_19] {strides = array<i32>} : memref<640xf32, #tpu.memory_space<vmem>>, vector<16xf32>,
    %swap3A_21 = vector.shape_cast %swap3A_20 : vector<16xf32> to vector<16xf32>
    %swap3A_22 = vector.shape_cast %broadcast_in_dim3A_11 : vector<16xf32> to vector<16xf32>
    tpu.vector_store %arg5[%swap3A_19], %swap3A_22 {strides = array<i32>} : memref<640xf32, #tpu.memory_space<vmem>>, vector<16xf32>,
    %swap3A_23 = arith.constant 48 : index
    %swap3A_24 = tpu.vector_load %arg5[%swap3A_23] {strides = array<i32>} : memref<640xf32, #tpu.memory_space<vmem>>, vector<16xf32>,
    %swap3A_25 = vector.shape_cast %swap3A_24 : vector<16xf32> to vector<16xf32>
    %swap3A_26 = vector.shape_cast %broadcast_in_dim3A_11 : vector<16xf32> to vector<16xf32>
    tpu.vector_store %arg5[%swap3A_23], %swap3A_26 {strides = array<i32>} : memref<640xf32, #tpu.memory_space<vmem>>, vector<16xf32>,
    %swap3A_27 = arith.constant 64 : index
    %swap3A_28 = tpu.vector_load %arg5[%swap3A_27] {strides = array<i32>} : memref<640xf32, #tpu.memory_space<vmem>>, vector<16xf32>,
    %swap3A_29 = vector.shape_cast %swap3A_28 : vector<16xf32> to vector<16xf32>
    %swap3A_30 = vector.shape_cast %broadcast_in_dim3A_11 : vector<16xf32> to vector<16xf32>
    tpu.vector_store %arg5[%swap3A_27], %swap3A_30 {strides = array<i32>} : memref<640xf32, #tpu.memory_space<vmem>>, vector<16xf32>,
    %swap3A_31 = arith.constant 80 : index
    %swap3A_32 = tpu.vector_load %arg5[%swap3A_31] {strides = array<i32>} : memref<640xf32, #tpu.memory_space<vmem>>, vector<16xf32>,
    %swap3A_33 = vector.shape_cast %swap3A_32 : vector<16xf32> to vector<16xf32>
    %swap3A_34 = vector.shape_cast %broadcast_in_dim3A_11 : vector<16xf32> to vector<16xf32>
    tpu.vector_store %arg5[%swap3A_31], %swap3A_34 {strides = array<i32>} : memref<640xf32, #tpu.memory_space<vmem>>, vector<16xf32>,
    %swap3A_35 = arith.constant 96 : index
    %swap3A_36 = tpu.vector_load %arg5[%swap3A_35] {strides = array<i32>} : memref<640xf32, #tpu.memory_space<vmem>>, vector<16xf32>,
    %swap3A_37 = vector.shape_cast %swap3A_36 : vector<16xf32> to vector<16xf32>
    %swap3A_38 = vector.shape_cast %broadcast_in_dim3A_11 : vector<16xf32> to vector<16xf32>
    tpu.vector_store %arg5[%swap3A_35], %swap3A_38 {strides = array<i32>} : memref<640xf32, #tpu.memory_space<vmem>>, vector<16xf32>,
    %swap3A_39 = arith.constant 112 : index
    %swap3A_40 = tpu.vector_load %arg5[%swap3A_39] {strides = array<i32>} : memref<640xf32, #tpu.memory_space<vmem>>, vector<16xf32>,
    %swap3A_41 = vector.shape_cast %swap3A_40 : vector<16xf32> to vector<16xf32>
    %swap3A_42 = vector.shape_cast %broadcast_in_dim3A_11 : vector<16xf32> to vector<16xf32>
    tpu.vector_store %arg5[%swap3A_39], %swap3A_42 {strides = array<i32>} : memref<640xf32, #tpu.memory_space<vmem>>, vector<16xf32>,
    %barrier3A = arith.constant 0 : index
    tpu.barrier barrier_id(%barrier3A)
    %scan3A_43 = arith.constant 0 : i32
    %scan3A_44 = arith.constant 0 : i32
    %scan3A_45 = arith.constant 80 : i32
    %scan3A_46 = arith.addi %scan3A_44, %scan3A_45 : i32
    %scan3A_47 = arith.constant 1 : i32
    %scan3A_48 = scf.for %scan3A_55 = %scan3A_44 to %scan3A_46 step %scan3A_47 iter_args(%scan3A_56 = %scan3A_43) -> (i32)  : i32 {
      "tpu.region"() ({
        %run_scoped3A = tpu.sem_alloc : memref<!tpu.dma_semaphore, #tpu.memory_space<semaphore_mem>>
        %dma_start3A = arith.constant 0 : i32
        %dma_start3A_58 = tpu.memref_slice %arg5[%dma_start3A] : memref<640xf32, #tpu.memory_space<vmem>> -> memref<128xf32, #tpu.memory_space<vmem>>
        %dma_start3A_59 = arith.constant 0 : i32
        %dma_start3A_60 = tpu.memref_slice %arg4[%scan3A_55, %dma_start3A_59] : memref<80x128xi32, #tpu.memory_space<vmem>> -> memref<1x128xi32, #tpu.memory_space<vmem>>
        %dma_start3A_61 = tpu.memref_squeeze %dma_start3A_60 : memref<1x128xi32, #tpu.memory_space<vmem>> -> memref<128xi32, #tpu.memory_space<vmem>>
        %dma_start3A_62 = arith.constant 0 : i32
        %dma_start3A_63 = tpu.memref_slice %arg6[%dma_start3A_62] : memref<10240xf32, #tpu.memory_space<vmem_shared>> -> memref<10240xf32, #tpu.memory_space<vmem_shared>>
        tpu.enqueue_indirect_dma source(%dma_start3A_58 : memref<128xf32, #tpu.memory_space<vmem>>) target(%dma_start3A_63 : memref<10240xf32, #tpu.memory_space<vmem_shared>>) offsets(%dma_start3A_61 : memref<128xi32, #tpu.memory_space<vmem>>) semaphore(%run_scoped3A : memref<!tpu.dma_semaphore, #tpu.memory_space<semaphore_mem>>) {add = true}
        %dma_wait3A = arith.constant 0 : i32
        %dma_wait3A_64 = tpu.memref_slice %arg5[%dma_wait3A] : memref<640xf32, #tpu.memory_space<vmem>> -> memref<128xf32, #tpu.memory_space<vmem>>
        %dma_wait3A_65 = arith.constant 0 : i32
        %dma_wait3A_66 = tpu.memref_slice %arg4[%scan3A_55, %dma_wait3A_65] : memref<80x128xi32, #tpu.memory_space<vmem>> -> memref<1x128xi32, #tpu.memory_space<vmem>>
        %dma_wait3A_67 = tpu.memref_squeeze %dma_wait3A_66 : memref<1x128xi32, #tpu.memory_space<vmem>> -> memref<128xi32, #tpu.memory_space<vmem>>
        %dma_wait3A_68 = arith.constant 0 : i32
        %dma_wait3A_69 = tpu.memref_slice %arg6[%dma_wait3A_68] : memref<10240xf32, #tpu.memory_space<vmem_shared>> -> memref<10240xf32, #tpu.memory_space<vmem_shared>>
        tpu.wait_indirect_dma semaphore(%run_scoped3A : memref<!tpu.dma_semaphore, #tpu.memory_space<semaphore_mem>>) src(%dma_wait3A_64 : memref<128xf32, #tpu.memory_space<vmem>>) dst(%dma_wait3A_69 : memref<10240xf32, #tpu.memory_space<vmem_shared>>)
        tpu.yield
      }) : () -> ()
      %scan3A_57 = arith.constant 0 : i32
      scf.yield %scan3A_57 : i32
    }
    %scan3A_49 = arith.constant 80 : i32
    %barrier3A_50 = arith.constant 0 : index
    tpu.barrier barrier_id(%barrier3A_50)
    %mul3A_51 = arith.constant 640 : i32
    %mul3A_52 = arith.muli %arg1, %mul3A_51 : i32
    %mul3A_53 = arith.constant 640 : i32
    %mul3A_54 = arith.muli %arg1, %mul3A_53 : i32
    "tpu.region"() ({
      %run_scoped3A = tpu.sem_alloc : memref<!tpu.dma_semaphore, #tpu.memory_space<semaphore_mem>>
      %dma_start3A = tpu.memref_slice %arg3[%arg0, %mul3A_54] : memref<2x10240xf32, #tpu.memory_space<hbm>> -> memref<1x640xf32, #tpu.memory_space<hbm>>
      %dma_start3A_55 = tpu.memref_squeeze %dma_start3A : memref<1x640xf32, #tpu.memory_space<hbm>> -> memref<640xf32, #tpu.memory_space<hbm>>
      %dma_start3A_56 = tpu.memref_slice %arg6[%mul3A_52] : memref<10240xf32, #tpu.memory_space<vmem_shared>> -> memref<640xf32, #tpu.memory_space<vmem_shared>>
      tpu.enqueue_dma source(%dma_start3A_56 : memref<640xf32, #tpu.memory_space<vmem_shared>>) target(%dma_start3A_55 : memref<640xf32, #tpu.memory_space<hbm>>) target_semaphore(%run_scoped3A : memref<!tpu.dma_semaphore, #tpu.memory_space<semaphore_mem>>)
      %dma_wait3A = tpu.memref_slice %arg3[%arg0, %mul3A_54] : memref<2x10240xf32, #tpu.memory_space<hbm>> -> memref<1x640xf32, #tpu.memory_space<hbm>>
      %dma_wait3A_57 = tpu.memref_squeeze %dma_wait3A : memref<1x640xf32, #tpu.memory_space<hbm>> -> memref<640xf32, #tpu.memory_space<hbm>>
      %dma_wait3A_58 = tpu.memref_slice %arg6[%mul3A_52] : memref<10240xf32, #tpu.memory_space<vmem_shared>> -> memref<640xf32, #tpu.memory_space<vmem_shared>>
      tpu.wait_dma2 semaphore(%run_scoped3A : memref<!tpu.dma_semaphore, #tpu.memory_space<semaphore_mem>>) src(%dma_wait3A_58 : memref<640xf32, #tpu.memory_space<vmem_shared>>) dst(%dma_wait3A_57 : memref<640xf32, #tpu.memory_space<hbm>>)
      tpu.yield
    }) : () -> ()
    return
  }
}

module attributes {stable_mosaic.version = 14 : i64} {
  func.func @_pre_body(%arg0: i32, %arg1: memref<1024x128xf32, #tpu.memory_space<vmem>>, %arg2: memref<128x128xf32, #tpu.memory_space<vmem>>, %arg3: memref<2x1024xf32, #tpu.memory_space<vmem>>, %arg4: memref<1024x64xf32, #tpu.memory_space<vmem>>, %arg5: memref<1024x64xf32, #tpu.memory_space<vmem>>, %arg6: memref<1024x1xf32, #tpu.memory_space<vmem>>, %arg7: memref<8x128xf32, #tpu.memory_space<vmem>>) attributes {dimension_semantics = [#tpu.dimension_semantics<arbitrary>], iteration_bounds = array<i64: 10>, scalar_prefetch = 0 : i64, scratch_operands = 0 : i64, tpu.core_type = #tpu.core_type<tc>, window_params = [{transform_indices = @transform_0, window_bounds = array<i64: 1024, 128>}, {pipeline_mode = #tpu.pipeline_mode<synchronous>, transform_indices = @transform_1, window_bounds = array<i64: 128, 128>}, {transform_indices = @transform_2, window_bounds = array<i64: 2, 1024>}, {transform_indices = @transform_3, window_bounds = array<i64: 1024, 64>}, {transform_indices = @transform_4, window_bounds = array<i64: 1024, 64>}, {transform_indices = @transform_5, window_bounds = array<i64: 1024, 1>}, {transform_indices = @transform_6, window_bounds = array<i64: 8, 128>}]} {
    %get3A = arith.constant 0 : index
    %get3A_0 = arith.constant 0 : index
    %get3A_1 = vector.load %arg3[%get3A, %get3A_0] : memref<2x1024xf32, #tpu.memory_space<vmem>>, vector<2x1024xf32>
    %slice3A = vector.extract_strided_slice %get3A_1 {offsets = [0, 0], sizes = [1, 1024], strides = [1, 1]} : vector<2x1024xf32> to vector<1x1024xf32>
    %slice3A_2 = vector.extract_strided_slice %get3A_1 {offsets = [1, 0], sizes = [1, 1024], strides = [1, 1]} : vector<2x1024xf32> to vector<1x1024xf32>
    %add3A = arith.addf %slice3A, %slice3A_2 : vector<1x1024xf32>
    %add3A_3 = arith.constant 1.000000e+00 : f32
    %add3A_4 = vector.broadcast %add3A_3 : f32 to vector<1x1024xf32>
    %add3A_5 = arith.addf %add3A, %add3A_4 : vector<1x1024xf32>
    %sqrt3A = math.sqrt %add3A_5 : vector<1x1024xf32>
    %div3A = arith.constant 1.000000e+00 : f32
    %div3A_6 = vector.broadcast %div3A : f32 to vector<1x1024xf32>
    %div3A_7 = arith.divf %div3A_6, %sqrt3A : vector<1x1024xf32>
    %transpose3A = tpu.transpose %div3A_7, [1, 0] : vector<1x1024xf32> -> vector<1024x1xf32>
    %get3A_8 = arith.constant 0 : index
    %get3A_9 = arith.constant 0 : index
    %get3A_10 = vector.load %arg1[%get3A_8, %get3A_9] : memref<1024x128xf32, #tpu.memory_space<vmem>>, vector<1024x128xf32>
    %get3A_11 = arith.constant 0 : index
    %get3A_12 = arith.constant 0 : index
    %get3A_13 = vector.load %arg2[%get3A_11, %get3A_12] : memref<128x128xf32, #tpu.memory_space<vmem>>, vector<128x128xf32>
    %dot_general3A = arith.constant dense<0.000000e+00> : vector<1024x128xf32>
    %dot_general3A_14 = tpu.matmul %get3A_10, %get3A_13, %dot_general3A {dimension_numbers = #tpu.dot_dimension_numbers<[1], [0], [0], [1], [0, 0, 1, 1], [], []>, transpose_lhs_hint = false} : vector<1024x128xf32>, vector<128x128xf32>, vector<1024x128xf32> -> vector<1024x128xf32>
    %mul3A = vector.broadcast %transpose3A : vector<1024x1xf32> to vector<1024x128xf32>
    %mul3A_15 = arith.mulf %dot_general3A_14, %mul3A : vector<1024x128xf32>
    %slice3A_16 = vector.extract_strided_slice %mul3A_15 {offsets = [0, 0], sizes = [1024, 64], strides = [1, 1]} : vector<1024x128xf32> to vector<1024x64xf32>
    %swap3A = arith.constant 0 : index
    %swap3A_17 = arith.constant 0 : index
    %swap3A_18 = vector.load %arg4[%swap3A, %swap3A_17] : memref<1024x64xf32, #tpu.memory_space<vmem>>, vector<1024x64xf32>
    tpu.vector_store %arg4[%swap3A, %swap3A_17], %slice3A_16 {strides = array<i32>} : memref<1024x64xf32, #tpu.memory_space<vmem>>, vector<1024x64xf32>,
    %slice3A_19 = vector.extract_strided_slice %mul3A_15 {offsets = [0, 64], sizes = [1024, 64], strides = [1, 1]} : vector<1024x128xf32> to vector<1024x64xf32>
    %swap3A_20 = arith.constant 0 : index
    %swap3A_21 = arith.constant 0 : index
    %swap3A_22 = vector.load %arg5[%swap3A_20, %swap3A_21] : memref<1024x64xf32, #tpu.memory_space<vmem>>, vector<1024x64xf32>
    tpu.vector_store %arg5[%swap3A_20, %swap3A_21], %slice3A_19 {strides = array<i32>} : memref<1024x64xf32, #tpu.memory_space<vmem>>, vector<1024x64xf32>,
    %swap3A_23 = arith.constant 0 : index
    %swap3A_24 = arith.constant 0 : index
    %swap3A_25 = vector.load %arg6[%swap3A_23, %swap3A_24] : memref<1024x1xf32, #tpu.memory_space<vmem>>, vector<1024x1xf32>
    tpu.vector_store %arg6[%swap3A_23, %swap3A_24], %transpose3A {strides = array<i32>} : memref<1024x1xf32, #tpu.memory_space<vmem>>, vector<1024x1xf32>,
    %reshape3A = vector.shape_cast %div3A_7 : vector<1x1024xf32> to vector<8x128xf32>
    %swap3A_26 = arith.constant 0 : index
    %swap3A_27 = arith.constant 0 : index
    %swap3A_28 = vector.load %arg7[%swap3A_26, %swap3A_27] : memref<8x128xf32, #tpu.memory_space<vmem>>, vector<8x128xf32>
    tpu.vector_store %arg7[%swap3A_26, %swap3A_27], %reshape3A {strides = array<i32>} : memref<8x128xf32, #tpu.memory_space<vmem>>, vector<8x128xf32>,
    return
  }
  func.func @transform_0(%arg0: i32) -> (i32, i32) {
    %c0_i32 = arith.constant 0 : i32
    %c0_i32_0 = arith.constant 0 : i32
    return %arg0, %c0_i32 : i32, i32
  }
  func.func @transform_1(%arg0: i32) -> (i32, i32) {
    %c0_i32 = arith.constant 0 : i32
    %c0_i32_0 = arith.constant 0 : i32
    %c0_i32_1 = arith.constant 0 : i32
    return %c0_i32, %c0_i32_0 : i32, i32
  }
  func.func @transform_2(%arg0: i32) -> (i32, i32) {
    %c0_i32 = arith.constant 0 : i32
    %c0_i32_0 = arith.constant 0 : i32
    return %c0_i32, %arg0 : i32, i32
  }
  func.func @transform_3(%arg0: i32) -> (i32, i32) {
    %c0_i32 = arith.constant 0 : i32
    %c0_i32_0 = arith.constant 0 : i32
    return %arg0, %c0_i32 : i32, i32
  }
  func.func @transform_4(%arg0: i32) -> (i32, i32) {
    %c0_i32 = arith.constant 0 : i32
    %c0_i32_0 = arith.constant 0 : i32
    return %arg0, %c0_i32 : i32, i32
  }
  func.func @transform_5(%arg0: i32) -> (i32, i32) {
    %c0_i32 = arith.constant 0 : i32
    %c0_i32_0 = arith.constant 0 : i32
    return %arg0, %c0_i32 : i32, i32
  }
  func.func @transform_6(%arg0: i32) -> (i32, i32) {
    %c0_i32 = arith.constant 0 : i32
    %c0_i32_0 = arith.constant 0 : i32
    return %arg0, %c0_i32 : i32, i32
  }
}

module attributes {stable_mosaic.version = 14 : i64} {
  func.func @_mid_body(%arg0: i32, %arg1: memref<2x1024x64xf32, #tpu.memory_space<vmem>>, %arg2: memref<2x1024x64xf32, #tpu.memory_space<vmem>>, %arg3: memref<1024x64xf32, #tpu.memory_space<vmem>>, %arg4: memref<1024x64xf32, #tpu.memory_space<vmem>>, %arg5: memref<1024x1xf32, #tpu.memory_space<vmem>>, %arg6: memref<1x128xf32, #tpu.memory_space<vmem>>, %arg7: memref<128x128xf32, #tpu.memory_space<vmem>>, %arg8: memref<1024x128xf32, #tpu.memory_space<vmem>>) attributes {dimension_semantics = [#tpu.dimension_semantics<arbitrary>], iteration_bounds = array<i64: 10>, scalar_prefetch = 0 : i64, scratch_operands = 0 : i64, tpu.core_type = #tpu.core_type<tc>, window_params = [{transform_indices = @transform_0, window_bounds = array<i64: 2, 1024, 64>}, {transform_indices = @transform_1, window_bounds = array<i64: 2, 1024, 64>}, {transform_indices = @transform_2, window_bounds = array<i64: 1024, 64>}, {transform_indices = @transform_3, window_bounds = array<i64: 1024, 64>}, {transform_indices = @transform_4, window_bounds = array<i64: 1024, 1>}, {pipeline_mode = #tpu.pipeline_mode<synchronous>, transform_indices = @transform_5, window_bounds = array<i64: 1, 128>}, {pipeline_mode = #tpu.pipeline_mode<synchronous>, transform_indices = @transform_6, window_bounds = array<i64: 128, 128>}, {transform_indices = @transform_7, window_bounds = array<i64: 1024, 128>}]} {
    %get3A = arith.constant 0 : index
    %get3A_0 = arith.constant 0 : index
    %get3A_1 = vector.load %arg5[%get3A, %get3A_0] : memref<1024x1xf32, #tpu.memory_space<vmem>>, vector<1024x1xf32>
    %get3A_2 = arith.constant 0 : index
    %get3A_3 = arith.constant 0 : index
    %get3A_4 = vector.load %arg6[%get3A_2, %get3A_3] : memref<1x128xf32, #tpu.memory_space<vmem>>, vector<1x128xf32>
    %get3A_5 = arith.constant 0 : index
    %get3A_6 = arith.constant 0 : index
    %get3A_7 = arith.constant 0 : index
    %get3A_8 = vector.load %arg1[%get3A_5, %get3A_6, %get3A_7] : memref<2x1024x64xf32, #tpu.memory_space<vmem>>, vector<1x1024x64xf32>
    %get3A_9 = vector.shape_cast %get3A_8 : vector<1x1024x64xf32> to vector<1024x64xf32>
    %get3A_10 = arith.constant 1 : index
    %get3A_11 = arith.constant 0 : index
    %get3A_12 = arith.constant 0 : index
    %get3A_13 = vector.load %arg1[%get3A_10, %get3A_11, %get3A_12] : memref<2x1024x64xf32, #tpu.memory_space<vmem>>, vector<1x1024x64xf32>
    %get3A_14 = vector.shape_cast %get3A_13 : vector<1x1024x64xf32> to vector<1024x64xf32>
    %add3A = arith.addf %get3A_9, %get3A_14 : vector<1024x64xf32>
    %get3A_15 = arith.constant 0 : index
    %get3A_16 = arith.constant 0 : index
    %get3A_17 = vector.load %arg3[%get3A_15, %get3A_16] : memref<1024x64xf32, #tpu.memory_space<vmem>>, vector<1024x64xf32>
    %add3A_18 = arith.addf %add3A, %get3A_17 : vector<1024x64xf32>
    %get3A_19 = arith.constant 0 : index
    %get3A_20 = arith.constant 0 : index
    %get3A_21 = arith.constant 0 : index
    %get3A_22 = vector.load %arg2[%get3A_19, %get3A_20, %get3A_21] : memref<2x1024x64xf32, #tpu.memory_space<vmem>>, vector<1x1024x64xf32>
    %get3A_23 = vector.shape_cast %get3A_22 : vector<1x1024x64xf32> to vector<1024x64xf32>
    %get3A_24 = arith.constant 1 : index
    %get3A_25 = arith.constant 0 : index
    %get3A_26 = arith.constant 0 : index
    %get3A_27 = vector.load %arg2[%get3A_24, %get3A_25, %get3A_26] : memref<2x1024x64xf32, #tpu.memory_space<vmem>>, vector<1x1024x64xf32>
    %get3A_28 = vector.shape_cast %get3A_27 : vector<1x1024x64xf32> to vector<1024x64xf32>
    %add3A_29 = arith.addf %get3A_23, %get3A_28 : vector<1024x64xf32>
    %get3A_30 = arith.constant 0 : index
    %get3A_31 = arith.constant 0 : index
    %get3A_32 = vector.load %arg4[%get3A_30, %get3A_31] : memref<1024x64xf32, #tpu.memory_space<vmem>>, vector<1024x64xf32>
    %add3A_33 = arith.addf %add3A_29, %get3A_32 : vector<1024x64xf32>
    %mul3A = vector.broadcast %get3A_1 : vector<1024x1xf32> to vector<1024x64xf32>
    %mul3A_34 = arith.mulf %add3A_18, %mul3A : vector<1024x64xf32>
    %slice3A = vector.extract_strided_slice %get3A_4 {offsets = [0, 0], sizes = [1, 64], strides = [1, 1]} : vector<1x128xf32> to vector<1x64xf32>
    %add3A_35 = vector.broadcast %slice3A : vector<1x64xf32> to vector<1024x64xf32>
    %add3A_36 = arith.addf %mul3A_34, %add3A_35 : vector<1024x64xf32>
    %max3A = arith.constant 0.000000e+00 : f32
    %max3A_37 = vector.broadcast %max3A : f32 to vector<1024x64xf32>
    %max3A_38 = arith.maximumf %add3A_36, %max3A_37 : vector<1024x64xf32>
    %mul3A_39 = vector.broadcast %get3A_1 : vector<1024x1xf32> to vector<1024x64xf32>
    %mul3A_40 = arith.mulf %add3A_33, %mul3A_39 : vector<1024x64xf32>
    %slice3A_41 = vector.extract_strided_slice %get3A_4 {offsets = [0, 64], sizes = [1, 64], strides = [1, 1]} : vector<1x128xf32> to vector<1x64xf32>
    %add3A_42 = vector.broadcast %slice3A_41 : vector<1x64xf32> to vector<1024x64xf32>
    %add3A_43 = arith.addf %mul3A_40, %add3A_42 : vector<1024x64xf32>
    %max3A_44 = arith.constant 0.000000e+00 : f32
    %max3A_45 = vector.broadcast %max3A_44 : f32 to vector<1024x64xf32>
    %max3A_46 = arith.maximumf %add3A_43, %max3A_45 : vector<1024x64xf32>
    %get3A_47 = arith.constant 0 : index
    %get3A_48 = arith.constant 0 : index
    %get3A_49 = vector.load %arg7[%get3A_47, %get3A_48] : memref<128x128xf32, #tpu.memory_space<vmem>>, vector<64x128xf32>
    %dot_general3A = arith.constant dense<0.000000e+00> : vector<1024x128xf32>
    %dot_general3A_50 = tpu.matmul %max3A_38, %get3A_49, %dot_general3A {dimension_numbers = #tpu.dot_dimension_numbers<[1], [0], [0], [1], [0, 0, 1, 1], [], []>, transpose_lhs_hint = false} : vector<1024x64xf32>, vector<64x128xf32>, vector<1024x128xf32> -> vector<1024x128xf32>
    %get3A_51 = arith.constant 64 : index
    %get3A_52 = arith.constant 0 : index
    %get3A_53 = vector.load %arg7[%get3A_51, %get3A_52] : memref<128x128xf32, #tpu.memory_space<vmem>>, vector<64x128xf32>
    %dot_general3A_54 = arith.constant dense<0.000000e+00> : vector<1024x128xf32>
    %dot_general3A_55 = tpu.matmul %max3A_46, %get3A_53, %dot_general3A_54 {dimension_numbers = #tpu.dot_dimension_numbers<[1], [0], [0], [1], [0, 0, 1, 1], [], []>, transpose_lhs_hint = false} : vector<1024x64xf32>, vector<64x128xf32>, vector<1024x128xf32> -> vector<1024x128xf32>
    %add3A_56 = arith.addf %dot_general3A_50, %dot_general3A_55 : vector<1024x128xf32>
    %mul3A_57 = vector.broadcast %get3A_1 : vector<1024x1xf32> to vector<1024x128xf32>
    %mul3A_58 = arith.mulf %add3A_56, %mul3A_57 : vector<1024x128xf32>
    %swap3A = arith.constant 0 : index
    %swap3A_59 = arith.constant 0 : index
    %swap3A_60 = vector.load %arg8[%swap3A, %swap3A_59] : memref<1024x128xf32, #tpu.memory_space<vmem>>, vector<1024x128xf32>
    tpu.vector_store %arg8[%swap3A, %swap3A_59], %mul3A_58 {strides = array<i32>} : memref<1024x128xf32, #tpu.memory_space<vmem>>, vector<1024x128xf32>,
    return
  }
  func.func @transform_0(%arg0: i32) -> (i32, i32, i32) {
    %c0_i32 = arith.constant 0 : i32
    %c0_i32_0 = arith.constant 0 : i32
    %c0_i32_1 = arith.constant 0 : i32
    return %c0_i32, %arg0, %c0_i32_0 : i32, i32, i32
  }
  func.func @transform_1(%arg0: i32) -> (i32, i32, i32) {
    %c0_i32 = arith.constant 0 : i32
    %c0_i32_0 = arith.constant 0 : i32
    %c0_i32_1 = arith.constant 0 : i32
    return %c0_i32, %arg0, %c0_i32_0 : i32, i32, i32
  }
  func.func @transform_2(%arg0: i32) -> (i32, i32) {
    %c0_i32 = arith.constant 0 : i32
    %c0_i32_0 = arith.constant 0 : i32
    return %arg0, %c0_i32 : i32, i32
  }
  func.func @transform_3(%arg0: i32) -> (i32, i32) {
    %c0_i32 = arith.constant 0 : i32
    %c0_i32_0 = arith.constant 0 : i32
    return %arg0, %c0_i32 : i32, i32
  }
  func.func @transform_4(%arg0: i32) -> (i32, i32) {
    %c0_i32 = arith.constant 0 : i32
    %c0_i32_0 = arith.constant 0 : i32
    return %arg0, %c0_i32 : i32, i32
  }
  func.func @transform_5(%arg0: i32) -> (i32, i32) {
    %c0_i32 = arith.constant 0 : i32
    %c0_i32_0 = arith.constant 0 : i32
    %c0_i32_1 = arith.constant 0 : i32
    return %c0_i32, %c0_i32_0 : i32, i32
  }
  func.func @transform_6(%arg0: i32) -> (i32, i32) {
    %c0_i32 = arith.constant 0 : i32
    %c0_i32_0 = arith.constant 0 : i32
    %c0_i32_1 = arith.constant 0 : i32
    return %c0_i32, %c0_i32_0 : i32, i32
  }
  func.func @transform_7(%arg0: i32) -> (i32, i32) {
    %c0_i32 = arith.constant 0 : i32
    %c0_i32_0 = arith.constant 0 : i32
    return %arg0, %c0_i32 : i32, i32
  }
}

module attributes {stable_mosaic.version = 14 : i64} {
  func.func @_fin_body(%arg0: i32, %arg1: memref<2x64x10240xf32, #tpu.memory_space<vmem>>, %arg2: memref<10240x128xf32, #tpu.memory_space<vmem>>, %arg3: memref<80x128xi32, #tpu.memory_space<vmem>>, %arg4: memref<1x128xf32, #tpu.memory_space<vmem>>, %arg5: memref<128x1xf32, #tpu.memory_space<vmem>>, %arg6: memref<1x1xf32, #tpu.memory_space<vmem>>, %arg7: memref<64x1xf32, #tpu.memory_space<vmem>>) attributes {dimension_semantics = [#tpu.dimension_semantics<arbitrary>], iteration_bounds = array<i64: 1>, scalar_prefetch = 0 : i64, scratch_operands = 0 : i64, tpu.core_type = #tpu.core_type<tc>, window_params = [{transform_indices = @transform_0, window_bounds = array<i64: 2, 64, 10240>}, {pipeline_mode = #tpu.pipeline_mode<synchronous>, transform_indices = @transform_1, window_bounds = array<i64: 10240, 128>}, {pipeline_mode = #tpu.pipeline_mode<synchronous>, transform_indices = @transform_2, window_bounds = array<i64: 80, 128>}, {pipeline_mode = #tpu.pipeline_mode<synchronous>, transform_indices = @transform_3, window_bounds = array<i64: 1, 128>}, {pipeline_mode = #tpu.pipeline_mode<synchronous>, transform_indices = @transform_4, window_bounds = array<i64: 128, 1>}, {pipeline_mode = #tpu.pipeline_mode<synchronous>, transform_indices = @transform_5, window_bounds = array<i64: 1, 1>}, {pipeline_mode = #tpu.pipeline_mode<synchronous>, transform_indices = @transform_6, window_bounds = array<i64: 64, 1>}]} {
    %get3A = arith.constant 0 : index
    %get3A_0 = arith.constant 0 : index
    %get3A_1 = arith.constant 0 : index
    %get3A_2 = vector.load %arg1[%get3A, %get3A_0, %get3A_1] : memref<2x64x10240xf32, #tpu.memory_space<vmem>>, vector<1x64x10240xf32>
    %get3A_3 = vector.shape_cast %get3A_2 : vector<1x64x10240xf32> to vector<64x10240xf32>
    %get3A_4 = arith.constant 1 : index
    %get3A_5 = arith.constant 0 : index
    %get3A_6 = arith.constant 0 : index
    %get3A_7 = vector.load %arg1[%get3A_4, %get3A_5, %get3A_6] : memref<2x64x10240xf32, #tpu.memory_space<vmem>>, vector<1x64x10240xf32>
    %get3A_8 = vector.shape_cast %get3A_7 : vector<1x64x10240xf32> to vector<64x10240xf32>
    %add3A = arith.addf %get3A_3, %get3A_8 : vector<64x10240xf32>
    %get3A_9 = arith.constant 0 : index
    %get3A_10 = arith.constant 0 : index
    %get3A_11 = vector.load %arg2[%get3A_9, %get3A_10] : memref<10240x128xf32, #tpu.memory_space<vmem>>, vector<10240x128xf32>
    %dot_general3A = arith.constant dense<0.000000e+00> : vector<64x128xf32>
    %dot_general3A_12 = tpu.matmul %add3A, %get3A_11, %dot_general3A {dimension_numbers = #tpu.dot_dimension_numbers<[1], [0], [0], [1], [0, 0, 1, 1], [], []>, precision = #tpu.contract_precision<fp32>, transpose_lhs_hint = false} : vector<64x10240xf32>, vector<10240x128xf32>, vector<64x128xf32> -> vector<64x128xf32>
    %get3A_13 = arith.constant 0 : index
    %get3A_14 = arith.constant 0 : index
    %get3A_15 = vector.load %arg3[%get3A_13, %get3A_14] : memref<80x128xi32, #tpu.memory_space<vmem>>, vector<80x128xi32>
    %iota3A = tpu.iota {dimensions = array<i32: 0>} : vector<64x1x1xi32>
    %broadcast_in_dim3A = vector.shape_cast %get3A_15 : vector<80x128xi32> to vector<1x80x128xi32>
    %eq3A = vector.broadcast %broadcast_in_dim3A : vector<1x80x128xi32> to vector<64x80x128xi32>
    %eq3A_16 = vector.broadcast %iota3A : vector<64x1x1xi32> to vector<64x80x128xi32>
    %eq3A_17 = arith.cmpi eq, %eq3A, %eq3A_16 : vector<64x80x128xi32>
    %jit3A = arith.constant 1.000000e+00 : f32
    %jit3A_18 = arith.constant 0.000000e+00 : f32
    %broadcast_in_dim3A_19 = vector.broadcast %jit3A : f32 to vector<64x80x128xf32>
    %broadcast_in_dim3A_20 = vector.broadcast %jit3A_18 : f32 to vector<64x80x128xf32>
    %select_n3A = arith.select %eq3A_17, %broadcast_in_dim3A_19, %broadcast_in_dim3A_20 : vector<64x80x128xi1>, vector<64x80x128xf32>
    %reduce_sum3A = arith.constant dense<0.000000e+00> : vector<64xf32>
    %reduce_sum3A_21 = vector.multi_reduction <add>, %select_n3A, %reduce_sum3A [1, 2] : vector<64x80x128xf32> to vector<64xf32>
    %broadcast_in_dim3A_22 = vector.shape_cast %reduce_sum3A_21 : vector<64xf32> to vector<64x1xf32>
    %get3A_23 = arith.constant 0 : index
    %get3A_24 = arith.constant 0 : index
    %get3A_25 = vector.load %arg4[%get3A_23, %get3A_24] : memref<1x128xf32, #tpu.memory_space<vmem>>, vector<1x128xf32>
    %mul3A = vector.broadcast %broadcast_in_dim3A_22 : vector<64x1xf32> to vector<64x128xf32>
    %mul3A_26 = vector.broadcast %get3A_25 : vector<1x128xf32> to vector<64x128xf32>
    %mul3A_27 = arith.mulf %mul3A, %mul3A_26 : vector<64x128xf32>
    %add3A_28 = arith.addf %dot_general3A_12, %mul3A_27 : vector<64x128xf32>
    %get3A_29 = arith.constant 0 : index
    %get3A_30 = arith.constant 0 : index
    %get3A_31 = vector.load %arg5[%get3A_29, %get3A_30] : memref<128x1xf32, #tpu.memory_space<vmem>>, vector<128x1xf32>
    %dot_general3A_32 = arith.constant dense<0.000000e+00> : vector<64x1xf32>
    %dot_general3A_33 = tpu.matmul %add3A_28, %get3A_31, %dot_general3A_32 {dimension_numbers = #tpu.dot_dimension_numbers<[1], [0], [0], [1], [0, 0, 1, 1], [], []>, transpose_lhs_hint = false} : vector<64x128xf32>, vector<128x1xf32>, vector<64x1xf32> -> vector<64x1xf32>
    %get3A_34 = arith.constant 0 : index
    %get3A_35 = arith.constant 0 : index
    %get3A_36 = vector.load %arg6[%get3A_34, %get3A_35] : memref<1x1xf32, #tpu.memory_space<vmem>>, vector<1x1xf32>
    %add3A_37 = vector.broadcast %get3A_36 : vector<1x1xf32> to vector<64x1xf32>
    %add3A_38 = arith.addf %dot_general3A_33, %add3A_37 : vector<64x1xf32>
    %swap3A = arith.constant 0 : index
    %swap3A_39 = arith.constant 0 : index
    %swap3A_40 = vector.load %arg7[%swap3A, %swap3A_39] : memref<64x1xf32, #tpu.memory_space<vmem>>, vector<64x1xf32>
    tpu.vector_store %arg7[%swap3A, %swap3A_39], %add3A_38 {strides = array<i32>} : memref<64x1xf32, #tpu.memory_space<vmem>>, vector<64x1xf32>,
    return
  }
  func.func @transform_0(%arg0: i32) -> (i32, i32, i32) {
    %c0_i32 = arith.constant 0 : i32
    %c0_i32_0 = arith.constant 0 : i32
    %c0_i32_1 = arith.constant 0 : i32
    %c0_i32_2 = arith.constant 0 : i32
    return %c0_i32, %c0_i32_0, %c0_i32_1 : i32, i32, i32
  }
  func.func @transform_1(%arg0: i32) -> (i32, i32) {
    %c0_i32 = arith.constant 0 : i32
    %c0_i32_0 = arith.constant 0 : i32
    %c0_i32_1 = arith.constant 0 : i32
    return %c0_i32, %c0_i32_0 : i32, i32
  }
  func.func @transform_2(%arg0: i32) -> (i32, i32) {
    %c0_i32 = arith.constant 0 : i32
    %c0_i32_0 = arith.constant 0 : i32
    %c0_i32_1 = arith.constant 0 : i32
    return %c0_i32, %c0_i32_0 : i32, i32
  }
  func.func @transform_3(%arg0: i32) -> (i32, i32) {
    %c0_i32 = arith.constant 0 : i32
    %c0_i32_0 = arith.constant 0 : i32
    %c0_i32_1 = arith.constant 0 : i32
    return %c0_i32, %c0_i32_0 : i32, i32
  }
  func.func @transform_4(%arg0: i32) -> (i32, i32) {
    %c0_i32 = arith.constant 0 : i32
    %c0_i32_0 = arith.constant 0 : i32
    %c0_i32_1 = arith.constant 0 : i32
    return %c0_i32, %c0_i32_0 : i32, i32
  }
  func.func @transform_5(%arg0: i32) -> (i32, i32) {
    %c0_i32 = arith.constant 0 : i32
    %c0_i32_0 = arith.constant 0 : i32
    %c0_i32_1 = arith.constant 0 : i32
    return %c0_i32, %c0_i32_0 : i32, i32
  }
  func.func @transform_6(%arg0: i32) -> (i32, i32) {
    %c0_i32 = arith.constant 0 : i32
    %c0_i32_0 = arith.constant 0 : i32
    %c0_i32_1 = arith.constant 0 : i32
    return %c0_i32, %c0_i32_0 : i32, i32
  }
}

</mosaic_0001>

<sc_bundles>
// kernel: kernel.11.cloned.1.call-start
scs
__scs_entry_jumppad:
0x0: {  	(pc) =	sbr.rel $0x88, $3  }
0x1: {  	(tag) =	ssettag $0x0;
	lr =	simm.s32 $0x1  }
0x2: {  	[smem:$0x3F98] =	sst lr;
	_ =	strace $0xD0000000  }
0x3: {  	_ = 	snop  }
0x4: {  	_ = 	snop  }
0x5: {  	_ = 	snop  }
0x6: {  	_ = 	snop  }
0x7: {  	_ = 	snop  }
__scs_overlays_trampoline_lowered:
0x8: {  	[smem:$0x3FA7] =	sst s0  }
0x9: {  	[smem:$0x3FA8] =	sst s1  }
0xa: {  	[smem:$0x3FA9] =	sst s2  }
0xb: {  	[smem:$0x3FAA] =	sst s3  }
0xc: {  	[smem:$0x3FAB] =	sst s4  }
0xd: {  	[smem:$0x3FAC] =	sst s5  }
0xe: {  	[smem:$0x3FAD] =	sst s6  }
0xf: {  	[smem:$0x3FAE] =	sst s7  }
0x10: {  	[smem:$0x3FAF] =	sst s8  }
0x11: {  	[smem:$0x3FB0] =	sst s9;
	s0 =	simm.s32 @!p0 $0x0  }
0x12: {  	s1 =	sld [smem:$0x3F96];
	s0 =	simm.s32 @p0 $0x1  }
0x13: {  	[smem:$0x3FB1] =	sst s0;
	s0 =	simm.s32 @!p1 $0x0  }
0x14: {  	s2 =	sld [smem:$0x3F95];
	s0 =	simm.s32 @p1 $0x1  }
0x15: {  	[smem:$0x3FB2] =	sst s0;
	s0 =	simm.s32 @!p2 $0x0  }
0x16: {  	s3 =	sld [smem:$0x3FDB];
	s0 =	simm.s32 @p2 $0x1  }
0x17: {  	s4 =	simm.s32 $0x1BF5;
	[smem:$0x3FB4] =	sst s0  }
0x18: {  	s0 =	sld [smem:$0x3F97];
	_ =	swait.ge [sflag:s4], $0x0  }
0x19: {  	s7 =	sld [smem:$0x3F98]  }
0x1a: {  	s8 =	sadd.s32 $0xFFFFE003, lr  }
0x1b: {  	s9 =	sadd.s32 $0xFFFFFEF7, lr;
	s5 =	simm.s32 $0xFFFFFFFF;
	p2 =	slt.u32 s8, $0xFFFFF086  }
0x1c: {  	p1 =	slt.u32 s9, $0xF7A;
	s5 =	simm.s32 @!p2 $0x0  }
0x1d: {  	s5 =	simm.s32 @p1 $0x1;
	p0 =	seq.s32 s7, s2  }
0x1e: {  	s7 =	smul.u32 @!p0 $0xF7A, s2;
	p2 =	seq.s32 @!p0 s5, $0x0  }
0x1f: {  	s9 =	smul.u32 $0xF7A, s1;
	s8 =	simm.s32 @!p0 $0x1BF5;
	p2 =	por !p2, p0  }
0x20: {  	[sflag:s8] =	ssyncset.s32 @!p0 $0xFFFFF086;
	s6 =	sadd.s32 @!p0 s3, s7;
	s7 =	simm.s32 @!p0 $0x108  }
0x21: {  	s3 =	sadd.s32 s3, s9;
	s6 =	sadd.s32 @!p0 $0x88, s6;
	s7 =	simm.s32 @p2 $0x1082  }
0x22: {  	[simem:s7], [sflag:s8] =	dma.local @!p0 [hbm:s6], $0xF7A  }
0x23: {  	s9 =	sor.u32 $0xD0000000, s2;
	s6 =	simm.s32 $0x108;
	_ =	swait.ge @!p0 [sflag:s8], $0x0  }
0x24: {  	s3 =	sadd.s32 $0x88, s3;
	s6 =	simm.s32 @!p1 $0x1082;
	[sflag:s4] =	ssyncset.s32 $0xFFFFF086  }
0x25: {  	[simem:s6], [sflag:s4] =	dma.local [hbm:s3], $0xF7A  }
0x26: {  	[smem:$0x3F98] =	sst s1;
	(tag) =	ssettag s2;
	_ =	strace s9  }
0x27: {  	s1 =	sld [smem:$0x3FA8]  }
0x28: {  	s2 =	sld [smem:$0x3FA9]  }
0x29: {  	s4 =	sld [smem:$0x3FAB]  }
0x2a: {  	p0 =	seq.s32 s5, $0x0;
	s5 =	sld [smem:$0x3FAC]  }
0x2b: {  	s6 =	sld [smem:$0x3FAD]  }
0x2c: {  	s7 =	sld [smem:$0x3FAE]  }
0x2d: {  	s3 =	simm.s32 $0x108;
	s8 =	sld [smem:$0x3FAF]  }
0x2e: {  	s3 =	simm.s32 @!p0 $0x1082;
	s9 =	sld [smem:$0x3FB0]  }
0x2f: {  	lr =	sadd.s32 s0, s3;
	s0 =	sld [smem:$0x3FA7]  }
0x30: {  	s3 =	sld [smem:$0x3FAA]  }
0x31: {  	[smem:$0x3FB3] =	sst s10  }
0x32: {  	s10 =	sld [smem:$0x3FB1];
	_ =	sdelay $0x3  }
0x33: {  	p0 =	seq.s32 s10, $0x1;
	s10 =	sld [smem:$0x3FB3];
	_ =	sdelay $0x3  }
0x34: {  	[smem:$0x3FB3] =	sst s10  }
0x35: {  	s10 =	sld [smem:$0x3FB2];
	_ =	sdelay $0x3  }
0x36: {  	p1 =	seq.s32 s10, $0x1;
	s10 =	sld [smem:$0x3FB3];
	_ =	sdelay $0x3  }
0x37: {  	[smem:$0x3FB3] =	sst s10  }
0x38: {  	s10 =	sld [smem:$0x3FB4]  }
0x39: {  	_ = 	snop;
	(pc) =	sbr.ind lr, $3  }
0x3a: {  	_ = 	snop  }
0x3b: {  	_ = 	snop  }
0x3c: {  	p2 =	seq.s32 s10, $0x1;
	s10 =	sld [smem:$0x3FB3]  }
0x3d: {  	_ =	shalt  }
0x3e: {  	_ =	shalt  }
0x3f: {  	_ =	shalt  }
0x40: {  	_ =	shalt  }
0x41: {  	_ =	shalt  }
0x42: {  	_ =	shalt  }
0x43: {  	_ =	shalt  }
0x44: {  	_ =	shalt  }
0x45: {  	_ =	shalt  }
0x46: {  	_ =	shalt  }
0x47: {  	_ =	shalt  }
0x48: {  	_ =	shalt  }
0x49: {  	_ =	shalt  }
0x4a: {  	_ =	shalt  }
0x4b: {  	_ =	shalt  }
0x4c: {  	_ =	shalt  }
0x4d: {  	_ =	shalt  }
0x4e: {  	_ =	shalt  }
0x4f: {  	_ =	shalt  }
0x50: {  	_ =	shalt  }
0x51: {  	_ =	shalt  }
0x52: {  	_ =	shalt  }
0x53: {  	_ =	shalt  }
0x54: {  	_ =	shalt  }
0x55: {  	_ =	shalt  }
0x56: {  	_ =	shalt  }
0x57: {  	_ =	shalt  }
0x58: {  	_ =	shalt  }
0x59: {  	_ =	shalt  }
0x5a: {  	_ =	shalt  }
0x5b: {  	_ =	shalt  }
0x5c: {  	_ =	shalt  }
0x5d: {  	_ =	shalt  }
0x5e: {  	_ =	shalt  }
0x5f: {  	_ =	shalt  }
0x60: {  	_ =	shalt  }
0x61: {  	_ =	shalt  }
0x62: {  	_ =	shalt  }
0x63: {  	_ =	shalt  }
0x64: {  	_ =	shalt  }
0x65: {  	_ =	shalt  }
0x66: {  	_ =	shalt  }
0x67: {  	_ =	shalt  }
0x68: {  	_ =	shalt  }
0x69: {  	_ =	shalt  }
0x6a: {  	_ =	shalt  }
0x6b: {  	_ =	shalt  }
0x6c: {  	_ =	shalt  }
0x6d: {  	_ =	shalt  }
0x6e: {  	_ =	shalt  }
0x6f: {  	_ =	shalt  }
0x70: {  	_ =	shalt  }
0x71: {  	_ =	shalt  }
0x72: {  	_ =	shalt  }
0x73: {  	_ =	shalt  }
0x74: {  	_ =	shalt  }
0x75: {  	_ =	shalt  }
0x76: {  	_ =	shalt  }
0x77: {  	_ =	shalt  }
0x78: {  	_ =	shalt  }
0x79: {  	_ =	shalt  }
0x7a: {  	_ =	shalt  }
0x7b: {  	_ =	shalt  }
0x7c: {  	_ =	shalt  }
0x7d: {  	_ =	shalt  }
0x7e: {  	_ =	shalt  }
0x7f: {  	_ =	shalt  }
0x80: {  	_ =	shalt  }
0x81: {  	_ =	shalt  }
0x82: {  	_ =	shalt  }
0x83: {  	_ =	shalt  }
0x84: {  	_ =	shalt  }
0x85: {  	_ =	shalt  }
0x86: {  	_ =	shalt  }
0x87: {  	_ =	shalt  }
.Lfunc_end0:
.L_simem_size_0:
called_computation.1_lowered:
.L_overlay_start_0:
0x88: {  	s2 =	sld [smem:$0x3FD9]  }
0x89: {  	s3 =	sld [smem:$0x3FFE];
	_ =	sdelay $0x1  }
0x8a: {  	s1 =	srdreg.scid  }
0x8b: {  	s0 =	sand.u32 $0x1, s1  }
0x8c: {  	s16 =	sshll.u32 s0, $0xA;
	s2 =	sadd.s32 s3, s2  }
0x8d: {  	s2 =	sadd.s32 s2, s16  }
0x8e: {  	[smem:$0x3FBF] =	sst s2  }
0x8f: {  	_ = 	snop  }
0x90: {  	(tm) =	ssettm $0x1  }
0x91: {  	s17 =	sld [smem:$0x3FFB];
	_ =	sdelay $0x3  }
0x92: {  	_ =	strace s17  }
0x93: {  	s2 =	sld [smem:$0x3FFC];
	_ =	sdelay $0x3  }
0x94: {  	_ =	strace s2  }
0x95: {  	s2 =	sld [smem:$0x3FFD];
	_ =	sdelay $0x3  }
0x96: {  	_ =	strace s2  }
0x97: {  	_ =	strace $0x8FFFFFFF  }
0x98: {  	s18 =	sld [smem:$0x3FDB];
	_ =	sdelay $0x1  }
0x99: {  	s19 =	simm.s32 $_scs_section_size  }
0x9a: {  	s4 =	simm.s32 $_size__tile_overlayer_lowered;
	s5 =	simm.s32 $_tile_overlayer_lowered  }
0x9b: {  	s22 =	simm.s32 $0x1BFF;
	s21 =	sshll.u32 s5, $0x1;
	s2 =	sadd.s32 s19, s18  }
0x9c: {  	s6 =	simm.s32 $0x0;
	s20 =	sshll.u32 s4, $0x1;
	s4 =	sadd.s32 s21, s2  }
0x9d: {  	[timem:s6], [sflag:s22] =	dma.local [hbm:s4], s20  }
0x9e: {  	_ =	swait.ge [sflag:s22], s20  }
0x9f: {  	s3 =	ssub.s32 $0x0, s20;
	[sflag:s22] =	ssyncset.done $0x0  }
0xa0: {  	[sflag:s22] =	ssyncadd.s32 s3;
	_ =	sdelay $0x1  }
0xa1: {  	s23 =	simm.s32 $0x1B8B  }
0xa2: {  	_ =	swait.ge [sflag:s23], $0x1  }
0xa3: {  	[sflag:s23] =	ssyncset.done $0x0  }
0xa4: {  	s25 =	simm.s32 $0x1B8E;
	s24 =	sld [smem:$0x3FFE];
	[sflag:s23] =	ssyncadd.s32 $0xFFFFFFFF  }
0xa5: {  	s26 =	simm.s32 $execute0_lowered;
	[smem:$0x3FD2] =	sst s25  }
0xa6: {  	s4 =	sshll.u32 s26, $0x1;
	_ =	strace $0x80000049;
	[dreg:$0x1] =	wrdreg $0xFFFFFFFF  }
0xa7: {  	s28 =	simm.s32 $_size_execute0_lowered;
	s2 =	sadd.s32 s2, s4;
	[dreg:$0x0] =	wrdreg $0x0  }
0xa8: {  	s4 =	sshll.u32 s28, $0x1;
	[dreg:$0x2] =	wrdreg s2  }
0xa9: {  	[dreg:$0x3] =	wrdreg s4  }
0xaa: {  	[dreg:$0x4] =	wrdreg $0xC0  }
0xab: {  	_ =	task [dreg:s6], $0x5FFFF  }
0xac: {  	[dreg:$0x1] =	wrdreg $0xFFFFFFFF  }
0xad: {  	[dreg:$0x0] =	wrdreg $0x60  }
0xae: {  	[dreg:$0x2] =	wrdreg s24  }
0xaf: {  	[dreg:$0x3] =	wrdreg $0x140000  }
0xb0: {  	[dreg:$0x4] =	wrdreg $0x9  }
0xb1: {  	_ =	task.clear_ibuf [dreg:s6], $0x5FFFF;
	_ =	strace $0x90000049  }
0xb2: {  	s29 =	simm.s32 $0x9;
	_ =	strace $0x8000004B  }
0xb3: {  	_ =	swait.ge [sflag:s29], $0x1  }
0xb4: {  	[sflag:s29] =	ssyncadd.s32 $0xFFFFFFFF  }
0xb5: {  	_ =	strace $0x9000004B  }
0xb6: {  	_ =	sfence  }
0xb7: {  	s30 =	sld [smem:$0x0];
	_ =	sdelay $0x2  }
0xb8: {  	s31 =	sshll.u32 s1, $0xD;
	s1 =	sshrl.u32 s1, $0x2  }
0xb9: {  	s3 =	sand.u32 $0x4000, s31;
	s1 =	sadd.s32 s1, s30  }
0xba: {  	s0 =	sor.u32 s3, s0;
	s1 =	sshll.u32 s1, $0x11  }
0xbb: {  	s0 =	sor.u32 s1, s0  }
0xbc: {  	s0 =	sadd.s32 $0x8F2B, s0  }
0xbd: {  	[sflag:s0] =	ssyncadd.remote.s32 $0x1  }
0xbe: {  	_ =	sfence.sel $0xFFFF  }
0xbf: {  	[dreg:$0x0] =	wrdreg $0xFFFFFFFF;
	(pc) =	sbr.abs _section_cstart, $3  }
0xc0: {  	[dreg:$0x1] =	wrdreg $0xFFFFFFFF  }
0xc1: {  	_ =	task.clear_ibuf [dreg:s6], $0x2FFFF;
	_ =	strace $0x9FFFFFFF  }
0xc2: {  	(tm) =	ssettm $0x7FFFFFFF  }
0xc3: {  	_ =	shalt  }
tec
execute0_lowered:
.L_overlay_start_1:
0x0: {  	(tag) =	ssettag $0x1  }
0x1: {  	s0 =	rddreg [dreg:$0x0]  }
0x2: {  	s2 =	rddreg [dreg:$0x1];
	s1 =	simm.s32 $0x0  }
0x3: {  	s5 =	stileid.u32;
	s3 =	srdreg.scid;
	s28 =	simm.s32 $0x80  }
0x4: {  	s29 =	simm.s32 $0xA000;
	s30 =	simm.s32 $0xC000;
	s31 =	simm.s32 $0x10000  }
0x5: {  	[smem:$0x7FF] =	sst s1;
	s15 =	smul.u32 $0xA00, s5;
	s4 =	sadd.s32 $0x2AA00, s0  }
0x6: {  	s3 =	sand.u32 $0x1, s3;
	s6 =	smul.u32 $0xA000, s5;
	s5 =	sadd.s32 $0x16A00, s0  }
0x7: {  	_ =	strace $0x8000004A;
	s7 =	ssub.s32 $0x2, s3;
	s13 =	smul.u32 $0xA0000, s3  }
0x8: {  	p0 =	sne.s32 s3, $0x0;
	s3 =	simm.s32 $0x3;
	s1 =	sadd.s32 s15, s0  }
0x9: {  	s0 =	sadd.s32 $0x3EA00, s0;
	s8 =	sshrl.u32 s7, $0x1;
	s11 =	sadd.s32 $0x2000, s6  }
0xa: {  	s16 =	sadd.s32 s6, s2;
	s18 =	sadd.s32 $0x4000, s6;
	s12 =	sadd.s32 $0x6000, s6  }
0xb: {  	s14 =	sadd.s32 $0x8000, s6;
	s7 =	ssub.s32 s7, s8;
	[dreg:$0x3] =	wrdreg s16  }
0xc: {  	s17 =	sadd.s32 s11, s2;
	s9 =	sadd.s32 s18, s2;
	s10 =	sadd.s32 s14, s2  }
0xd: {  	s6 =	sadd.s32 s6, s13;
	s11 =	sadd.s32 s13, s11;
	s15 =	sadd.s32 $0xC400, s1  }
0xe: {  	s1 =	sadd.s32 $0x2400, s1;
	s20 =	sadd.s32 s13, s18;
	[dreg:$0x4] =	wrdreg s17  }
0xf: {  	s21 =	sadd.s32 s13, s12;
	s22 =	sadd.s32 s13, s14;
	[dreg:$0x5] =	wrdreg s9  }
0x10: {  	s18 =	simm.s32 $0x6;
	s9 =	sadd.s32 s12, s2;
	[dreg:$0x6] =	wrdreg s15  }
0x11: {  	s6 =	sshrl.u32 s6, $0x3;
	s11 =	sshrl.u32 s11, $0x3;
	[dreg:$0x7] =	wrdreg s1  }
0x12: {  	s1 =	sshrl.u32 s20, $0x3;
	s8 =	sshrl.u32 s22, $0x3;
	s26 =	smax.u32 s7, $0x1  }
0x13: {  	s12 =	simm.s32 $0x5;
	s19 =	sadd.s32 s0, s6;
	[dreg:$0x12] =	wrdreg s26  }
0x14: {  	s20 =	simm.s32 $0x8;
	s11 =	sadd.s32 s0, s11;
	[dreg:$0x8] =	wrdreg s19  }
0x15: {  	s6 =	sshrl.u32 s21, $0x3;
	s1 =	sadd.s32 s0, s1;
	[dreg:$0x9] =	wrdreg s11  }
0x16: {  	s26 =	simm.s32 $0x1;
	s23 =	sadd.s32 $0x28000, s19;
	[dreg:$0xa] =	wrdreg s1  }
0x17: {  	s21 =	simm.s32 $0x0;
	s24 =	sadd.s32 $0x28000, s11;
	[dreg:$0xd] =	wrdreg s23  }
0x18: {  	s6 =	sadd.s32 s0, s6;
	s1 =	sadd.s32 $0x28000, s1;
	[dreg:$0xe] =	wrdreg s24  }
.Ltmp0:
0x19: {  	s0 =	sadd.s32 s0, s8;
	[dreg:$0xf] =	wrdreg s1;
	(pc) =	sbr.rel .LBB2_1-.Ltmp0, $4  }
0x1a: {  	s11 =	simm.s32 $0x4;
	s19 =	simm.s32 $0x7;
	[dreg:$0xb] =	wrdreg s6  }
0x1b: {  	s25 =	sadd.s32 $0x28000, s6;
	[dreg:$0xc] =	wrdreg s0;
	s0 =	sadd.s32 $0x28000, s0  }
0x1c: {  	s24 =	simm.s32 $0x12000;
	s1 =	simm.s32 $0x2;
	[dreg:$0x10] =	wrdreg s25  }
0x1d: {  	v0 =	vimm.f32 $0.0e+00;
	[dreg:$0x11] =	wrdreg s0;
	s25 =	simm.s32 $0x9;
	s0 =	simm.s32 $0xE000  }
.LBB2_15:
0x1e: {  	[tilespmem:s31], [sflag:$0x4] =	stream.indirect.gather [hbm4b:s5+s28], $0x40, s6, s28, $0xb8;
	[tilespmem:$0x1E000] =	vst v63  }
0x1f: {  	s6 =	simm.s32 $0x7780  }
0x20: {  	s17 =	simm.s32 $0x7700;
	s7 =	simm.s32 $0x7680;
	s8 =	simm.s32 $0x7600  }
.LBB2_19:
0x21: {  	_ =	swait.ge [sflag:s26], $0x2000  }
0x22: {  	[sflag:s26] =	ssyncset.done $0x0  }
0x23: {  	[sflag:s26] =	ssyncadd.s32 $0xFFFFE000  }
0x24: {  	[spmem:s2] =	stream.indirect.scatter.add.f32 [tilespmem:s29], [sflag:$0x5], $0x40, s8, s28, $0xb8;
	[tilespmem:$0x1E000] =	vst v63  }
0x25: {  	_ =	swait.ge [sflag:s1], $0x2000  }
0x26: {  	[sflag:s1] =	ssyncset.done $0x0  }
0x27: {  	[sflag:s1] =	ssyncadd.s32 $0xFFFFE000  }
0x28: {  	[spmem:s2] =	stream.indirect.scatter.add.f32 [tilespmem:s30], [sflag:$0x6], $0x40, s7, s28, $0xb8;
	[tilespmem:$0x1E000] =	vst v63  }
0x29: {  	_ =	swait.ge [sflag:s3], $0x2000  }
0x2a: {  	[sflag:s3] =	ssyncset.done $0x0  }
0x2b: {  	[sflag:s3] =	ssyncadd.s32 $0xFFFFE000  }
0x2c: {  	[spmem:s2] =	stream.indirect.scatter.add.f32 [tilespmem:s0], [sflag:$0x7], $0x40, s17, s28, $0xb8;
	[tilespmem:$0x1E000] =	vst v63  }
0x2d: {  	_ =	swait.ge [sflag:s11], $0x2000  }
0x2e: {  	[sflag:s11] =	ssyncset.done $0x0  }
0x2f: {  	[sflag:s11] =	ssyncadd.s32 $0xFFFFE000  }
0x30: {  	[spmem:s2] =	stream.indirect.scatter.add.f32 [tilespmem:s31], [sflag:$0x8], $0x40, s6, s28, $0xb8;
	[tilespmem:$0x1E000] =	vst v63  }
0x31: {  	_ =	swait.ge [sflag:s12], $0x2000  }
0x32: {  	[sflag:s12] =	ssyncset.done $0x0  }
0x33: {  	[sflag:s12] =	ssyncadd.s32 $0xFFFFE000  }
0x34: {  	_ =	swait.ge [sflag:s18], $0x2000  }
0x35: {  	[sflag:s18] =	ssyncset.done $0x0  }
0x36: {  	[sflag:s18] =	ssyncadd.s32 $0xFFFFE000  }
0x37: {  	_ =	swait.ge [sflag:s19], $0x2000  }
0x38: {  	[sflag:s19] =	ssyncset.done $0x0  }
0x39: {  	[sflag:s19] =	ssyncadd.s32 $0xFFFFE000  }
0x3a: {  	_ =	swait.ge [sflag:s20], $0x2000  }
0x3b: {  	[sflag:s20] =	ssyncset.done $0x0  }
0x3c: {  	[sflag:s20] =	ssyncadd.s32 $0xFFFFE000  }
0x3d: {  	[bflag:$0x0] =	sbarrier.arrive $0xFFFF  }
0x3e: {  	s7 =	rddreg [dreg:$0xd]  }
0x3f: {  	[hbm:s7], [sflag:s22] =	dma.local [spmem:s23], $0x400  }
0x40: {  	_ =	swait.ge [sflag:s25], $0x400  }
0x41: {  	[sflag:s25] =	ssyncset.done $0x0  }
0x42: {  	s8 =	rddreg [dreg:$0xe];
	[sflag:s25] =	ssyncadd.s32 $0xFFFFFC00  }
0x43: {  	[hbm:s8], [sflag:s22] =	dma.local [spmem:s13], $0x400  }
0x44: {  	_ =	swait.ge [sflag:s25], $0x400  }
0x45: {  	[sflag:s25] =	ssyncset.done $0x0  }
0x46: {  	s13 =	rddreg [dreg:$0xf];
	[sflag:s25] =	ssyncadd.s32 $0xFFFFFC00  }
0x47: {  	[hbm:s13], [sflag:s22] =	dma.local [spmem:s14], $0x400  }
0x48: {  	_ =	swait.ge [sflag:s25], $0x400  }
0x49: {  	[sflag:s25] =	ssyncset.done $0x0  }
0x4a: {  	s14 =	rddreg [dreg:$0x10];
	[sflag:s25] =	ssyncadd.s32 $0xFFFFFC00  }
0x4b: {  	[hbm:s14], [sflag:s22] =	dma.local [spmem:s15], $0x400  }
0x4c: {  	_ =	swait.ge [sflag:s25], $0x400  }
0x4d: {  	[sflag:s25] =	ssyncset.done $0x0  }
0x4e: {  	s17 =	rddreg [dreg:$0x11];
	[sflag:s25] =	ssyncadd.s32 $0xFFFFFC00  }
0x4f: {  	[hbm:s17], [sflag:s22] =	dma.local [spmem:s16], $0x400  }
0x50: {  	_ =	swait.ge [sflag:s25], $0x400  }
0x51: {  	s21 =	sadd.s32 $0x1, s21;
	s23 =	rddreg [dreg:$0x12]  }
0x52: {  	p1 =	sne.s32 s21, s23  }
.Ltmp1:
0x53: {  	_ = 	snop;
	(pc) =	sbr.rel @!p1 .LBB2_20-.Ltmp1, $3  }
0x54: {  	_ =	sdelay $0x1  }
0x55: {  	[sflag:s25] =	ssyncset.done $0x0  }
0x56: {  	[sflag:s25] =	ssyncadd.s32 $0xFFFFFC00  }
.LBB2_1:
0x57: {  	s13 =	simm.s32 $0x100;
	s6 =	simm.s32 $0x0  }
.LBB2_2:
0x58: {  	p1 =	sne.s32 s13, $0x7F00;
	[tilespmem:s6+$0x12030] =	vst v0;
	s7 =	smov.u32 s13;
	s13 =	sadd.s32 $0x100, s13  }
.Ltmp2:
0x59: {  	[tilespmem:s6+$0x12020] =	vst v0;
	(pc) =	sbr.rel @p1 .LBB2_2-.Ltmp2, $3  }
0x5a: {  	[tilespmem:s6+$0x12000] =	vst v0  }
0x5b: {  	[tilespmem:s6+$0x12010] =	vst v0;
	_ =	sdelay $0x1  }
0x5c: {  	s6 =	sshra.s32 s7, $0x2  }
0x5d: {  	[tilespmem:s6+$0x12030] =	vst v0  }
0x5e: {  	[tilespmem:s6+$0x12020] =	vst v0  }
0x5f: {  	[tilespmem:s6+$0x12000] =	vst v0  }
0x60: {  	[tilespmem:s6+$0x12010] =	vst v0;
	s8 =	rddreg [dreg:$0x3]  }
0x61: {  	[spmem:s8] =	stream.linear.scatter [tilespmem:s24], [sflag:$0x9], $0x2000, $0x38;
	[tilespmem:$0x1E000] =	vst v63  }
0x62: {  	_ =	swait.ge [sflag:s25], $0x2000  }
0x63: {  	[sflag:s25] =	ssyncset.done $0x0  }
0x64: {  	s16 =	rddreg [dreg:$0x4];
	[sflag:s25] =	ssyncadd.s32 $0xFFFFE000  }
0x65: {  	[spmem:s16] =	stream.linear.scatter [tilespmem:s24], [sflag:$0x9], $0x2000, $0x38;
	[tilespmem:$0x1E000] =	vst v63  }
0x66: {  	_ =	swait.ge [sflag:s25], $0x2000  }
0x67: {  	[sflag:s25] =	ssyncset.done $0x0  }
0x68: {  	s17 =	rddreg [dreg:$0x5];
	[sflag:s25] =	ssyncadd.s32 $0xFFFFE000  }
0x69: {  	[spmem:s17] =	stream.linear.scatter [tilespmem:s24], [sflag:$0x9], $0x2000, $0x38;
	[tilespmem:$0x1E000] =	vst v63  }
0x6a: {  	_ =	swait.ge [sflag:s25], $0x2000  }
0x6b: {  	[sflag:s25] =	ssyncset.done $0x0  }
0x6c: {  	[sflag:s25] =	ssyncadd.s32 $0xFFFFE000  }
0x6d: {  	[spmem:s9] =	stream.linear.scatter [tilespmem:s24], [sflag:$0x9], $0x2000, $0x38;
	[tilespmem:$0x1E000] =	vst v63  }
0x6e: {  	_ =	swait.ge [sflag:s25], $0x2000  }
0x6f: {  	[sflag:s25] =	ssyncset.done $0x0  }
0x70: {  	[sflag:s25] =	ssyncadd.s32 $0xFFFFE000  }
0x71: {  	[spmem:s10] =	stream.linear.scatter [tilespmem:s24], [sflag:$0x9], $0x2000, $0x38;
	[tilespmem:$0x1E000] =	vst v63  }
0x72: {  	_ =	swait.ge [sflag:s25], $0x2000  }
0x73: {  	[sflag:s25] =	ssyncset.done $0x0  }
0x74: {  	s22 =	simm.s32 $0x0;
	s7 =	rddreg [dreg:$0x6];
	[sflag:s25] =	ssyncadd.s32 $0xFFFFE000  }
0x75: {  	[tilespmem:s22], [sflag:$0x9] =	stream.linear.gather [hbm4b:s7+s22], $0x5000, $0x38;
	[tilespmem:$0x1E000] =	vst v63  }
0x76: {  	_ =	swait.ge [sflag:s25], $0x5000  }
0x77: {  	[sflag:s25] =	ssyncset.done $0x0  }
0x78: {  	s13 =	simm.s32 $0x5000;
	s23 =	rddreg [dreg:$0x7];
	[sflag:s25] =	ssyncadd.s32 $0xFFFFB000  }
0x79: {  	[tilespmem:s13], [sflag:$0x9] =	stream.linear.gather [hbm4b:s23+s22], $0x5000, $0x38;
	[tilespmem:$0x1E000] =	vst v63  }
.Ltmp3:
0x7a: {  	_ =	swait.ge [sflag:s25], $0x5000;
	(pc) =	sbr.rel @p0 .LBB2_7-.Ltmp3, $3  }
0x7b: {  	[sflag:s25] =	ssyncset.done $0x0  }
0x7c: {  	[sflag:s25] =	ssyncadd.s32 $0xFFFFB000  }
0x7d: {  	[bflag:$0x0] =	sbarrier.arrive $0xFFFF;
	_ =	sdelay $0x1  }
0x7e: {  	s6 =	simm.s32 $0x0  }
0x7f: {  	[tilespmem:s29], [sflag:$0x1] =	stream.indirect.gather [hbm4b:s4+s28], $0x40, s6, s28, $0xb8;
	[tilespmem:$0x1E000] =	vst v63  }
0x80: {  	_ = 	snop  }
0x81: {  	[tilespmem:s30], [sflag:$0x2] =	stream.indirect.gather [hbm4b:s4+s28], $0x40, s28, s28, $0xb8;
	[tilespmem:$0x1E000] =	vst v63  }
0x82: {  	s23 =	simm.s32 $0x100  }
0x83: {  	[tilespmem:s0], [sflag:$0x3] =	stream.indirect.gather [hbm4b:s4+s28], $0x40, s23, s28, $0xb8;
	[tilespmem:$0x1E000] =	vst v63  }
0x84: {  	s7 =	simm.s32 $0x180  }
0x85: {  	[tilespmem:s31], [sflag:$0x4] =	stream.indirect.gather [hbm4b:s4+s28], $0x40, s7, s28, $0xb8;
	[tilespmem:$0x1E000] =	vst v63  }
0x86: {  	_ =	swait.ge [sflag:s26], $0x2000  }
0x87: {  	[sflag:s26] =	ssyncset.done $0x0  }
0x88: {  	s13 =	simm.s32 $0x5000;
	[sflag:s26] =	ssyncadd.s32 $0xFFFFE000  }
0x89: {  	[spmem:s2] =	stream.indirect.scatter.add.f32 [tilespmem:s29], [sflag:$0x5], $0x40, s13, s28, $0xb8;
	[tilespmem:$0x1E000] =	vst v63  }
0x8a: {  	_ =	swait.ge [sflag:s1], $0x2000  }
0x8b: {  	[sflag:s1] =	ssyncset.done $0x0  }
0x8c: {  	s14 =	simm.s32 $0x5080;
	[sflag:s1] =	ssyncadd.s32 $0xFFFFE000  }
0x8d: {  	[spmem:s2] =	stream.indirect.scatter.add.f32 [tilespmem:s30], [sflag:$0x6], $0x40, s14, s28, $0xb8;
	[tilespmem:$0x1E000] =	vst v63  }
0x8e: {  	_ =	swait.ge [sflag:s3], $0x2000  }
0x8f: {  	[sflag:s3] =	ssyncset.done $0x0  }
0x90: {  	s15 =	simm.s32 $0x5100;
	[sflag:s3] =	ssyncadd.s32 $0xFFFFE000  }
0x91: {  	[spmem:s2] =	stream.indirect.scatter.add.f32 [tilespmem:s0], [sflag:$0x7], $0x40, s15, s28, $0xb8;
	[tilespmem:$0x1E000] =	vst v63  }
0x92: {  	_ =	swait.ge [sflag:s11], $0x2000  }
0x93: {  	[sflag:s11] =	ssyncset.done $0x0  }
0x94: {  	s16 =	simm.s32 $0x5180;
	[sflag:s11] =	ssyncadd.s32 $0xFFFFE000  }
0x95: {  	[spmem:s2] =	stream.indirect.scatter.add.f32 [tilespmem:s31], [sflag:$0x8], $0x40, s16, s28, $0xb8;
	[tilespmem:$0x1E000] =	vst v63  }
0x96: {  	_ =	swait.ge [sflag:s12], $0x2000  }
0x97: {  	[sflag:s12] =	ssyncset.done $0x0  }
0x98: {  	s17 =	simm.s32 $0x200;
	[sflag:s12] =	ssyncadd.s32 $0xFFFFE000  }
0x99: {  	[tilespmem:s29], [sflag:$0x1] =	stream.indirect.gather [hbm4b:s4+s28], $0x40, s17, s28, $0xb8;
	[tilespmem:$0x1E000] =	vst v63  }
0x9a: {  	_ =	swait.ge [sflag:s18], $0x2000  }
0x9b: {  	[sflag:s18] =	ssyncset.done $0x0  }
0x9c: {  	s22 =	simm.s32 $0x280;
	[sflag:s18] =	ssyncadd.s32 $0xFFFFE000  }
0x9d: {  	[tilespmem:s30], [sflag:$0x2] =	stream.indirect.gather [hbm4b:s4+s28], $0x40, s22, s28, $0xb8;
	[tilespmem:$0x1E000] =	vst v63  }
0x9e: {  	_ =	swait.ge [sflag:s19], $0x2000  }
0x9f: {  	p1 =	por $0x0, $0x0;
	[sflag:s19] =	ssyncset.done $0x0  }
.Ltmp4:
0xa0: {  	s23 =	simm.s32 $0x300;
	[sflag:s19] =	ssyncadd.s32 $0xFFFFE000;
	(pc) =	sbr.rel @p1 .LBB2_6-.Ltmp4, $4  }
0xa1: {  	[tilespmem:s0], [sflag:$0x3] =	stream.indirect.gather [hbm4b:s4+s28], $0x40, s23, s28, $0xb8;
	[tilespmem:$0x1E000] =	vst v63  }
0xa2: {  	_ =	swait.ge [sflag:s20], $0x2000  }
0xa3: {  	[sflag:s20] =	ssyncset.done $0x0  }
0xa4: {  	s6 =	simm.s32 $0x380;
	s13 =	simm.s32 $0x800;
	[sflag:s20] =	ssyncadd.s32 $0xFFFFE000  }
.LBB2_5:
0xa5: {  	[tilespmem:s31], [sflag:$0x4] =	stream.indirect.gather [hbm4b:s4+s28], $0x40, s6, s28, $0xb8;
	[tilespmem:$0x1E000] =	vst v63  }
0xa6: {  	s6 =	smov.u32 s13  }
0xa7: {  	p1 =	seq.s32 s13, $0x9000;
	s13 =	sadd.s32 $0x800, s13;
	_ =	swait.ge [sflag:s26], $0x2000  }
0xa8: {  	s14 =	sshra.s32 s6, $0x2;
	[sflag:s26] =	ssyncset.done $0x0  }
0xa9: {  	s6 =	sadd.s32 $0x5000, s14;
	[sflag:s26] =	ssyncadd.s32 $0xFFFFE000  }
0xaa: {  	[spmem:s2] =	stream.indirect.scatter.add.f32 [tilespmem:s29], [sflag:$0x5], $0x40, s6, s28, $0xb8;
	[tilespmem:$0x1E000] =	vst v63  }
0xab: {  	_ =	swait.ge [sflag:s1], $0x2000  }
0xac: {  	[sflag:s1] =	ssyncset.done $0x0  }
0xad: {  	s6 =	sadd.s32 $0x5080, s14;
	[sflag:s1] =	ssyncadd.s32 $0xFFFFE000  }
0xae: {  	[spmem:s2] =	stream.indirect.scatter.add.f32 [tilespmem:s30], [sflag:$0x6], $0x40, s6, s28, $0xb8;
	[tilespmem:$0x1E000] =	vst v63  }
0xaf: {  	_ =	swait.ge [sflag:s3], $0x2000  }
0xb0: {  	[sflag:s3] =	ssyncset.done $0x0  }
0xb1: {  	s6 =	sadd.s32 $0x5100, s14;
	[sflag:s3] =	ssyncadd.s32 $0xFFFFE000  }
0xb2: {  	[spmem:s2] =	stream.indirect.scatter.add.f32 [tilespmem:s0], [sflag:$0x7], $0x40, s6, s28, $0xb8;
	[tilespmem:$0x1E000] =	vst v63  }
0xb3: {  	_ =	swait.ge [sflag:s11], $0x2000  }
0xb4: {  	[sflag:s11] =	ssyncset.done $0x0  }
0xb5: {  	s6 =	sadd.s32 $0x5180, s14;
	[sflag:s11] =	ssyncadd.s32 $0xFFFFE000  }
0xb6: {  	[spmem:s2] =	stream.indirect.scatter.add.f32 [tilespmem:s31], [sflag:$0x8], $0x40, s6, s28, $0xb8;
	[tilespmem:$0x1E000] =	vst v63  }
0xb7: {  	_ =	swait.ge [sflag:s12], $0x2000  }
0xb8: {  	[sflag:s12] =	ssyncset.done $0x0  }
0xb9: {  	s6 =	sadd.s32 $0x200, s14;
	[sflag:s12] =	ssyncadd.s32 $0xFFFFE000  }
0xba: {  	[tilespmem:s29], [sflag:$0x1] =	stream.indirect.gather [hbm4b:s4+s28], $0x40, s6, s28, $0xb8;
	[tilespmem:$0x1E000] =	vst v63  }
0xbb: {  	_ =	swait.ge [sflag:s18], $0x2000  }
0xbc: {  	[sflag:s18] =	ssyncset.done $0x0  }
0xbd: {  	s6 =	sadd.s32 $0x280, s14;
	[sflag:s18] =	ssyncadd.s32 $0xFFFFE000  }
0xbe: {  	[tilespmem:s30], [sflag:$0x2] =	stream.indirect.gather [hbm4b:s4+s28], $0x40, s6, s28, $0xb8;
	[tilespmem:$0x1E000] =	vst v63  }
0xbf: {  	_ =	swait.ge [sflag:s19], $0x2000  }
0xc0: {  	[sflag:s19] =	ssyncset.done $0x0  }
.Ltmp5:
0xc1: {  	s6 =	sadd.s32 $0x300, s14;
	[sflag:s19] =	ssyncadd.s32 $0xFFFFE000;
	(pc) =	sbr.rel @!p1 .LBB2_5-.Ltmp5, $4  }
0xc2: {  	[tilespmem:s0], [sflag:$0x3] =	stream.indirect.gather [hbm4b:s4+s28], $0x40, s6, s28, $0xb8;
	[tilespmem:$0x1E000] =	vst v63  }
0xc3: {  	_ =	swait.ge [sflag:s20], $0x2000  }
0xc4: {  	[sflag:s20] =	ssyncset.done $0x0  }
0xc5: {  	s6 =	sadd.s32 $0x380, s14;
	[sflag:s20] =	ssyncadd.s32 $0xFFFFE000  }
.LBB2_6:
.Ltmp6:
0xc6: {  	(pc) =	sbr.rel .LBB2_10-.Ltmp6, $4  }
0xc7: {  	_ = 	snop  }
0xc8: {  	[tilespmem:s31], [sflag:$0x4] =	stream.indirect.gather [hbm4b:s4+s28], $0x40, s6, s28, $0xb8;
	[tilespmem:$0x1E000] =	vst v63  }
0xc9: {  	s6 =	simm.s32 $0x7780  }
0xca: {  	s13 =	simm.s32 $0x7700;
	s14 =	simm.s32 $0x7680;
	s7 =	simm.s32 $0x7600  }
.LBB2_7:
0xcb: {  	s6 =	simm.s32 $0x2800  }
0xcc: {  	[tilespmem:s29], [sflag:$0x1] =	stream.indirect.gather [hbm4b:s4+s28], $0x40, s6, s28, $0xb8;
	[tilespmem:$0x1E000] =	vst v63  }
0xcd: {  	s22 =	simm.s32 $0x2880  }
0xce: {  	[tilespmem:s30], [sflag:$0x2] =	stream.indirect.gather [hbm4b:s4+s28], $0x40, s22, s28, $0xb8;
	[tilespmem:$0x1E000] =	vst v63  }
0xcf: {  	s23 =	simm.s32 $0x2900  }
0xd0: {  	[tilespmem:s0], [sflag:$0x3] =	stream.indirect.gather [hbm4b:s4+s28], $0x40, s23, s28, $0xb8;
	[tilespmem:$0x1E000] =	vst v63  }
0xd1: {  	s7 =	simm.s32 $0x2980  }
0xd2: {  	[tilespmem:s31], [sflag:$0x4] =	stream.indirect.gather [hbm4b:s4+s28], $0x40, s7, s28, $0xb8;
	[tilespmem:$0x1E000] =	vst v63  }
0xd3: {  	_ =	swait.ge [sflag:s26], $0x2000  }
0xd4: {  	[sflag:s26] =	ssyncset.done $0x0  }
0xd5: {  	s13 =	simm.s32 $0x7800;
	[sflag:s26] =	ssyncadd.s32 $0xFFFFE000  }
0xd6: {  	[spmem:s2] =	stream.indirect.scatter.add.f32 [tilespmem:s29], [sflag:$0x5], $0x40, s13, s28, $0xb8;
	[tilespmem:$0x1E000] =	vst v63  }
0xd7: {  	_ =	swait.ge [sflag:s1], $0x2000  }
0xd8: {  	[sflag:s1] =	ssyncset.done $0x0  }
0xd9: {  	s14 =	simm.s32 $0x7880;
	[sflag:s1] =	ssyncadd.s32 $0xFFFFE000  }
0xda: {  	[spmem:s2] =	stream.indirect.scatter.add.f32 [tilespmem:s30], [sflag:$0x6], $0x40, s14, s28, $0xb8;
	[tilespmem:$0x1E000] =	vst v63  }
0xdb: {  	_ =	swait.ge [sflag:s3], $0x2000  }
0xdc: {  	[sflag:s3] =	ssyncset.done $0x0  }
0xdd: {  	s15 =	simm.s32 $0x7900;
	[sflag:s3] =	ssyncadd.s32 $0xFFFFE000  }
0xde: {  	[spmem:s2] =	stream.indirect.scatter.add.f32 [tilespmem:s0], [sflag:$0x7], $0x40, s15, s28, $0xb8;
	[tilespmem:$0x1E000] =	vst v63  }
0xdf: {  	_ =	swait.ge [sflag:s11], $0x2000  }
0xe0: {  	[sflag:s11] =	ssyncset.done $0x0  }
0xe1: {  	s16 =	simm.s32 $0x7980;
	[sflag:s11] =	ssyncadd.s32 $0xFFFFE000  }
0xe2: {  	[spmem:s2] =	stream.indirect.scatter.add.f32 [tilespmem:s31], [sflag:$0x8], $0x40, s16, s28, $0xb8;
	[tilespmem:$0x1E000] =	vst v63  }
0xe3: {  	_ =	swait.ge [sflag:s12], $0x2000  }
0xe4: {  	[sflag:s12] =	ssyncset.done $0x0  }
0xe5: {  	s17 =	simm.s32 $0x2A00;
	[sflag:s12] =	ssyncadd.s32 $0xFFFFE000  }
0xe6: {  	[tilespmem:s29], [sflag:$0x1] =	stream.indirect.gather [hbm4b:s4+s28], $0x40, s17, s28, $0xb8;
	[tilespmem:$0x1E000] =	vst v63  }
0xe7: {  	_ =	swait.ge [sflag:s18], $0x2000  }
0xe8: {  	[sflag:s18] =	ssyncset.done $0x0  }
0xe9: {  	s22 =	simm.s32 $0x2A80;
	[sflag:s18] =	ssyncadd.s32 $0xFFFFE000  }
0xea: {  	[tilespmem:s30], [sflag:$0x2] =	stream.indirect.gather [hbm4b:s4+s28], $0x40, s22, s28, $0xb8;
	[tilespmem:$0x1E000] =	vst v63  }
0xeb: {  	_ =	swait.ge [sflag:s19], $0x2000  }
0xec: {  	[sflag:s19] =	ssyncset.done $0x0  }
0xed: {  	s23 =	simm.s32 $0x2B00;
	[sflag:s19] =	ssyncadd.s32 $0xFFFFE000  }
0xee: {  	[tilespmem:s0], [sflag:$0x3] =	stream.indirect.gather [hbm4b:s4+s28], $0x40, s23, s28, $0xb8;
	[tilespmem:$0x1E000] =	vst v63  }
0xef: {  	_ =	swait.ge [sflag:s20], $0x2000  }
0xf0: {  	[sflag:s20] =	ssyncset.done $0x0  }
0xf1: {  	s6 =	simm.s32 $0x2B80;
	s13 =	simm.s32 $0x800;
	[sflag:s20] =	ssyncadd.s32 $0xFFFFE000  }
.LBB2_8:
0xf2: {  	[tilespmem:s31], [sflag:$0x4] =	stream.indirect.gather [hbm4b:s4+s28], $0x40, s6, s28, $0xb8;
	[tilespmem:$0x1E000] =	vst v63  }
0xf3: {  	s6 =	smov.u32 s13  }
0xf4: {  	p1 =	sne.s32 s13, $0x9000;
	s13 =	sadd.s32 $0x800, s13;
	_ =	swait.ge [sflag:s26], $0x2000  }
0xf5: {  	s14 =	sshra.s32 s6, $0x2;
	[sflag:s26] =	ssyncset.done $0x0  }
0xf6: {  	s6 =	sadd.s32 $0x7800, s14;
	[sflag:s26] =	ssyncadd.s32 $0xFFFFE000  }
0xf7: {  	[spmem:s2] =	stream.indirect.scatter.add.f32 [tilespmem:s29], [sflag:$0x5], $0x40, s6, s28, $0xb8;
	[tilespmem:$0x1E000] =	vst v63  }
0xf8: {  	_ =	swait.ge [sflag:s1], $0x2000  }
0xf9: {  	[sflag:s1] =	ssyncset.done $0x0  }
0xfa: {  	s6 =	sadd.s32 $0x7880, s14;
	[sflag:s1] =	ssyncadd.s32 $0xFFFFE000  }
0xfb: {  	[spmem:s2] =	stream.indirect.scatter.add.f32 [tilespmem:s30], [sflag:$0x6], $0x40, s6, s28, $0xb8;
	[tilespmem:$0x1E000] =	vst v63  }
0xfc: {  	_ =	swait.ge [sflag:s3], $0x2000  }
0xfd: {  	[sflag:s3] =	ssyncset.done $0x0  }
0xfe: {  	s6 =	sadd.s32 $0x7900, s14;
	[sflag:s3] =	ssyncadd.s32 $0xFFFFE000  }
0xff: {  	[spmem:s2] =	stream.indirect.scatter.add.f32 [tilespmem:s0], [sflag:$0x7], $0x40, s6, s28, $0xb8;
	[tilespmem:$0x1E000] =	vst v63  }
0x100: {  	_ =	swait.ge [sflag:s11], $0x2000  }
0x101: {  	[sflag:s11] =	ssyncset.done $0x0  }
0x102: {  	s6 =	sadd.s32 $0x7980, s14;
	[sflag:s11] =	ssyncadd.s32 $0xFFFFE000  }
0x103: {  	[spmem:s2] =	stream.indirect.scatter.add.f32 [tilespmem:s31], [sflag:$0x8], $0x40, s6, s28, $0xb8;
	[tilespmem:$0x1E000] =	vst v63  }
0x104: {  	_ =	swait.ge [sflag:s12], $0x2000  }
0x105: {  	[sflag:s12] =	ssyncset.done $0x0  }
0x106: {  	s6 =	sadd.s32 $0x2A00, s14;
	[sflag:s12] =	ssyncadd.s32 $0xFFFFE000  }
0x107: {  	[tilespmem:s29], [sflag:$0x1] =	stream.indirect.gather [hbm4b:s4+s28], $0x40, s6, s28, $0xb8;
	[tilespmem:$0x1E000] =	vst v63  }
0x108: {  	_ =	swait.ge [sflag:s18], $0x2000  }
0x109: {  	[sflag:s18] =	ssyncset.done $0x0  }
0x10a: {  	s6 =	sadd.s32 $0x2A80, s14;
	[sflag:s18] =	ssyncadd.s32 $0xFFFFE000  }
0x10b: {  	[tilespmem:s30], [sflag:$0x2] =	stream.indirect.gather [hbm4b:s4+s28], $0x40, s6, s28, $0xb8;
	[tilespmem:$0x1E000] =	vst v63  }
0x10c: {  	_ =	swait.ge [sflag:s19], $0x2000  }
0x10d: {  	[sflag:s19] =	ssyncset.done $0x0  }
.Ltmp7:
0x10e: {  	s6 =	sadd.s32 $0x2B00, s14;
	[sflag:s19] =	ssyncadd.s32 $0xFFFFE000;
	(pc) =	sbr.rel @p1 .LBB2_8-.Ltmp7, $4  }
0x10f: {  	[tilespmem:s0], [sflag:$0x3] =	stream.indirect.gather [hbm4b:s4+s28], $0x40, s6, s28, $0xb8;
	[tilespmem:$0x1E000] =	vst v63  }
0x110: {  	_ =	swait.ge [sflag:s20], $0x2000  }
0x111: {  	[sflag:s20] =	ssyncset.done $0x0  }
0x112: {  	s6 =	sadd.s32 $0x2B80, s14;
	[sflag:s20] =	ssyncadd.s32 $0xFFFFE000  }
0x113: {  	[tilespmem:s31], [sflag:$0x4] =	stream.indirect.gather [hbm4b:s4+s28], $0x40, s6, s28, $0xb8;
	[tilespmem:$0x1E000] =	vst v63  }
0x114: {  	s6 =	simm.s32 $0x9F80  }
0x115: {  	s13 =	simm.s32 $0x9F00;
	s14 =	simm.s32 $0x9E80;
	s7 =	simm.s32 $0x9E00  }
.LBB2_10:
0x116: {  	_ =	swait.ge [sflag:s26], $0x2000  }
0x117: {  	[sflag:s26] =	ssyncset.done $0x0  }
0x118: {  	[sflag:s26] =	ssyncadd.s32 $0xFFFFE000  }
0x119: {  	[spmem:s2] =	stream.indirect.scatter.add.f32 [tilespmem:s29], [sflag:$0x5], $0x40, s7, s28, $0xb8;
	[tilespmem:$0x1E000] =	vst v63  }
0x11a: {  	_ =	swait.ge [sflag:s1], $0x2000  }
0x11b: {  	[sflag:s1] =	ssyncset.done $0x0  }
0x11c: {  	[sflag:s1] =	ssyncadd.s32 $0xFFFFE000  }
0x11d: {  	[spmem:s2] =	stream.indirect.scatter.add.f32 [tilespmem:s30], [sflag:$0x6], $0x40, s14, s28, $0xb8;
	[tilespmem:$0x1E000] =	vst v63  }
0x11e: {  	_ =	swait.ge [sflag:s3], $0x2000  }
0x11f: {  	[sflag:s3] =	ssyncset.done $0x0  }
0x120: {  	[sflag:s3] =	ssyncadd.s32 $0xFFFFE000  }
0x121: {  	[spmem:s2] =	stream.indirect.scatter.add.f32 [tilespmem:s0], [sflag:$0x7], $0x40, s13, s28, $0xb8;
	[tilespmem:$0x1E000] =	vst v63  }
0x122: {  	_ =	swait.ge [sflag:s11], $0x2000  }
0x123: {  	[sflag:s11] =	ssyncset.done $0x0  }
0x124: {  	[sflag:s11] =	ssyncadd.s32 $0xFFFFE000  }
0x125: {  	[spmem:s2] =	stream.indirect.scatter.add.f32 [tilespmem:s31], [sflag:$0x8], $0x40, s6, s28, $0xb8;
	[tilespmem:$0x1E000] =	vst v63  }
0x126: {  	_ =	swait.ge [sflag:s12], $0x2000  }
0x127: {  	[sflag:s12] =	ssyncset.done $0x0  }
0x128: {  	[sflag:s12] =	ssyncadd.s32 $0xFFFFE000  }
0x129: {  	_ =	swait.ge [sflag:s18], $0x2000  }
0x12a: {  	[sflag:s18] =	ssyncset.done $0x0  }
0x12b: {  	[sflag:s18] =	ssyncadd.s32 $0xFFFFE000  }
0x12c: {  	_ =	swait.ge [sflag:s19], $0x2000  }
0x12d: {  	[sflag:s19] =	ssyncset.done $0x0  }
0x12e: {  	[sflag:s19] =	ssyncadd.s32 $0xFFFFE000  }
0x12f: {  	_ =	swait.ge [sflag:s20], $0x2000  }
0x130: {  	[sflag:s20] =	ssyncset.done $0x0  }
0x131: {  	s15 =	stileid.u32;
	[sflag:s20] =	ssyncadd.s32 $0xFFFFE000  }
0x132: {  	s6 =	sshll.u32 s15, $0x6;
	[bflag:$0x0] =	sbarrier.arrive $0xFFFF  }
0x133: {  	s23 =	sshrl.u32 s8, $0x3;
	s22 =	sor.u32 $0x1C09, s6;
	s16 =	rddreg [dreg:$0x8]  }
0x134: {  	[hbm:s16], [sflag:s22] =	dma.local [spmem:s23], $0x400  }
0x135: {  	_ =	swait.ge [sflag:s25], $0x400  }
0x136: {  	[sflag:s25] =	ssyncset.done $0x0;
	s17 =	rddreg [dreg:$0x4]  }
0x137: {  	s7 =	rddreg [dreg:$0x9];
	[sflag:s25] =	ssyncadd.s32 $0xFFFFFC00;
	s13 =	sshrl.u32 s17, $0x3  }
0x138: {  	[hbm:s7], [sflag:s22] =	dma.local [spmem:s13], $0x400  }
0x139: {  	_ =	swait.ge [sflag:s25], $0x400  }
0x13a: {  	[sflag:s25] =	ssyncset.done $0x0;
	s14 =	rddreg [dreg:$0x5]  }
0x13b: {  	s15 =	rddreg [dreg:$0xa];
	[sflag:s25] =	ssyncadd.s32 $0xFFFFFC00;
	s14 =	sshrl.u32 s14, $0x3  }
0x13c: {  	[hbm:s15], [sflag:s22] =	dma.local [spmem:s14], $0x400  }
0x13d: {  	_ =	swait.ge [sflag:s25], $0x400  }
0x13e: {  	[sflag:s25] =	ssyncset.done $0x0  }
0x13f: {  	s15 =	sshrl.u32 s9, $0x3;
	s16 =	rddreg [dreg:$0xb];
	[sflag:s25] =	ssyncadd.s32 $0xFFFFFC00  }
0x140: {  	[hbm:s16], [sflag:s22] =	dma.local [spmem:s15], $0x400  }
0x141: {  	_ =	swait.ge [sflag:s25], $0x400  }
0x142: {  	[sflag:s25] =	ssyncset.done $0x0  }
0x143: {  	s16 =	sshrl.u32 s10, $0x3;
	s17 =	rddreg [dreg:$0xc];
	[sflag:s25] =	ssyncadd.s32 $0xFFFFFC00  }
0x144: {  	[hbm:s17], [sflag:s22] =	dma.local [spmem:s16], $0x400  }
0x145: {  	_ =	swait.ge [sflag:s25], $0x400  }
0x146: {  	[sflag:s25] =	ssyncset.done $0x0  }
0x147: {  	[sflag:s25] =	ssyncadd.s32 $0xFFFFFC00  }
0x148: {  	s6 =	simm.s32 $0x0;
	s17 =	simm.s32 $0x100;
	[bflag:$0x0] =	sbarrier.arrive $0xFFFF  }
.LBB2_11:
0x149: {  	p1 =	sne.s32 s17, $0x7F00;
	[tilespmem:s6+$0x12030] =	vst v0;
	s7 =	smov.u32 s17;
	s17 =	sadd.s32 $0x100, s17  }
.Ltmp8:
0x14a: {  	[tilespmem:s6+$0x12020] =	vst v0;
	(pc) =	sbr.rel @p1 .LBB2_11-.Ltmp8, $3  }
0x14b: {  	[tilespmem:s6+$0x12000] =	vst v0  }
0x14c: {  	[tilespmem:s6+$0x12010] =	vst v0;
	_ =	sdelay $0x1  }
0x14d: {  	s6 =	sshra.s32 s7, $0x2  }
0x14e: {  	[tilespmem:s6+$0x12030] =	vst v0  }
0x14f: {  	[tilespmem:s6+$0x12020] =	vst v0  }
0x150: {  	[tilespmem:s6+$0x12000] =	vst v0  }
0x151: {  	[tilespmem:s6+$0x12010] =	vst v0  }
0x152: {  	[spmem:s8] =	stream.linear.scatter [tilespmem:s24], [sflag:$0x9], $0x2000, $0x38;
	[tilespmem:$0x1E000] =	vst v63  }
0x153: {  	_ =	swait.ge [sflag:s25], $0x2000  }
0x154: {  	[sflag:s25] =	ssyncset.done $0x0  }
0x155: {  	s8 =	rddreg [dreg:$0x4];
	[sflag:s25] =	ssyncadd.s32 $0xFFFFE000  }
0x156: {  	[spmem:s8] =	stream.linear.scatter [tilespmem:s24], [sflag:$0x9], $0x2000, $0x38;
	[tilespmem:$0x1E000] =	vst v63  }
0x157: {  	_ =	swait.ge [sflag:s25], $0x2000  }
0x158: {  	[sflag:s25] =	ssyncset.done $0x0  }
0x159: {  	s17 =	rddreg [dreg:$0x5];
	[sflag:s25] =	ssyncadd.s32 $0xFFFFE000  }
0x15a: {  	[spmem:s17] =	stream.linear.scatter [tilespmem:s24], [sflag:$0x9], $0x2000, $0x38;
	[tilespmem:$0x1E000] =	vst v63  }
0x15b: {  	_ =	swait.ge [sflag:s25], $0x2000  }
0x15c: {  	[sflag:s25] =	ssyncset.done $0x0  }
0x15d: {  	[sflag:s25] =	ssyncadd.s32 $0xFFFFE000  }
0x15e: {  	[spmem:s9] =	stream.linear.scatter [tilespmem:s24], [sflag:$0x9], $0x2000, $0x38;
	[tilespmem:$0x1E000] =	vst v63  }
0x15f: {  	_ =	swait.ge [sflag:s25], $0x2000  }
0x160: {  	[sflag:s25] =	ssyncset.done $0x0  }
0x161: {  	[sflag:s25] =	ssyncadd.s32 $0xFFFFE000  }
0x162: {  	[spmem:s10] =	stream.linear.scatter [tilespmem:s24], [sflag:$0x9], $0x2000, $0x38;
	[tilespmem:$0x1E000] =	vst v63  }
.Ltmp9:
0x163: {  	_ =	swait.ge [sflag:s25], $0x2000;
	(pc) =	sbr.rel @p0 .LBB2_16-.Ltmp9, $3  }
0x164: {  	[sflag:s25] =	ssyncset.done $0x0  }
0x165: {  	[sflag:s25] =	ssyncadd.s32 $0xFFFFE000  }
0x166: {  	[bflag:$0x0] =	sbarrier.arrive $0xFFFF;
	_ =	sdelay $0x1  }
0x167: {  	s6 =	simm.s32 $0x0  }
0x168: {  	[tilespmem:s29], [sflag:$0x1] =	stream.indirect.gather [hbm4b:s5+s28], $0x40, s6, s28, $0xb8;
	[tilespmem:$0x1E000] =	vst v63  }
0x169: {  	_ = 	snop  }
0x16a: {  	[tilespmem:s30], [sflag:$0x2] =	stream.indirect.gather [hbm4b:s5+s28], $0x40, s28, s28, $0xb8;
	[tilespmem:$0x1E000] =	vst v63  }
0x16b: {  	s7 =	simm.s32 $0x100  }
0x16c: {  	[tilespmem:s0], [sflag:$0x3] =	stream.indirect.gather [hbm4b:s5+s28], $0x40, s7, s28, $0xb8;
	[tilespmem:$0x1E000] =	vst v63  }
0x16d: {  	s8 =	simm.s32 $0x180  }
0x16e: {  	[tilespmem:s31], [sflag:$0x4] =	stream.indirect.gather [hbm4b:s5+s28], $0x40, s8, s28, $0xb8;
	[tilespmem:$0x1E000] =	vst v63  }
0x16f: {  	_ =	swait.ge [sflag:s26], $0x2000  }
0x170: {  	[sflag:s26] =	ssyncset.done $0x0  }
0x171: {  	s17 =	simm.s32 $0x5000;
	[sflag:s26] =	ssyncadd.s32 $0xFFFFE000  }
0x172: {  	[spmem:s2] =	stream.indirect.scatter.add.f32 [tilespmem:s29], [sflag:$0x5], $0x40, s17, s28, $0xb8;
	[tilespmem:$0x1E000] =	vst v63  }
0x173: {  	_ =	swait.ge [sflag:s1], $0x2000  }
0x174: {  	[sflag:s1] =	ssyncset.done $0x0  }
0x175: {  	s7 =	simm.s32 $0x5080;
	[sflag:s1] =	ssyncadd.s32 $0xFFFFE000  }
0x176: {  	[spmem:s2] =	stream.indirect.scatter.add.f32 [tilespmem:s30], [sflag:$0x6], $0x40, s7, s28, $0xb8;
	[tilespmem:$0x1E000] =	vst v63  }
0x177: {  	_ =	swait.ge [sflag:s3], $0x2000  }
0x178: {  	[sflag:s3] =	ssyncset.done $0x0  }
0x179: {  	s8 =	simm.s32 $0x5100;
	[sflag:s3] =	ssyncadd.s32 $0xFFFFE000  }
0x17a: {  	[spmem:s2] =	stream.indirect.scatter.add.f32 [tilespmem:s0], [sflag:$0x7], $0x40, s8, s28, $0xb8;
	[tilespmem:$0x1E000] =	vst v63  }
0x17b: {  	_ =	swait.ge [sflag:s11], $0x2000  }
0x17c: {  	[sflag:s11] =	ssyncset.done $0x0  }
0x17d: {  	s17 =	simm.s32 $0x5180;
	[sflag:s11] =	ssyncadd.s32 $0xFFFFE000  }
0x17e: {  	[spmem:s2] =	stream.indirect.scatter.add.f32 [tilespmem:s31], [sflag:$0x8], $0x40, s17, s28, $0xb8;
	[tilespmem:$0x1E000] =	vst v63  }
0x17f: {  	_ =	swait.ge [sflag:s12], $0x2000  }
0x180: {  	[sflag:s12] =	ssyncset.done $0x0  }
0x181: {  	s7 =	simm.s32 $0x200;
	[sflag:s12] =	ssyncadd.s32 $0xFFFFE000  }
0x182: {  	[tilespmem:s29], [sflag:$0x1] =	stream.indirect.gather [hbm4b:s5+s28], $0x40, s7, s28, $0xb8;
	[tilespmem:$0x1E000] =	vst v63  }
0x183: {  	_ =	swait.ge [sflag:s18], $0x2000  }
0x184: {  	[sflag:s18] =	ssyncset.done $0x0  }
0x185: {  	s8 =	simm.s32 $0x280;
	[sflag:s18] =	ssyncadd.s32 $0xFFFFE000  }
0x186: {  	[tilespmem:s30], [sflag:$0x2] =	stream.indirect.gather [hbm4b:s5+s28], $0x40, s8, s28, $0xb8;
	[tilespmem:$0x1E000] =	vst v63  }
0x187: {  	_ =	swait.ge [sflag:s19], $0x2000  }
0x188: {  	p1 =	por $0x0, $0x0;
	[sflag:s19] =	ssyncset.done $0x0  }
.Ltmp10:
0x189: {  	s17 =	simm.s32 $0x300;
	[sflag:s19] =	ssyncadd.s32 $0xFFFFE000;
	(pc) =	sbr.rel @p1 .LBB2_15-.Ltmp10, $4  }
0x18a: {  	[tilespmem:s0], [sflag:$0x3] =	stream.indirect.gather [hbm4b:s5+s28], $0x40, s17, s28, $0xb8;
	[tilespmem:$0x1E000] =	vst v63  }
0x18b: {  	_ =	swait.ge [sflag:s20], $0x2000  }
0x18c: {  	[sflag:s20] =	ssyncset.done $0x0  }
0x18d: {  	s6 =	simm.s32 $0x380;
	s17 =	simm.s32 $0x800;
	[sflag:s20] =	ssyncadd.s32 $0xFFFFE000  }
.LBB2_14:
0x18e: {  	[tilespmem:s31], [sflag:$0x4] =	stream.indirect.gather [hbm4b:s5+s28], $0x40, s6, s28, $0xb8;
	[tilespmem:$0x1E000] =	vst v63  }
0x18f: {  	s6 =	smov.u32 s17  }
0x190: {  	p1 =	seq.s32 s17, $0x9000;
	s17 =	sadd.s32 $0x800, s17;
	_ =	swait.ge [sflag:s26], $0x2000  }
0x191: {  	s6 =	sshra.s32 s6, $0x2;
	[sflag:s26] =	ssyncset.done $0x0  }
0x192: {  	s7 =	sadd.s32 $0x5000, s6;
	[sflag:s26] =	ssyncadd.s32 $0xFFFFE000  }
0x193: {  	[spmem:s2] =	stream.indirect.scatter.add.f32 [tilespmem:s29], [sflag:$0x5], $0x40, s7, s28, $0xb8;
	[tilespmem:$0x1E000] =	vst v63  }
0x194: {  	_ =	swait.ge [sflag:s1], $0x2000  }
0x195: {  	[sflag:s1] =	ssyncset.done $0x0  }
0x196: {  	s7 =	sadd.s32 $0x5080, s6;
	[sflag:s1] =	ssyncadd.s32 $0xFFFFE000  }
0x197: {  	[spmem:s2] =	stream.indirect.scatter.add.f32 [tilespmem:s30], [sflag:$0x6], $0x40, s7, s28, $0xb8;
	[tilespmem:$0x1E000] =	vst v63  }
0x198: {  	_ =	swait.ge [sflag:s3], $0x2000  }
0x199: {  	[sflag:s3] =	ssyncset.done $0x0  }
0x19a: {  	s7 =	sadd.s32 $0x5100, s6;
	[sflag:s3] =	ssyncadd.s32 $0xFFFFE000  }
0x19b: {  	[spmem:s2] =	stream.indirect.scatter.add.f32 [tilespmem:s0], [sflag:$0x7], $0x40, s7, s28, $0xb8;
	[tilespmem:$0x1E000] =	vst v63  }
0x19c: {  	_ =	swait.ge [sflag:s11], $0x2000  }
0x19d: {  	[sflag:s11] =	ssyncset.done $0x0  }
0x19e: {  	s7 =	sadd.s32 $0x5180, s6;
	[sflag:s11] =	ssyncadd.s32 $0xFFFFE000  }
0x19f: {  	[spmem:s2] =	stream.indirect.scatter.add.f32 [tilespmem:s31], [sflag:$0x8], $0x40, s7, s28, $0xb8;
	[tilespmem:$0x1E000] =	vst v63  }
0x1a0: {  	_ =	swait.ge [sflag:s12], $0x2000  }
0x1a1: {  	[sflag:s12] =	ssyncset.done $0x0  }
0x1a2: {  	s7 =	sadd.s32 $0x200, s6;
	[sflag:s12] =	ssyncadd.s32 $0xFFFFE000  }
0x1a3: {  	[tilespmem:s29], [sflag:$0x1] =	stream.indirect.gather [hbm4b:s5+s28], $0x40, s7, s28, $0xb8;
	[tilespmem:$0x1E000] =	vst v63  }
0x1a4: {  	_ =	swait.ge [sflag:s18], $0x2000  }
0x1a5: {  	[sflag:s18] =	ssyncset.done $0x0  }
0x1a6: {  	s7 =	sadd.s32 $0x280, s6;
	[sflag:s18] =	ssyncadd.s32 $0xFFFFE000  }
0x1a7: {  	[tilespmem:s30], [sflag:$0x2] =	stream.indirect.gather [hbm4b:s5+s28], $0x40, s7, s28, $0xb8;
	[tilespmem:$0x1E000] =	vst v63  }
0x1a8: {  	_ =	swait.ge [sflag:s19], $0x2000  }
0x1a9: {  	[sflag:s19] =	ssyncset.done $0x0  }
.Ltmp11:
0x1aa: {  	s7 =	sadd.s32 $0x300, s6;
	[sflag:s19] =	ssyncadd.s32 $0xFFFFE000;
	(pc) =	sbr.rel @!p1 .LBB2_14-.Ltmp11, $4  }
0x1ab: {  	[tilespmem:s0], [sflag:$0x3] =	stream.indirect.gather [hbm4b:s5+s28], $0x40, s7, s28, $0xb8;
	[tilespmem:$0x1E000] =	vst v63  }
0x1ac: {  	_ =	swait.ge [sflag:s20], $0x2000  }
0x1ad: {  	[sflag:s20] =	ssyncset.done $0x0  }
0x1ae: {  	s6 =	sadd.s32 $0x380, s6;
	[sflag:s20] =	ssyncadd.s32 $0xFFFFE000  }
.Ltmp12:
0x1af: {  	_ = 	snop;
	(pc) =	sbr.rel .LBB2_15-.Ltmp12, $1  }
0x1b0: {  	_ =	sdelay $0x3  }
.LBB2_16:
0x1b1: {  	s6 =	simm.s32 $0x2800  }
0x1b2: {  	[tilespmem:s29], [sflag:$0x1] =	stream.indirect.gather [hbm4b:s5+s28], $0x40, s6, s28, $0xb8;
	[tilespmem:$0x1E000] =	vst v63  }
0x1b3: {  	s17 =	simm.s32 $0x2880  }
0x1b4: {  	[tilespmem:s30], [sflag:$0x2] =	stream.indirect.gather [hbm4b:s5+s28], $0x40, s17, s28, $0xb8;
	[tilespmem:$0x1E000] =	vst v63  }
0x1b5: {  	s7 =	simm.s32 $0x2900  }
0x1b6: {  	[tilespmem:s0], [sflag:$0x3] =	stream.indirect.gather [hbm4b:s5+s28], $0x40, s7, s28, $0xb8;
	[tilespmem:$0x1E000] =	vst v63  }
0x1b7: {  	s8 =	simm.s32 $0x2980  }
0x1b8: {  	[tilespmem:s31], [sflag:$0x4] =	stream.indirect.gather [hbm4b:s5+s28], $0x40, s8, s28, $0xb8;
	[tilespmem:$0x1E000] =	vst v63  }
0x1b9: {  	_ =	swait.ge [sflag:s26], $0x2000  }
0x1ba: {  	[sflag:s26] =	ssyncset.done $0x0  }
0x1bb: {  	s17 =	simm.s32 $0x7800;
	[sflag:s26] =	ssyncadd.s32 $0xFFFFE000  }
0x1bc: {  	[spmem:s2] =	stream.indirect.scatter.add.f32 [tilespmem:s29], [sflag:$0x5], $0x40, s17, s28, $0xb8;
	[tilespmem:$0x1E000] =	vst v63  }
0x1bd: {  	_ =	swait.ge [sflag:s1], $0x2000  }
0x1be: {  	[sflag:s1] =	ssyncset.done $0x0  }
0x1bf: {  	s7 =	simm.s32 $0x7880;
	[sflag:s1] =	ssyncadd.s32 $0xFFFFE000  }
0x1c0: {  	[spmem:s2] =	stream.indirect.scatter.add.f32 [tilespmem:s30], [sflag:$0x6], $0x40, s7, s28, $0xb8;
	[tilespmem:$0x1E000] =	vst v63  }
0x1c1: {  	_ =	swait.ge [sflag:s3], $0x2000  }
0x1c2: {  	[sflag:s3] =	ssyncset.done $0x0  }
0x1c3: {  	s8 =	simm.s32 $0x7900;
	[sflag:s3] =	ssyncadd.s32 $0xFFFFE000  }
0x1c4: {  	[spmem:s2] =	stream.indirect.scatter.add.f32 [tilespmem:s0], [sflag:$0x7], $0x40, s8, s28, $0xb8;
	[tilespmem:$0x1E000] =	vst v63  }
0x1c5: {  	_ =	swait.ge [sflag:s11], $0x2000  }
0x1c6: {  	[sflag:s11] =	ssyncset.done $0x0  }
0x1c7: {  	s17 =	simm.s32 $0x7980;
	[sflag:s11] =	ssyncadd.s32 $0xFFFFE000  }
0x1c8: {  	[spmem:s2] =	stream.indirect.scatter.add.f32 [tilespmem:s31], [sflag:$0x8], $0x40, s17, s28, $0xb8;
	[tilespmem:$0x1E000] =	vst v63  }
0x1c9: {  	_ =	swait.ge [sflag:s12], $0x2000  }
0x1ca: {  	[sflag:s12] =	ssyncset.done $0x0  }
0x1cb: {  	s7 =	simm.s32 $0x2A00;
	[sflag:s12] =	ssyncadd.s32 $0xFFFFE000  }
0x1cc: {  	[tilespmem:s29], [sflag:$0x1] =	stream.indirect.gather [hbm4b:s5+s28], $0x40, s7, s28, $0xb8;
	[tilespmem:$0x1E000] =	vst v63  }
0x1cd: {  	_ =	swait.ge [sflag:s18], $0x2000  }
0x1ce: {  	[sflag:s18] =	ssyncset.done $0x0  }
0x1cf: {  	s8 =	simm.s32 $0x2A80;
	[sflag:s18] =	ssyncadd.s32 $0xFFFFE000  }
0x1d0: {  	[tilespmem:s30], [sflag:$0x2] =	stream.indirect.gather [hbm4b:s5+s28], $0x40, s8, s28, $0xb8;
	[tilespmem:$0x1E000] =	vst v63  }
0x1d1: {  	_ =	swait.ge [sflag:s19], $0x2000  }
0x1d2: {  	[sflag:s19] =	ssyncset.done $0x0  }
0x1d3: {  	s17 =	simm.s32 $0x2B00;
	[sflag:s19] =	ssyncadd.s32 $0xFFFFE000  }
0x1d4: {  	[tilespmem:s0], [sflag:$0x3] =	stream.indirect.gather [hbm4b:s5+s28], $0x40, s17, s28, $0xb8;
	[tilespmem:$0x1E000] =	vst v63  }
0x1d5: {  	_ =	swait.ge [sflag:s20], $0x2000  }
0x1d6: {  	[sflag:s20] =	ssyncset.done $0x0  }
0x1d7: {  	s6 =	simm.s32 $0x2B80;
	s17 =	simm.s32 $0x800;
	[sflag:s20] =	ssyncadd.s32 $0xFFFFE000  }
.LBB2_17:
0x1d8: {  	[tilespmem:s31], [sflag:$0x4] =	stream.indirect.gather [hbm4b:s5+s28], $0x40, s6, s28, $0xb8;
	[tilespmem:$0x1E000] =	vst v63  }
0x1d9: {  	s6 =	smov.u32 s17  }
0x1da: {  	p1 =	sne.s32 s17, $0x9000;
	s17 =	sadd.s32 $0x800, s17;
	_ =	swait.ge [sflag:s26], $0x2000  }
0x1db: {  	s6 =	sshra.s32 s6, $0x2;
	[sflag:s26] =	ssyncset.done $0x0  }
0x1dc: {  	s7 =	sadd.s32 $0x7800, s6;
	[sflag:s26] =	ssyncadd.s32 $0xFFFFE000  }
0x1dd: {  	[spmem:s2] =	stream.indirect.scatter.add.f32 [tilespmem:s29], [sflag:$0x5], $0x40, s7, s28, $0xb8;
	[tilespmem:$0x1E000] =	vst v63  }
0x1de: {  	_ =	swait.ge [sflag:s1], $0x2000  }
0x1df: {  	[sflag:s1] =	ssyncset.done $0x0  }
0x1e0: {  	s7 =	sadd.s32 $0x7880, s6;
	[sflag:s1] =	ssyncadd.s32 $0xFFFFE000  }
0x1e1: {  	[spmem:s2] =	stream.indirect.scatter.add.f32 [tilespmem:s30], [sflag:$0x6], $0x40, s7, s28, $0xb8;
	[tilespmem:$0x1E000] =	vst v63  }
0x1e2: {  	_ =	swait.ge [sflag:s3], $0x2000  }
0x1e3: {  	[sflag:s3] =	ssyncset.done $0x0  }
0x1e4: {  	s7 =	sadd.s32 $0x7900, s6;
	[sflag:s3] =	ssyncadd.s32 $0xFFFFE000  }
0x1e5: {  	[spmem:s2] =	stream.indirect.scatter.add.f32 [tilespmem:s0], [sflag:$0x7], $0x40, s7, s28, $0xb8;
	[tilespmem:$0x1E000] =	vst v63  }
0x1e6: {  	_ =	swait.ge [sflag:s11], $0x2000  }
0x1e7: {  	[sflag:s11] =	ssyncset.done $0x0  }
0x1e8: {  	s7 =	sadd.s32 $0x7980, s6;
	[sflag:s11] =	ssyncadd.s32 $0xFFFFE000  }
0x1e9: {  	[spmem:s2] =	stream.indirect.scatter.add.f32 [tilespmem:s31], [sflag:$0x8], $0x40, s7, s28, $0xb8;
	[tilespmem:$0x1E000] =	vst v63  }
0x1ea: {  	_ =	swait.ge [sflag:s12], $0x2000  }
0x1eb: {  	[sflag:s12] =	ssyncset.done $0x0  }
0x1ec: {  	s7 =	sadd.s32 $0x2A00, s6;
	[sflag:s12] =	ssyncadd.s32 $0xFFFFE000  }
0x1ed: {  	[tilespmem:s29], [sflag:$0x1] =	stream.indirect.gather [hbm4b:s5+s28], $0x40, s7, s28, $0xb8;
	[tilespmem:$0x1E000] =	vst v63  }
0x1ee: {  	_ =	swait.ge [sflag:s18], $0x2000  }
0x1ef: {  	[sflag:s18] =	ssyncset.done $0x0  }
0x1f0: {  	s7 =	sadd.s32 $0x2A80, s6;
	[sflag:s18] =	ssyncadd.s32 $0xFFFFE000  }
0x1f1: {  	[tilespmem:s30], [sflag:$0x2] =	stream.indirect.gather [hbm4b:s5+s28], $0x40, s7, s28, $0xb8;
	[tilespmem:$0x1E000] =	vst v63  }
0x1f2: {  	_ =	swait.ge [sflag:s19], $0x2000  }
0x1f3: {  	[sflag:s19] =	ssyncset.done $0x0  }
.Ltmp13:
0x1f4: {  	s7 =	sadd.s32 $0x2B00, s6;
	[sflag:s19] =	ssyncadd.s32 $0xFFFFE000;
	(pc) =	sbr.rel @p1 .LBB2_17-.Ltmp13, $4  }
0x1f5: {  	[tilespmem:s0], [sflag:$0x3] =	stream.indirect.gather [hbm4b:s5+s28], $0x40, s7, s28, $0xb8;
	[tilespmem:$0x1E000] =	vst v63  }
0x1f6: {  	_ =	swait.ge [sflag:s20], $0x2000  }
0x1f7: {  	[sflag:s20] =	ssyncset.done $0x0  }
0x1f8: {  	s6 =	sadd.s32 $0x2B80, s6;
	[sflag:s20] =	ssyncadd.s32 $0xFFFFE000  }
.Ltmp14:
0x1f9: {  	(pc) =	sbr.rel .LBB2_19-.Ltmp14, $4  }
0x1fa: {  	_ = 	snop  }
0x1fb: {  	[tilespmem:s31], [sflag:$0x4] =	stream.indirect.gather [hbm4b:s5+s28], $0x40, s6, s28, $0xb8;
	[tilespmem:$0x1E000] =	vst v63  }
0x1fc: {  	s6 =	simm.s32 $0x9F80  }
0x1fd: {  	s17 =	simm.s32 $0x9F00;
	s7 =	simm.s32 $0x9E80;
	s8 =	simm.s32 $0x9E00  }
.LBB2_20:
0x1fe: {  	_ =	sfence.sel $0x180000  }
0x1ff: {  	[bflag:$0x0] =	sbarrier.arrive $0xFFFF  }
0x200: {  	_ =	strace $0x9000004A  }
0x201: {  	s0 =	stileid.u32;
	[bflag:$0x2] =	sbarrier.arrive $0xFFFF  }
0x202: {  	p0 =	sne.s32 s0, $0x0;
	s0 =	rddreg [dreg:$0x2]  }
0x203: {  	s0 =	sadd.s32 @!p0 $0x100000, s0  }
0x204: {  	[sflag:s0] =	ssyncadd.tile.s32 @!p0 $0x1;
	_ =	shalt  }
.Lfunc_end2:
_tile_overlayer_lowered:
.L_overlay_start_2:
0x205: {  	(tag) =	ssettag $0x2  }
0x206: {  	s0 =	rddreg [dreg:$0x0];
	s2 =	stileid.u32  }
0x207: {  	s1 =	rddreg [dreg:$0x1];
	p0 =	sne.s32 s2, $0x0  }
0x208: {  	s3 =	rddreg [dreg:$0x2];
	[bflag:$0x3] =	sbarrier.arrive $0xFFFF;
	s2 =	simm.s32 @!p0 $0x1C09  }
0x209: {  	[timem:s3], [sflag:s2] =	dma.local @!p0 [hbm:s0], s1  }
0x20a: {  	s0 =	simm.s32 @!p0 $0x9  }
0x20b: {  	_ =	swait.ge @!p0 [sflag:s0], s1  }
0x20c: {  	s1 =	ssub.s32 @!p0 $0x0, s1;
	[sflag:s0] =	ssyncset.done @!p0 $0x0  }
0x20d: {  	[sflag:s0] =	ssyncadd.s32 @!p0 s1  }
0x20e: {  	[bflag:$0x3] =	sbarrier.arrive $0xFFFF  }
0x20f: {  	_ =	shalt  }

// kernel: kernel.14.cloned.1.call-start
scs
__scs_entry_jumppad:
0x0: {  	(pc) =	sbr.rel $0x88, $3  }
0x1: {  	(tag) =	ssettag $0x0;
	lr =	simm.s32 $0x1  }
0x2: {  	[smem:$0x3F98] =	sst lr;
	_ =	strace $0xD0000000  }
0x3: {  	_ = 	snop  }
0x4: {  	_ = 	snop  }
0x5: {  	_ = 	snop  }
0x6: {  	_ = 	snop  }
0x7: {  	_ = 	snop  }
__scs_overlays_trampoline_lowered:
0x8: {  	[smem:$0x3FA7] =	sst s0  }
0x9: {  	[smem:$0x3FA8] =	sst s1  }
0xa: {  	[smem:$0x3FA9] =	sst s2  }
0xb: {  	[smem:$0x3FAA] =	sst s3  }
0xc: {  	[smem:$0x3FAB] =	sst s4  }
0xd: {  	[smem:$0x3FAC] =	sst s5  }
0xe: {  	[smem:$0x3FAD] =	sst s6  }
0xf: {  	[smem:$0x3FAE] =	sst s7  }
0x10: {  	[smem:$0x3FAF] =	sst s8  }
0x11: {  	[smem:$0x3FB0] =	sst s9;
	s0 =	simm.s32 @!p0 $0x0  }
0x12: {  	s1 =	sld [smem:$0x3F96];
	s0 =	simm.s32 @p0 $0x1  }
0x13: {  	[smem:$0x3FB1] =	sst s0;
	s0 =	simm.s32 @!p1 $0x0  }
0x14: {  	s2 =	sld [smem:$0x3F95];
	s0 =	simm.s32 @p1 $0x1  }
0x15: {  	[smem:$0x3FB2] =	sst s0;
	s0 =	simm.s32 @!p2 $0x0  }
0x16: {  	s3 =	sld [smem:$0x3FDB];
	s0 =	simm.s32 @p2 $0x1  }
0x17: {  	s4 =	simm.s32 $0x1BF5;
	[smem:$0x3FB4] =	sst s0  }
0x18: {  	s0 =	sld [smem:$0x3F97];
	_ =	swait.ge [sflag:s4], $0x0  }
0x19: {  	s7 =	sld [smem:$0x3F98]  }
0x1a: {  	s8 =	sadd.s32 $0xFFFFE003, lr  }
0x1b: {  	s9 =	sadd.s32 $0xFFFFFEF7, lr;
	s5 =	simm.s32 $0xFFFFFFFF;
	p2 =	slt.u32 s8, $0xFFFFF086  }
0x1c: {  	p1 =	slt.u32 s9, $0xF7A;
	s5 =	simm.s32 @!p2 $0x0  }
0x1d: {  	s5 =	simm.s32 @p1 $0x1;
	p0 =	seq.s32 s7, s2  }
0x1e: {  	s7 =	smul.u32 @!p0 $0xF7A, s2;
	p2 =	seq.s32 @!p0 s5, $0x0  }
0x1f: {  	s9 =	smul.u32 $0xF7A, s1;
	s8 =	simm.s32 @!p0 $0x1BF5;
	p2 =	por !p2, p0  }
0x20: {  	[sflag:s8] =	ssyncset.s32 @!p0 $0xFFFFF086;
	s6 =	sadd.s32 @!p0 s3, s7;
	s7 =	simm.s32 @!p0 $0x108  }
0x21: {  	s3 =	sadd.s32 s3, s9;
	s6 =	sadd.s32 @!p0 $0x88, s6;
	s7 =	simm.s32 @p2 $0x1082  }
0x22: {  	[simem:s7], [sflag:s8] =	dma.local @!p0 [hbm:s6], $0xF7A  }
0x23: {  	s9 =	sor.u32 $0xD0000000, s2;
	s6 =	simm.s32 $0x108;
	_ =	swait.ge @!p0 [sflag:s8], $0x0  }
0x24: {  	s3 =	sadd.s32 $0x88, s3;
	s6 =	simm.s32 @!p1 $0x1082;
	[sflag:s4] =	ssyncset.s32 $0xFFFFF086  }
0x25: {  	[simem:s6], [sflag:s4] =	dma.local [hbm:s3], $0xF7A  }
0x26: {  	[smem:$0x3F98] =	sst s1;
	(tag) =	ssettag s2;
	_ =	strace s9  }
0x27: {  	s1 =	sld [smem:$0x3FA8]  }
0x28: {  	s2 =	sld [smem:$0x3FA9]  }
0x29: {  	s4 =	sld [smem:$0x3FAB]  }
0x2a: {  	p0 =	seq.s32 s5, $0x0;
	s5 =	sld [smem:$0x3FAC]  }
0x2b: {  	s6 =	sld [smem:$0x3FAD]  }
0x2c: {  	s7 =	sld [smem:$0x3FAE]  }
0x2d: {  	s3 =	simm.s32 $0x108;
	s8 =	sld [smem:$0x3FAF]  }
0x2e: {  	s3 =	simm.s32 @!p0 $0x1082;
	s9 =	sld [smem:$0x3FB0]  }
0x2f: {  	lr =	sadd.s32 s0, s3;
	s0 =	sld [smem:$0x3FA7]  }
0x30: {  	s3 =	sld [smem:$0x3FAA]  }
0x31: {  	[smem:$0x3FB3] =	sst s10  }
0x32: {  	s10 =	sld [smem:$0x3FB1];
	_ =	sdelay $0x3  }
0x33: {  	p0 =	seq.s32 s10, $0x1;
	s10 =	sld [smem:$0x3FB3];
	_ =	sdelay $0x3  }
0x34: {  	[smem:$0x3FB3] =	sst s10  }
0x35: {  	s10 =	sld [smem:$0x3FB2];
	_ =	sdelay $0x3  }
0x36: {  	p1 =	seq.s32 s10, $0x1;
	s10 =	sld [smem:$0x3FB3];
	_ =	sdelay $0x3  }
0x37: {  	[smem:$0x3FB3] =	sst s10  }
0x38: {  	s10 =	sld [smem:$0x3FB4]  }
0x39: {  	_ = 	snop;
	(pc) =	sbr.ind lr, $3  }
0x3a: {  	_ = 	snop  }
0x3b: {  	_ = 	snop  }
0x3c: {  	p2 =	seq.s32 s10, $0x1;
	s10 =	sld [smem:$0x3FB3]  }
0x3d: {  	_ =	shalt  }
0x3e: {  	_ =	shalt  }
0x3f: {  	_ =	shalt  }
0x40: {  	_ =	shalt  }
0x41: {  	_ =	shalt  }
0x42: {  	_ =	shalt  }
0x43: {  	_ =	shalt  }
0x44: {  	_ =	shalt  }
0x45: {  	_ =	shalt  }
0x46: {  	_ =	shalt  }
0x47: {  	_ =	shalt  }
0x48: {  	_ =	shalt  }
0x49: {  	_ =	shalt  }
0x4a: {  	_ =	shalt  }
0x4b: {  	_ =	shalt  }
0x4c: {  	_ =	shalt  }
0x4d: {  	_ =	shalt  }
0x4e: {  	_ =	shalt  }
0x4f: {  	_ =	shalt  }
0x50: {  	_ =	shalt  }
0x51: {  	_ =	shalt  }
0x52: {  	_ =	shalt  }
0x53: {  	_ =	shalt  }
0x54: {  	_ =	shalt  }
0x55: {  	_ =	shalt  }
0x56: {  	_ =	shalt  }
0x57: {  	_ =	shalt  }
0x58: {  	_ =	shalt  }
0x59: {  	_ =	shalt  }
0x5a: {  	_ =	shalt  }
0x5b: {  	_ =	shalt  }
0x5c: {  	_ =	shalt  }
0x5d: {  	_ =	shalt  }
0x5e: {  	_ =	shalt  }
0x5f: {  	_ =	shalt  }
0x60: {  	_ =	shalt  }
0x61: {  	_ =	shalt  }
0x62: {  	_ =	shalt  }
0x63: {  	_ =	shalt  }
0x64: {  	_ =	shalt  }
0x65: {  	_ =	shalt  }
0x66: {  	_ =	shalt  }
0x67: {  	_ =	shalt  }
0x68: {  	_ =	shalt  }
0x69: {  	_ =	shalt  }
0x6a: {  	_ =	shalt  }
0x6b: {  	_ =	shalt  }
0x6c: {  	_ =	shalt  }
0x6d: {  	_ =	shalt  }
0x6e: {  	_ =	shalt  }
0x6f: {  	_ =	shalt  }
0x70: {  	_ =	shalt  }
0x71: {  	_ =	shalt  }
0x72: {  	_ =	shalt  }
0x73: {  	_ =	shalt  }
0x74: {  	_ =	shalt  }
0x75: {  	_ =	shalt  }
0x76: {  	_ =	shalt  }
0x77: {  	_ =	shalt  }
0x78: {  	_ =	shalt  }
0x79: {  	_ =	shalt  }
0x7a: {  	_ =	shalt  }
0x7b: {  	_ =	shalt  }
0x7c: {  	_ =	shalt  }
0x7d: {  	_ =	shalt  }
0x7e: {  	_ =	shalt  }
0x7f: {  	_ =	shalt  }
0x80: {  	_ =	shalt  }
0x81: {  	_ =	shalt  }
0x82: {  	_ =	shalt  }
0x83: {  	_ =	shalt  }
0x84: {  	_ =	shalt  }
0x85: {  	_ =	shalt  }
0x86: {  	_ =	shalt  }
0x87: {  	_ =	shalt  }
.Lfunc_end0:
.L_simem_size_0:
called_computation.2_lowered:
.L_overlay_start_0:
0x88: {  	s2 =	sld [smem:$0x3FD9]  }
0x89: {  	s3 =	sld [smem:$0x3FFE];
	_ =	sdelay $0x1  }
0x8a: {  	s1 =	srdreg.scid  }
0x8b: {  	s0 =	sand.u32 $0x1, s1  }
0x8c: {  	s17 =	sshll.u32 s0, $0xA;
	s2 =	sadd.s32 s3, s2  }
0x8d: {  	s2 =	sadd.s32 s2, s17  }
0x8e: {  	[smem:$0x3FBF] =	sst s2  }
0x8f: {  	_ = 	snop  }
0x90: {  	(tm) =	ssettm $0x1  }
0x91: {  	s18 =	sld [smem:$0x3FFB];
	_ =	sdelay $0x3  }
0x92: {  	_ =	strace s18  }
0x93: {  	s2 =	sld [smem:$0x3FFC];
	_ =	sdelay $0x3  }
0x94: {  	_ =	strace s2  }
0x95: {  	s2 =	sld [smem:$0x3FFD];
	_ =	sdelay $0x3  }
0x96: {  	_ =	strace s2  }
0x97: {  	_ =	strace $0x8FFFFFFF  }
0x98: {  	s19 =	sld [smem:$0x3FDB];
	_ =	sdelay $0x1  }
0x99: {  	s20 =	simm.s32 $_scs_section_size  }
0x9a: {  	s4 =	simm.s32 $_size__tile_overlayer_lowered;
	s5 =	simm.s32 $_tile_overlayer_lowered  }
0x9b: {  	s6 =	simm.s32 $0x1BFF;
	s21 =	sshll.u32 s5, $0x1;
	s3 =	sadd.s32 s20, s19  }
0x9c: {  	s22 =	simm.s32 $0x0;
	s4 =	sshll.u32 s4, $0x1;
	s5 =	sadd.s32 s21, s3  }
0x9d: {  	[timem:s22], [sflag:s6] =	dma.local [hbm:s5], s4  }
0x9e: {  	_ =	swait.ge [sflag:s6], s4  }
0x9f: {  	s4 =	ssub.s32 $0x0, s4;
	[sflag:s6] =	ssyncset.done $0x0  }
0xa0: {  	[sflag:s6] =	ssyncadd.s32 s4;
	_ =	sdelay $0x1  }
0xa1: {  	s23 =	simm.s32 $0x1B8B  }
0xa2: {  	_ =	swait.ge [sflag:s23], $0x1  }
0xa3: {  	[sflag:s23] =	ssyncset.done $0x0  }
0xa4: {  	[sflag:s23] =	ssyncadd.s32 $0xFFFFFFFF  }
0xa5: {  	s4 =	sld [smem:$0x0]  }
0xa6: {  	s5 =	sand.u32 $0xFFFFFFFE, s1  }
0xa7: {  	p0 =	sne.s32 s1, s5  }
0xa8: {  	s5 =	sshll.u32 @p0 s5, $0xE  }
0xa9: {  	s5 =	sadd.s32 @p0 $0x11B8D, s5;
	s6 =	sshll.u32 @p0 s4, $0x11  }
0xaa: {  	s5 =	sor.u32 @p0 s6, s5  }
0xab: {  	[sflag:s5] =	ssyncadd.remote.s32 @p0 $0x1;
	_ =	sdelay $0x1  }
0xac: {  	s5 =	simm.s32 @p0 $0x1B8D  }
0xad: {  	_ =	swait.eq @p0 [sflag:s5], $0x1  }
0xae: {  	[sflag:s5] =	ssyncadd.s32 @p0 $0xFFFFFFFF  }
0xaf: {  	s6 =	sshll.u32 @!p0 s1, $0xE  }
0xb0: {  	s6 =	sor.u32 @!p0 $0x4000, s6;
	s5 =	simm.s32 @!p0 $0x1B8D  }
0xb1: {  	s4 =	sshll.u32 @!p0 s4, $0x11;
	s6 =	sadd.s32 @!p0 $0x11B8D, s6;
	_ =	swait.eq @!p0 [sflag:s5], $0x1  }
0xb2: {  	s4 =	sor.u32 @!p0 s4, s6;
	[sflag:s5] =	ssyncadd.s32 @!p0 $0xFFFFFFFF  }
0xb3: {  	s25 =	simm.s32 $0x1B8E;
	s24 =	sld [smem:$0x3FFE];
	[sflag:s4] =	ssyncadd.remote.s32 @!p0 $0x1  }
0xb4: {  	s26 =	simm.s32 $execute0_lowered;
	[smem:$0x3FD2] =	sst s25  }
0xb5: {  	s5 =	sshll.u32 s26, $0x1;
	_ =	strace $0x8000004C;
	[dreg:$0x1] =	wrdreg $0xFFFFFFFF  }
0xb6: {  	s28 =	simm.s32 $_size_execute0_lowered;
	s3 =	sadd.s32 s3, s5;
	[dreg:$0x0] =	wrdreg $0x0  }
0xb7: {  	s5 =	sshll.u32 s28, $0x1;
	[dreg:$0x2] =	wrdreg s3  }
0xb8: {  	[dreg:$0x3] =	wrdreg s5  }
0xb9: {  	[dreg:$0x4] =	wrdreg $0xC0  }
0xba: {  	_ =	task [dreg:s22], $0x5FFFF  }
0xbb: {  	[dreg:$0x1] =	wrdreg $0xFFFFFFFF  }
0xbc: {  	[dreg:$0x0] =	wrdreg $0x60  }
0xbd: {  	[dreg:$0x2] =	wrdreg s24  }
0xbe: {  	[dreg:$0x3] =	wrdreg $0xB1800  }
0xbf: {  	[dreg:$0x4] =	wrdreg $0xA  }
0xc0: {  	_ =	task.clear_ibuf [dreg:s22], $0x5FFFF;
	_ =	strace $0x9000004C  }
0xc1: {  	s29 =	simm.s32 $0xA;
	_ =	strace $0x8000004E  }
0xc2: {  	_ =	swait.ge [sflag:s29], $0x1  }
0xc3: {  	[sflag:s29] =	ssyncadd.s32 $0xFFFFFFFF  }
0xc4: {  	_ =	strace $0x9000004E  }
0xc5: {  	_ =	sfence  }
0xc6: {  	s30 =	sld [smem:$0x0];
	_ =	sdelay $0x2  }
0xc7: {  	s31 =	sshll.u32 s1, $0xD;
	s1 =	sshrl.u32 s1, $0x2  }
0xc8: {  	s4 =	sand.u32 $0x4000, s31;
	s1 =	sadd.s32 s1, s30  }
0xc9: {  	s0 =	sor.u32 s4, s0;
	s1 =	sshll.u32 s1, $0x11  }
0xca: {  	s0 =	sor.u32 s1, s0  }
0xcb: {  	s0 =	sadd.s32 $0x8F2B, s0  }
0xcc: {  	[sflag:s0] =	ssyncadd.remote.s32 $0x1  }
0xcd: {  	_ =	sfence.sel $0xFFFF  }
0xce: {  	[dreg:$0x0] =	wrdreg $0xFFFFFFFF;
	(pc) =	sbr.abs _section_cstart, $3  }
0xcf: {  	[dreg:$0x1] =	wrdreg $0xFFFFFFFF  }
0xd0: {  	_ =	task.clear_ibuf [dreg:s22], $0x2FFFF;
	_ =	strace $0x9FFFFFFF  }
0xd1: {  	(tm) =	ssettm $0x7FFFFFFF  }
tec
execute0_lowered:
.L_overlay_start_1:
0x0: {  	(tag) =	ssettag $0x1  }
0x1: {  	s1 =	srdreg.scid;
	s0 =	stileid.u32  }
0x2: {  	s6 =	sand.u32 $0x1, s1;
	s8 =	sshll.u32 s0, $0x1  }
0x3: {  	s1 =	sor.u32 s6, s8  }
0x4: {  	s18 =	smul.u32 $0x140, s1;
	_ =	sdelay $0x1  }
0x5: {  	v41 =	vlaneseq.u32;
	v48 =	vimm.f32 $0.0e+00;
	s2 =	sor.u32 $0x10, s18;
	s9 =	sor.u32 $0x20, s18  }
0x6: {  	v1 =	vor.u32 s18, v41;
	s10 =	sor.u32 $0x30, s18;
	s11 =	sadd.s32 $0x40, s18;
	s12 =	sadd.s32 $0x50, s18;
	v0 =	vor.u32 s2, v41;
	v2 =	vor.u32 s9, v41  }
0x7: {  	s13 =	sadd.s32 $0x60, s18;
	s3 =	sadd.s32 $0x70, s18;
	s4 =	sadd.s32 $0x80, s18;
	v4 =	vor.u32 s10, v41;
	v6 =	vor.u32 s11, v41;
	v8 =	vor.u32 s12, v41  }
0x8: {  	s14 =	sadd.s32 $0x90, s18;
	s15 =	sadd.s32 $0xA0, s18;
	s16 =	sadd.s32 $0xB0, s18;
	v10 =	vor.u32 s13, v41;
	v12 =	vor.u32 s3, v41;
	v14 =	vor.u32 s4, v41  }
0x9: {  	s8 =	sadd.s32 $0xC0, s18;
	s20 =	sadd.s32 $0xD0, s18;
	s22 =	sadd.s32 $0xF0, s18;
	v16 =	vor.u32 s14, v41;
	v18 =	vor.u32 s15, v41;
	v20 =	vor.u32 s16, v41  }
0xa: {  	s25 =	sadd.s32 $0x100, s18;
	s31 =	sadd.s32 $0x120, s18;
	v22 =	vor.u32 s8, v41;
	v24 =	vor.u32 s20, v41;
	v28 =	vor.u32 s22, v41  }
0xb: {  	v30 =	vor.u32 s25, v41;
	v34 =	vor.u32 s31, v41;
	vm0 =	vlt.s32 v0, $0x27FF  }
0xc: {  	vm6 =	vlt.s32 v2, $0x27FF;
	vm7 =	vlt.s32 v4, $0x27FF;
	vm8 =	vlt.s32 v6, $0x27FF  }
0xd: {  	vm9 =	vlt.s32 v8, $0x27FF;
	vm10 =	vlt.s32 v10, $0x27FF;
	vm11 =	vlt.s32 v12, $0x27FF  }
0xe: {  	s7 =	rddreg [dreg:$0x0];
	s5 =	smul.u32 $0x14500, s0;
	vm12 =	vlt.s32 v14, $0x27FF;
	vm13 =	vlt.s32 v16, $0x27FF;
	vm14 =	vlt.s32 v18, $0x27FF  }
0xf: {  	s9 =	sadd.s32 $0xE0, s18;
	s10 =	sadd.s32 $0x110, s18;
	s12 =	sadd.s32 $0x130, s18;
	vm15 =	vlt.s32 v20, $0x27FF;
	vm4 =	vlt.s32 v22, $0x27FF;
	vm5 =	vlt.s32 v24, $0x27FF  }
0x10: {  	s14 =	sadd.s32 $0x140, s18;
	s16 =	sadd.s32 $0x150, s18;
	s20 =	sadd.s32 $0x160, s18;
	v26 =	vor.u32 s9, v41;
	v32 =	vor.u32 s10, v41;
	v36 =	vor.u32 s12, v41  }
0x11: {  	s28 =	simm.s32 $0xA080;
	s21 =	smul.u32 $0x28A00, s0;
	s18 =	sadd.s32 $0x170, s18;
	v39 =	vor.u32 s14, v41;
	v40 =	vor.u32 s16, v41;
	v42 =	vor.u32 s20, v41  }
0x12: {  	s29 =	simm.s32 $0x20;
	s30 =	simm.s32 $0x10;
	s1 =	smul.u32 $0x500, s1;
	v45 =	vor.u32 s18, v41;
	v41 =	vmin.u32 v1, $0x27FF;
	v3 =	vnsel vm0, $0x27FF, v0  }
0x13: {  	s19 =	sshll.u32 s6, $0x7;
	s23 =	ssub.s32 $0x2, s6;
	s24 =	sshrl.u32 s21, $0x2;
	v5 =	vnsel vm6, $0x27FF, v2;
	v7 =	vnsel vm7, $0x27FF, v4;
	v9 =	vnsel vm8, $0x27FF, v6  }
0x14: {  	s26 =	sshrl.u32 s23, $0x1;
	s21 =	simm.s32 $0x1;
	s17 =	sadd.s32 s1, s7;
	v11 =	vnsel vm9, $0x27FF, v8;
	v13 =	vnsel vm10, $0x27FF, v10;
	v15 =	vnsel vm11, $0x27FF, v12  }
0x15: {  	s1 =	sor.u32 s19, s5;
	s5 =	sadd.s32 $0x8EA00, s7;
	s19 =	ssub.s32 s23, s26;
	v17 =	vnsel vm12, $0x27FF, v14;
	v19 =	vnsel vm13, $0x27FF, v16;
	v21 =	vnsel vm14, $0x27FF, v18  }
0x16: {  	s23 =	simm.s32 $0x5000;
	s26 =	simm.s32 $0xA000;
	s2 =	rddreg [dreg:$0x1];
	v23 =	vnsel vm15, $0x27FF, v20;
	v25 =	vnsel vm4, $0x27FF, v22;
	v27 =	vnsel vm5, $0x27FF, v24  }
0x17: {  	s3 =	simm.s32 $0x0;
	s4 =	sadd.s32 $0x16400, s7;
	s1 =	sshrl.u32 s1, $0x3;
	vm6 =	vlt.s32 v26, $0x27FF;
	vm7 =	vlt.s32 v28, $0x27FF;
	vm8 =	vlt.s32 v30, $0x27FF  }
0x18: {  	s19 =	smax.u32 s19, $0x1;
	s22 =	simm.s32 $0x2800;
	s25 =	simm.s32 $0x80;
	vm9 =	vlt.s32 v32, $0x27FF;
	vm10 =	vlt.s32 v34, $0x27FF;
	vm11 =	vlt.s32 v36, $0x27FF  }
0x19: {  	[smem:$0x7FF] =	sst s3;
	s1 =	sadd.s32 s1, s7;
	s6 =	sadd.s32 s24, s2;
	vm12 =	vlt.s32 v39, $0x27FF;
	vm13 =	vlt.s32 v40, $0x27FF;
	vm14 =	vlt.s32 v42, $0x27FF  }
0x1a: {  	s16 =	sadd.s32 $0xC400, s17;
	s17 =	sadd.s32 $0x2400, s17;
	s20 =	simm.s32 $0xA100;
	vm15 =	vlt.s32 v45, $0x27FF;
	v29 =	vnsel vm6, $0x27FF, v26;
	v31 =	vnsel vm7, $0x27FF, v28  }
0x1b: {  	s24 =	simm.s32 $0x7800;
	_ =	strace $0x8000004D;
	s7 =	sadd.s32 $0x1040, s6;
	v33 =	vnsel vm8, $0x27FF, v30;
	v35 =	vnsel vm9, $0x27FF, v32;
	v37 =	vnsel vm10, $0x27FF, v34  }
0x1c: {  	s8 =	sadd.s32 $0x2080, s6;
	s9 =	sadd.s32 $0x30C0, s6;
	s10 =	sadd.s32 $0x4100, s6;
	v38 =	vnsel vm11, $0x27FF, v36;
	v39 =	vnsel vm12, $0x27FF, v39;
	v40 =	vnsel vm13, $0x27FF, v40  }
0x1d: {  	s11 =	sadd.s32 $0x5140, s6;
	s12 =	sadd.s32 $0x6180, s6;
	s13 =	sadd.s32 $0x71C0, s6;
	v42 =	vnsel vm14, $0x27FF, v42;
	v45 =	vnsel vm15, $0x27FF, v45;
	v43 =	vor.u32 $0xA0000, v39  }
0x1e: {  	s14 =	sadd.s32 $0x8200, s6;
	s15 =	sadd.s32 $0x9240, s6;
	s18 =	sadd.s32 $0x8F000, s1;
	v44 =	vor.u32 $0xA0000, v40;
	v46 =	vor.u32 $0xA0000, v42;
	v47 =	vor.u32 $0xA0000, v45  }
.LBB2_1:
0x1f: {  	s31 =	simm.s32 $0x40;
	s1 =	simm.s32 $0x0  }
.LBB2_2:
0x20: {  	p0 =	sne.s32 s31, $0x40C0;
	[tilespmem:s1+$0xA100] =	vst v48;
	s1 =	smov.u32 s31;
	s31 =	sadd.s32 $0x40, s31  }
.Ltmp0:
0x21: {  	(pc) =	sbr.rel @p0 .LBB2_2-.Ltmp0, $2  }
0x22: {  	_ =	sdelay $0x2  }
0x23: {  	s1 =	sshra.s32 s1, $0x2  }
0x24: {  	[tilespmem:s1+$0xA100] =	vst v48  }
0x25: {  	[spmem:s6] =	stream.linear.scatter [tilespmem:s20], [sflag:$0x1], $0x1040, $0x38;
	[tilespmem:$0x15400] =	vst v63  }
0x26: {  	_ =	swait.ge [sflag:s21], $0x1040  }
0x27: {  	[sflag:s21] =	ssyncset.done $0x0  }
0x28: {  	[sflag:s21] =	ssyncadd.s32 $0xFFFFEFC0  }
0x29: {  	[spmem:s7] =	stream.linear.scatter [tilespmem:s20], [sflag:$0x1], $0x1040, $0x38;
	[tilespmem:$0x15400] =	vst v63  }
0x2a: {  	_ =	swait.ge [sflag:s21], $0x1040  }
0x2b: {  	[sflag:s21] =	ssyncset.done $0x0  }
0x2c: {  	[sflag:s21] =	ssyncadd.s32 $0xFFFFEFC0  }
0x2d: {  	[spmem:s8] =	stream.linear.scatter [tilespmem:s20], [sflag:$0x1], $0x1040, $0x38;
	[tilespmem:$0x15400] =	vst v63  }
0x2e: {  	_ =	swait.ge [sflag:s21], $0x1040  }
0x2f: {  	[sflag:s21] =	ssyncset.done $0x0  }
0x30: {  	[sflag:s21] =	ssyncadd.s32 $0xFFFFEFC0  }
0x31: {  	[spmem:s9] =	stream.linear.scatter [tilespmem:s20], [sflag:$0x1], $0x1040, $0x38;
	[tilespmem:$0x15400] =	vst v63  }
0x32: {  	_ =	swait.ge [sflag:s21], $0x1040  }
0x33: {  	[sflag:s21] =	ssyncset.done $0x0  }
0x34: {  	[sflag:s21] =	ssyncadd.s32 $0xFFFFEFC0  }
0x35: {  	[spmem:s10] =	stream.linear.scatter [tilespmem:s20], [sflag:$0x1], $0x1040, $0x38;
	[tilespmem:$0x15400] =	vst v63  }
0x36: {  	_ =	swait.ge [sflag:s21], $0x1040  }
0x37: {  	[sflag:s21] =	ssyncset.done $0x0  }
0x38: {  	[sflag:s21] =	ssyncadd.s32 $0xFFFFEFC0  }
0x39: {  	[spmem:s11] =	stream.linear.scatter [tilespmem:s20], [sflag:$0x1], $0x1040, $0x38;
	[tilespmem:$0x15400] =	vst v63  }
0x3a: {  	_ =	swait.ge [sflag:s21], $0x1040  }
0x3b: {  	[sflag:s21] =	ssyncset.done $0x0  }
0x3c: {  	[sflag:s21] =	ssyncadd.s32 $0xFFFFEFC0  }
0x3d: {  	[spmem:s12] =	stream.linear.scatter [tilespmem:s20], [sflag:$0x1], $0x1040, $0x38;
	[tilespmem:$0x15400] =	vst v63  }
0x3e: {  	_ =	swait.ge [sflag:s21], $0x1040  }
0x3f: {  	[sflag:s21] =	ssyncset.done $0x0  }
0x40: {  	[sflag:s21] =	ssyncadd.s32 $0xFFFFEFC0  }
0x41: {  	[spmem:s13] =	stream.linear.scatter [tilespmem:s20], [sflag:$0x1], $0x1040, $0x38;
	[tilespmem:$0x15400] =	vst v63  }
0x42: {  	_ =	swait.ge [sflag:s21], $0x1040  }
0x43: {  	[sflag:s21] =	ssyncset.done $0x0  }
0x44: {  	[sflag:s21] =	ssyncadd.s32 $0xFFFFEFC0  }
0x45: {  	[spmem:s14] =	stream.linear.scatter [tilespmem:s20], [sflag:$0x1], $0x1040, $0x38;
	[tilespmem:$0x15400] =	vst v63  }
0x46: {  	_ =	swait.ge [sflag:s21], $0x1040  }
0x47: {  	[sflag:s21] =	ssyncset.done $0x0  }
0x48: {  	[sflag:s21] =	ssyncadd.s32 $0xFFFFEFC0  }
0x49: {  	[spmem:s15] =	stream.linear.scatter [tilespmem:s20], [sflag:$0x1], $0x1040, $0x38;
	[tilespmem:$0x15400] =	vst v63  }
0x4a: {  	_ =	swait.ge [sflag:s21], $0x1040  }
0x4b: {  	[sflag:s21] =	ssyncset.done $0x0  }
0x4c: {  	s31 =	simm.s32 $0x0;
	[sflag:s21] =	ssyncadd.s32 $0xFFFFEFC0  }
0x4d: {  	[tilespmem:s31], [sflag:$0x1] =	stream.linear.gather [hbm4b:s16+s31], $0x2800, $0x38;
	[tilespmem:$0x15400] =	vst v63  }
0x4e: {  	_ =	swait.ge [sflag:s21], $0x2800  }
0x4f: {  	[sflag:s21] =	ssyncset.done $0x0  }
0x50: {  	[sflag:s21] =	ssyncadd.s32 $0xFFFFD800  }
0x51: {  	[tilespmem:s22], [sflag:$0x1] =	stream.linear.gather [hbm4b:s17+s31], $0x2800, $0x38;
	[tilespmem:$0x15400] =	vst v63  }
0x52: {  	_ =	swait.ge [sflag:s21], $0x2800  }
0x53: {  	[sflag:s21] =	ssyncset.done $0x0  }
0x54: {  	[sflag:s21] =	ssyncadd.s32 $0xFFFFD800  }
0x55: {  	[tilespmem:s23], [sflag:$0x1] =	stream.linear.gather [hbm4b:s4+s31], $0x2800, $0x38;
	[tilespmem:$0x15400] =	vst v63  }
0x56: {  	_ =	swait.ge [sflag:s21], $0x2800  }
0x57: {  	[sflag:s21] =	ssyncset.done $0x0  }
0x58: {  	[sflag:s21] =	ssyncadd.s32 $0xFFFFD800  }
0x59: {  	[tilespmem:s24], [sflag:$0x1] =	stream.linear.gather [hbm4b:s5+s31], $0x2800, $0x38;
	[tilespmem:$0x15400] =	vst v63  }
0x5a: {  	_ =	swait.ge [sflag:s21], $0x2800  }
0x5b: {  	[sflag:s21] =	ssyncset.done $0x0  }
0x5c: {  	[sflag:s21] =	ssyncadd.s32 $0xFFFFD800  }
0x5d: {  	[bflag:$0x0] =	sbarrier.arrive $0xFFFF  }
.LBB2_4:
0x5e: {  	s1 =	sshra.s32 s31, $0x2  }
0x5f: {  	v49 =	vld [tilespmem:s1+$0x2800];
	_ =	sdelay $0x7  }
0x60: {  	v50 =	vld.idx.msk [tilespmem:v49+s24+$0x0], $0xffff  }
0x61: {  	v51 =	vld [tilespmem:s1+$0x0]  }
0x62: {  	v49 =	vld.idx.msk [tilespmem:v49+s23+$0x0], $0xffff;
	_ =	sdelay $0x2  }
0x63: {  	v50 =	vmul.u32 $0x2800, v50;
	_ =	sdelay $0x1  }
0x64: {  	[tilespmem:$0xA080] =	vst v49;
	v50 =	vadd.s32 v51, v50  }
0x65: {  	[tilespmem:$0xA000] =	vst v50  }
0x66: {  	v49 =	vld [tilespmem:s1+$0x2810];
	_ =	sdelay $0x7  }
0x67: {  	v50 =	vld.idx.msk [tilespmem:v49+s24+$0x0], $0xffff  }
0x68: {  	v57 =	vld [tilespmem:s1+$0x10]  }
0x69: {  	v49 =	vld.idx.msk [tilespmem:v49+s23+$0x0], $0xffff;
	_ =	sdelay $0x2  }
0x6a: {  	v50 =	vmul.u32 $0x2800, v50;
	_ =	sdelay $0x1  }
0x6b: {  	[tilespmem:$0xA090] =	vst v49;
	v50 =	vadd.s32 v57, v50  }
0x6c: {  	[tilespmem:$0xA010] =	vst v50  }
0x6d: {  	v49 =	vld [tilespmem:s1+$0x2820];
	_ =	sdelay $0x7  }
0x6e: {  	v50 =	vld.idx.msk [tilespmem:v49+s24+$0x0], $0xffff  }
0x6f: {  	v58 =	vld [tilespmem:s1+$0x20]  }
0x70: {  	v49 =	vld.idx.msk [tilespmem:v49+s23+$0x0], $0xffff;
	_ =	sdelay $0x2  }
0x71: {  	v50 =	vmul.u32 $0x2800, v50;
	_ =	sdelay $0x1  }
0x72: {  	[tilespmem:$0xA0A0] =	vst v49;
	v50 =	vadd.s32 v58, v50  }
0x73: {  	[tilespmem:$0xA020] =	vst v50  }
0x74: {  	v49 =	vld [tilespmem:s1+$0x2830];
	_ =	sdelay $0x7  }
0x75: {  	v50 =	vld.idx.msk [tilespmem:v49+s24+$0x0], $0xffff  }
0x76: {  	v59 =	vld [tilespmem:s1+$0x30]  }
0x77: {  	v49 =	vld.idx.msk [tilespmem:v49+s23+$0x0], $0xffff;
	_ =	sdelay $0x2  }
0x78: {  	v50 =	vmul.u32 $0x2800, v50;
	_ =	sdelay $0x1  }
0x79: {  	[tilespmem:$0xA0B0] =	vst v49;
	v50 =	vadd.s32 v59, v50  }
0x7a: {  	[tilespmem:$0xA030] =	vst v50  }
0x7b: {  	v49 =	vld [tilespmem:s1+$0x2840];
	_ =	sdelay $0x7  }
0x7c: {  	v50 =	vld.idx.msk [tilespmem:v49+s24+$0x0], $0xffff  }
0x7d: {  	v60 =	vld [tilespmem:s1+$0x40]  }
0x7e: {  	v49 =	vld.idx.msk [tilespmem:v49+s23+$0x0], $0xffff;
	_ =	sdelay $0x2  }
0x7f: {  	v50 =	vmul.u32 $0x2800, v50;
	_ =	sdelay $0x1  }
0x80: {  	[tilespmem:$0xA0C0] =	vst v49;
	v50 =	vadd.s32 v60, v50  }
0x81: {  	[tilespmem:$0xA040] =	vst v50  }
0x82: {  	v49 =	vld [tilespmem:s1+$0x2850];
	_ =	sdelay $0x7  }
0x83: {  	v50 =	vld.idx.msk [tilespmem:v49+s24+$0x0], $0xffff  }
0x84: {  	v61 =	vld [tilespmem:s1+$0x50]  }
0x85: {  	v49 =	vld.idx.msk [tilespmem:v49+s23+$0x0], $0xffff;
	_ =	sdelay $0x2  }
0x86: {  	v50 =	vmul.u32 $0x2800, v50;
	_ =	sdelay $0x1  }
0x87: {  	[tilespmem:$0xA0D0] =	vst v49;
	v50 =	vadd.s32 v61, v50  }
0x88: {  	[tilespmem:$0xA050] =	vst v50  }
0x89: {  	v49 =	vld [tilespmem:s1+$0x2860];
	_ =	sdelay $0x7  }
0x8a: {  	v50 =	vld.idx.msk [tilespmem:v49+s24+$0x0], $0xffff  }
0x8b: {  	v62 =	vld [tilespmem:s1+$0x60]  }
0x8c: {  	v49 =	vld.idx.msk [tilespmem:v49+s23+$0x0], $0xffff;
	_ =	sdelay $0x2  }
0x8d: {  	v50 =	vmul.u32 $0x2800, v50;
	_ =	sdelay $0x1  }
0x8e: {  	[tilespmem:$0xA0E0] =	vst v49;
	v50 =	vadd.s32 v62, v50  }
0x8f: {  	[tilespmem:$0xA060] =	vst v50  }
0x90: {  	v49 =	vld [tilespmem:s1+$0x2870];
	_ =	sdelay $0x7  }
0x91: {  	v50 =	vld.idx.msk [tilespmem:v49+s24+$0x0], $0xffff  }
0x92: {  	v63 =	vld [tilespmem:s1+$0x70]  }
0x93: {  	v49 =	vld.idx.msk [tilespmem:v49+s23+$0x0], $0xffff;
	_ =	sdelay $0x2  }
0x94: {  	v50 =	vmul.u32 $0x2800, v50;
	_ =	sdelay $0x1  }
0x95: {  	p0 =	sne.s32 s31, $0x9E00;
	[tilespmem:$0xA0F0] =	vst v49;
	v50 =	vadd.s32 v63, v50  }
.Ltmp1:
0x96: {  	[tilespmem:$0xA070] =	vst v50;
	(pc) =	sbr.rel @p0 .LBB2_4-.Ltmp1, $4  }
0x97: {  	[spmem:s2] =	stream.indirect.scatter.add.f32 [tilespmem:s28], [sflag:$0x1], $0x1, s26, s25, $0xb8;
	[tilespmem:$0x15400] =	vst v63  }
0x98: {  	_ =	swait.ge [sflag:s21], $0x80  }
0x99: {  	[sflag:s21] =	ssyncset.done $0x0  }
0x9a: {  	s31 =	sadd.s32 $0x200, s31;
	[sflag:s21] =	ssyncadd.s32 $0xFFFFFF80  }
0x9b: {  	_ =	sdelay $0x3  }
0x9c: {  	v49 =	vld.idx.msk [tilespmem:v41+s24+$0x0], $0xffff;
	_ =	sdelay $0x1  }
0x9d: {  	v50 =	vld.idx.msk [tilespmem:v41+s23+$0x0], $0xffff;
	_ =	sdelay $0x2  }
0x9e: {  	v49 =	vmul.u32 $0x2800, v49;
	_ =	sdelay $0x1  }
0x9f: {  	[tilespmem:$0xA080] =	vst v50;
	v49 =	vadd.s32 v1, v49  }
0xa0: {  	[tilespmem:$0xA000] =	vst v49  }
0xa1: {  	v49 =	vld.idx.msk [tilespmem:v3+s24+$0x0], $0xffff;
	_ =	sdelay $0x1  }
0xa2: {  	v50 =	vld.idx.msk [tilespmem:v3+s23+$0x0], $0xffff;
	_ =	sdelay $0x2  }
0xa3: {  	v49 =	vmul.u32 $0x2800, v49;
	_ =	sdelay $0x1  }
0xa4: {  	[tilespmem:$0xA090] =	vst v50;
	v49 =	vadd.s32 v0, v49  }
0xa5: {  	[tilespmem:$0xA010] =	vst v49  }
0xa6: {  	v49 =	vld.idx.msk [tilespmem:v5+s24+$0x0], $0xffff;
	_ =	sdelay $0x1  }
0xa7: {  	v50 =	vld.idx.msk [tilespmem:v5+s23+$0x0], $0xffff;
	_ =	sdelay $0x2  }
0xa8: {  	v49 =	vmul.u32 $0x2800, v49;
	_ =	sdelay $0x1  }
0xa9: {  	[tilespmem:$0xA0A0] =	vst v50;
	v49 =	vadd.s32 v2, v49  }
0xaa: {  	[tilespmem:$0xA020] =	vst v49  }
0xab: {  	v49 =	vld.idx.msk [tilespmem:v7+s24+$0x0], $0xffff;
	_ =	sdelay $0x1  }
0xac: {  	v50 =	vld.idx.msk [tilespmem:v7+s23+$0x0], $0xffff;
	_ =	sdelay $0x2  }
0xad: {  	v49 =	vmul.u32 $0x2800, v49;
	_ =	sdelay $0x1  }
0xae: {  	[tilespmem:$0xA0B0] =	vst v50;
	v49 =	vadd.s32 v4, v49  }
0xaf: {  	[tilespmem:$0xA030] =	vst v49  }
0xb0: {  	v49 =	vld.idx.msk [tilespmem:v9+s24+$0x0], $0xffff;
	_ =	sdelay $0x1  }
0xb1: {  	v50 =	vld.idx.msk [tilespmem:v9+s23+$0x0], $0xffff;
	_ =	sdelay $0x2  }
0xb2: {  	v49 =	vmul.u32 $0x2800, v49;
	_ =	sdelay $0x1  }
0xb3: {  	[tilespmem:$0xA0C0] =	vst v50;
	v49 =	vadd.s32 v6, v49  }
0xb4: {  	[tilespmem:$0xA040] =	vst v49  }
0xb5: {  	v49 =	vld.idx.msk [tilespmem:v11+s24+$0x0], $0xffff;
	_ =	sdelay $0x1  }
0xb6: {  	v50 =	vld.idx.msk [tilespmem:v11+s23+$0x0], $0xffff;
	_ =	sdelay $0x2  }
0xb7: {  	v49 =	vmul.u32 $0x2800, v49;
	_ =	sdelay $0x1  }
0xb8: {  	[tilespmem:$0xA0D0] =	vst v50;
	v49 =	vadd.s32 v8, v49  }
0xb9: {  	[tilespmem:$0xA050] =	vst v49  }
0xba: {  	v49 =	vld.idx.msk [tilespmem:v13+s24+$0x0], $0xffff;
	_ =	sdelay $0x1  }
0xbb: {  	v50 =	vld.idx.msk [tilespmem:v13+s23+$0x0], $0xffff;
	_ =	sdelay $0x2  }
0xbc: {  	v49 =	vmul.u32 $0x2800, v49;
	_ =	sdelay $0x1  }
0xbd: {  	[tilespmem:$0xA0E0] =	vst v50;
	v49 =	vadd.s32 v10, v49  }
0xbe: {  	[tilespmem:$0xA060] =	vst v49  }
0xbf: {  	v49 =	vld.idx.msk [tilespmem:v15+s24+$0x0], $0xffff;
	_ =	sdelay $0x1  }
0xc0: {  	v50 =	vld.idx.msk [tilespmem:v15+s23+$0x0], $0xffff;
	_ =	sdelay $0x2  }
0xc1: {  	v49 =	vmul.u32 $0x2800, v49;
	_ =	sdelay $0x1  }
0xc2: {  	[tilespmem:$0xA0F0] =	vst v50;
	v49 =	vadd.s32 v12, v49  }
0xc3: {  	[tilespmem:$0xA070] =	vst v49  }
0xc4: {  	[spmem:s2] =	stream.indirect.scatter.add.f32 [tilespmem:s28], [sflag:$0x1], $0x1, s26, s25, $0xb8;
	[tilespmem:$0x15400] =	vst v63  }
0xc5: {  	_ =	swait.ge [sflag:s21], $0x80  }
0xc6: {  	[sflag:s21] =	ssyncset.done $0x0  }
0xc7: {  	[sflag:s21] =	ssyncadd.s32 $0xFFFFFF80  }
0xc8: {  	v60 =	vld.idx.msk [tilespmem:v17+s24+$0x0], $0xffff;
	_ =	sdelay $0x1  }
0xc9: {  	v61 =	vld.idx.msk [tilespmem:v17+s23+$0x0], $0xffff;
	_ =	sdelay $0x2  }
0xca: {  	v49 =	vmul.u32 $0x2800, v60;
	_ =	sdelay $0x1  }
0xcb: {  	[tilespmem:$0xA080] =	vst v61;
	v49 =	vadd.s32 v14, v49  }
0xcc: {  	[tilespmem:$0xA000] =	vst v49  }
0xcd: {  	v49 =	vld.idx.msk [tilespmem:v19+s24+$0x0], $0xffff;
	_ =	sdelay $0x1  }
0xce: {  	v50 =	vld.idx.msk [tilespmem:v19+s23+$0x0], $0xffff;
	_ =	sdelay $0x2  }
0xcf: {  	v49 =	vmul.u32 $0x2800, v49;
	_ =	sdelay $0x1  }
0xd0: {  	[tilespmem:$0xA090] =	vst v50;
	v49 =	vadd.s32 v16, v49  }
0xd1: {  	[tilespmem:$0xA010] =	vst v49  }
0xd2: {  	v49 =	vld.idx.msk [tilespmem:v21+s24+$0x0], $0xffff;
	_ =	sdelay $0x1  }
0xd3: {  	v50 =	vld.idx.msk [tilespmem:v21+s23+$0x0], $0xffff;
	_ =	sdelay $0x2  }
0xd4: {  	v49 =	vmul.u32 $0x2800, v49;
	_ =	sdelay $0x1  }
0xd5: {  	[tilespmem:$0xA0A0] =	vst v50;
	v49 =	vadd.s32 v18, v49  }
0xd6: {  	[tilespmem:$0xA020] =	vst v49  }
0xd7: {  	v49 =	vld.idx.msk [tilespmem:v23+s24+$0x0], $0xffff;
	_ =	sdelay $0x1  }
0xd8: {  	v50 =	vld.idx.msk [tilespmem:v23+s23+$0x0], $0xffff;
	_ =	sdelay $0x2  }
0xd9: {  	v49 =	vmul.u32 $0x2800, v49;
	_ =	sdelay $0x1  }
0xda: {  	[tilespmem:$0xA0B0] =	vst v50;
	v49 =	vadd.s32 v20, v49  }
0xdb: {  	[tilespmem:$0xA030] =	vst v49  }
0xdc: {  	v49 =	vld.idx.msk [tilespmem:v25+s24+$0x0], $0xffff;
	_ =	sdelay $0x1  }
0xdd: {  	v50 =	vld.idx.msk [tilespmem:v25+s23+$0x0], $0xffff;
	_ =	sdelay $0x2  }
0xde: {  	v49 =	vmul.u32 $0x2800, v49;
	_ =	sdelay $0x1  }
0xdf: {  	[tilespmem:$0xA0C0] =	vst v50;
	v49 =	vadd.s32 v22, v49  }
0xe0: {  	[tilespmem:$0xA040] =	vst v49  }
0xe1: {  	v49 =	vld.idx.msk [tilespmem:v27+s24+$0x0], $0xffff;
	_ =	sdelay $0x1  }
0xe2: {  	v50 =	vld.idx.msk [tilespmem:v27+s23+$0x0], $0xffff;
	_ =	sdelay $0x2  }
0xe3: {  	v49 =	vmul.u32 $0x2800, v49;
	_ =	sdelay $0x1  }
0xe4: {  	[tilespmem:$0xA0D0] =	vst v50;
	v49 =	vadd.s32 v24, v49  }
0xe5: {  	[tilespmem:$0xA050] =	vst v49  }
0xe6: {  	v49 =	vld.idx.msk [tilespmem:v29+s24+$0x0], $0xffff;
	_ =	sdelay $0x1  }
0xe7: {  	v50 =	vld.idx.msk [tilespmem:v29+s23+$0x0], $0xffff;
	_ =	sdelay $0x2  }
0xe8: {  	v49 =	vmul.u32 $0x2800, v49;
	_ =	sdelay $0x1  }
0xe9: {  	[tilespmem:$0xA0E0] =	vst v50;
	v49 =	vadd.s32 v26, v49  }
0xea: {  	[tilespmem:$0xA060] =	vst v49  }
0xeb: {  	v49 =	vld.idx.msk [tilespmem:v31+s24+$0x0], $0xffff;
	_ =	sdelay $0x1  }
0xec: {  	v50 =	vld.idx.msk [tilespmem:v31+s23+$0x0], $0xffff;
	_ =	sdelay $0x2  }
0xed: {  	v49 =	vmul.u32 $0x2800, v49;
	_ =	sdelay $0x1  }
0xee: {  	[tilespmem:$0xA0F0] =	vst v50;
	v49 =	vadd.s32 v28, v49  }
0xef: {  	[tilespmem:$0xA070] =	vst v49  }
0xf0: {  	[spmem:s2] =	stream.indirect.scatter.add.f32 [tilespmem:s28], [sflag:$0x1], $0x1, s26, s25, $0xb8;
	[tilespmem:$0x15400] =	vst v63  }
0xf1: {  	_ =	swait.ge [sflag:s21], $0x80  }
0xf2: {  	[sflag:s21] =	ssyncset.done $0x0  }
0xf3: {  	[sflag:s21] =	ssyncadd.s32 $0xFFFFFF80  }
0xf4: {  	v62 =	vld.idx.msk [tilespmem:v33+s24+$0x0], $0xffff;
	_ =	sdelay $0x1  }
0xf5: {  	v63 =	vld.idx.msk [tilespmem:v33+s23+$0x0], $0xffff;
	_ =	sdelay $0x2  }
0xf6: {  	v49 =	vmul.u32 $0x2800, v62;
	_ =	sdelay $0x1  }
0xf7: {  	[tilespmem:$0xA080] =	vst v63;
	v49 =	vadd.s32 v30, v49  }
0xf8: {  	[tilespmem:$0xA000] =	vst v49  }
0xf9: {  	v49 =	vld.idx.msk [tilespmem:v35+s24+$0x0], $0xffff;
	_ =	sdelay $0x1  }
0xfa: {  	v50 =	vld.idx.msk [tilespmem:v35+s23+$0x0], $0xffff;
	_ =	sdelay $0x2  }
0xfb: {  	v49 =	vmul.u32 $0x2800, v49;
	_ =	sdelay $0x1  }
0xfc: {  	[tilespmem:$0xA090] =	vst v50;
	v49 =	vadd.s32 v32, v49  }
0xfd: {  	[tilespmem:$0xA010] =	vst v49  }
0xfe: {  	v49 =	vld.idx.msk [tilespmem:v37+s24+$0x0], $0xffff;
	_ =	sdelay $0x1  }
0xff: {  	v50 =	vld.idx.msk [tilespmem:v37+s23+$0x0], $0xffff;
	_ =	sdelay $0x2  }
0x100: {  	v49 =	vmul.u32 $0x2800, v49;
	_ =	sdelay $0x1  }
0x101: {  	[tilespmem:$0xA0A0] =	vst v50;
	v49 =	vadd.s32 v34, v49  }
0x102: {  	[tilespmem:$0xA020] =	vst v49  }
0x103: {  	v49 =	vld.idx.msk [tilespmem:v38+s24+$0x0], $0xffff;
	_ =	sdelay $0x1  }
0x104: {  	v50 =	vld.idx.msk [tilespmem:v38+s23+$0x0], $0xffff;
	_ =	sdelay $0x2  }
0x105: {  	v49 =	vmul.u32 $0x2800, v49;
	_ =	sdelay $0x1  }
0x106: {  	[tilespmem:$0xA0B0] =	vst v50;
	v49 =	vadd.s32 v36, v49  }
0x107: {  	[tilespmem:$0xA030] =	vst v49  }
0x108: {  	v49 =	vld.idx.msk [tilespmem:v39+s23+$0x0], $0xffff;
	_ =	sdelay $0x3  }
0x109: {  	[tilespmem:$0xA040] =	vst v43  }
0x10a: {  	[tilespmem:$0xA0C0] =	vst v49  }
0x10b: {  	v49 =	vld.idx.msk [tilespmem:v40+s23+$0x0], $0xffff;
	_ =	sdelay $0x3  }
0x10c: {  	[tilespmem:$0xA050] =	vst v44  }
0x10d: {  	[tilespmem:$0xA0D0] =	vst v49  }
0x10e: {  	v49 =	vld.idx.msk [tilespmem:v42+s23+$0x0], $0xffff;
	_ =	sdelay $0x3  }
0x10f: {  	[tilespmem:$0xA060] =	vst v46  }
0x110: {  	[tilespmem:$0xA0E0] =	vst v49  }
0x111: {  	v49 =	vld.idx.msk [tilespmem:v45+s23+$0x0], $0xffff;
	_ =	sdelay $0x3  }
0x112: {  	[tilespmem:$0xA070] =	vst v47  }
0x113: {  	[tilespmem:$0xA0F0] =	vst v49  }
0x114: {  	[spmem:s2] =	stream.indirect.scatter.add.f32 [tilespmem:s28], [sflag:$0x1], $0x1, s26, s25, $0xb8;
	[tilespmem:$0x15400] =	vst v63  }
0x115: {  	_ =	swait.ge [sflag:s21], $0x80  }
0x116: {  	s1 =	sshll.u32 s0, $0x6;
	s3 =	sadd.s32 $0x1, s3;
	[sflag:s21] =	ssyncset.done $0x0  }
0x117: {  	s31 =	sshrl.u32 s6, $0x3;
	p0 =	sne.s32 s3, s19;
	[sflag:s21] =	ssyncadd.s32 $0xFFFFFF80  }
.Ltmp2:
0x118: {  	s1 =	sor.u32 $0x1C01, s1;
	[bflag:$0x0] =	sbarrier.arrive $0xFFFF;
	(pc) =	sbr.rel @p0 .LBB2_1-.Ltmp2, $4  }
0x119: {  	[hbm:s18@s29], [sflag:s1] =	dma.strided [spmem:s31@s30], $0x1450, s21, $0x10   }
0x11a: {  	_ =	swait.ge [sflag:s21], $0x1450  }
0x11b: {  	[sflag:s21] =	ssyncset.done $0x0  }
0x11c: {  	[sflag:s21] =	ssyncadd.s32 $0xFFFFEBB0  }
0x11d: {  	_ =	sfence.sel $0x180000  }
0x11e: {  	[bflag:$0x0] =	sbarrier.arrive $0xFFFF  }
0x11f: {  	_ =	strace $0x9000004D  }
0x120: {  	[bflag:$0x2] =	sbarrier.arrive $0xFFFF  }
0x121: {  	p0 =	sne.s32 s0, $0x0;
	s0 =	rddreg [dreg:$0x2]  }
0x122: {  	s0 =	sadd.s32 @!p0 $0x100000, s0  }
0x123: {  	[sflag:s0] =	ssyncadd.tile.s32 @!p0 $0x1;
	_ =	shalt  }
.Lfunc_end2:
_tile_overlayer_lowered:
.L_overlay_start_2:
0x124: {  	(tag) =	ssettag $0x2  }
0x125: {  	s0 =	rddreg [dreg:$0x0];
	s2 =	stileid.u32  }
0x126: {  	s1 =	rddreg [dreg:$0x1];
	p0 =	sne.s32 s2, $0x0  }
0x127: {  	s3 =	rddreg [dreg:$0x2];
	[bflag:$0x3] =	sbarrier.arrive $0xFFFF;
	s2 =	simm.s32 @!p0 $0x1C01  }
0x128: {  	[timem:s3], [sflag:s2] =	dma.local @!p0 [hbm:s0], s1  }
0x129: {  	s0 =	simm.s32 @!p0 $0x1  }
0x12a: {  	_ =	swait.ge @!p0 [sflag:s0], s1  }
0x12b: {  	s1 =	ssub.s32 @!p0 $0x0, s1;
	[sflag:s0] =	ssyncset.done @!p0 $0x0  }
0x12c: {  	[sflag:s0] =	ssyncadd.s32 @!p0 s1  }
0x12d: {  	[bflag:$0x3] =	sbarrier.arrive $0xFFFF  }
0x12e: {  	_ =	shalt  }

// kernel: kernel.8.cloned.1.call-start
scs
__scs_entry_jumppad:
0x0: {  	(pc) =	sbr.rel $0x88, $3  }
0x1: {  	(tag) =	ssettag $0x0;
	lr =	simm.s32 $0x1  }
0x2: {  	[smem:$0x3F98] =	sst lr;
	_ =	strace $0xD0000000  }
0x3: {  	_ = 	snop  }
0x4: {  	_ = 	snop  }
0x5: {  	_ = 	snop  }
0x6: {  	_ = 	snop  }
0x7: {  	_ = 	snop  }
__scs_overlays_trampoline_lowered:
0x8: {  	[smem:$0x3FA7] =	sst s0  }
0x9: {  	[smem:$0x3FA8] =	sst s1  }
0xa: {  	[smem:$0x3FA9] =	sst s2  }
0xb: {  	[smem:$0x3FAA] =	sst s3  }
0xc: {  	[smem:$0x3FAB] =	sst s4  }
0xd: {  	[smem:$0x3FAC] =	sst s5  }
0xe: {  	[smem:$0x3FAD] =	sst s6  }
0xf: {  	[smem:$0x3FAE] =	sst s7  }
0x10: {  	[smem:$0x3FAF] =	sst s8  }
0x11: {  	[smem:$0x3FB0] =	sst s9;
	s0 =	simm.s32 @!p0 $0x0  }
0x12: {  	s1 =	sld [smem:$0x3F96];
	s0 =	simm.s32 @p0 $0x1  }
0x13: {  	[smem:$0x3FB1] =	sst s0;
	s0 =	simm.s32 @!p1 $0x0  }
0x14: {  	s2 =	sld [smem:$0x3F95];
	s0 =	simm.s32 @p1 $0x1  }
0x15: {  	[smem:$0x3FB2] =	sst s0;
	s0 =	simm.s32 @!p2 $0x0  }
0x16: {  	s3 =	sld [smem:$0x3FDB];
	s0 =	simm.s32 @p2 $0x1  }
0x17: {  	s4 =	simm.s32 $0x1BF5;
	[smem:$0x3FB4] =	sst s0  }
0x18: {  	s0 =	sld [smem:$0x3F97];
	_ =	swait.ge [sflag:s4], $0x0  }
0x19: {  	s7 =	sld [smem:$0x3F98]  }
0x1a: {  	s8 =	sadd.s32 $0xFFFFE003, lr  }
0x1b: {  	s9 =	sadd.s32 $0xFFFFFEF7, lr;
	s5 =	simm.s32 $0xFFFFFFFF;
	p2 =	slt.u32 s8, $0xFFFFF086  }
0x1c: {  	p1 =	slt.u32 s9, $0xF7A;
	s5 =	simm.s32 @!p2 $0x0  }
0x1d: {  	s5 =	simm.s32 @p1 $0x1;
	p0 =	seq.s32 s7, s2  }
0x1e: {  	s7 =	smul.u32 @!p0 $0xF7A, s2;
	p2 =	seq.s32 @!p0 s5, $0x0  }
0x1f: {  	s9 =	smul.u32 $0xF7A, s1;
	s8 =	simm.s32 @!p0 $0x1BF5;
	p2 =	por !p2, p0  }
0x20: {  	[sflag:s8] =	ssyncset.s32 @!p0 $0xFFFFF086;
	s6 =	sadd.s32 @!p0 s3, s7;
	s7 =	simm.s32 @!p0 $0x108  }
0x21: {  	s3 =	sadd.s32 s3, s9;
	s6 =	sadd.s32 @!p0 $0x88, s6;
	s7 =	simm.s32 @p2 $0x1082  }
0x22: {  	[simem:s7], [sflag:s8] =	dma.local @!p0 [hbm:s6], $0xF7A  }
0x23: {  	s9 =	sor.u32 $0xD0000000, s2;
	s6 =	simm.s32 $0x108;
	_ =	swait.ge @!p0 [sflag:s8], $0x0  }
0x24: {  	s3 =	sadd.s32 $0x88, s3;
	s6 =	simm.s32 @!p1 $0x1082;
	[sflag:s4] =	ssyncset.s32 $0xFFFFF086  }
0x25: {  	[simem:s6], [sflag:s4] =	dma.local [hbm:s3], $0xF7A  }
0x26: {  	[smem:$0x3F98] =	sst s1;
	(tag) =	ssettag s2;
	_ =	strace s9  }
0x27: {  	s1 =	sld [smem:$0x3FA8]  }
0x28: {  	s2 =	sld [smem:$0x3FA9]  }
0x29: {  	s4 =	sld [smem:$0x3FAB]  }
0x2a: {  	p0 =	seq.s32 s5, $0x0;
	s5 =	sld [smem:$0x3FAC]  }
0x2b: {  	s6 =	sld [smem:$0x3FAD]  }
0x2c: {  	s7 =	sld [smem:$0x3FAE]  }
0x2d: {  	s3 =	simm.s32 $0x108;
	s8 =	sld [smem:$0x3FAF]  }
0x2e: {  	s3 =	simm.s32 @!p0 $0x1082;
	s9 =	sld [smem:$0x3FB0]  }
0x2f: {  	lr =	sadd.s32 s0, s3;
	s0 =	sld [smem:$0x3FA7]  }
0x30: {  	s3 =	sld [smem:$0x3FAA]  }
0x31: {  	[smem:$0x3FB3] =	sst s10  }
0x32: {  	s10 =	sld [smem:$0x3FB1];
	_ =	sdelay $0x3  }
0x33: {  	p0 =	seq.s32 s10, $0x1;
	s10 =	sld [smem:$0x3FB3];
	_ =	sdelay $0x3  }
0x34: {  	[smem:$0x3FB3] =	sst s10  }
0x35: {  	s10 =	sld [smem:$0x3FB2];
	_ =	sdelay $0x3  }
0x36: {  	p1 =	seq.s32 s10, $0x1;
	s10 =	sld [smem:$0x3FB3];
	_ =	sdelay $0x3  }
0x37: {  	[smem:$0x3FB3] =	sst s10  }
0x38: {  	s10 =	sld [smem:$0x3FB4]  }
0x39: {  	_ = 	snop;
	(pc) =	sbr.ind lr, $3  }
0x3a: {  	_ = 	snop  }
0x3b: {  	_ = 	snop  }
0x3c: {  	p2 =	seq.s32 s10, $0x1;
	s10 =	sld [smem:$0x3FB3]  }
0x3d: {  	_ =	shalt  }
0x3e: {  	_ =	shalt  }
0x3f: {  	_ =	shalt  }
0x40: {  	_ =	shalt  }
0x41: {  	_ =	shalt  }
0x42: {  	_ =	shalt  }
0x43: {  	_ =	shalt  }
0x44: {  	_ =	shalt  }
0x45: {  	_ =	shalt  }
0x46: {  	_ =	shalt  }
0x47: {  	_ =	shalt  }
0x48: {  	_ =	shalt  }
0x49: {  	_ =	shalt  }
0x4a: {  	_ =	shalt  }
0x4b: {  	_ =	shalt  }
0x4c: {  	_ =	shalt  }
0x4d: {  	_ =	shalt  }
0x4e: {  	_ =	shalt  }
0x4f: {  	_ =	shalt  }
0x50: {  	_ =	shalt  }
0x51: {  	_ =	shalt  }
0x52: {  	_ =	shalt  }
0x53: {  	_ =	shalt  }
0x54: {  	_ =	shalt  }
0x55: {  	_ =	shalt  }
0x56: {  	_ =	shalt  }
0x57: {  	_ =	shalt  }
0x58: {  	_ =	shalt  }
0x59: {  	_ =	shalt  }
0x5a: {  	_ =	shalt  }
0x5b: {  	_ =	shalt  }
0x5c: {  	_ =	shalt  }
0x5d: {  	_ =	shalt  }
0x5e: {  	_ =	shalt  }
0x5f: {  	_ =	shalt  }
0x60: {  	_ =	shalt  }
0x61: {  	_ =	shalt  }
0x62: {  	_ =	shalt  }
0x63: {  	_ =	shalt  }
0x64: {  	_ =	shalt  }
0x65: {  	_ =	shalt  }
0x66: {  	_ =	shalt  }
0x67: {  	_ =	shalt  }
0x68: {  	_ =	shalt  }
0x69: {  	_ =	shalt  }
0x6a: {  	_ =	shalt  }
0x6b: {  	_ =	shalt  }
0x6c: {  	_ =	shalt  }
0x6d: {  	_ =	shalt  }
0x6e: {  	_ =	shalt  }
0x6f: {  	_ =	shalt  }
0x70: {  	_ =	shalt  }
0x71: {  	_ =	shalt  }
0x72: {  	_ =	shalt  }
0x73: {  	_ =	shalt  }
0x74: {  	_ =	shalt  }
0x75: {  	_ =	shalt  }
0x76: {  	_ =	shalt  }
0x77: {  	_ =	shalt  }
0x78: {  	_ =	shalt  }
0x79: {  	_ =	shalt  }
0x7a: {  	_ =	shalt  }
0x7b: {  	_ =	shalt  }
0x7c: {  	_ =	shalt  }
0x7d: {  	_ =	shalt  }
0x7e: {  	_ =	shalt  }
0x7f: {  	_ =	shalt  }
0x80: {  	_ =	shalt  }
0x81: {  	_ =	shalt  }
0x82: {  	_ =	shalt  }
0x83: {  	_ =	shalt  }
0x84: {  	_ =	shalt  }
0x85: {  	_ =	shalt  }
0x86: {  	_ =	shalt  }
0x87: {  	_ =	shalt  }
.Lfunc_end0:
.L_simem_size_0:
called_computation_lowered:
.L_overlay_start_0:
0x88: {  	s2 =	sld [smem:$0x3FD9]  }
0x89: {  	s3 =	sld [smem:$0x3FFE];
	_ =	sdelay $0x1  }
0x8a: {  	s1 =	srdreg.scid  }
0x8b: {  	s0 =	sand.u32 $0x1, s1  }
0x8c: {  	s16 =	sshll.u32 s0, $0xA;
	s2 =	sadd.s32 s3, s2  }
0x8d: {  	s2 =	sadd.s32 s2, s16  }
0x8e: {  	[smem:$0x3FBF] =	sst s2  }
0x8f: {  	_ = 	snop  }
0x90: {  	(tm) =	ssettm $0x1  }
0x91: {  	s17 =	sld [smem:$0x3FFB];
	_ =	sdelay $0x3  }
0x92: {  	_ =	strace s17  }
0x93: {  	s2 =	sld [smem:$0x3FFC];
	_ =	sdelay $0x3  }
0x94: {  	_ =	strace s2  }
0x95: {  	s2 =	sld [smem:$0x3FFD];
	_ =	sdelay $0x3  }
0x96: {  	_ =	strace s2  }
0x97: {  	_ =	strace $0x8FFFFFFF  }
0x98: {  	s18 =	sld [smem:$0x3FDB];
	_ =	sdelay $0x1  }
0x99: {  	s19 =	simm.s32 $_scs_section_size  }
0x9a: {  	s4 =	simm.s32 $_size__tile_overlayer_lowered;
	s5 =	simm.s32 $_tile_overlayer_lowered  }
0x9b: {  	s22 =	simm.s32 $0x1BFF;
	s21 =	sshll.u32 s5, $0x1;
	s2 =	sadd.s32 s19, s18  }
0x9c: {  	s6 =	simm.s32 $0x0;
	s20 =	sshll.u32 s4, $0x1;
	s4 =	sadd.s32 s21, s2  }
0x9d: {  	[timem:s6], [sflag:s22] =	dma.local [hbm:s4], s20  }
0x9e: {  	_ =	swait.ge [sflag:s22], s20  }
0x9f: {  	s3 =	ssub.s32 $0x0, s20;
	[sflag:s22] =	ssyncset.done $0x0  }
0xa0: {  	[sflag:s22] =	ssyncadd.s32 s3;
	_ =	sdelay $0x1  }
0xa1: {  	s23 =	simm.s32 $0x1B8B  }
0xa2: {  	_ =	swait.ge [sflag:s23], $0x1  }
0xa3: {  	[sflag:s23] =	ssyncset.done $0x0  }
0xa4: {  	s25 =	simm.s32 $0x1B8E;
	s24 =	sld [smem:$0x3FFE];
	[sflag:s23] =	ssyncadd.s32 $0xFFFFFFFF  }
0xa5: {  	s26 =	simm.s32 $execute0_lowered;
	[smem:$0x3FD2] =	sst s25  }
0xa6: {  	s4 =	sshll.u32 s26, $0x1;
	_ =	strace $0x80000046;
	[dreg:$0x1] =	wrdreg $0xFFFFFFFF  }
0xa7: {  	s28 =	simm.s32 $_size_execute0_lowered;
	s2 =	sadd.s32 s2, s4;
	[dreg:$0x0] =	wrdreg $0x0  }
0xa8: {  	s4 =	sshll.u32 s28, $0x1;
	[dreg:$0x2] =	wrdreg s2  }
0xa9: {  	[dreg:$0x3] =	wrdreg s4  }
0xaa: {  	[dreg:$0x4] =	wrdreg $0xC0  }
0xab: {  	_ =	task [dreg:s6], $0x5FFFF  }
0xac: {  	[dreg:$0x1] =	wrdreg $0xFFFFFFFF  }
0xad: {  	[dreg:$0x0] =	wrdreg $0x60  }
0xae: {  	[dreg:$0x2] =	wrdreg s24  }
0xaf: {  	[dreg:$0x3] =	wrdreg $0x2A800  }
0xb0: {  	[dreg:$0x4] =	wrdreg $0x9  }
0xb1: {  	_ =	task.clear_ibuf [dreg:s6], $0x5FFFF;
	_ =	strace $0x90000046  }
0xb2: {  	s29 =	simm.s32 $0x9;
	_ =	strace $0x80000048  }
0xb3: {  	_ =	swait.ge [sflag:s29], $0x1  }
0xb4: {  	[sflag:s29] =	ssyncadd.s32 $0xFFFFFFFF  }
0xb5: {  	_ =	strace $0x90000048  }
0xb6: {  	_ =	sfence  }
0xb7: {  	s30 =	sld [smem:$0x0];
	_ =	sdelay $0x2  }
0xb8: {  	s31 =	sshll.u32 s1, $0xD;
	s1 =	sshrl.u32 s1, $0x2  }
0xb9: {  	s3 =	sand.u32 $0x4000, s31;
	s1 =	sadd.s32 s1, s30  }
0xba: {  	s0 =	sor.u32 s3, s0;
	s1 =	sshll.u32 s1, $0x11  }
0xbb: {  	s0 =	sor.u32 s1, s0  }
0xbc: {  	s0 =	sadd.s32 $0x8F2B, s0  }
0xbd: {  	[sflag:s0] =	ssyncadd.remote.s32 $0x1  }
0xbe: {  	_ =	sfence.sel $0xFFFF  }
0xbf: {  	[dreg:$0x0] =	wrdreg $0xFFFFFFFF;
	(pc) =	sbr.abs _section_cstart, $3  }
0xc0: {  	[dreg:$0x1] =	wrdreg $0xFFFFFFFF  }
0xc1: {  	_ =	task.clear_ibuf [dreg:s6], $0x2FFFF;
	_ =	strace $0x9FFFFFFF  }
0xc2: {  	(tm) =	ssettm $0x7FFFFFFF  }
0xc3: {  	_ =	shalt  }
tec
execute0_lowered:
.L_overlay_start_1:
0x0: {  	(tag) =	ssettag $0x1  }
0x1: {  	s1 =	srdreg.scid  }
0x2: {  	s0 =	stileid.u32;
	s4 =	rddreg [dreg:$0x0]  }
0x3: {  	s2 =	rddreg [dreg:$0x1];
	s3 =	simm.s32 $0x0;
	s10 =	simm.s32 $0x80  }
0x4: {  	s13 =	simm.s32 $0x20;
	s14 =	simm.s32 $0x10;
	s15 =	simm.s32 $0x0  }
0x5: {  	s5 =	sand.u32 $0x1, s1;
	s1 =	rddreg [dreg:$0x2];
	s7 =	smul.u32 $0x500, s0  }
0x6: {  	s30 =	sshll.u32 s0, $0x1;
	[smem:$0x7FF] =	sst s3;
	s9 =	smul.u32 $0xA00, s0  }
0x7: {  	s11 =	sshll.u32 s0, $0x6;
	s6 =	sor.u32 s5, s30;
	_ =	strace $0x80000047  }
0x8: {  	s8 =	sshll.u32 s5, $0x7;
	s5 =	ssub.s32 $0x2, s5;
	s11 =	sor.u32 $0x1C01, s11  }
0x9: {  	s6 =	smul.u32 $0x500, s6;
	s7 =	sor.u32 s8, s7;
	s31 =	sshrl.u32 s5, $0x1  }
0xa: {  	s9 =	sshrl.u32 s9, $0x2;
	s7 =	sshrl.u32 s7, $0x3;
	s8 =	ssub.s32 s5, s31  }
0xb: {  	s6 =	sadd.s32 s6, s4;
	s7 =	sadd.s32 s7, s4;
	s4 =	sadd.s32 s9, s2  }
0xc: {  	s9 =	simm.s32 $0x1;
	s5 =	sadd.s32 $0x2400, s6;
	s6 =	sadd.s32 $0x16400, s7  }
0xd: {  	v0 =	vimm.f32 $0.0e+00;
	v1 =	vimm.f32 $1.000000000e+00;
	s7 =	smax.u32 s8, $0x1;
	s8 =	simm.s32 $0x2800;
	s12 =	sshrl.u32 s4, $0x3  }
.LBB2_1:
0xe: {  	[tilespmem:$0x2800] =	vst v0  }
0xf: {  	[tilespmem:$0x2810] =	vst v0  }
0x10: {  	[tilespmem:$0x2820] =	vst v0  }
0x11: {  	[tilespmem:$0x2830] =	vst v0  }
0x12: {  	[tilespmem:$0x2840] =	vst v0  }
0x13: {  	[tilespmem:$0x2850] =	vst v0  }
0x14: {  	[tilespmem:$0x2860] =	vst v0  }
0x15: {  	[tilespmem:$0x2870] =	vst v0  }
0x16: {  	[tilespmem:$0x2880] =	vst v0  }
0x17: {  	[tilespmem:$0x2890] =	vst v0  }
0x18: {  	[tilespmem:$0x28A0] =	vst v0  }
0x19: {  	[tilespmem:$0x28B0] =	vst v0  }
0x1a: {  	[tilespmem:$0x28C0] =	vst v0  }
0x1b: {  	[tilespmem:$0x28D0] =	vst v0  }
0x1c: {  	[tilespmem:$0x28E0] =	vst v0  }
0x1d: {  	[tilespmem:$0x28F0] =	vst v0  }
0x1e: {  	[tilespmem:$0x2900] =	vst v0  }
0x1f: {  	[tilespmem:$0x2910] =	vst v0  }
0x20: {  	[tilespmem:$0x2920] =	vst v0  }
0x21: {  	[tilespmem:$0x2930] =	vst v0  }
0x22: {  	[tilespmem:$0x2940] =	vst v0  }
0x23: {  	[tilespmem:$0x2950] =	vst v0  }
0x24: {  	[tilespmem:$0x2960] =	vst v0  }
0x25: {  	[tilespmem:$0x2970] =	vst v0  }
0x26: {  	[tilespmem:$0x2980] =	vst v0  }
0x27: {  	[tilespmem:$0x2990] =	vst v0  }
0x28: {  	[tilespmem:$0x29A0] =	vst v0  }
0x29: {  	[tilespmem:$0x29B0] =	vst v0  }
0x2a: {  	[tilespmem:$0x29C0] =	vst v0  }
0x2b: {  	[tilespmem:$0x29D0] =	vst v0  }
0x2c: {  	[tilespmem:$0x29E0] =	vst v0  }
0x2d: {  	[tilespmem:$0x29F0] =	vst v0  }
0x2e: {  	[tilespmem:$0x2A00] =	vst v0  }
0x2f: {  	[tilespmem:$0x2A10] =	vst v0  }
0x30: {  	[tilespmem:$0x2A20] =	vst v0  }
0x31: {  	[tilespmem:$0x2A30] =	vst v0  }
0x32: {  	[tilespmem:$0x2A40] =	vst v0  }
0x33: {  	[tilespmem:$0x2A50] =	vst v0  }
0x34: {  	[tilespmem:$0x2A60] =	vst v0  }
0x35: {  	[tilespmem:$0x2A70] =	vst v0  }
0x36: {  	[spmem:s4] =	stream.linear.scatter [tilespmem:s8], [sflag:$0x1], $0x280, $0x38;
	[tilespmem:$0x2D00] =	vst v63  }
0x37: {  	_ =	swait.ge [sflag:s9], $0x280  }
0x38: {  	[sflag:s9] =	ssyncset.done $0x0  }
0x39: {  	[sflag:s9] =	ssyncadd.s32 $0xFFFFFD80  }
0x3a: {  	[tilespmem:s3], [sflag:$0x1] =	stream.linear.gather [hbm4b:s5+s3], $0x2800, $0x38;
	[tilespmem:$0x2D00] =	vst v63  }
0x3b: {  	_ =	swait.ge [sflag:s9], $0x2800  }
0x3c: {  	[sflag:s9] =	ssyncset.done $0x0  }
0x3d: {  	[sflag:s9] =	ssyncadd.s32 $0xFFFFD800  }
0x3e: {  	[tilespmem:$0x2800] =	vst v1  }
0x3f: {  	[tilespmem:$0x2810] =	vst v1  }
0x40: {  	[tilespmem:$0x2820] =	vst v1  }
0x41: {  	[tilespmem:$0x2830] =	vst v1  }
0x42: {  	[tilespmem:$0x2840] =	vst v1  }
0x43: {  	[tilespmem:$0x2850] =	vst v1  }
0x44: {  	[tilespmem:$0x2860] =	vst v1  }
0x45: {  	[tilespmem:$0x2870] =	vst v1  }
0x46: {  	s16 =	simm.s32 $0x0;
	[bflag:$0x0] =	sbarrier.arrive $0xFFFF  }
0x47: {  	[spmem:s2] =	stream.indirect.scatter.add.f32 [tilespmem:s8], [sflag:$0x1], $0x1, s16, s10, $0xb8;
	[tilespmem:$0x2D00] =	vst v63  }
0x48: {  	_ =	swait.ge [sflag:s9], $0x80  }
0x49: {  	s16 =	simm.s32 $0x200;
	[sflag:s9] =	ssyncset.done $0x0  }
.LBB2_2:
0x4a: {  	s17 =	sshra.s32 s16, $0x2;
	[sflag:s9] =	ssyncadd.s32 $0xFFFFFF80;
	p0 =	sne.s32 s16, $0x9E00  }
0x4b: {  	[spmem:s2] =	stream.indirect.scatter.add.f32 [tilespmem:s8], [sflag:$0x1], $0x1, s17, s10, $0xb8;
	[tilespmem:$0x2D00] =	vst v63  }
.Ltmp0:
0x4c: {  	_ = 	snop;
	(pc) =	sbr.rel @p0 .LBB2_2-.Ltmp0, $4  }
0x4d: {  	_ = 	snop  }
0x4e: {  	s16 =	sadd.s32 $0x200, s16  }
0x4f: {  	_ =	swait.ge [sflag:s9], $0x80  }
0x50: {  	[sflag:s9] =	ssyncset.done $0x0  }
0x51: {  	s15 =	sadd.s32 $0x1, s15  }
0x52: {  	[sflag:s9] =	ssyncadd.s32 $0xFFFFFF80;
	p0 =	sne.s32 s15, s7  }
.Ltmp1:
0x53: {  	[bflag:$0x0] =	sbarrier.arrive $0xFFFF;
	(pc) =	sbr.rel @p0 .LBB2_1-.Ltmp1, $4  }
0x54: {  	[hbm:s6@s13], [sflag:s11] =	dma.strided [spmem:s12@s14], $0x50, s9, $0x10   }
0x55: {  	_ =	swait.ge [sflag:s9], $0x50  }
0x56: {  	[sflag:s9] =	ssyncset.done $0x0  }
0x57: {  	[sflag:s9] =	ssyncadd.s32 $0xFFFFFFB0  }
0x58: {  	_ =	sfence.sel $0x180000  }
0x59: {  	[bflag:$0x0] =	sbarrier.arrive $0xFFFF  }
0x5a: {  	p0 =	sne.s32 s0, $0x0;
	_ =	strace $0x90000047  }
0x5b: {  	s0 =	sadd.s32 @!p0 $0x100000, s1;
	[bflag:$0x2] =	sbarrier.arrive $0xFFFF  }
0x5c: {  	[sflag:s0] =	ssyncadd.tile.s32 @!p0 $0x1;
	_ =	shalt  }
.Lfunc_end2:
_tile_overlayer_lowered:
.L_overlay_start_2:
0x5d: {  	(tag) =	ssettag $0x2  }
0x5e: {  	s0 =	rddreg [dreg:$0x0];
	s2 =	stileid.u32  }
0x5f: {  	s1 =	rddreg [dreg:$0x1];
	p0 =	sne.s32 s2, $0x0  }
0x60: {  	s3 =	rddreg [dreg:$0x2];
	[bflag:$0x3] =	sbarrier.arrive $0xFFFF;
	s2 =	simm.s32 @!p0 $0x1C01  }
0x61: {  	[timem:s3], [sflag:s2] =	dma.local @!p0 [hbm:s0], s1  }
0x62: {  	s0 =	simm.s32 @!p0 $0x1  }
0x63: {  	_ =	swait.ge @!p0 [sflag:s0], s1  }
0x64: {  	s1 =	ssub.s32 @!p0 $0x0, s1;
	[sflag:s0] =	ssyncset.done @!p0 $0x0  }
0x65: {  	[sflag:s0] =	ssyncadd.s32 @!p0 s1  }
0x66: {  	[bflag:$0x3] =	sbarrier.arrive $0xFFFF  }
0x67: {  	_ =	shalt  }

</sc_bundles>
